<compile_context>
chip_gen: v7x
topology: tpu7x:2x2x1
jax: 0.10.2.dev20260603
libtpu: 0.0.44.dev20260713+nightly
codegen_flags: <defaults>
</compile_context>

<pallas_src>
import jax
import jax.numpy as jnp
from jax import lax
from jax.experimental import pallas as pl
from jax.experimental.pallas import tpu as pltpu
from jax.experimental.pallas import tpu_sc as plsc

N_NODES = 10000
N_EDGES = 320000
D_NODE = 128
D_EDGE = 16
D_GLOB = 32
N_GRAPHS = 4

N_WORKERS = 32
EDGES_PER_TILE = N_EDGES // N_WORKERS
CHUNK = 80
N_CHUNKS = EDGES_PER_TILE // CHUNK
ACC_ROWS = 10240
TILE_ROWS = ACC_ROWS // 16

NODE_BLK = 1000

_F32 = jnp.float32
_I32 = jnp.int32



def _sc_edge_body(a2_hbm, b_hbm, src_hbm, dst_hbm, bnd_hbm,
                  e_hbm, msg_hbm, cnt_hbm,
                  src_v, dst_v, src_v2, dst_v2, gidx, e_buf, b_v, ones_v,
                  bnd_v,
                  msg_sh, cnt_sh, sem_g, sem_e, sem_m, sem_c, sem_x, sem_y,
                  sem_s, sem_d, sem_b):
    cid = lax.axis_index("c")
    sid = lax.axis_index("s")
    wid = cid * 16 + sid

    zero16 = jnp.zeros((16,), _F32)
    iota16 = lax.iota(_I32, 16)

    def _z_ones(i, c):
        ones_v[i, :] = zero16
        return c
    lax.fori_loop(0, CHUNK, _z_ones, 0)

    def _z_ebuf(i, c):
        for j in range(8):
            e_buf[i, pl.ds(j * 16, 16)] = zero16
        return c
    lax.fori_loop(0, CHUNK, _z_ebuf, 0)

    pltpu.sync_copy(bnd_hbm, bnd_v)

    rbase = sid * TILE_ROWS
    obase = cid * ACC_ROWS + rbase
    for k in range(8):
        pltpu.sync_copy(e_buf.at[pl.ds(0, 80)],
                        msg_sh.at[pl.ds(rbase + k * 80, 80)])
        pltpu.sync_copy(ones_v.at[pl.ds(0, 80)],
                        cnt_sh.at[pl.ds(rbase + k * 80, 80)])

    lane1 = jnp.where(iota16 == 0, jnp.float32(1.0), jnp.float32(0.0))

    def _s_ones(i, c):
        ones_v[i, :] = lane1
        return c
    lax.fori_loop(0, CHUNK, _s_ones, 0)

    plsc.subcore_barrier()

    ebase = wid * EDGES_PER_TILE
    one16 = jnp.full((16,), 1.0, _F32)

    def _fire_idx(t, sv, dv):
        base = ebase + t * CHUNK
        pltpu.async_copy(src_hbm.at[pl.ds(base, CHUNK)], sv, sem_s)
        pltpu.async_copy(dst_hbm.at[pl.ds(base, CHUNK)], dv.at[0], sem_d)

    def _wait_idx(t, sv, dv):
        base = ebase + t * CHUNK
        pltpu.make_async_copy(src_hbm.at[pl.ds(base, CHUNK)], sv, sem_s).wait()
        pltpu.make_async_copy(dst_hbm.at[pl.ds(base, CHUNK)], dv.at[0],
                              sem_d).wait()

    def _process(t, sv, dv, pt, psv, pdv, prefetch):
        base = ebase + t * CHUNK
        cpb = pltpu.async_copy(b_hbm.at[pl.ds(base, CHUNK)], b_v, sem_b)
        _wait_idx(t, sv, dv)
        gcp = pltpu.async_copy(a2_hbm.at[sv], e_buf, sem_g)
        if prefetch:
            _fire_idx(pt, psv, pdv)

        c1v = bnd_v[0, pl.ds(0, 16)]
        c2v = bnd_v[1, pl.ds(0, 16)]
        c3v = bnd_v[2, pl.ds(0, 16)]
        i1 = jnp.full((16,), 1, _I32)
        i0 = jnp.full((16,), 0, _I32)
        gb = N_NODES + sid * 4
        for grp in range(CHUNK // 16):
            s16 = sv[pl.ds(grp * 16, 16)]
            g16 = (jnp.where(s16 >= c1v, i1, i0)
                   + jnp.where(s16 >= c2v, i1, i0)
                   + jnp.where(s16 >= c3v, i1, i0))
            gidx[0, pl.ds(grp * 16, 16)] = g16 + gb

        cpb.wait()
        gcp.wait()

        @plsc.parallel_loop(0, CHUNK, unroll=2)
        def _rows(i):
            for j in range(8):
                v = e_buf[i, pl.ds(j * 16, 16)] + b_v[i, pl.ds(j * 16, 16)]
                v = jnp.maximum(v, 0.0)
                e_buf[i, pl.ds(j * 16, 16)] = v

        cp_e = pltpu.async_copy(e_buf, e_hbm.at[pl.ds(base, CHUNK)], sem_e)
        cp_m = pltpu.async_copy(e_buf, msg_sh.at[dv.at[0]], sem_m, add=True)
        cp_c = pltpu.async_copy(ones_v, cnt_sh.at[dv.at[0]], sem_c, add=True)
        cp_x = pltpu.async_copy(e_buf, msg_sh.at[gidx.at[0]], sem_x, add=True)
        cp_y = pltpu.async_copy(ones_v, cnt_sh.at[gidx.at[0]], sem_y, add=True)
        cp_e.wait()
        cp_m.wait()
        cp_c.wait()
        cp_x.wait()
        cp_y.wait()

    _fire_idx(0, src_v, dst_v)

    def _pair(k, c):
        t0 = 2 * k
        _process(t0, src_v, dst_v, t0 + 1, src_v2, dst_v2, True)
        _process(t0 + 1, src_v2, dst_v2, t0 + 2, src_v, dst_v, True)
        return c

    lax.fori_loop(0, (N_CHUNKS - 1) // 2, _pair, 0)
    _process(N_CHUNKS - 1, src_v, dst_v, 0, src_v2, dst_v2, False)

    plsc.subcore_barrier()

    for k in range(8):
        pltpu.sync_copy(msg_sh.at[pl.ds(rbase + k * 80, 80)], e_buf)
        pltpu.sync_copy(e_buf, msg_hbm.at[pl.ds(obase + k * 80, 80)])
        pltpu.sync_copy(cnt_sh.at[pl.ds(rbase + k * 80, 80)], ones_v)
        pltpu.sync_copy(ones_v, cnt_hbm.at[pl.ds(obase + k * 80, 80)])


def _sc_edge(a2, b, src, dst, bnd):
    f = pl.kernel(
        _sc_edge_body,
        out_type=[
            jax.ShapeDtypeStruct((N_EDGES, D_NODE), _F32),
            jax.ShapeDtypeStruct((2 * ACC_ROWS, D_NODE), _F32),
            jax.ShapeDtypeStruct((2 * ACC_ROWS, 16), _F32),
        ],
        mesh=plsc.VectorSubcoreMesh(core_axis_name="c", subcore_axis_name="s"),
        compiler_params=pltpu.CompilerParams(use_tc_tiling_on_sc=False,
                                            needs_layout_passes=False),
        scratch_types=[
            pltpu.VMEM((CHUNK,), _I32),
            pltpu.VMEM((1, CHUNK), _I32),
            pltpu.VMEM((CHUNK,), _I32),
            pltpu.VMEM((1, CHUNK), _I32),
            pltpu.VMEM((1, CHUNK), _I32),
            pltpu.VMEM((CHUNK, D_NODE), _F32),
            pltpu.VMEM((CHUNK, D_NODE), _F32),
            pltpu.VMEM((CHUNK, 16), _F32),
            pltpu.VMEM((8, 128), _I32),
            pltpu.VMEM_SHARED((ACC_ROWS, D_NODE), _F32),
            pltpu.VMEM_SHARED((ACC_ROWS, 16), _F32),
            pltpu.SemaphoreType.DMA,
            pltpu.SemaphoreType.DMA,
            pltpu.SemaphoreType.DMA,
            pltpu.SemaphoreType.DMA,
            pltpu.SemaphoreType.DMA,
            pltpu.SemaphoreType.DMA,
            pltpu.SemaphoreType.DMA,
            pltpu.SemaphoreType.DMA,
            pltpu.SemaphoreType.DMA,
        ],
    )
    return f(a2, b, src, dst, bnd)



def _a2_body(x_ref, bcol_ref, bfull_ref, u_ref, we1_ref, we3_ref, be_ref,
             out_ref, bnd_ref):
    i = pl.program_id(0)
    oh = (lax.broadcasted_iota(_I32, (NODE_BLK, N_GRAPHS), 1)
          == bcol_ref[...]).astype(_F32)
    uwe3 = jnp.dot(u_ref[...], we3_ref[...], preferred_element_type=_F32)
    out_ref[...] = (jnp.dot(x_ref[...], we1_ref[...], preferred_element_type=_F32)
                    + jnp.dot(oh, uwe3, preferred_element_type=_F32)
                    + be_ref[...])

    @pl.when(i == 0)
    def _():
        bf = bfull_ref[...].astype(_F32)
        c1 = jnp.sum((bf < 1.0).astype(_F32))
        c2 = jnp.sum((bf < 2.0).astype(_F32))
        c3 = jnp.sum((bf < 3.0).astype(_F32))
        row = lax.broadcasted_iota(_I32, (8, 128), 0)
        c1i = c1.astype(_I32)
        c2i = c2.astype(_I32)
        c3i = c3.astype(_I32)
        bnd_ref[...] = jnp.where(
            row == 0, c1i, jnp.where(row == 1, c2i,
                                     jnp.where(row == 2, c3i, 0)))


def _b_body(ea_ref, we2_ref, out_ref):
    out_ref[...] = jnp.dot(ea_ref[...], we2_ref[...], preferred_element_type=_F32)


def _node_body(x_ref, m0_ref, m1_ref, c0_ref, c1_ref, bcol_ref,
               u_ref, wn1_ref, wn2_ref, wn3_ref, bn_ref,
               xout_ref, xg_ref, nc_ref):
    i = pl.program_id(0)
    cnt = c0_ref[:, 0:1] + c1_ref[:, 0:1]
    mean = (m0_ref[...] + m1_ref[...]) / jnp.maximum(cnt, 1.0)
    oh = (lax.broadcasted_iota(_I32, (NODE_BLK, N_GRAPHS), 1)
          == bcol_ref[...]).astype(_F32)
    uwn3 = jnp.dot(u_ref[...], wn3_ref[...], preferred_element_type=_F32)
    acc = (jnp.dot(x_ref[...], wn1_ref[...], preferred_element_type=_F32)
           + jnp.dot(mean, wn2_ref[...], preferred_element_type=_F32)
           + jnp.dot(oh, uwn3, preferred_element_type=_F32)
           + bn_ref[...])
    xo = jnp.maximum(acc, 0.0)
    xout_ref[...] = xo

    @pl.when(i == 0)
    def _():
        xg_ref[...] = jnp.zeros_like(xg_ref)
        nc_ref[...] = jnp.zeros_like(nc_ref)

    dn = (((0,), (0,)), ((), ()))
    xg_ref[...] += lax.dot_general(oh, xo, dn, preferred_element_type=_F32)
    nc_ref[...] += lax.dot_general(oh, jnp.ones_like(xo), dn,
                                   preferred_element_type=_F32)


def _glob_body(egp_ref, ecp_ref, xg_ref, nc_ref,
               u_ref, wg1_ref, wg2_ref, wg3_ref, bg_ref, uout_ref):
    eg = jnp.sum(egp_ref[...], axis=0)
    ec = jnp.sum(jnp.sum(ecp_ref[...], axis=0), axis=1, keepdims=True)
    egm = eg / jnp.maximum(ec, 1.0)
    xgm = xg_ref[...] / jnp.maximum(nc_ref[...], 1.0)
    uo = (jnp.dot(egm, wg1_ref[...], preferred_element_type=_F32)
          + jnp.dot(xgm, wg2_ref[...], preferred_element_type=_F32)
          + jnp.dot(u_ref[...], wg3_ref[...], preferred_element_type=_F32)
          + bg_ref[...])
    uout_ref[...] = jnp.maximum(uo, 0.0)



def kernel(x, edge_attr, edge_index, u, batch, W_e, b_e, W_n, b_n, W_g, b_g):
    src = edge_index[0].astype(_I32)
    dst = edge_index[1].astype(_I32)
    bcol = batch.astype(_I32).reshape(N_NODES, 1)

    we1 = W_e[:D_NODE]
    we2 = W_e[D_NODE:D_NODE + D_EDGE]
    we3 = W_e[D_NODE + D_EDGE:]
    wn1 = W_n[:D_NODE]
    wn2 = W_n[D_NODE:2 * D_NODE]
    wn3 = W_n[2 * D_NODE:]
    wg1 = W_g[:D_NODE]
    wg2 = W_g[D_NODE:2 * D_NODE]
    wg3 = W_g[2 * D_NODE:]
    be = b_e.reshape(1, D_NODE)
    bn = b_n.reshape(1, D_NODE)
    bg = b_g.reshape(1, D_NODE)

    n_grid = N_NODES // NODE_BLK
    e_grid = N_EDGES // 4000

    full = lambda s: pl.BlockSpec(s, lambda i: tuple(0 for _ in s))

    a2, bnd = pl.pallas_call(
        _a2_body,
        grid=(n_grid,),
        in_specs=[
            pl.BlockSpec((NODE_BLK, D_NODE), lambda i: (i, 0)),
            pl.BlockSpec((NODE_BLK, 1), lambda i: (i, 0)),
            full((N_NODES, 1)),
            full((N_GRAPHS, D_GLOB)),
            full((D_NODE, D_NODE)),
            full((D_GLOB, D_NODE)),
            full((1, D_NODE)),
        ],
        out_specs=[
            pl.BlockSpec((NODE_BLK, D_NODE), lambda i: (i, 0)),
            pl.BlockSpec((8, 128), lambda i: (0, 0)),
        ],
        out_shape=[
            jax.ShapeDtypeStruct((N_NODES, D_NODE), _F32),
            jax.ShapeDtypeStruct((8, 128), _I32),
        ],
    )(x, bcol, bcol, u, we1, we3, be)

    b_edges = pl.pallas_call(
        _b_body,
        grid=(e_grid,),
        in_specs=[
            pl.BlockSpec((4000, D_EDGE), lambda i: (i, 0)),
            full((D_EDGE, D_NODE)),
        ],
        out_specs=pl.BlockSpec((4000, D_NODE), lambda i: (i, 0)),
        out_shape=jax.ShapeDtypeStruct((N_EDGES, D_NODE), _F32),
    )(edge_attr, we2)

    e, msg_pr, cnt_pr = _sc_edge(a2, b_edges, src, dst, bnd)
    msg_f = msg_pr.reshape(2, ACC_ROWS, D_NODE)
    cnt_f = cnt_pr.reshape(2, ACC_ROWS, 16)
    msg_p = msg_f[:, :N_NODES]
    cnt_p = cnt_f[:, :N_NODES]
    egp = msg_f[:, N_NODES:N_NODES + 64].reshape(N_WORKERS, N_GRAPHS, D_NODE)
    ecp = cnt_f[:, N_NODES:N_NODES + 64].reshape(N_WORKERS, N_GRAPHS, 16)

    x_out, xg, nc = pl.pallas_call(
        _node_body,
        grid=(n_grid,),
        in_specs=[
            pl.BlockSpec((NODE_BLK, D_NODE), lambda i: (i, 0)),
            pl.BlockSpec((NODE_BLK, D_NODE), lambda i: (i, 0)),
            pl.BlockSpec((NODE_BLK, D_NODE), lambda i: (i, 0)),
            pl.BlockSpec((NODE_BLK, 16), lambda i: (i, 0)),
            pl.BlockSpec((NODE_BLK, 16), lambda i: (i, 0)),
            pl.BlockSpec((NODE_BLK, 1), lambda i: (i, 0)),
            full((N_GRAPHS, D_GLOB)),
            full((D_NODE, D_NODE)),
            full((D_NODE, D_NODE)),
            full((D_GLOB, D_NODE)),
            full((1, D_NODE)),
        ],
        out_specs=[
            pl.BlockSpec((NODE_BLK, D_NODE), lambda i: (i, 0)),
            pl.BlockSpec((N_GRAPHS, D_NODE), lambda i: (0, 0)),
            pl.BlockSpec((N_GRAPHS, D_NODE), lambda i: (0, 0)),
        ],
        out_shape=[
            jax.ShapeDtypeStruct((N_NODES, D_NODE), _F32),
            jax.ShapeDtypeStruct((N_GRAPHS, D_NODE), _F32),
            jax.ShapeDtypeStruct((N_GRAPHS, D_NODE), _F32),
        ],
    )(x, msg_p[0], msg_p[1], cnt_p[0], cnt_p[1], bcol, u, wn1, wn2, wn3, bn)

    u_out = pl.pallas_call(
        _glob_body,
        grid=(1,),
        in_specs=[
            full((N_WORKERS, N_GRAPHS, D_NODE)),
            full((N_WORKERS, N_GRAPHS, 16)),
            full((N_GRAPHS, D_NODE)),
            full((N_GRAPHS, D_NODE)),
            full((N_GRAPHS, D_GLOB)),
            full((D_NODE, D_NODE)),
            full((D_NODE, D_NODE)),
            full((D_GLOB, D_NODE)),
            full((1, D_NODE)),
        ],
        out_specs=pl.BlockSpec((N_GRAPHS, D_NODE), lambda i: (0, 0)),
        out_shape=jax.ShapeDtypeStruct((N_GRAPHS, D_NODE), _F32),
    )(egp, ecp, xg, nc, u, wg1, wg2, wg3, bg)

    return (x_out, e, edge_index, u_out, batch)

# --- scband reference (transcript-rebuilt; emitter-appended) ---
"""Pipeline reference for scband-message-passing-22986664968611 (READ-ONLY COPY).

The authoritative reference and input builder live on the scoring server;
editing this copy changes nothing except your own understanding.
"""

import jax, jax.numpy as jnp
import numpy as np

N_NODES = 10000
N_EDGES = 320000
D_NODE = 128
D_EDGE = 16
D_GLOB = 32
OUT_E = 128
OUT_N = 128
OUT_G = 128
N_GRAPHS = 4


def setup_inputs(seed: int = 0) -> dict:
    key = jax.random.key(seed)
    ks = jax.random.split(key, 12)
    x = jax.random.normal(ks[0], (N_NODES, D_NODE), dtype=jnp.float32)
    edge_attr = jax.random.normal(ks[1], (N_EDGES, D_EDGE), dtype=jnp.float32)
    edge_index = jax.random.randint(ks[2], (2, N_EDGES), 0, N_NODES, dtype=jnp.int64)
    u = jax.random.normal(ks[3], (N_GRAPHS, D_GLOB), dtype=jnp.float32)
    batch = jnp.sort(jax.random.randint(ks[4], (N_NODES,), 0, N_GRAPHS, dtype=jnp.int64))
    in_e = D_NODE + D_EDGE + D_GLOB
    in_n = D_NODE + OUT_E + D_GLOB
    in_g = OUT_N + OUT_E + D_GLOB
    W_e = jax.random.normal(ks[5], (in_e, OUT_E), dtype=jnp.float32) * 0.05
    b_e = jnp.zeros((OUT_E,), dtype=jnp.float32)
    W_n = jax.random.normal(ks[6], (in_n, OUT_N), dtype=jnp.float32) * 0.05
    b_n = jnp.zeros((OUT_N,), dtype=jnp.float32)
    W_g = jax.random.normal(ks[7], (in_g, OUT_G), dtype=jnp.float32) * 0.05
    b_g = jnp.zeros((OUT_G,), dtype=jnp.float32)
    return {"x": x, "edge_attr": edge_attr, "edge_index": edge_index, "u": u, "batch": batch,
            "W_e": W_e, "b_e": b_e, "W_n": W_n, "b_n": b_n, "W_g": W_g, "b_g": b_g}


def _scatter_mean(data, seg_ids, num_segments):
    s = jax.ops.segment_sum(data, seg_ids, num_segments=num_segments)
    cnt = jax.ops.segment_sum(jnp.ones((data.shape[0],), dtype=data.dtype), seg_ids, num_segments=num_segments)
    return s / jnp.maximum(cnt, 1.0)[:, None]


def reference(x, edge_attr, edge_index, u, batch, W_e, b_e, W_n, b_n, W_g, b_g):
    n_nodes = x.shape[0]
    n_graphs = u.shape[0]
    src = edge_index[0]
    dst = edge_index[1]
    x_src = x[src]
    u_src = u[batch[src]]
    e_in = jnp.concatenate((x_src, edge_attr, u_src), axis=1)
    e = jax.nn.relu(e_in @ W_e + b_e)
    msg_to_node = _scatter_mean(e, dst, n_nodes)
    u_to_node = u[batch]
    n_in = jnp.concatenate((x, msg_to_node, u_to_node), axis=1)
    x_out = jax.nn.relu(n_in @ W_n + b_n)
    edge_global = _scatter_mean(e, batch[src], n_graphs)
    x_global = _scatter_mean(x_out, batch, n_graphs)
    g_in = jnp.concatenate((edge_global, x_global, u), axis=1)
    u_out = jax.nn.relu(g_in @ W_g + b_g)
    return (x_out, e, edge_index, u_out, batch)

if __name__ == "__main__":
    import jax
    _d = setup_inputs()
    print(jax.jit(kernel)(*tuple(_d.values())))

</pallas_src>

<mosaic_0001>
#map = affine_map<(d0, d1) -> (0, 0)>
#map1 = affine_map<(d0, d1) -> (0)>
module attributes {stable_mosaic.version = 14 : i64} {
  func.func @_sc_edge_body(%arg0: i32, %arg1: i32, %arg2: memref<10000x128xf32, #tpu.memory_space<hbm>>, %arg3: memref<320000x128xf32, #tpu.memory_space<hbm>>, %arg4: memref<320000xi32, #tpu.memory_space<hbm>>, %arg5: memref<320000xi32, #tpu.memory_space<hbm>>, %arg6: memref<8x128xi32, #tpu.memory_space<hbm>>, %arg7: memref<320000x128xf32, #tpu.memory_space<hbm>>, %arg8: memref<20480x128xf32, #tpu.memory_space<hbm>>, %arg9: memref<20480x16xf32, #tpu.memory_space<hbm>>, %arg10: memref<80xi32, #tpu.memory_space<vmem>>, %arg11: memref<1x80xi32, #tpu.memory_space<vmem>>, %arg12: memref<80xi32, #tpu.memory_space<vmem>>, %arg13: memref<1x80xi32, #tpu.memory_space<vmem>>, %arg14: memref<1x80xi32, #tpu.memory_space<vmem>>, %arg15: memref<80x128xf32, #tpu.memory_space<vmem>>, %arg16: memref<80x128xf32, #tpu.memory_space<vmem>>, %arg17: memref<80x16xf32, #tpu.memory_space<vmem>>, %arg18: memref<8x128xi32, #tpu.memory_space<vmem>>, %arg19: memref<10240x128xf32, #tpu.memory_space<vmem_shared>>, %arg20: memref<10240x16xf32, #tpu.memory_space<vmem_shared>>, %arg21: memref<!tpu.dma_semaphore, #tpu.memory_space<semaphore_mem>>, %arg22: memref<!tpu.dma_semaphore, #tpu.memory_space<semaphore_mem>>, %arg23: memref<!tpu.dma_semaphore, #tpu.memory_space<semaphore_mem>>, %arg24: memref<!tpu.dma_semaphore, #tpu.memory_space<semaphore_mem>>, %arg25: memref<!tpu.dma_semaphore, #tpu.memory_space<semaphore_mem>>, %arg26: memref<!tpu.dma_semaphore, #tpu.memory_space<semaphore_mem>>, %arg27: memref<!tpu.dma_semaphore, #tpu.memory_space<semaphore_mem>>, %arg28: memref<!tpu.dma_semaphore, #tpu.memory_space<semaphore_mem>>, %arg29: memref<!tpu.dma_semaphore, #tpu.memory_space<semaphore_mem>>) attributes {dimension_semantics = [#tpu.dimension_semantics<core_parallel>, #tpu.dimension_semantics<subcore_parallel>], iteration_bounds = array<i64: 2, 16>, scalar_prefetch = 0 : i64, scratch_operands = 20 : i64, tpu.core_type = #tpu.core_type<sc_vector_subcore>, window_params = [{transform_indices = #map}, {transform_indices = #map}, {transform_indices = #map1}, {transform_indices = #map1}, {transform_indices = #map}, {transform_indices = #map}, {transform_indices = #map}, {transform_indices = #map}]} {
    %mul3A = arith.constant 16 : i32
    %mul3A_0 = arith.muli %arg0, %mul3A : i32
    %add3A = arith.addi %mul3A_0, %arg1 : i32
    %broadcast_in_dim3A = arith.constant 0.000000e+00 : f32
    %broadcast_in_dim3A_1 = vector.broadcast %broadcast_in_dim3A : f32 to vector<16xf32>
    %iota3A = tpu.iota {dimensions = array<i32: 0>} : vector<16xi32>
    %scan3A = arith.constant 0 : i32
    %scan3A_2 = arith.constant 0 : i32
    %scan3A_3 = arith.constant 80 : i32
    %scan3A_4 = arith.addi %scan3A_2, %scan3A_3 : i32
    %scan3A_5 = arith.constant 1 : i32
    scf.for %scan3A_339 = %scan3A_2 to %scan3A_4 step %scan3A_5  : i32 {
      %swap3A_340 = arith.index_cast %scan3A_339 : i32 to index
      %swap3A_341 = arith.constant 0 : index
      %swap3A_342 = tpu.vector_load %arg17[%swap3A_340, %swap3A_341] {strides = array<i32>} : memref<80x16xf32, #tpu.memory_space<vmem>>, vector<16xf32>,
      tpu.vector_store %arg17[%swap3A_340, %swap3A_341], %broadcast_in_dim3A_1 {strides = array<i32>} : memref<80x16xf32, #tpu.memory_space<vmem>>, vector<16xf32>,
    }
    %scan3A_6 = arith.constant 80 : i32
    %scan3A_7 = arith.constant 0 : i32
    %scan3A_8 = arith.constant 0 : i32
    %scan3A_9 = arith.constant 80 : i32
    %scan3A_10 = arith.addi %scan3A_8, %scan3A_9 : i32
    %scan3A_11 = arith.constant 1 : i32
    scf.for %scan3A_339 = %scan3A_8 to %scan3A_10 step %scan3A_11  : i32 {
      %swap3A_340 = arith.index_cast %scan3A_339 : i32 to index
      %swap3A_341 = arith.constant 0 : index
      %swap3A_342 = tpu.vector_load %arg15[%swap3A_340, %swap3A_341] {strides = array<i32>} : memref<80x128xf32, #tpu.memory_space<vmem>>, vector<16xf32>,
      tpu.vector_store %arg15[%swap3A_340, %swap3A_341], %broadcast_in_dim3A_1 {strides = array<i32>} : memref<80x128xf32, #tpu.memory_space<vmem>>, vector<16xf32>,
      %swap3A_343 = arith.index_cast %scan3A_339 : i32 to index
      %swap3A_344 = arith.constant 16 : index
      %swap3A_345 = tpu.vector_load %arg15[%swap3A_343, %swap3A_344] {strides = array<i32>} : memref<80x128xf32, #tpu.memory_space<vmem>>, vector<16xf32>,
      tpu.vector_store %arg15[%swap3A_343, %swap3A_344], %broadcast_in_dim3A_1 {strides = array<i32>} : memref<80x128xf32, #tpu.memory_space<vmem>>, vector<16xf32>,
      %swap3A_346 = arith.index_cast %scan3A_339 : i32 to index
      %swap3A_347 = arith.constant 32 : index
      %swap3A_348 = tpu.vector_load %arg15[%swap3A_346, %swap3A_347] {strides = array<i32>} : memref<80x128xf32, #tpu.memory_space<vmem>>, vector<16xf32>,
      tpu.vector_store %arg15[%swap3A_346, %swap3A_347], %broadcast_in_dim3A_1 {strides = array<i32>} : memref<80x128xf32, #tpu.memory_space<vmem>>, vector<16xf32>,
      %swap3A_349 = arith.index_cast %scan3A_339 : i32 to index
      %swap3A_350 = arith.constant 48 : index
      %swap3A_351 = tpu.vector_load %arg15[%swap3A_349, %swap3A_350] {strides = array<i32>} : memref<80x128xf32, #tpu.memory_space<vmem>>, vector<16xf32>,
      tpu.vector_store %arg15[%swap3A_349, %swap3A_350], %broadcast_in_dim3A_1 {strides = array<i32>} : memref<80x128xf32, #tpu.memory_space<vmem>>, vector<16xf32>,
      %swap3A_352 = arith.index_cast %scan3A_339 : i32 to index
      %swap3A_353 = arith.constant 64 : index
      %swap3A_354 = tpu.vector_load %arg15[%swap3A_352, %swap3A_353] {strides = array<i32>} : memref<80x128xf32, #tpu.memory_space<vmem>>, vector<16xf32>,
      tpu.vector_store %arg15[%swap3A_352, %swap3A_353], %broadcast_in_dim3A_1 {strides = array<i32>} : memref<80x128xf32, #tpu.memory_space<vmem>>, vector<16xf32>,
      %swap3A_355 = arith.index_cast %scan3A_339 : i32 to index
      %swap3A_356 = arith.constant 80 : index
      %swap3A_357 = tpu.vector_load %arg15[%swap3A_355, %swap3A_356] {strides = array<i32>} : memref<80x128xf32, #tpu.memory_space<vmem>>, vector<16xf32>,
      tpu.vector_store %arg15[%swap3A_355, %swap3A_356], %broadcast_in_dim3A_1 {strides = array<i32>} : memref<80x128xf32, #tpu.memory_space<vmem>>, vector<16xf32>,
      %swap3A_358 = arith.index_cast %scan3A_339 : i32 to index
      %swap3A_359 = arith.constant 96 : index
      %swap3A_360 = tpu.vector_load %arg15[%swap3A_358, %swap3A_359] {strides = array<i32>} : memref<80x128xf32, #tpu.memory_space<vmem>>, vector<16xf32>,
      tpu.vector_store %arg15[%swap3A_358, %swap3A_359], %broadcast_in_dim3A_1 {strides = array<i32>} : memref<80x128xf32, #tpu.memory_space<vmem>>, vector<16xf32>,
      %swap3A_361 = arith.index_cast %scan3A_339 : i32 to index
      %swap3A_362 = arith.constant 112 : index
      %swap3A_363 = tpu.vector_load %arg15[%swap3A_361, %swap3A_362] {strides = array<i32>} : memref<80x128xf32, #tpu.memory_space<vmem>>, vector<16xf32>,
      tpu.vector_store %arg15[%swap3A_361, %swap3A_362], %broadcast_in_dim3A_1 {strides = array<i32>} : memref<80x128xf32, #tpu.memory_space<vmem>>, vector<16xf32>,
    }
    %scan3A_12 = arith.constant 80 : i32
    "tpu.region"() ({
      %run_scoped3A = tpu.sem_alloc : memref<!tpu.dma_semaphore, #tpu.memory_space<semaphore_mem>>
      tpu.enqueue_dma source(%arg6 : memref<8x128xi32, #tpu.memory_space<hbm>>) target(%arg18 : memref<8x128xi32, #tpu.memory_space<vmem>>) target_semaphore(%run_scoped3A : memref<!tpu.dma_semaphore, #tpu.memory_space<semaphore_mem>>)
      tpu.wait_dma2 semaphore(%run_scoped3A : memref<!tpu.dma_semaphore, #tpu.memory_space<semaphore_mem>>) src(%arg6 : memref<8x128xi32, #tpu.memory_space<hbm>>) dst(%arg18 : memref<8x128xi32, #tpu.memory_space<vmem>>)
      tpu.yield
    }) : () -> ()
    %mul3A_13 = arith.constant 640 : i32
    %mul3A_14 = arith.muli %arg1, %mul3A_13 : i32
    %mul3A_15 = arith.constant 10240 : i32
    %mul3A_16 = arith.muli %arg0, %mul3A_15 : i32
    %add3A_17 = arith.addi %mul3A_16, %mul3A_14 : i32
    %add3A_18 = arith.constant 0 : i32
    %add3A_19 = arith.addi %mul3A_14, %add3A_18 : i32
    "tpu.region"() ({
      %run_scoped3A = tpu.sem_alloc : memref<!tpu.dma_semaphore, #tpu.memory_space<semaphore_mem>>
      %dma_start3A_339 = arith.constant 0 : i32
      %dma_start3A_340 = arith.constant 0 : i32
      %dma_start3A_341 = tpu.memref_slice %arg15[%dma_start3A_339, %dma_start3A_340] : memref<80x128xf32, #tpu.memory_space<vmem>> -> memref<80x128xf32, #tpu.memory_space<vmem>>
      %dma_start3A_342 = arith.constant 0 : i32
      %dma_start3A_343 = tpu.memref_slice %arg19[%add3A_19, %dma_start3A_342] : memref<10240x128xf32, #tpu.memory_space<vmem_shared>> -> memref<80x128xf32, #tpu.memory_space<vmem_shared>>
      %dma_start3A_344 = arith.constant 0 : i32
      %dma_start3A_345 = tpu.memref_slice %arg19[%add3A_19, %dma_start3A_344] : memref<10240x128xf32, #tpu.memory_space<vmem_shared>> -> memref<80x128xf32, #tpu.memory_space<vmem_shared>>
      %dma_start3A_346 = arith.constant 0 : i32
      %dma_start3A_347 = arith.constant 0 : i32
      %dma_start3A_348 = tpu.memref_slice %arg15[%dma_start3A_346, %dma_start3A_347] : memref<80x128xf32, #tpu.memory_space<vmem>> -> memref<80x128xf32, #tpu.memory_space<vmem>>
      tpu.enqueue_dma source(%dma_start3A_348 : memref<80x128xf32, #tpu.memory_space<vmem>>) target(%dma_start3A_345 : memref<80x128xf32, #tpu.memory_space<vmem_shared>>) target_semaphore(%run_scoped3A : memref<!tpu.dma_semaphore, #tpu.memory_space<semaphore_mem>>)
      %dma_wait3A_349 = arith.constant 0 : i32
      %dma_wait3A_350 = arith.constant 0 : i32
      %dma_wait3A_351 = tpu.memref_slice %arg15[%dma_wait3A_349, %dma_wait3A_350] : memref<80x128xf32, #tpu.memory_space<vmem>> -> memref<80x128xf32, #tpu.memory_space<vmem>>
      %dma_wait3A_352 = arith.constant 0 : i32
      %dma_wait3A_353 = tpu.memref_slice %arg19[%add3A_19, %dma_wait3A_352] : memref<10240x128xf32, #tpu.memory_space<vmem_shared>> -> memref<80x128xf32, #tpu.memory_space<vmem_shared>>
      %dma_wait3A_354 = arith.constant 0 : i32
      %dma_wait3A_355 = tpu.memref_slice %arg19[%add3A_19, %dma_wait3A_354] : memref<10240x128xf32, #tpu.memory_space<vmem_shared>> -> memref<80x128xf32, #tpu.memory_space<vmem_shared>>
      %dma_wait3A_356 = arith.constant 0 : i32
      %dma_wait3A_357 = arith.constant 0 : i32
      %dma_wait3A_358 = tpu.memref_slice %arg15[%dma_wait3A_356, %dma_wait3A_357] : memref<80x128xf32, #tpu.memory_space<vmem>> -> memref<80x128xf32, #tpu.memory_space<vmem>>
      tpu.wait_dma2 semaphore(%run_scoped3A : memref<!tpu.dma_semaphore, #tpu.memory_space<semaphore_mem>>) src(%dma_wait3A_358 : memref<80x128xf32, #tpu.memory_space<vmem>>) dst(%dma_wait3A_355 : memref<80x128xf32, #tpu.memory_space<vmem_shared>>)
      tpu.yield
    }) : () -> ()
    %add3A_20 = arith.constant 0 : i32
    %add3A_21 = arith.addi %mul3A_14, %add3A_20 : i32
    "tpu.region"() ({
      %run_scoped3A = tpu.sem_alloc : memref<!tpu.dma_semaphore, #tpu.memory_space<semaphore_mem>>
      %dma_start3A_339 = arith.constant 0 : i32
      %dma_start3A_340 = arith.constant 0 : i32
      %dma_start3A_341 = tpu.memref_slice %arg17[%dma_start3A_339, %dma_start3A_340] : memref<80x16xf32, #tpu.memory_space<vmem>> -> memref<80x16xf32, #tpu.memory_space<vmem>>
      %dma_start3A_342 = arith.constant 0 : i32
      %dma_start3A_343 = tpu.memref_slice %arg20[%add3A_21, %dma_start3A_342] : memref<10240x16xf32, #tpu.memory_space<vmem_shared>> -> memref<80x16xf32, #tpu.memory_space<vmem_shared>>
      %dma_start3A_344 = arith.constant 0 : i32
      %dma_start3A_345 = tpu.memref_slice %arg20[%add3A_21, %dma_start3A_344] : memref<10240x16xf32, #tpu.memory_space<vmem_shared>> -> memref<80x16xf32, #tpu.memory_space<vmem_shared>>
      %dma_start3A_346 = arith.constant 0 : i32
      %dma_start3A_347 = arith.constant 0 : i32
      %dma_start3A_348 = tpu.memref_slice %arg17[%dma_start3A_346, %dma_start3A_347] : memref<80x16xf32, #tpu.memory_space<vmem>> -> memref<80x16xf32, #tpu.memory_space<vmem>>
      tpu.enqueue_dma source(%dma_start3A_348 : memref<80x16xf32, #tpu.memory_space<vmem>>) target(%dma_start3A_345 : memref<80x16xf32, #tpu.memory_space<vmem_shared>>) target_semaphore(%run_scoped3A : memref<!tpu.dma_semaphore, #tpu.memory_space<semaphore_mem>>)
      %dma_wait3A_349 = arith.constant 0 : i32
      %dma_wait3A_350 = arith.constant 0 : i32
      %dma_wait3A_351 = tpu.memref_slice %arg17[%dma_wait3A_349, %dma_wait3A_350] : memref<80x16xf32, #tpu.memory_space<vmem>> -> memref<80x16xf32, #tpu.memory_space<vmem>>
      %dma_wait3A_352 = arith.constant 0 : i32
      %dma_wait3A_353 = tpu.memref_slice %arg20[%add3A_21, %dma_wait3A_352] : memref<10240x16xf32, #tpu.memory_space<vmem_shared>> -> memref<80x16xf32, #tpu.memory_space<vmem_shared>>
      %dma_wait3A_354 = arith.constant 0 : i32
      %dma_wait3A_355 = tpu.memref_slice %arg20[%add3A_21, %dma_wait3A_354] : memref<10240x16xf32, #tpu.memory_space<vmem_shared>> -> memref<80x16xf32, #tpu.memory_space<vmem_shared>>
      %dma_wait3A_356 = arith.constant 0 : i32
      %dma_wait3A_357 = arith.constant 0 : i32
      %dma_wait3A_358 = tpu.memref_slice %arg17[%dma_wait3A_356, %dma_wait3A_357] : memref<80x16xf32, #tpu.memory_space<vmem>> -> memref<80x16xf32, #tpu.memory_space<vmem>>
      tpu.wait_dma2 semaphore(%run_scoped3A : memref<!tpu.dma_semaphore, #tpu.memory_space<semaphore_mem>>) src(%dma_wait3A_358 : memref<80x16xf32, #tpu.memory_space<vmem>>) dst(%dma_wait3A_355 : memref<80x16xf32, #tpu.memory_space<vmem_shared>>)
      tpu.yield
    }) : () -> ()
    %add3A_22 = arith.constant 80 : i32
    %add3A_23 = arith.addi %mul3A_14, %add3A_22 : i32
    "tpu.region"() ({
      %run_scoped3A = tpu.sem_alloc : memref<!tpu.dma_semaphore, #tpu.memory_space<semaphore_mem>>
      %dma_start3A_339 = arith.constant 0 : i32
      %dma_start3A_340 = arith.constant 0 : i32
      %dma_start3A_341 = tpu.memref_slice %arg15[%dma_start3A_339, %dma_start3A_340] : memref<80x128xf32, #tpu.memory_space<vmem>> -> memref<80x128xf32, #tpu.memory_space<vmem>>
      %dma_start3A_342 = arith.constant 0 : i32
      %dma_start3A_343 = tpu.memref_slice %arg19[%add3A_23, %dma_start3A_342] : memref<10240x128xf32, #tpu.memory_space<vmem_shared>> -> memref<80x128xf32, #tpu.memory_space<vmem_shared>>
      %dma_start3A_344 = arith.constant 0 : i32
      %dma_start3A_345 = tpu.memref_slice %arg19[%add3A_23, %dma_start3A_344] : memref<10240x128xf32, #tpu.memory_space<vmem_shared>> -> memref<80x128xf32, #tpu.memory_space<vmem_shared>>
      %dma_start3A_346 = arith.constant 0 : i32
      %dma_start3A_347 = arith.constant 0 : i32
      %dma_start3A_348 = tpu.memref_slice %arg15[%dma_start3A_346, %dma_start3A_347] : memref<80x128xf32, #tpu.memory_space<vmem>> -> memref<80x128xf32, #tpu.memory_space<vmem>>
      tpu.enqueue_dma source(%dma_start3A_348 : memref<80x128xf32, #tpu.memory_space<vmem>>) target(%dma_start3A_345 : memref<80x128xf32, #tpu.memory_space<vmem_shared>>) target_semaphore(%run_scoped3A : memref<!tpu.dma_semaphore, #tpu.memory_space<semaphore_mem>>)
      %dma_wait3A_349 = arith.constant 0 : i32
      %dma_wait3A_350 = arith.constant 0 : i32
      %dma_wait3A_351 = tpu.memref_slice %arg15[%dma_wait3A_349, %dma_wait3A_350] : memref<80x128xf32, #tpu.memory_space<vmem>> -> memref<80x128xf32, #tpu.memory_space<vmem>>
      %dma_wait3A_352 = arith.constant 0 : i32
      %dma_wait3A_353 = tpu.memref_slice %arg19[%add3A_23, %dma_wait3A_352] : memref<10240x128xf32, #tpu.memory_space<vmem_shared>> -> memref<80x128xf32, #tpu.memory_space<vmem_shared>>
      %dma_wait3A_354 = arith.constant 0 : i32
      %dma_wait3A_355 = tpu.memref_slice %arg19[%add3A_23, %dma_wait3A_354] : memref<10240x128xf32, #tpu.memory_space<vmem_shared>> -> memref<80x128xf32, #tpu.memory_space<vmem_shared>>
      %dma_wait3A_356 = arith.constant 0 : i32
      %dma_wait3A_357 = arith.constant 0 : i32
      %dma_wait3A_358 = tpu.memref_slice %arg15[%dma_wait3A_356, %dma_wait3A_357] : memref<80x128xf32, #tpu.memory_space<vmem>> -> memref<80x128xf32, #tpu.memory_space<vmem>>
      tpu.wait_dma2 semaphore(%run_scoped3A : memref<!tpu.dma_semaphore, #tpu.memory_space<semaphore_mem>>) src(%dma_wait3A_358 : memref<80x128xf32, #tpu.memory_space<vmem>>) dst(%dma_wait3A_355 : memref<80x128xf32, #tpu.memory_space<vmem_shared>>)
      tpu.yield
    }) : () -> ()
    %add3A_24 = arith.constant 80 : i32
    %add3A_25 = arith.addi %mul3A_14, %add3A_24 : i32
    "tpu.region"() ({
      %run_scoped3A = tpu.sem_alloc : memref<!tpu.dma_semaphore, #tpu.memory_space<semaphore_mem>>
      %dma_start3A_339 = arith.constant 0 : i32
      %dma_start3A_340 = arith.constant 0 : i32
      %dma_start3A_341 = tpu.memref_slice %arg17[%dma_start3A_339, %dma_start3A_340] : memref<80x16xf32, #tpu.memory_space<vmem>> -> memref<80x16xf32, #tpu.memory_space<vmem>>
      %dma_start3A_342 = arith.constant 0 : i32
      %dma_start3A_343 = tpu.memref_slice %arg20[%add3A_25, %dma_start3A_342] : memref<10240x16xf32, #tpu.memory_space<vmem_shared>> -> memref<80x16xf32, #tpu.memory_space<vmem_shared>>
      %dma_start3A_344 = arith.constant 0 : i32
      %dma_start3A_345 = tpu.memref_slice %arg20[%add3A_25, %dma_start3A_344] : memref<10240x16xf32, #tpu.memory_space<vmem_shared>> -> memref<80x16xf32, #tpu.memory_space<vmem_shared>>
      %dma_start3A_346 = arith.constant 0 : i32
      %dma_start3A_347 = arith.constant 0 : i32
      %dma_start3A_348 = tpu.memref_slice %arg17[%dma_start3A_346, %dma_start3A_347] : memref<80x16xf32, #tpu.memory_space<vmem>> -> memref<80x16xf32, #tpu.memory_space<vmem>>
      tpu.enqueue_dma source(%dma_start3A_348 : memref<80x16xf32, #tpu.memory_space<vmem>>) target(%dma_start3A_345 : memref<80x16xf32, #tpu.memory_space<vmem_shared>>) target_semaphore(%run_scoped3A : memref<!tpu.dma_semaphore, #tpu.memory_space<semaphore_mem>>)
      %dma_wait3A_349 = arith.constant 0 : i32
      %dma_wait3A_350 = arith.constant 0 : i32
      %dma_wait3A_351 = tpu.memref_slice %arg17[%dma_wait3A_349, %dma_wait3A_350] : memref<80x16xf32, #tpu.memory_space<vmem>> -> memref<80x16xf32, #tpu.memory_space<vmem>>
      %dma_wait3A_352 = arith.constant 0 : i32
      %dma_wait3A_353 = tpu.memref_slice %arg20[%add3A_25, %dma_wait3A_352] : memref<10240x16xf32, #tpu.memory_space<vmem_shared>> -> memref<80x16xf32, #tpu.memory_space<vmem_shared>>
      %dma_wait3A_354 = arith.constant 0 : i32
      %dma_wait3A_355 = tpu.memref_slice %arg20[%add3A_25, %dma_wait3A_354] : memref<10240x16xf32, #tpu.memory_space<vmem_shared>> -> memref<80x16xf32, #tpu.memory_space<vmem_shared>>
      %dma_wait3A_356 = arith.constant 0 : i32
      %dma_wait3A_357 = arith.constant 0 : i32
      %dma_wait3A_358 = tpu.memref_slice %arg17[%dma_wait3A_356, %dma_wait3A_357] : memref<80x16xf32, #tpu.memory_space<vmem>> -> memref<80x16xf32, #tpu.memory_space<vmem>>
      tpu.wait_dma2 semaphore(%run_scoped3A : memref<!tpu.dma_semaphore, #tpu.memory_space<semaphore_mem>>) src(%dma_wait3A_358 : memref<80x16xf32, #tpu.memory_space<vmem>>) dst(%dma_wait3A_355 : memref<80x16xf32, #tpu.memory_space<vmem_shared>>)
      tpu.yield
    }) : () -> ()
    %add3A_26 = arith.constant 160 : i32
    %add3A_27 = arith.addi %mul3A_14, %add3A_26 : i32
    "tpu.region"() ({
      %run_scoped3A = tpu.sem_alloc : memref<!tpu.dma_semaphore, #tpu.memory_space<semaphore_mem>>
      %dma_start3A_339 = arith.constant 0 : i32
      %dma_start3A_340 = arith.constant 0 : i32
      %dma_start3A_341 = tpu.memref_slice %arg15[%dma_start3A_339, %dma_start3A_340] : memref<80x128xf32, #tpu.memory_space<vmem>> -> memref<80x128xf32, #tpu.memory_space<vmem>>
      %dma_start3A_342 = arith.constant 0 : i32
      %dma_start3A_343 = tpu.memref_slice %arg19[%add3A_27, %dma_start3A_342] : memref<10240x128xf32, #tpu.memory_space<vmem_shared>> -> memref<80x128xf32, #tpu.memory_space<vmem_shared>>
      %dma_start3A_344 = arith.constant 0 : i32
      %dma_start3A_345 = tpu.memref_slice %arg19[%add3A_27, %dma_start3A_344] : memref<10240x128xf32, #tpu.memory_space<vmem_shared>> -> memref<80x128xf32, #tpu.memory_space<vmem_shared>>
      %dma_start3A_346 = arith.constant 0 : i32
      %dma_start3A_347 = arith.constant 0 : i32
      %dma_start3A_348 = tpu.memref_slice %arg15[%dma_start3A_346, %dma_start3A_347] : memref<80x128xf32, #tpu.memory_space<vmem>> -> memref<80x128xf32, #tpu.memory_space<vmem>>
      tpu.enqueue_dma source(%dma_start3A_348 : memref<80x128xf32, #tpu.memory_space<vmem>>) target(%dma_start3A_345 : memref<80x128xf32, #tpu.memory_space<vmem_shared>>) target_semaphore(%run_scoped3A : memref<!tpu.dma_semaphore, #tpu.memory_space<semaphore_mem>>)
      %dma_wait3A_349 = arith.constant 0 : i32
      %dma_wait3A_350 = arith.constant 0 : i32
      %dma_wait3A_351 = tpu.memref_slice %arg15[%dma_wait3A_349, %dma_wait3A_350] : memref<80x128xf32, #tpu.memory_space<vmem>> -> memref<80x128xf32, #tpu.memory_space<vmem>>
      %dma_wait3A_352 = arith.constant 0 : i32
      %dma_wait3A_353 = tpu.memref_slice %arg19[%add3A_27, %dma_wait3A_352] : memref<10240x128xf32, #tpu.memory_space<vmem_shared>> -> memref<80x128xf32, #tpu.memory_space<vmem_shared>>
      %dma_wait3A_354 = arith.constant 0 : i32
      %dma_wait3A_355 = tpu.memref_slice %arg19[%add3A_27, %dma_wait3A_354] : memref<10240x128xf32, #tpu.memory_space<vmem_shared>> -> memref<80x128xf32, #tpu.memory_space<vmem_shared>>
      %dma_wait3A_356 = arith.constant 0 : i32
      %dma_wait3A_357 = arith.constant 0 : i32
      %dma_wait3A_358 = tpu.memref_slice %arg15[%dma_wait3A_356, %dma_wait3A_357] : memref<80x128xf32, #tpu.memory_space<vmem>> -> memref<80x128xf32, #tpu.memory_space<vmem>>
      tpu.wait_dma2 semaphore(%run_scoped3A : memref<!tpu.dma_semaphore, #tpu.memory_space<semaphore_mem>>) src(%dma_wait3A_358 : memref<80x128xf32, #tpu.memory_space<vmem>>) dst(%dma_wait3A_355 : memref<80x128xf32, #tpu.memory_space<vmem_shared>>)
      tpu.yield
    }) : () -> ()
    %add3A_28 = arith.constant 160 : i32
    %add3A_29 = arith.addi %mul3A_14, %add3A_28 : i32
    "tpu.region"() ({
      %run_scoped3A = tpu.sem_alloc : memref<!tpu.dma_semaphore, #tpu.memory_space<semaphore_mem>>
      %dma_start3A_339 = arith.constant 0 : i32
      %dma_start3A_340 = arith.constant 0 : i32
      %dma_start3A_341 = tpu.memref_slice %arg17[%dma_start3A_339, %dma_start3A_340] : memref<80x16xf32, #tpu.memory_space<vmem>> -> memref<80x16xf32, #tpu.memory_space<vmem>>
      %dma_start3A_342 = arith.constant 0 : i32
      %dma_start3A_343 = tpu.memref_slice %arg20[%add3A_29, %dma_start3A_342] : memref<10240x16xf32, #tpu.memory_space<vmem_shared>> -> memref<80x16xf32, #tpu.memory_space<vmem_shared>>
      %dma_start3A_344 = arith.constant 0 : i32
      %dma_start3A_345 = tpu.memref_slice %arg20[%add3A_29, %dma_start3A_344] : memref<10240x16xf32, #tpu.memory_space<vmem_shared>> -> memref<80x16xf32, #tpu.memory_space<vmem_shared>>
      %dma_start3A_346 = arith.constant 0 : i32
      %dma_start3A_347 = arith.constant 0 : i32
      %dma_start3A_348 = tpu.memref_slice %arg17[%dma_start3A_346, %dma_start3A_347] : memref<80x16xf32, #tpu.memory_space<vmem>> -> memref<80x16xf32, #tpu.memory_space<vmem>>
      tpu.enqueue_dma source(%dma_start3A_348 : memref<80x16xf32, #tpu.memory_space<vmem>>) target(%dma_start3A_345 : memref<80x16xf32, #tpu.memory_space<vmem_shared>>) target_semaphore(%run_scoped3A : memref<!tpu.dma_semaphore, #tpu.memory_space<semaphore_mem>>)
      %dma_wait3A_349 = arith.constant 0 : i32
      %dma_wait3A_350 = arith.constant 0 : i32
      %dma_wait3A_351 = tpu.memref_slice %arg17[%dma_wait3A_349, %dma_wait3A_350] : memref<80x16xf32, #tpu.memory_space<vmem>> -> memref<80x16xf32, #tpu.memory_space<vmem>>
      %dma_wait3A_352 = arith.constant 0 : i32
      %dma_wait3A_353 = tpu.memref_slice %arg20[%add3A_29, %dma_wait3A_352] : memref<10240x16xf32, #tpu.memory_space<vmem_shared>> -> memref<80x16xf32, #tpu.memory_space<vmem_shared>>
      %dma_wait3A_354 = arith.constant 0 : i32
      %dma_wait3A_355 = tpu.memref_slice %arg20[%add3A_29, %dma_wait3A_354] : memref<10240x16xf32, #tpu.memory_space<vmem_shared>> -> memref<80x16xf32, #tpu.memory_space<vmem_shared>>
      %dma_wait3A_356 = arith.constant 0 : i32
      %dma_wait3A_357 = arith.constant 0 : i32
      %dma_wait3A_358 = tpu.memref_slice %arg17[%dma_wait3A_356, %dma_wait3A_357] : memref<80x16xf32, #tpu.memory_space<vmem>> -> memref<80x16xf32, #tpu.memory_space<vmem>>
      tpu.wait_dma2 semaphore(%run_scoped3A : memref<!tpu.dma_semaphore, #tpu.memory_space<semaphore_mem>>) src(%dma_wait3A_358 : memref<80x16xf32, #tpu.memory_space<vmem>>) dst(%dma_wait3A_355 : memref<80x16xf32, #tpu.memory_space<vmem_shared>>)
      tpu.yield
    }) : () -> ()
    %add3A_30 = arith.constant 240 : i32
    %add3A_31 = arith.addi %mul3A_14, %add3A_30 : i32
    "tpu.region"() ({
      %run_scoped3A = tpu.sem_alloc : memref<!tpu.dma_semaphore, #tpu.memory_space<semaphore_mem>>
      %dma_start3A_339 = arith.constant 0 : i32
      %dma_start3A_340 = arith.constant 0 : i32
      %dma_start3A_341 = tpu.memref_slice %arg15[%dma_start3A_339, %dma_start3A_340] : memref<80x128xf32, #tpu.memory_space<vmem>> -> memref<80x128xf32, #tpu.memory_space<vmem>>
      %dma_start3A_342 = arith.constant 0 : i32
      %dma_start3A_343 = tpu.memref_slice %arg19[%add3A_31, %dma_start3A_342] : memref<10240x128xf32, #tpu.memory_space<vmem_shared>> -> memref<80x128xf32, #tpu.memory_space<vmem_shared>>
      %dma_start3A_344 = arith.constant 0 : i32
      %dma_start3A_345 = tpu.memref_slice %arg19[%add3A_31, %dma_start3A_344] : memref<10240x128xf32, #tpu.memory_space<vmem_shared>> -> memref<80x128xf32, #tpu.memory_space<vmem_shared>>
      %dma_start3A_346 = arith.constant 0 : i32
      %dma_start3A_347 = arith.constant 0 : i32
      %dma_start3A_348 = tpu.memref_slice %arg15[%dma_start3A_346, %dma_start3A_347] : memref<80x128xf32, #tpu.memory_space<vmem>> -> memref<80x128xf32, #tpu.memory_space<vmem>>
      tpu.enqueue_dma source(%dma_start3A_348 : memref<80x128xf32, #tpu.memory_space<vmem>>) target(%dma_start3A_345 : memref<80x128xf32, #tpu.memory_space<vmem_shared>>) target_semaphore(%run_scoped3A : memref<!tpu.dma_semaphore, #tpu.memory_space<semaphore_mem>>)
      %dma_wait3A_349 = arith.constant 0 : i32
      %dma_wait3A_350 = arith.constant 0 : i32
      %dma_wait3A_351 = tpu.memref_slice %arg15[%dma_wait3A_349, %dma_wait3A_350] : memref<80x128xf32, #tpu.memory_space<vmem>> -> memref<80x128xf32, #tpu.memory_space<vmem>>
      %dma_wait3A_352 = arith.constant 0 : i32
      %dma_wait3A_353 = tpu.memref_slice %arg19[%add3A_31, %dma_wait3A_352] : memref<10240x128xf32, #tpu.memory_space<vmem_shared>> -> memref<80x128xf32, #tpu.memory_space<vmem_shared>>
      %dma_wait3A_354 = arith.constant 0 : i32
      %dma_wait3A_355 = tpu.memref_slice %arg19[%add3A_31, %dma_wait3A_354] : memref<10240x128xf32, #tpu.memory_space<vmem_shared>> -> memref<80x128xf32, #tpu.memory_space<vmem_shared>>
      %dma_wait3A_356 = arith.constant 0 : i32
      %dma_wait3A_357 = arith.constant 0 : i32
      %dma_wait3A_358 = tpu.memref_slice %arg15[%dma_wait3A_356, %dma_wait3A_357] : memref<80x128xf32, #tpu.memory_space<vmem>> -> memref<80x128xf32, #tpu.memory_space<vmem>>
      tpu.wait_dma2 semaphore(%run_scoped3A : memref<!tpu.dma_semaphore, #tpu.memory_space<semaphore_mem>>) src(%dma_wait3A_358 : memref<80x128xf32, #tpu.memory_space<vmem>>) dst(%dma_wait3A_355 : memref<80x128xf32, #tpu.memory_space<vmem_shared>>)
      tpu.yield
    }) : () -> ()
    %add3A_32 = arith.constant 240 : i32
    %add3A_33 = arith.addi %mul3A_14, %add3A_32 : i32
    "tpu.region"() ({
      %run_scoped3A = tpu.sem_alloc : memref<!tpu.dma_semaphore, #tpu.memory_space<semaphore_mem>>
      %dma_start3A_339 = arith.constant 0 : i32
      %dma_start3A_340 = arith.constant 0 : i32
      %dma_start3A_341 = tpu.memref_slice %arg17[%dma_start3A_339, %dma_start3A_340] : memref<80x16xf32, #tpu.memory_space<vmem>> -> memref<80x16xf32, #tpu.memory_space<vmem>>
      %dma_start3A_342 = arith.constant 0 : i32
      %dma_start3A_343 = tpu.memref_slice %arg20[%add3A_33, %dma_start3A_342] : memref<10240x16xf32, #tpu.memory_space<vmem_shared>> -> memref<80x16xf32, #tpu.memory_space<vmem_shared>>
      %dma_start3A_344 = arith.constant 0 : i32
      %dma_start3A_345 = tpu.memref_slice %arg20[%add3A_33, %dma_start3A_344] : memref<10240x16xf32, #tpu.memory_space<vmem_shared>> -> memref<80x16xf32, #tpu.memory_space<vmem_shared>>
      %dma_start3A_346 = arith.constant 0 : i32
      %dma_start3A_347 = arith.constant 0 : i32
      %dma_start3A_348 = tpu.memref_slice %arg17[%dma_start3A_346, %dma_start3A_347] : memref<80x16xf32, #tpu.memory_space<vmem>> -> memref<80x16xf32, #tpu.memory_space<vmem>>
      tpu.enqueue_dma source(%dma_start3A_348 : memref<80x16xf32, #tpu.memory_space<vmem>>) target(%dma_start3A_345 : memref<80x16xf32, #tpu.memory_space<vmem_shared>>) target_semaphore(%run_scoped3A : memref<!tpu.dma_semaphore, #tpu.memory_space<semaphore_mem>>)
      %dma_wait3A_349 = arith.constant 0 : i32
      %dma_wait3A_350 = arith.constant 0 : i32
      %dma_wait3A_351 = tpu.memref_slice %arg17[%dma_wait3A_349, %dma_wait3A_350] : memref<80x16xf32, #tpu.memory_space<vmem>> -> memref<80x16xf32, #tpu.memory_space<vmem>>
      %dma_wait3A_352 = arith.constant 0 : i32
      %dma_wait3A_353 = tpu.memref_slice %arg20[%add3A_33, %dma_wait3A_352] : memref<10240x16xf32, #tpu.memory_space<vmem_shared>> -> memref<80x16xf32, #tpu.memory_space<vmem_shared>>
      %dma_wait3A_354 = arith.constant 0 : i32
      %dma_wait3A_355 = tpu.memref_slice %arg20[%add3A_33, %dma_wait3A_354] : memref<10240x16xf32, #tpu.memory_space<vmem_shared>> -> memref<80x16xf32, #tpu.memory_space<vmem_shared>>
      %dma_wait3A_356 = arith.constant 0 : i32
      %dma_wait3A_357 = arith.constant 0 : i32
      %dma_wait3A_358 = tpu.memref_slice %arg17[%dma_wait3A_356, %dma_wait3A_357] : memref<80x16xf32, #tpu.memory_space<vmem>> -> memref<80x16xf32, #tpu.memory_space<vmem>>
      tpu.wait_dma2 semaphore(%run_scoped3A : memref<!tpu.dma_semaphore, #tpu.memory_space<semaphore_mem>>) src(%dma_wait3A_358 : memref<80x16xf32, #tpu.memory_space<vmem>>) dst(%dma_wait3A_355 : memref<80x16xf32, #tpu.memory_space<vmem_shared>>)
      tpu.yield
    }) : () -> ()
    %add3A_34 = arith.constant 320 : i32
    %add3A_35 = arith.addi %mul3A_14, %add3A_34 : i32
    "tpu.region"() ({
      %run_scoped3A = tpu.sem_alloc : memref<!tpu.dma_semaphore, #tpu.memory_space<semaphore_mem>>
      %dma_start3A_339 = arith.constant 0 : i32
      %dma_start3A_340 = arith.constant 0 : i32
      %dma_start3A_341 = tpu.memref_slice %arg15[%dma_start3A_339, %dma_start3A_340] : memref<80x128xf32, #tpu.memory_space<vmem>> -> memref<80x128xf32, #tpu.memory_space<vmem>>
      %dma_start3A_342 = arith.constant 0 : i32
      %dma_start3A_343 = tpu.memref_slice %arg19[%add3A_35, %dma_start3A_342] : memref<10240x128xf32, #tpu.memory_space<vmem_shared>> -> memref<80x128xf32, #tpu.memory_space<vmem_shared>>
      %dma_start3A_344 = arith.constant 0 : i32
      %dma_start3A_345 = tpu.memref_slice %arg19[%add3A_35, %dma_start3A_344] : memref<10240x128xf32, #tpu.memory_space<vmem_shared>> -> memref<80x128xf32, #tpu.memory_space<vmem_shared>>
      %dma_start3A_346 = arith.constant 0 : i32
      %dma_start3A_347 = arith.constant 0 : i32
      %dma_start3A_348 = tpu.memref_slice %arg15[%dma_start3A_346, %dma_start3A_347] : memref<80x128xf32, #tpu.memory_space<vmem>> -> memref<80x128xf32, #tpu.memory_space<vmem>>
      tpu.enqueue_dma source(%dma_start3A_348 : memref<80x128xf32, #tpu.memory_space<vmem>>) target(%dma_start3A_345 : memref<80x128xf32, #tpu.memory_space<vmem_shared>>) target_semaphore(%run_scoped3A : memref<!tpu.dma_semaphore, #tpu.memory_space<semaphore_mem>>)
      %dma_wait3A_349 = arith.constant 0 : i32
      %dma_wait3A_350 = arith.constant 0 : i32
      %dma_wait3A_351 = tpu.memref_slice %arg15[%dma_wait3A_349, %dma_wait3A_350] : memref<80x128xf32, #tpu.memory_space<vmem>> -> memref<80x128xf32, #tpu.memory_space<vmem>>
      %dma_wait3A_352 = arith.constant 0 : i32
      %dma_wait3A_353 = tpu.memref_slice %arg19[%add3A_35, %dma_wait3A_352] : memref<10240x128xf32, #tpu.memory_space<vmem_shared>> -> memref<80x128xf32, #tpu.memory_space<vmem_shared>>
      %dma_wait3A_354 = arith.constant 0 : i32
      %dma_wait3A_355 = tpu.memref_slice %arg19[%add3A_35, %dma_wait3A_354] : memref<10240x128xf32, #tpu.memory_space<vmem_shared>> -> memref<80x128xf32, #tpu.memory_space<vmem_shared>>
      %dma_wait3A_356 = arith.constant 0 : i32
      %dma_wait3A_357 = arith.constant 0 : i32
      %dma_wait3A_358 = tpu.memref_slice %arg15[%dma_wait3A_356, %dma_wait3A_357] : memref<80x128xf32, #tpu.memory_space<vmem>> -> memref<80x128xf32, #tpu.memory_space<vmem>>
      tpu.wait_dma2 semaphore(%run_scoped3A : memref<!tpu.dma_semaphore, #tpu.memory_space<semaphore_mem>>) src(%dma_wait3A_358 : memref<80x128xf32, #tpu.memory_space<vmem>>) dst(%dma_wait3A_355 : memref<80x128xf32, #tpu.memory_space<vmem_shared>>)
      tpu.yield
    }) : () -> ()
    %add3A_36 = arith.constant 320 : i32
    %add3A_37 = arith.addi %mul3A_14, %add3A_36 : i32
    "tpu.region"() ({
      %run_scoped3A = tpu.sem_alloc : memref<!tpu.dma_semaphore, #tpu.memory_space<semaphore_mem>>
      %dma_start3A_339 = arith.constant 0 : i32
      %dma_start3A_340 = arith.constant 0 : i32
      %dma_start3A_341 = tpu.memref_slice %arg17[%dma_start3A_339, %dma_start3A_340] : memref<80x16xf32, #tpu.memory_space<vmem>> -> memref<80x16xf32, #tpu.memory_space<vmem>>
      %dma_start3A_342 = arith.constant 0 : i32
      %dma_start3A_343 = tpu.memref_slice %arg20[%add3A_37, %dma_start3A_342] : memref<10240x16xf32, #tpu.memory_space<vmem_shared>> -> memref<80x16xf32, #tpu.memory_space<vmem_shared>>
      %dma_start3A_344 = arith.constant 0 : i32
      %dma_start3A_345 = tpu.memref_slice %arg20[%add3A_37, %dma_start3A_344] : memref<10240x16xf32, #tpu.memory_space<vmem_shared>> -> memref<80x16xf32, #tpu.memory_space<vmem_shared>>
      %dma_start3A_346 = arith.constant 0 : i32
      %dma_start3A_347 = arith.constant 0 : i32
      %dma_start3A_348 = tpu.memref_slice %arg17[%dma_start3A_346, %dma_start3A_347] : memref<80x16xf32, #tpu.memory_space<vmem>> -> memref<80x16xf32, #tpu.memory_space<vmem>>
      tpu.enqueue_dma source(%dma_start3A_348 : memref<80x16xf32, #tpu.memory_space<vmem>>) target(%dma_start3A_345 : memref<80x16xf32, #tpu.memory_space<vmem_shared>>) target_semaphore(%run_scoped3A : memref<!tpu.dma_semaphore, #tpu.memory_space<semaphore_mem>>)
      %dma_wait3A_349 = arith.constant 0 : i32
      %dma_wait3A_350 = arith.constant 0 : i32
      %dma_wait3A_351 = tpu.memref_slice %arg17[%dma_wait3A_349, %dma_wait3A_350] : memref<80x16xf32, #tpu.memory_space<vmem>> -> memref<80x16xf32, #tpu.memory_space<vmem>>
      %dma_wait3A_352 = arith.constant 0 : i32
      %dma_wait3A_353 = tpu.memref_slice %arg20[%add3A_37, %dma_wait3A_352] : memref<10240x16xf32, #tpu.memory_space<vmem_shared>> -> memref<80x16xf32, #tpu.memory_space<vmem_shared>>
      %dma_wait3A_354 = arith.constant 0 : i32
      %dma_wait3A_355 = tpu.memref_slice %arg20[%add3A_37, %dma_wait3A_354] : memref<10240x16xf32, #tpu.memory_space<vmem_shared>> -> memref<80x16xf32, #tpu.memory_space<vmem_shared>>
      %dma_wait3A_356 = arith.constant 0 : i32
      %dma_wait3A_357 = arith.constant 0 : i32
      %dma_wait3A_358 = tpu.memref_slice %arg17[%dma_wait3A_356, %dma_wait3A_357] : memref<80x16xf32, #tpu.memory_space<vmem>> -> memref<80x16xf32, #tpu.memory_space<vmem>>
      tpu.wait_dma2 semaphore(%run_scoped3A : memref<!tpu.dma_semaphore, #tpu.memory_space<semaphore_mem>>) src(%dma_wait3A_358 : memref<80x16xf32, #tpu.memory_space<vmem>>) dst(%dma_wait3A_355 : memref<80x16xf32, #tpu.memory_space<vmem_shared>>)
      tpu.yield
    }) : () -> ()
    %add3A_38 = arith.constant 400 : i32
    %add3A_39 = arith.addi %mul3A_14, %add3A_38 : i32
    "tpu.region"() ({
      %run_scoped3A = tpu.sem_alloc : memref<!tpu.dma_semaphore, #tpu.memory_space<semaphore_mem>>
      %dma_start3A_339 = arith.constant 0 : i32
      %dma_start3A_340 = arith.constant 0 : i32
      %dma_start3A_341 = tpu.memref_slice %arg15[%dma_start3A_339, %dma_start3A_340] : memref<80x128xf32, #tpu.memory_space<vmem>> -> memref<80x128xf32, #tpu.memory_space<vmem>>
      %dma_start3A_342 = arith.constant 0 : i32
      %dma_start3A_343 = tpu.memref_slice %arg19[%add3A_39, %dma_start3A_342] : memref<10240x128xf32, #tpu.memory_space<vmem_shared>> -> memref<80x128xf32, #tpu.memory_space<vmem_shared>>
      %dma_start3A_344 = arith.constant 0 : i32
      %dma_start3A_345 = tpu.memref_slice %arg19[%add3A_39, %dma_start3A_344] : memref<10240x128xf32, #tpu.memory_space<vmem_shared>> -> memref<80x128xf32, #tpu.memory_space<vmem_shared>>
      %dma_start3A_346 = arith.constant 0 : i32
      %dma_start3A_347 = arith.constant 0 : i32
      %dma_start3A_348 = tpu.memref_slice %arg15[%dma_start3A_346, %dma_start3A_347] : memref<80x128xf32, #tpu.memory_space<vmem>> -> memref<80x128xf32, #tpu.memory_space<vmem>>
      tpu.enqueue_dma source(%dma_start3A_348 : memref<80x128xf32, #tpu.memory_space<vmem>>) target(%dma_start3A_345 : memref<80x128xf32, #tpu.memory_space<vmem_shared>>) target_semaphore(%run_scoped3A : memref<!tpu.dma_semaphore, #tpu.memory_space<semaphore_mem>>)
      %dma_wait3A_349 = arith.constant 0 : i32
      %dma_wait3A_350 = arith.constant 0 : i32
      %dma_wait3A_351 = tpu.memref_slice %arg15[%dma_wait3A_349, %dma_wait3A_350] : memref<80x128xf32, #tpu.memory_space<vmem>> -> memref<80x128xf32, #tpu.memory_space<vmem>>
      %dma_wait3A_352 = arith.constant 0 : i32
      %dma_wait3A_353 = tpu.memref_slice %arg19[%add3A_39, %dma_wait3A_352] : memref<10240x128xf32, #tpu.memory_space<vmem_shared>> -> memref<80x128xf32, #tpu.memory_space<vmem_shared>>
      %dma_wait3A_354 = arith.constant 0 : i32
      %dma_wait3A_355 = tpu.memref_slice %arg19[%add3A_39, %dma_wait3A_354] : memref<10240x128xf32, #tpu.memory_space<vmem_shared>> -> memref<80x128xf32, #tpu.memory_space<vmem_shared>>
      %dma_wait3A_356 = arith.constant 0 : i32
      %dma_wait3A_357 = arith.constant 0 : i32
      %dma_wait3A_358 = tpu.memref_slice %arg15[%dma_wait3A_356, %dma_wait3A_357] : memref<80x128xf32, #tpu.memory_space<vmem>> -> memref<80x128xf32, #tpu.memory_space<vmem>>
      tpu.wait_dma2 semaphore(%run_scoped3A : memref<!tpu.dma_semaphore, #tpu.memory_space<semaphore_mem>>) src(%dma_wait3A_358 : memref<80x128xf32, #tpu.memory_space<vmem>>) dst(%dma_wait3A_355 : memref<80x128xf32, #tpu.memory_space<vmem_shared>>)
      tpu.yield
    }) : () -> ()
    %add3A_40 = arith.constant 400 : i32
    %add3A_41 = arith.addi %mul3A_14, %add3A_40 : i32
    "tpu.region"() ({
      %run_scoped3A = tpu.sem_alloc : memref<!tpu.dma_semaphore, #tpu.memory_space<semaphore_mem>>
      %dma_start3A_339 = arith.constant 0 : i32
      %dma_start3A_340 = arith.constant 0 : i32
      %dma_start3A_341 = tpu.memref_slice %arg17[%dma_start3A_339, %dma_start3A_340] : memref<80x16xf32, #tpu.memory_space<vmem>> -> memref<80x16xf32, #tpu.memory_space<vmem>>
      %dma_start3A_342 = arith.constant 0 : i32
      %dma_start3A_343 = tpu.memref_slice %arg20[%add3A_41, %dma_start3A_342] : memref<10240x16xf32, #tpu.memory_space<vmem_shared>> -> memref<80x16xf32, #tpu.memory_space<vmem_shared>>
      %dma_start3A_344 = arith.constant 0 : i32
      %dma_start3A_345 = tpu.memref_slice %arg20[%add3A_41, %dma_start3A_344] : memref<10240x16xf32, #tpu.memory_space<vmem_shared>> -> memref<80x16xf32, #tpu.memory_space<vmem_shared>>
      %dma_start3A_346 = arith.constant 0 : i32
      %dma_start3A_347 = arith.constant 0 : i32
      %dma_start3A_348 = tpu.memref_slice %arg17[%dma_start3A_346, %dma_start3A_347] : memref<80x16xf32, #tpu.memory_space<vmem>> -> memref<80x16xf32, #tpu.memory_space<vmem>>
      tpu.enqueue_dma source(%dma_start3A_348 : memref<80x16xf32, #tpu.memory_space<vmem>>) target(%dma_start3A_345 : memref<80x16xf32, #tpu.memory_space<vmem_shared>>) target_semaphore(%run_scoped3A : memref<!tpu.dma_semaphore, #tpu.memory_space<semaphore_mem>>)
      %dma_wait3A_349 = arith.constant 0 : i32
      %dma_wait3A_350 = arith.constant 0 : i32
      %dma_wait3A_351 = tpu.memref_slice %arg17[%dma_wait3A_349, %dma_wait3A_350] : memref<80x16xf32, #tpu.memory_space<vmem>> -> memref<80x16xf32, #tpu.memory_space<vmem>>
      %dma_wait3A_352 = arith.constant 0 : i32
      %dma_wait3A_353 = tpu.memref_slice %arg20[%add3A_41, %dma_wait3A_352] : memref<10240x16xf32, #tpu.memory_space<vmem_shared>> -> memref<80x16xf32, #tpu.memory_space<vmem_shared>>
      %dma_wait3A_354 = arith.constant 0 : i32
      %dma_wait3A_355 = tpu.memref_slice %arg20[%add3A_41, %dma_wait3A_354] : memref<10240x16xf32, #tpu.memory_space<vmem_shared>> -> memref<80x16xf32, #tpu.memory_space<vmem_shared>>
      %dma_wait3A_356 = arith.constant 0 : i32
      %dma_wait3A_357 = arith.constant 0 : i32
      %dma_wait3A_358 = tpu.memref_slice %arg17[%dma_wait3A_356, %dma_wait3A_357] : memref<80x16xf32, #tpu.memory_space<vmem>> -> memref<80x16xf32, #tpu.memory_space<vmem>>
      tpu.wait_dma2 semaphore(%run_scoped3A : memref<!tpu.dma_semaphore, #tpu.memory_space<semaphore_mem>>) src(%dma_wait3A_358 : memref<80x16xf32, #tpu.memory_space<vmem>>) dst(%dma_wait3A_355 : memref<80x16xf32, #tpu.memory_space<vmem_shared>>)
      tpu.yield
    }) : () -> ()
    %add3A_42 = arith.constant 480 : i32
    %add3A_43 = arith.addi %mul3A_14, %add3A_42 : i32
    "tpu.region"() ({
      %run_scoped3A = tpu.sem_alloc : memref<!tpu.dma_semaphore, #tpu.memory_space<semaphore_mem>>
      %dma_start3A_339 = arith.constant 0 : i32
      %dma_start3A_340 = arith.constant 0 : i32
      %dma_start3A_341 = tpu.memref_slice %arg15[%dma_start3A_339, %dma_start3A_340] : memref<80x128xf32, #tpu.memory_space<vmem>> -> memref<80x128xf32, #tpu.memory_space<vmem>>
      %dma_start3A_342 = arith.constant 0 : i32
      %dma_start3A_343 = tpu.memref_slice %arg19[%add3A_43, %dma_start3A_342] : memref<10240x128xf32, #tpu.memory_space<vmem_shared>> -> memref<80x128xf32, #tpu.memory_space<vmem_shared>>
      %dma_start3A_344 = arith.constant 0 : i32
      %dma_start3A_345 = tpu.memref_slice %arg19[%add3A_43, %dma_start3A_344] : memref<10240x128xf32, #tpu.memory_space<vmem_shared>> -> memref<80x128xf32, #tpu.memory_space<vmem_shared>>
      %dma_start3A_346 = arith.constant 0 : i32
      %dma_start3A_347 = arith.constant 0 : i32
      %dma_start3A_348 = tpu.memref_slice %arg15[%dma_start3A_346, %dma_start3A_347] : memref<80x128xf32, #tpu.memory_space<vmem>> -> memref<80x128xf32, #tpu.memory_space<vmem>>
      tpu.enqueue_dma source(%dma_start3A_348 : memref<80x128xf32, #tpu.memory_space<vmem>>) target(%dma_start3A_345 : memref<80x128xf32, #tpu.memory_space<vmem_shared>>) target_semaphore(%run_scoped3A : memref<!tpu.dma_semaphore, #tpu.memory_space<semaphore_mem>>)
      %dma_wait3A_349 = arith.constant 0 : i32
      %dma_wait3A_350 = arith.constant 0 : i32
      %dma_wait3A_351 = tpu.memref_slice %arg15[%dma_wait3A_349, %dma_wait3A_350] : memref<80x128xf32, #tpu.memory_space<vmem>> -> memref<80x128xf32, #tpu.memory_space<vmem>>
      %dma_wait3A_352 = arith.constant 0 : i32
      %dma_wait3A_353 = tpu.memref_slice %arg19[%add3A_43, %dma_wait3A_352] : memref<10240x128xf32, #tpu.memory_space<vmem_shared>> -> memref<80x128xf32, #tpu.memory_space<vmem_shared>>
      %dma_wait3A_354 = arith.constant 0 : i32
      %dma_wait3A_355 = tpu.memref_slice %arg19[%add3A_43, %dma_wait3A_354] : memref<10240x128xf32, #tpu.memory_space<vmem_shared>> -> memref<80x128xf32, #tpu.memory_space<vmem_shared>>
      %dma_wait3A_356 = arith.constant 0 : i32
      %dma_wait3A_357 = arith.constant 0 : i32
      %dma_wait3A_358 = tpu.memref_slice %arg15[%dma_wait3A_356, %dma_wait3A_357] : memref<80x128xf32, #tpu.memory_space<vmem>> -> memref<80x128xf32, #tpu.memory_space<vmem>>
      tpu.wait_dma2 semaphore(%run_scoped3A : memref<!tpu.dma_semaphore, #tpu.memory_space<semaphore_mem>>) src(%dma_wait3A_358 : memref<80x128xf32, #tpu.memory_space<vmem>>) dst(%dma_wait3A_355 : memref<80x128xf32, #tpu.memory_space<vmem_shared>>)
      tpu.yield
    }) : () -> ()
    %add3A_44 = arith.constant 480 : i32
    %add3A_45 = arith.addi %mul3A_14, %add3A_44 : i32
    "tpu.region"() ({
      %run_scoped3A = tpu.sem_alloc : memref<!tpu.dma_semaphore, #tpu.memory_space<semaphore_mem>>
      %dma_start3A_339 = arith.constant 0 : i32
      %dma_start3A_340 = arith.constant 0 : i32
      %dma_start3A_341 = tpu.memref_slice %arg17[%dma_start3A_339, %dma_start3A_340] : memref<80x16xf32, #tpu.memory_space<vmem>> -> memref<80x16xf32, #tpu.memory_space<vmem>>
      %dma_start3A_342 = arith.constant 0 : i32
      %dma_start3A_343 = tpu.memref_slice %arg20[%add3A_45, %dma_start3A_342] : memref<10240x16xf32, #tpu.memory_space<vmem_shared>> -> memref<80x16xf32, #tpu.memory_space<vmem_shared>>
      %dma_start3A_344 = arith.constant 0 : i32
      %dma_start3A_345 = tpu.memref_slice %arg20[%add3A_45, %dma_start3A_344] : memref<10240x16xf32, #tpu.memory_space<vmem_shared>> -> memref<80x16xf32, #tpu.memory_space<vmem_shared>>
      %dma_start3A_346 = arith.constant 0 : i32
      %dma_start3A_347 = arith.constant 0 : i32
      %dma_start3A_348 = tpu.memref_slice %arg17[%dma_start3A_346, %dma_start3A_347] : memref<80x16xf32, #tpu.memory_space<vmem>> -> memref<80x16xf32, #tpu.memory_space<vmem>>
      tpu.enqueue_dma source(%dma_start3A_348 : memref<80x16xf32, #tpu.memory_space<vmem>>) target(%dma_start3A_345 : memref<80x16xf32, #tpu.memory_space<vmem_shared>>) target_semaphore(%run_scoped3A : memref<!tpu.dma_semaphore, #tpu.memory_space<semaphore_mem>>)
      %dma_wait3A_349 = arith.constant 0 : i32
      %dma_wait3A_350 = arith.constant 0 : i32
      %dma_wait3A_351 = tpu.memref_slice %arg17[%dma_wait3A_349, %dma_wait3A_350] : memref<80x16xf32, #tpu.memory_space<vmem>> -> memref<80x16xf32, #tpu.memory_space<vmem>>
      %dma_wait3A_352 = arith.constant 0 : i32
      %dma_wait3A_353 = tpu.memref_slice %arg20[%add3A_45, %dma_wait3A_352] : memref<10240x16xf32, #tpu.memory_space<vmem_shared>> -> memref<80x16xf32, #tpu.memory_space<vmem_shared>>
      %dma_wait3A_354 = arith.constant 0 : i32
      %dma_wait3A_355 = tpu.memref_slice %arg20[%add3A_45, %dma_wait3A_354] : memref<10240x16xf32, #tpu.memory_space<vmem_shared>> -> memref<80x16xf32, #tpu.memory_space<vmem_shared>>
      %dma_wait3A_356 = arith.constant 0 : i32
      %dma_wait3A_357 = arith.constant 0 : i32
      %dma_wait3A_358 = tpu.memref_slice %arg17[%dma_wait3A_356, %dma_wait3A_357] : memref<80x16xf32, #tpu.memory_space<vmem>> -> memref<80x16xf32, #tpu.memory_space<vmem>>
      tpu.wait_dma2 semaphore(%run_scoped3A : memref<!tpu.dma_semaphore, #tpu.memory_space<semaphore_mem>>) src(%dma_wait3A_358 : memref<80x16xf32, #tpu.memory_space<vmem>>) dst(%dma_wait3A_355 : memref<80x16xf32, #tpu.memory_space<vmem_shared>>)
      tpu.yield
    }) : () -> ()
    %add3A_46 = arith.constant 560 : i32
    %add3A_47 = arith.addi %mul3A_14, %add3A_46 : i32
    "tpu.region"() ({
      %run_scoped3A = tpu.sem_alloc : memref<!tpu.dma_semaphore, #tpu.memory_space<semaphore_mem>>
      %dma_start3A_339 = arith.constant 0 : i32
      %dma_start3A_340 = arith.constant 0 : i32
      %dma_start3A_341 = tpu.memref_slice %arg15[%dma_start3A_339, %dma_start3A_340] : memref<80x128xf32, #tpu.memory_space<vmem>> -> memref<80x128xf32, #tpu.memory_space<vmem>>
      %dma_start3A_342 = arith.constant 0 : i32
      %dma_start3A_343 = tpu.memref_slice %arg19[%add3A_47, %dma_start3A_342] : memref<10240x128xf32, #tpu.memory_space<vmem_shared>> -> memref<80x128xf32, #tpu.memory_space<vmem_shared>>
      %dma_start3A_344 = arith.constant 0 : i32
      %dma_start3A_345 = tpu.memref_slice %arg19[%add3A_47, %dma_start3A_344] : memref<10240x128xf32, #tpu.memory_space<vmem_shared>> -> memref<80x128xf32, #tpu.memory_space<vmem_shared>>
      %dma_start3A_346 = arith.constant 0 : i32
      %dma_start3A_347 = arith.constant 0 : i32
      %dma_start3A_348 = tpu.memref_slice %arg15[%dma_start3A_346, %dma_start3A_347] : memref<80x128xf32, #tpu.memory_space<vmem>> -> memref<80x128xf32, #tpu.memory_space<vmem>>
      tpu.enqueue_dma source(%dma_start3A_348 : memref<80x128xf32, #tpu.memory_space<vmem>>) target(%dma_start3A_345 : memref<80x128xf32, #tpu.memory_space<vmem_shared>>) target_semaphore(%run_scoped3A : memref<!tpu.dma_semaphore, #tpu.memory_space<semaphore_mem>>)
      %dma_wait3A_349 = arith.constant 0 : i32
      %dma_wait3A_350 = arith.constant 0 : i32
      %dma_wait3A_351 = tpu.memref_slice %arg15[%dma_wait3A_349, %dma_wait3A_350] : memref<80x128xf32, #tpu.memory_space<vmem>> -> memref<80x128xf32, #tpu.memory_space<vmem>>
      %dma_wait3A_352 = arith.constant 0 : i32
      %dma_wait3A_353 = tpu.memref_slice %arg19[%add3A_47, %dma_wait3A_352] : memref<10240x128xf32, #tpu.memory_space<vmem_shared>> -> memref<80x128xf32, #tpu.memory_space<vmem_shared>>
      %dma_wait3A_354 = arith.constant 0 : i32
      %dma_wait3A_355 = tpu.memref_slice %arg19[%add3A_47, %dma_wait3A_354] : memref<10240x128xf32, #tpu.memory_space<vmem_shared>> -> memref<80x128xf32, #tpu.memory_space<vmem_shared>>
      %dma_wait3A_356 = arith.constant 0 : i32
      %dma_wait3A_357 = arith.constant 0 : i32
      %dma_wait3A_358 = tpu.memref_slice %arg15[%dma_wait3A_356, %dma_wait3A_357] : memref<80x128xf32, #tpu.memory_space<vmem>> -> memref<80x128xf32, #tpu.memory_space<vmem>>
      tpu.wait_dma2 semaphore(%run_scoped3A : memref<!tpu.dma_semaphore, #tpu.memory_space<semaphore_mem>>) src(%dma_wait3A_358 : memref<80x128xf32, #tpu.memory_space<vmem>>) dst(%dma_wait3A_355 : memref<80x128xf32, #tpu.memory_space<vmem_shared>>)
      tpu.yield
    }) : () -> ()
    %add3A_48 = arith.constant 560 : i32
    %add3A_49 = arith.addi %mul3A_14, %add3A_48 : i32
    "tpu.region"() ({
      %run_scoped3A = tpu.sem_alloc : memref<!tpu.dma_semaphore, #tpu.memory_space<semaphore_mem>>
      %dma_start3A_339 = arith.constant 0 : i32
      %dma_start3A_340 = arith.constant 0 : i32
      %dma_start3A_341 = tpu.memref_slice %arg17[%dma_start3A_339, %dma_start3A_340] : memref<80x16xf32, #tpu.memory_space<vmem>> -> memref<80x16xf32, #tpu.memory_space<vmem>>
      %dma_start3A_342 = arith.constant 0 : i32
      %dma_start3A_343 = tpu.memref_slice %arg20[%add3A_49, %dma_start3A_342] : memref<10240x16xf32, #tpu.memory_space<vmem_shared>> -> memref<80x16xf32, #tpu.memory_space<vmem_shared>>
      %dma_start3A_344 = arith.constant 0 : i32
      %dma_start3A_345 = tpu.memref_slice %arg20[%add3A_49, %dma_start3A_344] : memref<10240x16xf32, #tpu.memory_space<vmem_shared>> -> memref<80x16xf32, #tpu.memory_space<vmem_shared>>
      %dma_start3A_346 = arith.constant 0 : i32
      %dma_start3A_347 = arith.constant 0 : i32
      %dma_start3A_348 = tpu.memref_slice %arg17[%dma_start3A_346, %dma_start3A_347] : memref<80x16xf32, #tpu.memory_space<vmem>> -> memref<80x16xf32, #tpu.memory_space<vmem>>
      tpu.enqueue_dma source(%dma_start3A_348 : memref<80x16xf32, #tpu.memory_space<vmem>>) target(%dma_start3A_345 : memref<80x16xf32, #tpu.memory_space<vmem_shared>>) target_semaphore(%run_scoped3A : memref<!tpu.dma_semaphore, #tpu.memory_space<semaphore_mem>>)
      %dma_wait3A_349 = arith.constant 0 : i32
      %dma_wait3A_350 = arith.constant 0 : i32
      %dma_wait3A_351 = tpu.memref_slice %arg17[%dma_wait3A_349, %dma_wait3A_350] : memref<80x16xf32, #tpu.memory_space<vmem>> -> memref<80x16xf32, #tpu.memory_space<vmem>>
      %dma_wait3A_352 = arith.constant 0 : i32
      %dma_wait3A_353 = tpu.memref_slice %arg20[%add3A_49, %dma_wait3A_352] : memref<10240x16xf32, #tpu.memory_space<vmem_shared>> -> memref<80x16xf32, #tpu.memory_space<vmem_shared>>
      %dma_wait3A_354 = arith.constant 0 : i32
      %dma_wait3A_355 = tpu.memref_slice %arg20[%add3A_49, %dma_wait3A_354] : memref<10240x16xf32, #tpu.memory_space<vmem_shared>> -> memref<80x16xf32, #tpu.memory_space<vmem_shared>>
      %dma_wait3A_356 = arith.constant 0 : i32
      %dma_wait3A_357 = arith.constant 0 : i32
      %dma_wait3A_358 = tpu.memref_slice %arg17[%dma_wait3A_356, %dma_wait3A_357] : memref<80x16xf32, #tpu.memory_space<vmem>> -> memref<80x16xf32, #tpu.memory_space<vmem>>
      tpu.wait_dma2 semaphore(%run_scoped3A : memref<!tpu.dma_semaphore, #tpu.memory_space<semaphore_mem>>) src(%dma_wait3A_358 : memref<80x16xf32, #tpu.memory_space<vmem>>) dst(%dma_wait3A_355 : memref<80x16xf32, #tpu.memory_space<vmem_shared>>)
      tpu.yield
    }) : () -> ()
    %eq3A = arith.constant 0 : i32
    %eq3A_50 = vector.broadcast %eq3A : i32 to vector<16xi32>
    %eq3A_51 = arith.cmpi eq, %iota3A, %eq3A_50 : vector<16xi32>
    %jit3A = arith.constant 1.000000e+00 : f32
    %jit3A_52 = arith.constant 0.000000e+00 : f32
    %broadcast_in_dim3A_53 = vector.broadcast %jit3A : f32 to vector<16xf32>
    %broadcast_in_dim3A_54 = vector.broadcast %jit3A_52 : f32 to vector<16xf32>
    %select_n3A = arith.select %eq3A_51, %broadcast_in_dim3A_53, %broadcast_in_dim3A_54 : vector<16xi1>, vector<16xf32>
    %scan3A_55 = arith.constant 0 : i32
    %scan3A_56 = arith.constant 0 : i32
    %scan3A_57 = arith.constant 80 : i32
    %scan3A_58 = arith.addi %scan3A_56, %scan3A_57 : i32
    %scan3A_59 = arith.constant 1 : i32
    scf.for %scan3A_339 = %scan3A_56 to %scan3A_58 step %scan3A_59  : i32 {
      %swap3A_340 = arith.index_cast %scan3A_339 : i32 to index
      %swap3A_341 = arith.constant 0 : index
      %swap3A_342 = tpu.vector_load %arg17[%swap3A_340, %swap3A_341] {strides = array<i32>} : memref<80x16xf32, #tpu.memory_space<vmem>>, vector<16xf32>,
      tpu.vector_store %arg17[%swap3A_340, %swap3A_341], %select_n3A {strides = array<i32>} : memref<80x16xf32, #tpu.memory_space<vmem>>, vector<16xf32>,
    }
    %scan3A_60 = arith.constant 80 : i32
    %barrier3A = arith.constant 0 : index
    tpu.barrier barrier_id(%barrier3A)
    %mul3A_61 = arith.constant 10000 : i32
    %mul3A_62 = arith.muli %add3A, %mul3A_61 : i32
    %broadcast_in_dim3A_63 = arith.constant 1.000000e+00 : f32
    %broadcast_in_dim3A_64 = vector.broadcast %broadcast_in_dim3A_63 : f32 to vector<16xf32>
    %add3A_65 = arith.constant 0 : i32
    %add3A_66 = arith.addi %mul3A_62, %add3A_65 : i32
    %dma_start3A = tpu.memref_slice %arg4[%add3A_66] : memref<320000xi32, #tpu.memory_space<hbm>> -> memref<80xi32, #tpu.memory_space<hbm>>
    %dma_start3A_67 = tpu.memref_slice %arg4[%add3A_66] : memref<320000xi32, #tpu.memory_space<hbm>> -> memref<80xi32, #tpu.memory_space<hbm>>
    tpu.enqueue_dma source(%dma_start3A_67 : memref<80xi32, #tpu.memory_space<hbm>>) target(%arg10 : memref<80xi32, #tpu.memory_space<vmem>>) target_semaphore(%arg27 : memref<!tpu.dma_semaphore, #tpu.memory_space<semaphore_mem>>)
    %dma_start3A_68 = arith.constant 0 : i32
    %dma_start3A_69 = arith.constant 0 : i32
    %dma_start3A_70 = tpu.memref_slice %arg11[%dma_start3A_68, %dma_start3A_69] : memref<1x80xi32, #tpu.memory_space<vmem>> -> memref<1x80xi32, #tpu.memory_space<vmem>>
    %dma_start3A_71 = tpu.memref_squeeze %dma_start3A_70 : memref<1x80xi32, #tpu.memory_space<vmem>> -> memref<80xi32, #tpu.memory_space<vmem>>
    %dma_start3A_72 = tpu.memref_slice %arg5[%add3A_66] : memref<320000xi32, #tpu.memory_space<hbm>> -> memref<80xi32, #tpu.memory_space<hbm>>
    %dma_start3A_73 = arith.constant 0 : i32
    %dma_start3A_74 = tpu.memref_slice %arg11[%dma_start3A_68, %dma_start3A_73] : memref<1x80xi32, #tpu.memory_space<vmem>> -> memref<1x80xi32, #tpu.memory_space<vmem>>
    %dma_start3A_75 = tpu.memref_squeeze %dma_start3A_74 : memref<1x80xi32, #tpu.memory_space<vmem>> -> memref<80xi32, #tpu.memory_space<vmem>>
    %dma_start3A_76 = tpu.memref_slice %arg5[%add3A_66] : memref<320000xi32, #tpu.memory_space<hbm>> -> memref<80xi32, #tpu.memory_space<hbm>>
    tpu.enqueue_dma source(%dma_start3A_76 : memref<80xi32, #tpu.memory_space<hbm>>) target(%dma_start3A_75 : memref<80xi32, #tpu.memory_space<vmem>>) target_semaphore(%arg28 : memref<!tpu.dma_semaphore, #tpu.memory_space<semaphore_mem>>)
    %scan3A_77 = arith.constant 0 : i32
    %scan3A_78 = arith.constant 0 : i32
    %scan3A_79 = arith.constant 62 : i32
    %scan3A_80 = arith.addi %scan3A_78, %scan3A_79 : i32
    %scan3A_81 = arith.constant 1 : i32
    scf.for %scan3A_339 = %scan3A_78 to %scan3A_80 step %scan3A_81  : i32 {
      %mul3A_340 = arith.constant 2 : i32
      %mul3A_341 = arith.muli %mul3A_340, %scan3A_339 : i32
      %add3A_342 = arith.constant 1 : i32
      %add3A_343 = arith.addi %mul3A_341, %add3A_342 : i32
      %mul3A_344 = arith.constant 80 : i32
      %mul3A_345 = arith.muli %mul3A_341, %mul3A_344 : i32
      %add3A_346 = arith.addi %mul3A_62, %mul3A_345 : i32
      %dma_start3A_347 = arith.constant 0 : i32
      %dma_start3A_348 = tpu.memref_slice %arg3[%add3A_346, %dma_start3A_347] : memref<320000x128xf32, #tpu.memory_space<hbm>> -> memref<80x128xf32, #tpu.memory_space<hbm>>
      %dma_start3A_349 = arith.constant 0 : i32
      %dma_start3A_350 = tpu.memref_slice %arg3[%add3A_346, %dma_start3A_349] : memref<320000x128xf32, #tpu.memory_space<hbm>> -> memref<80x128xf32, #tpu.memory_space<hbm>>
      tpu.enqueue_dma source(%dma_start3A_350 : memref<80x128xf32, #tpu.memory_space<hbm>>) target(%arg16 : memref<80x128xf32, #tpu.memory_space<vmem>>) target_semaphore(%arg29 : memref<!tpu.dma_semaphore, #tpu.memory_space<semaphore_mem>>)
      %mul3A_351 = arith.constant 80 : i32
      %mul3A_352 = arith.muli %mul3A_341, %mul3A_351 : i32
      %add3A_353 = arith.addi %mul3A_62, %mul3A_352 : i32
      %dma_wait3A_354 = tpu.memref_slice %arg4[%add3A_353] : memref<320000xi32, #tpu.memory_space<hbm>> -> memref<80xi32, #tpu.memory_space<hbm>>
      %dma_wait3A_355 = tpu.memref_slice %arg4[%add3A_353] : memref<320000xi32, #tpu.memory_space<hbm>> -> memref<80xi32, #tpu.memory_space<hbm>>
      tpu.wait_dma2 semaphore(%arg27 : memref<!tpu.dma_semaphore, #tpu.memory_space<semaphore_mem>>) src(%dma_wait3A_355 : memref<80xi32, #tpu.memory_space<hbm>>) dst(%arg10 : memref<80xi32, #tpu.memory_space<vmem>>)
      %dma_wait3A_356 = arith.constant 0 : i32
      %dma_wait3A_357 = arith.constant 0 : i32
      %dma_wait3A_358 = tpu.memref_slice %arg11[%dma_wait3A_356, %dma_wait3A_357] : memref<1x80xi32, #tpu.memory_space<vmem>> -> memref<1x80xi32, #tpu.memory_space<vmem>>
      %dma_wait3A_359 = tpu.memref_squeeze %dma_wait3A_358 : memref<1x80xi32, #tpu.memory_space<vmem>> -> memref<80xi32, #tpu.memory_space<vmem>>
      %dma_wait3A_360 = tpu.memref_slice %arg5[%add3A_353] : memref<320000xi32, #tpu.memory_space<hbm>> -> memref<80xi32, #tpu.memory_space<hbm>>
      %dma_wait3A_361 = arith.constant 0 : i32
      %dma_wait3A_362 = tpu.memref_slice %arg11[%dma_wait3A_356, %dma_wait3A_361] : memref<1x80xi32, #tpu.memory_space<vmem>> -> memref<1x80xi32, #tpu.memory_space<vmem>>
      %dma_wait3A_363 = tpu.memref_squeeze %dma_wait3A_362 : memref<1x80xi32, #tpu.memory_space<vmem>> -> memref<80xi32, #tpu.memory_space<vmem>>
      %dma_wait3A_364 = tpu.memref_slice %arg5[%add3A_353] : memref<320000xi32, #tpu.memory_space<hbm>> -> memref<80xi32, #tpu.memory_space<hbm>>
      tpu.wait_dma2 semaphore(%arg28 : memref<!tpu.dma_semaphore, #tpu.memory_space<semaphore_mem>>) src(%dma_wait3A_364 : memref<80xi32, #tpu.memory_space<hbm>>) dst(%dma_wait3A_363 : memref<80xi32, #tpu.memory_space<vmem>>)
      %dma_start3A_365 = arith.constant 0 : i32
      %dma_start3A_366 = arith.constant 0 : i32
      %dma_start3A_367 = tpu.memref_slice %arg2[%dma_start3A_365, %dma_start3A_366] : memref<10000x128xf32, #tpu.memory_space<hbm>> -> memref<10000x128xf32, #tpu.memory_space<hbm>>
      tpu.enqueue_indirect_dma source(%dma_start3A_367 : memref<10000x128xf32, #tpu.memory_space<hbm>>) target(%arg15 : memref<80x128xf32, #tpu.memory_space<vmem>>) offsets(%arg10 : memref<80xi32, #tpu.memory_space<vmem>>) semaphore(%arg21 : memref<!tpu.dma_semaphore, #tpu.memory_space<semaphore_mem>>)
      %mul3A_368 = arith.constant 80 : i32
      %mul3A_369 = arith.muli %add3A_343, %mul3A_368 : i32
      %add3A_370 = arith.addi %mul3A_62, %mul3A_369 : i32
      %dma_start3A_371 = tpu.memref_slice %arg4[%add3A_370] : memref<320000xi32, #tpu.memory_space<hbm>> -> memref<80xi32, #tpu.memory_space<hbm>>
      %dma_start3A_372 = tpu.memref_slice %arg4[%add3A_370] : memref<320000xi32, #tpu.memory_space<hbm>> -> memref<80xi32, #tpu.memory_space<hbm>>
      tpu.enqueue_dma source(%dma_start3A_372 : memref<80xi32, #tpu.memory_space<hbm>>) target(%arg12 : memref<80xi32, #tpu.memory_space<vmem>>) target_semaphore(%arg27 : memref<!tpu.dma_semaphore, #tpu.memory_space<semaphore_mem>>)
      %dma_start3A_373 = arith.constant 0 : i32
      %dma_start3A_374 = arith.constant 0 : i32
      %dma_start3A_375 = tpu.memref_slice %arg13[%dma_start3A_373, %dma_start3A_374] : memref<1x80xi32, #tpu.memory_space<vmem>> -> memref<1x80xi32, #tpu.memory_space<vmem>>
      %dma_start3A_376 = tpu.memref_squeeze %dma_start3A_375 : memref<1x80xi32, #tpu.memory_space<vmem>> -> memref<80xi32, #tpu.memory_space<vmem>>
      %dma_start3A_377 = tpu.memref_slice %arg5[%add3A_370] : memref<320000xi32, #tpu.memory_space<hbm>> -> memref<80xi32, #tpu.memory_space<hbm>>
      %dma_start3A_378 = arith.constant 0 : i32
      %dma_start3A_379 = tpu.memref_slice %arg13[%dma_start3A_373, %dma_start3A_378] : memref<1x80xi32, #tpu.memory_space<vmem>> -> memref<1x80xi32, #tpu.memory_space<vmem>>
      %dma_start3A_380 = tpu.memref_squeeze %dma_start3A_379 : memref<1x80xi32, #tpu.memory_space<vmem>> -> memref<80xi32, #tpu.memory_space<vmem>>
      %dma_start3A_381 = tpu.memref_slice %arg5[%add3A_370] : memref<320000xi32, #tpu.memory_space<hbm>> -> memref<80xi32, #tpu.memory_space<hbm>>
      tpu.enqueue_dma source(%dma_start3A_381 : memref<80xi32, #tpu.memory_space<hbm>>) target(%dma_start3A_380 : memref<80xi32, #tpu.memory_space<vmem>>) target_semaphore(%arg28 : memref<!tpu.dma_semaphore, #tpu.memory_space<semaphore_mem>>)
      %get3A_382 = arith.constant 0 : i32
      %get3A_383 = arith.index_cast %get3A_382 : i32 to index
      %get3A_384 = arith.constant 0 : index
      %get3A_385 = tpu.vector_load %arg18[%get3A_383, %get3A_384] {strides = array<i32>} : memref<8x128xi32, #tpu.memory_space<vmem>>, vector<16xi32>,
      %get3A_386 = arith.constant 1 : i32
      %get3A_387 = arith.index_cast %get3A_386 : i32 to index
      %get3A_388 = arith.constant 0 : index
      %get3A_389 = tpu.vector_load %arg18[%get3A_387, %get3A_388] {strides = array<i32>} : memref<8x128xi32, #tpu.memory_space<vmem>>, vector<16xi32>,
      %get3A_390 = arith.constant 2 : i32
      %get3A_391 = arith.index_cast %get3A_390 : i32 to index
      %get3A_392 = arith.constant 0 : index
      %get3A_393 = tpu.vector_load %arg18[%get3A_391, %get3A_392] {strides = array<i32>} : memref<8x128xi32, #tpu.memory_space<vmem>>, vector<16xi32>,
      %broadcast_in_dim3A_394 = arith.constant 1 : i32
      %broadcast_in_dim3A_395 = vector.broadcast %broadcast_in_dim3A_394 : i32 to vector<16xi32>
      %broadcast_in_dim3A_396 = arith.constant 0 : i32
      %broadcast_in_dim3A_397 = vector.broadcast %broadcast_in_dim3A_396 : i32 to vector<16xi32>
      %mul3A_398 = arith.constant 4 : i32
      %mul3A_399 = arith.muli %arg1, %mul3A_398 : i32
      %add3A_400 = arith.constant 10000 : i32
      %add3A_401 = arith.addi %add3A_400, %mul3A_399 : i32
      %get3A_402 = arith.constant 0 : index
      %get3A_403 = tpu.vector_load %arg10[%get3A_402] {strides = array<i32>} : memref<80xi32, #tpu.memory_space<vmem>>, vector<16xi32>,
      %ge3A_404 = arith.cmpi sge, %get3A_403, %get3A_385 : vector<16xi32>
      %select_n3A_405 = arith.select %ge3A_404, %broadcast_in_dim3A_395, %broadcast_in_dim3A_397 : vector<16xi1>, vector<16xi32>
      %ge3A_406 = arith.cmpi sge, %get3A_403, %get3A_389 : vector<16xi32>
      %select_n3A_407 = arith.select %ge3A_406, %broadcast_in_dim3A_395, %broadcast_in_dim3A_397 : vector<16xi1>, vector<16xi32>
      %add3A_408 = arith.addi %select_n3A_405, %select_n3A_407 : vector<16xi32>
      %ge3A_409 = arith.cmpi sge, %get3A_403, %get3A_393 : vector<16xi32>
      %select_n3A_410 = arith.select %ge3A_409, %broadcast_in_dim3A_395, %broadcast_in_dim3A_397 : vector<16xi1>, vector<16xi32>
      %add3A_411 = arith.addi %add3A_408, %select_n3A_410 : vector<16xi32>
      %add3A_412 = vector.broadcast %add3A_401 : i32 to vector<16xi32>
      %add3A_413 = arith.addi %add3A_411, %add3A_412 : vector<16xi32>
      %swap3A_414 = arith.constant 0 : i32
      %swap3A_415 = arith.index_cast %swap3A_414 : i32 to index
      %swap3A_416 = arith.constant 0 : index
      %swap3A_417 = tpu.vector_load %arg14[%swap3A_415, %swap3A_416] {strides = array<i32>} : memref<1x80xi32, #tpu.memory_space<vmem>>, vector<16xi32>,
      tpu.vector_store %arg14[%swap3A_415, %swap3A_416], %add3A_413 {strides = array<i32>} : memref<1x80xi32, #tpu.memory_space<vmem>>, vector<16xi32>,
      %get3A_418 = arith.constant 16 : index
      %get3A_419 = tpu.vector_load %arg10[%get3A_418] {strides = array<i32>} : memref<80xi32, #tpu.memory_space<vmem>>, vector<16xi32>,
      %ge3A_420 = arith.cmpi sge, %get3A_419, %get3A_385 : vector<16xi32>
      %select_n3A_421 = arith.select %ge3A_420, %broadcast_in_dim3A_395, %broadcast_in_dim3A_397 : vector<16xi1>, vector<16xi32>
      %ge3A_422 = arith.cmpi sge, %get3A_419, %get3A_389 : vector<16xi32>
      %select_n3A_423 = arith.select %ge3A_422, %broadcast_in_dim3A_395, %broadcast_in_dim3A_397 : vector<16xi1>, vector<16xi32>
      %add3A_424 = arith.addi %select_n3A_421, %select_n3A_423 : vector<16xi32>
      %ge3A_425 = arith.cmpi sge, %get3A_419, %get3A_393 : vector<16xi32>
      %select_n3A_426 = arith.select %ge3A_425, %broadcast_in_dim3A_395, %broadcast_in_dim3A_397 : vector<16xi1>, vector<16xi32>
      %add3A_427 = arith.addi %add3A_424, %select_n3A_426 : vector<16xi32>
      %add3A_428 = vector.broadcast %add3A_401 : i32 to vector<16xi32>
      %add3A_429 = arith.addi %add3A_427, %add3A_428 : vector<16xi32>
      %swap3A_430 = arith.constant 0 : i32
      %swap3A_431 = arith.index_cast %swap3A_430 : i32 to index
      %swap3A_432 = arith.constant 16 : index
      %swap3A_433 = tpu.vector_load %arg14[%swap3A_431, %swap3A_432] {strides = array<i32>} : memref<1x80xi32, #tpu.memory_space<vmem>>, vector<16xi32>,
      tpu.vector_store %arg14[%swap3A_431, %swap3A_432], %add3A_429 {strides = array<i32>} : memref<1x80xi32, #tpu.memory_space<vmem>>, vector<16xi32>,
      %get3A_434 = arith.constant 32 : index
      %get3A_435 = tpu.vector_load %arg10[%get3A_434] {strides = array<i32>} : memref<80xi32, #tpu.memory_space<vmem>>, vector<16xi32>,
      %ge3A_436 = arith.cmpi sge, %get3A_435, %get3A_385 : vector<16xi32>
      %select_n3A_437 = arith.select %ge3A_436, %broadcast_in_dim3A_395, %broadcast_in_dim3A_397 : vector<16xi1>, vector<16xi32>
      %ge3A_438 = arith.cmpi sge, %get3A_435, %get3A_389 : vector<16xi32>
      %select_n3A_439 = arith.select %ge3A_438, %broadcast_in_dim3A_395, %broadcast_in_dim3A_397 : vector<16xi1>, vector<16xi32>
      %add3A_440 = arith.addi %select_n3A_437, %select_n3A_439 : vector<16xi32>
      %ge3A_441 = arith.cmpi sge, %get3A_435, %get3A_393 : vector<16xi32>
      %select_n3A_442 = arith.select %ge3A_441, %broadcast_in_dim3A_395, %broadcast_in_dim3A_397 : vector<16xi1>, vector<16xi32>
      %add3A_443 = arith.addi %add3A_440, %select_n3A_442 : vector<16xi32>
      %add3A_444 = vector.broadcast %add3A_401 : i32 to vector<16xi32>
      %add3A_445 = arith.addi %add3A_443, %add3A_444 : vector<16xi32>
      %swap3A_446 = arith.constant 0 : i32
      %swap3A_447 = arith.index_cast %swap3A_446 : i32 to index
      %swap3A_448 = arith.constant 32 : index
      %swap3A_449 = tpu.vector_load %arg14[%swap3A_447, %swap3A_448] {strides = array<i32>} : memref<1x80xi32, #tpu.memory_space<vmem>>, vector<16xi32>,
      tpu.vector_store %arg14[%swap3A_447, %swap3A_448], %add3A_445 {strides = array<i32>} : memref<1x80xi32, #tpu.memory_space<vmem>>, vector<16xi32>,
      %get3A_450 = arith.constant 48 : index
      %get3A_451 = tpu.vector_load %arg10[%get3A_450] {strides = array<i32>} : memref<80xi32, #tpu.memory_space<vmem>>, vector<16xi32>,
      %ge3A_452 = arith.cmpi sge, %get3A_451, %get3A_385 : vector<16xi32>
      %select_n3A_453 = arith.select %ge3A_452, %broadcast_in_dim3A_395, %broadcast_in_dim3A_397 : vector<16xi1>, vector<16xi32>
      %ge3A_454 = arith.cmpi sge, %get3A_451, %get3A_389 : vector<16xi32>
      %select_n3A_455 = arith.select %ge3A_454, %broadcast_in_dim3A_395, %broadcast_in_dim3A_397 : vector<16xi1>, vector<16xi32>
      %add3A_456 = arith.addi %select_n3A_453, %select_n3A_455 : vector<16xi32>
      %ge3A_457 = arith.cmpi sge, %get3A_451, %get3A_393 : vector<16xi32>
      %select_n3A_458 = arith.select %ge3A_457, %broadcast_in_dim3A_395, %broadcast_in_dim3A_397 : vector<16xi1>, vector<16xi32>
      %add3A_459 = arith.addi %add3A_456, %select_n3A_458 : vector<16xi32>
      %add3A_460 = vector.broadcast %add3A_401 : i32 to vector<16xi32>
      %add3A_461 = arith.addi %add3A_459, %add3A_460 : vector<16xi32>
      %swap3A_462 = arith.constant 0 : i32
      %swap3A_463 = arith.index_cast %swap3A_462 : i32 to index
      %swap3A_464 = arith.constant 48 : index
      %swap3A_465 = tpu.vector_load %arg14[%swap3A_463, %swap3A_464] {strides = array<i32>} : memref<1x80xi32, #tpu.memory_space<vmem>>, vector<16xi32>,
      tpu.vector_store %arg14[%swap3A_463, %swap3A_464], %add3A_461 {strides = array<i32>} : memref<1x80xi32, #tpu.memory_space<vmem>>, vector<16xi32>,
      %get3A_466 = arith.constant 64 : index
      %get3A_467 = tpu.vector_load %arg10[%get3A_466] {strides = array<i32>} : memref<80xi32, #tpu.memory_space<vmem>>, vector<16xi32>,
      %ge3A_468 = arith.cmpi sge, %get3A_467, %get3A_385 : vector<16xi32>
      %select_n3A_469 = arith.select %ge3A_468, %broadcast_in_dim3A_395, %broadcast_in_dim3A_397 : vector<16xi1>, vector<16xi32>
      %ge3A_470 = arith.cmpi sge, %get3A_467, %get3A_389 : vector<16xi32>
      %select_n3A_471 = arith.select %ge3A_470, %broadcast_in_dim3A_395, %broadcast_in_dim3A_397 : vector<16xi1>, vector<16xi32>
      %add3A_472 = arith.addi %select_n3A_469, %select_n3A_471 : vector<16xi32>
      %ge3A_473 = arith.cmpi sge, %get3A_467, %get3A_393 : vector<16xi32>
      %select_n3A_474 = arith.select %ge3A_473, %broadcast_in_dim3A_395, %broadcast_in_dim3A_397 : vector<16xi1>, vector<16xi32>
      %add3A_475 = arith.addi %add3A_472, %select_n3A_474 : vector<16xi32>
      %add3A_476 = vector.broadcast %add3A_401 : i32 to vector<16xi32>
      %add3A_477 = arith.addi %add3A_475, %add3A_476 : vector<16xi32>
      %swap3A_478 = arith.constant 0 : i32
      %swap3A_479 = arith.index_cast %swap3A_478 : i32 to index
      %swap3A_480 = arith.constant 64 : index
      %swap3A_481 = tpu.vector_load %arg14[%swap3A_479, %swap3A_480] {strides = array<i32>} : memref<1x80xi32, #tpu.memory_space<vmem>>, vector<16xi32>,
      tpu.vector_store %arg14[%swap3A_479, %swap3A_480], %add3A_477 {strides = array<i32>} : memref<1x80xi32, #tpu.memory_space<vmem>>, vector<16xi32>,
      %dma_wait3A_482 = arith.constant 0 : i32
      %dma_wait3A_483 = tpu.memref_slice %arg3[%add3A_346, %dma_wait3A_482] : memref<320000x128xf32, #tpu.memory_space<hbm>> -> memref<80x128xf32, #tpu.memory_space<hbm>>
      %dma_wait3A_484 = arith.constant 0 : i32
      %dma_wait3A_485 = tpu.memref_slice %arg3[%add3A_346, %dma_wait3A_484] : memref<320000x128xf32, #tpu.memory_space<hbm>> -> memref<80x128xf32, #tpu.memory_space<hbm>>
      tpu.wait_dma2 semaphore(%arg29 : memref<!tpu.dma_semaphore, #tpu.memory_space<semaphore_mem>>) src(%dma_wait3A_485 : memref<80x128xf32, #tpu.memory_space<hbm>>) dst(%arg16 : memref<80x128xf32, #tpu.memory_space<vmem>>)
      %dma_wait3A_486 = arith.constant 0 : i32
      %dma_wait3A_487 = arith.constant 0 : i32
      %dma_wait3A_488 = tpu.memref_slice %arg2[%dma_wait3A_486, %dma_wait3A_487] : memref<10000x128xf32, #tpu.memory_space<hbm>> -> memref<10000x128xf32, #tpu.memory_space<hbm>>
      tpu.wait_indirect_dma semaphore(%arg21 : memref<!tpu.dma_semaphore, #tpu.memory_space<semaphore_mem>>) src(%dma_wait3A_488 : memref<10000x128xf32, #tpu.memory_space<hbm>>) dst(%arg15 : memref<80x128xf32, #tpu.memory_space<vmem>>)
      %parallel_loop3A_489 = arith.constant 0 : i32
      %parallel_loop3A_490 = arith.constant 80 : i32
      %parallel_loop3A_491 = arith.constant 1 : i32
      scf.for %parallel_loop3A_772 = %parallel_loop3A_489 to %parallel_loop3A_490 step %parallel_loop3A_491  : i32 {
        %parallel_loop3A_773 = arith.index_cast %parallel_loop3A_772 : i32 to index
        %parallel_loop3A_774 = arith.constant 0 : index
        %parallel_loop3A_775 = tpu.vector_load %arg15[%parallel_loop3A_773, %parallel_loop3A_774] {strides = array<i32>} : memref<80x128xf32, #tpu.memory_space<vmem>>, vector<16xf32>,
        %parallel_loop3A_776 = arith.index_cast %parallel_loop3A_772 : i32 to index
        %parallel_loop3A_777 = arith.constant 0 : index
        %parallel_loop3A_778 = tpu.vector_load %arg16[%parallel_loop3A_776, %parallel_loop3A_777] {strides = array<i32>} : memref<80x128xf32, #tpu.memory_space<vmem>>, vector<16xf32>,
        %parallel_loop3A_779 = arith.addf %parallel_loop3A_775, %parallel_loop3A_778 : vector<16xf32>
        %parallel_loop3A_780 = arith.constant 0.000000e+00 : f32
        %parallel_loop3A_781 = vector.broadcast %parallel_loop3A_780 : f32 to vector<16xf32>
        %parallel_loop3A_782 = arith.maximumf %parallel_loop3A_779, %parallel_loop3A_781 : vector<16xf32>
        %parallel_loop3A_783 = arith.index_cast %parallel_loop3A_772 : i32 to index
        %parallel_loop3A_784 = arith.constant 0 : index
        %parallel_loop3A_785 = tpu.vector_load %arg15[%parallel_loop3A_783, %parallel_loop3A_784] {strides = array<i32>} : memref<80x128xf32, #tpu.memory_space<vmem>>, vector<16xf32>,
        tpu.vector_store %arg15[%parallel_loop3A_783, %parallel_loop3A_784], %parallel_loop3A_782 {strides = array<i32>} : memref<80x128xf32, #tpu.memory_space<vmem>>, vector<16xf32>,
        %parallel_loop3A_786 = arith.index_cast %parallel_loop3A_772 : i32 to index
        %parallel_loop3A_787 = arith.constant 16 : index
        %parallel_loop3A_788 = tpu.vector_load %arg15[%parallel_loop3A_786, %parallel_loop3A_787] {strides = array<i32>} : memref<80x128xf32, #tpu.memory_space<vmem>>, vector<16xf32>,
        %parallel_loop3A_789 = arith.index_cast %parallel_loop3A_772 : i32 to index
        %parallel_loop3A_790 = arith.constant 16 : index
        %parallel_loop3A_791 = tpu.vector_load %arg16[%parallel_loop3A_789, %parallel_loop3A_790] {strides = array<i32>} : memref<80x128xf32, #tpu.memory_space<vmem>>, vector<16xf32>,
        %parallel_loop3A_792 = arith.addf %parallel_loop3A_788, %parallel_loop3A_791 : vector<16xf32>
        %parallel_loop3A_793 = arith.constant 0.000000e+00 : f32
        %parallel_loop3A_794 = vector.broadcast %parallel_loop3A_793 : f32 to vector<16xf32>
        %parallel_loop3A_795 = arith.maximumf %parallel_loop3A_792, %parallel_loop3A_794 : vector<16xf32>
        %parallel_loop3A_796 = arith.index_cast %parallel_loop3A_772 : i32 to index
        %parallel_loop3A_797 = arith.constant 16 : index
        %parallel_loop3A_798 = tpu.vector_load %arg15[%parallel_loop3A_796, %parallel_loop3A_797] {strides = array<i32>} : memref<80x128xf32, #tpu.memory_space<vmem>>, vector<16xf32>,
        tpu.vector_store %arg15[%parallel_loop3A_796, %parallel_loop3A_797], %parallel_loop3A_795 {strides = array<i32>} : memref<80x128xf32, #tpu.memory_space<vmem>>, vector<16xf32>,
        %parallel_loop3A_799 = arith.index_cast %parallel_loop3A_772 : i32 to index
        %parallel_loop3A_800 = arith.constant 32 : index
        %parallel_loop3A_801 = tpu.vector_load %arg15[%parallel_loop3A_799, %parallel_loop3A_800] {strides = array<i32>} : memref<80x128xf32, #tpu.memory_space<vmem>>, vector<16xf32>,
        %parallel_loop3A_802 = arith.index_cast %parallel_loop3A_772 : i32 to index
        %parallel_loop3A_803 = arith.constant 32 : index
        %parallel_loop3A_804 = tpu.vector_load %arg16[%parallel_loop3A_802, %parallel_loop3A_803] {strides = array<i32>} : memref<80x128xf32, #tpu.memory_space<vmem>>, vector<16xf32>,
        %parallel_loop3A_805 = arith.addf %parallel_loop3A_801, %parallel_loop3A_804 : vector<16xf32>
        %parallel_loop3A_806 = arith.constant 0.000000e+00 : f32
        %parallel_loop3A_807 = vector.broadcast %parallel_loop3A_806 : f32 to vector<16xf32>
        %parallel_loop3A_808 = arith.maximumf %parallel_loop3A_805, %parallel_loop3A_807 : vector<16xf32>
        %parallel_loop3A_809 = arith.index_cast %parallel_loop3A_772 : i32 to index
        %parallel_loop3A_810 = arith.constant 32 : index
        %parallel_loop3A_811 = tpu.vector_load %arg15[%parallel_loop3A_809, %parallel_loop3A_810] {strides = array<i32>} : memref<80x128xf32, #tpu.memory_space<vmem>>, vector<16xf32>,
        tpu.vector_store %arg15[%parallel_loop3A_809, %parallel_loop3A_810], %parallel_loop3A_808 {strides = array<i32>} : memref<80x128xf32, #tpu.memory_space<vmem>>, vector<16xf32>,
        %parallel_loop3A_812 = arith.index_cast %parallel_loop3A_772 : i32 to index
        %parallel_loop3A_813 = arith.constant 48 : index
        %parallel_loop3A_814 = tpu.vector_load %arg15[%parallel_loop3A_812, %parallel_loop3A_813] {strides = array<i32>} : memref<80x128xf32, #tpu.memory_space<vmem>>, vector<16xf32>,
        %parallel_loop3A_815 = arith.index_cast %parallel_loop3A_772 : i32 to index
        %parallel_loop3A_816 = arith.constant 48 : index
        %parallel_loop3A_817 = tpu.vector_load %arg16[%parallel_loop3A_815, %parallel_loop3A_816] {strides = array<i32>} : memref<80x128xf32, #tpu.memory_space<vmem>>, vector<16xf32>,
        %parallel_loop3A_818 = arith.addf %parallel_loop3A_814, %parallel_loop3A_817 : vector<16xf32>
        %parallel_loop3A_819 = arith.constant 0.000000e+00 : f32
        %parallel_loop3A_820 = vector.broadcast %parallel_loop3A_819 : f32 to vector<16xf32>
        %parallel_loop3A_821 = arith.maximumf %parallel_loop3A_818, %parallel_loop3A_820 : vector<16xf32>
        %parallel_loop3A_822 = arith.index_cast %parallel_loop3A_772 : i32 to index
        %parallel_loop3A_823 = arith.constant 48 : index
        %parallel_loop3A_824 = tpu.vector_load %arg15[%parallel_loop3A_822, %parallel_loop3A_823] {strides = array<i32>} : memref<80x128xf32, #tpu.memory_space<vmem>>, vector<16xf32>,
        tpu.vector_store %arg15[%parallel_loop3A_822, %parallel_loop3A_823], %parallel_loop3A_821 {strides = array<i32>} : memref<80x128xf32, #tpu.memory_space<vmem>>, vector<16xf32>,
        %parallel_loop3A_825 = arith.index_cast %parallel_loop3A_772 : i32 to index
        %parallel_loop3A_826 = arith.constant 64 : index
        %parallel_loop3A_827 = tpu.vector_load %arg15[%parallel_loop3A_825, %parallel_loop3A_826] {strides = array<i32>} : memref<80x128xf32, #tpu.memory_space<vmem>>, vector<16xf32>,
        %parallel_loop3A_828 = arith.index_cast %parallel_loop3A_772 : i32 to index
        %parallel_loop3A_829 = arith.constant 64 : index
        %parallel_loop3A_830 = tpu.vector_load %arg16[%parallel_loop3A_828, %parallel_loop3A_829] {strides = array<i32>} : memref<80x128xf32, #tpu.memory_space<vmem>>, vector<16xf32>,
        %parallel_loop3A_831 = arith.addf %parallel_loop3A_827, %parallel_loop3A_830 : vector<16xf32>
        %parallel_loop3A_832 = arith.constant 0.000000e+00 : f32
        %parallel_loop3A_833 = vector.broadcast %parallel_loop3A_832 : f32 to vector<16xf32>
        %parallel_loop3A_834 = arith.maximumf %parallel_loop3A_831, %parallel_loop3A_833 : vector<16xf32>
        %parallel_loop3A_835 = arith.index_cast %parallel_loop3A_772 : i32 to index
        %parallel_loop3A_836 = arith.constant 64 : index
        %parallel_loop3A_837 = tpu.vector_load %arg15[%parallel_loop3A_835, %parallel_loop3A_836] {strides = array<i32>} : memref<80x128xf32, #tpu.memory_space<vmem>>, vector<16xf32>,
        tpu.vector_store %arg15[%parallel_loop3A_835, %parallel_loop3A_836], %parallel_loop3A_834 {strides = array<i32>} : memref<80x128xf32, #tpu.memory_space<vmem>>, vector<16xf32>,
        %parallel_loop3A_838 = arith.index_cast %parallel_loop3A_772 : i32 to index
        %parallel_loop3A_839 = arith.constant 80 : index
        %parallel_loop3A_840 = tpu.vector_load %arg15[%parallel_loop3A_838, %parallel_loop3A_839] {strides = array<i32>} : memref<80x128xf32, #tpu.memory_space<vmem>>, vector<16xf32>,
        %parallel_loop3A_841 = arith.index_cast %parallel_loop3A_772 : i32 to index
        %parallel_loop3A_842 = arith.constant 80 : index
        %parallel_loop3A_843 = tpu.vector_load %arg16[%parallel_loop3A_841, %parallel_loop3A_842] {strides = array<i32>} : memref<80x128xf32, #tpu.memory_space<vmem>>, vector<16xf32>,
        %parallel_loop3A_844 = arith.addf %parallel_loop3A_840, %parallel_loop3A_843 : vector<16xf32>
        %parallel_loop3A_845 = arith.constant 0.000000e+00 : f32
        %parallel_loop3A_846 = vector.broadcast %parallel_loop3A_845 : f32 to vector<16xf32>
        %parallel_loop3A_847 = arith.maximumf %parallel_loop3A_844, %parallel_loop3A_846 : vector<16xf32>
        %parallel_loop3A_848 = arith.index_cast %parallel_loop3A_772 : i32 to index
        %parallel_loop3A_849 = arith.constant 80 : index
        %parallel_loop3A_850 = tpu.vector_load %arg15[%parallel_loop3A_848, %parallel_loop3A_849] {strides = array<i32>} : memref<80x128xf32, #tpu.memory_space<vmem>>, vector<16xf32>,
        tpu.vector_store %arg15[%parallel_loop3A_848, %parallel_loop3A_849], %parallel_loop3A_847 {strides = array<i32>} : memref<80x128xf32, #tpu.memory_space<vmem>>, vector<16xf32>,
        %parallel_loop3A_851 = arith.index_cast %parallel_loop3A_772 : i32 to index
        %parallel_loop3A_852 = arith.constant 96 : index
        %parallel_loop3A_853 = tpu.vector_load %arg15[%parallel_loop3A_851, %parallel_loop3A_852] {strides = array<i32>} : memref<80x128xf32, #tpu.memory_space<vmem>>, vector<16xf32>,
        %parallel_loop3A_854 = arith.index_cast %parallel_loop3A_772 : i32 to index
        %parallel_loop3A_855 = arith.constant 96 : index
        %parallel_loop3A_856 = tpu.vector_load %arg16[%parallel_loop3A_854, %parallel_loop3A_855] {strides = array<i32>} : memref<80x128xf32, #tpu.memory_space<vmem>>, vector<16xf32>,
        %parallel_loop3A_857 = arith.addf %parallel_loop3A_853, %parallel_loop3A_856 : vector<16xf32>
        %parallel_loop3A_858 = arith.constant 0.000000e+00 : f32
        %parallel_loop3A_859 = vector.broadcast %parallel_loop3A_858 : f32 to vector<16xf32>
        %parallel_loop3A_860 = arith.maximumf %parallel_loop3A_857, %parallel_loop3A_859 : vector<16xf32>
        %parallel_loop3A_861 = arith.index_cast %parallel_loop3A_772 : i32 to index
        %parallel_loop3A_862 = arith.constant 96 : index
        %parallel_loop3A_863 = tpu.vector_load %arg15[%parallel_loop3A_861, %parallel_loop3A_862] {strides = array<i32>} : memref<80x128xf32, #tpu.memory_space<vmem>>, vector<16xf32>,
        tpu.vector_store %arg15[%parallel_loop3A_861, %parallel_loop3A_862], %parallel_loop3A_860 {strides = array<i32>} : memref<80x128xf32, #tpu.memory_space<vmem>>, vector<16xf32>,
        %parallel_loop3A_864 = arith.index_cast %parallel_loop3A_772 : i32 to index
        %parallel_loop3A_865 = arith.constant 112 : index
        %parallel_loop3A_866 = tpu.vector_load %arg15[%parallel_loop3A_864, %parallel_loop3A_865] {strides = array<i32>} : memref<80x128xf32, #tpu.memory_space<vmem>>, vector<16xf32>,
        %parallel_loop3A_867 = arith.index_cast %parallel_loop3A_772 : i32 to index
        %parallel_loop3A_868 = arith.constant 112 : index
        %parallel_loop3A_869 = tpu.vector_load %arg16[%parallel_loop3A_867, %parallel_loop3A_868] {strides = array<i32>} : memref<80x128xf32, #tpu.memory_space<vmem>>, vector<16xf32>,
        %parallel_loop3A_870 = arith.addf %parallel_loop3A_866, %parallel_loop3A_869 : vector<16xf32>
        %parallel_loop3A_871 = arith.constant 0.000000e+00 : f32
        %parallel_loop3A_872 = vector.broadcast %parallel_loop3A_871 : f32 to vector<16xf32>
        %parallel_loop3A_873 = arith.maximumf %parallel_loop3A_870, %parallel_loop3A_872 : vector<16xf32>
        %parallel_loop3A_874 = arith.index_cast %parallel_loop3A_772 : i32 to index
        %parallel_loop3A_875 = arith.constant 112 : index
        %parallel_loop3A_876 = tpu.vector_load %arg15[%parallel_loop3A_874, %parallel_loop3A_875] {strides = array<i32>} : memref<80x128xf32, #tpu.memory_space<vmem>>, vector<16xf32>,
        tpu.vector_store %arg15[%parallel_loop3A_874, %parallel_loop3A_875], %parallel_loop3A_873 {strides = array<i32>} : memref<80x128xf32, #tpu.memory_space<vmem>>, vector<16xf32>,
      } {sc.loop_unroll_factor = 2 : i64, sc.parallel_access}
      %dma_start3A_492 = arith.constant 0 : i32
      %dma_start3A_493 = tpu.memref_slice %arg7[%add3A_346, %dma_start3A_492] : memref<320000x128xf32, #tpu.memory_space<hbm>> -> memref<80x128xf32, #tpu.memory_space<hbm>>
      %dma_start3A_494 = arith.constant 0 : i32
      %dma_start3A_495 = tpu.memref_slice %arg7[%add3A_346, %dma_start3A_494] : memref<320000x128xf32, #tpu.memory_space<hbm>> -> memref<80x128xf32, #tpu.memory_space<hbm>>
      tpu.enqueue_dma source(%arg15 : memref<80x128xf32, #tpu.memory_space<vmem>>) target(%dma_start3A_495 : memref<80x128xf32, #tpu.memory_space<hbm>>) target_semaphore(%arg22 : memref<!tpu.dma_semaphore, #tpu.memory_space<semaphore_mem>>)
      %dma_start3A_496 = arith.constant 0 : i32
      %dma_start3A_497 = arith.constant 0 : i32
      %dma_start3A_498 = tpu.memref_slice %arg11[%dma_start3A_496, %dma_start3A_497] : memref<1x80xi32, #tpu.memory_space<vmem>> -> memref<1x80xi32, #tpu.memory_space<vmem>>
      %dma_start3A_499 = tpu.memref_squeeze %dma_start3A_498 : memref<1x80xi32, #tpu.memory_space<vmem>> -> memref<80xi32, #tpu.memory_space<vmem>>
      %dma_start3A_500 = arith.constant 0 : i32
      %dma_start3A_501 = arith.constant 0 : i32
      %dma_start3A_502 = tpu.memref_slice %arg19[%dma_start3A_500, %dma_start3A_501] : memref<10240x128xf32, #tpu.memory_space<vmem_shared>> -> memref<10240x128xf32, #tpu.memory_space<vmem_shared>>
      tpu.enqueue_indirect_dma source(%arg15 : memref<80x128xf32, #tpu.memory_space<vmem>>) target(%dma_start3A_502 : memref<10240x128xf32, #tpu.memory_space<vmem_shared>>) offsets(%dma_start3A_499 : memref<80xi32, #tpu.memory_space<vmem>>) semaphore(%arg23 : memref<!tpu.dma_semaphore, #tpu.memory_space<semaphore_mem>>) {add = true}
      %dma_start3A_503 = arith.constant 0 : i32
      %dma_start3A_504 = arith.constant 0 : i32
      %dma_start3A_505 = tpu.memref_slice %arg11[%dma_start3A_503, %dma_start3A_504] : memref<1x80xi32, #tpu.memory_space<vmem>> -> memref<1x80xi32, #tpu.memory_space<vmem>>
      %dma_start3A_506 = tpu.memref_squeeze %dma_start3A_505 : memref<1x80xi32, #tpu.memory_space<vmem>> -> memref<80xi32, #tpu.memory_space<vmem>>
      %dma_start3A_507 = arith.constant 0 : i32
      %dma_start3A_508 = arith.constant 0 : i32
      %dma_start3A_509 = tpu.memref_slice %arg20[%dma_start3A_507, %dma_start3A_508] : memref<10240x16xf32, #tpu.memory_space<vmem_shared>> -> memref<10240x16xf32, #tpu.memory_space<vmem_shared>>
      tpu.enqueue_indirect_dma source(%arg17 : memref<80x16xf32, #tpu.memory_space<vmem>>) target(%dma_start3A_509 : memref<10240x16xf32, #tpu.memory_space<vmem_shared>>) offsets(%dma_start3A_506 : memref<80xi32, #tpu.memory_space<vmem>>) semaphore(%arg24 : memref<!tpu.dma_semaphore, #tpu.memory_space<semaphore_mem>>) {add = true}
      %dma_start3A_510 = arith.constant 0 : i32
      %dma_start3A_511 = arith.constant 0 : i32
      %dma_start3A_512 = tpu.memref_slice %arg14[%dma_start3A_510, %dma_start3A_511] : memref<1x80xi32, #tpu.memory_space<vmem>> -> memref<1x80xi32, #tpu.memory_space<vmem>>
      %dma_start3A_513 = tpu.memref_squeeze %dma_start3A_512 : memref<1x80xi32, #tpu.memory_space<vmem>> -> memref<80xi32, #tpu.memory_space<vmem>>
      %dma_start3A_514 = arith.constant 0 : i32
      %dma_start3A_515 = arith.constant 0 : i32
      %dma_start3A_516 = tpu.memref_slice %arg19[%dma_start3A_514, %dma_start3A_515] : memref<10240x128xf32, #tpu.memory_space<vmem_shared>> -> memref<10240x128xf32, #tpu.memory_space<vmem_shared>>
      tpu.enqueue_indirect_dma source(%arg15 : memref<80x128xf32, #tpu.memory_space<vmem>>) target(%dma_start3A_516 : memref<10240x128xf32, #tpu.memory_space<vmem_shared>>) offsets(%dma_start3A_513 : memref<80xi32, #tpu.memory_space<vmem>>) semaphore(%arg25 : memref<!tpu.dma_semaphore, #tpu.memory_space<semaphore_mem>>) {add = true}
      %dma_start3A_517 = arith.constant 0 : i32
      %dma_start3A_518 = arith.constant 0 : i32
      %dma_start3A_519 = tpu.memref_slice %arg14[%dma_start3A_517, %dma_start3A_518] : memref<1x80xi32, #tpu.memory_space<vmem>> -> memref<1x80xi32, #tpu.memory_space<vmem>>
      %dma_start3A_520 = tpu.memref_squeeze %dma_start3A_519 : memref<1x80xi32, #tpu.memory_space<vmem>> -> memref<80xi32, #tpu.memory_space<vmem>>
      %dma_start3A_521 = arith.constant 0 : i32
      %dma_start3A_522 = arith.constant 0 : i32
      %dma_start3A_523 = tpu.memref_slice %arg20[%dma_start3A_521, %dma_start3A_522] : memref<10240x16xf32, #tpu.memory_space<vmem_shared>> -> memref<10240x16xf32, #tpu.memory_space<vmem_shared>>
      tpu.enqueue_indirect_dma source(%arg17 : memref<80x16xf32, #tpu.memory_space<vmem>>) target(%dma_start3A_523 : memref<10240x16xf32, #tpu.memory_space<vmem_shared>>) offsets(%dma_start3A_520 : memref<80xi32, #tpu.memory_space<vmem>>) semaphore(%arg26 : memref<!tpu.dma_semaphore, #tpu.memory_space<semaphore_mem>>) {add = true}
      %dma_wait3A_524 = arith.constant 0 : i32
      %dma_wait3A_525 = tpu.memref_slice %arg7[%add3A_346, %dma_wait3A_524] : memref<320000x128xf32, #tpu.memory_space<hbm>> -> memref<80x128xf32, #tpu.memory_space<hbm>>
      %dma_wait3A_526 = arith.constant 0 : i32
      %dma_wait3A_527 = tpu.memref_slice %arg7[%add3A_346, %dma_wait3A_526] : memref<320000x128xf32, #tpu.memory_space<hbm>> -> memref<80x128xf32, #tpu.memory_space<hbm>>
      tpu.wait_dma2 semaphore(%arg22 : memref<!tpu.dma_semaphore, #tpu.memory_space<semaphore_mem>>) src(%arg15 : memref<80x128xf32, #tpu.memory_space<vmem>>) dst(%dma_wait3A_527 : memref<80x128xf32, #tpu.memory_space<hbm>>)
      %dma_wait3A_528 = arith.constant 0 : i32
      %dma_wait3A_529 = arith.constant 0 : i32
      %dma_wait3A_530 = tpu.memref_slice %arg11[%dma_wait3A_528, %dma_wait3A_529] : memref<1x80xi32, #tpu.memory_space<vmem>> -> memref<1x80xi32, #tpu.memory_space<vmem>>
      %dma_wait3A_531 = tpu.memref_squeeze %dma_wait3A_530 : memref<1x80xi32, #tpu.memory_space<vmem>> -> memref<80xi32, #tpu.memory_space<vmem>>
      %dma_wait3A_532 = arith.constant 0 : i32
      %dma_wait3A_533 = arith.constant 0 : i32
      %dma_wait3A_534 = tpu.memref_slice %arg19[%dma_wait3A_532, %dma_wait3A_533] : memref<10240x128xf32, #tpu.memory_space<vmem_shared>> -> memref<10240x128xf32, #tpu.memory_space<vmem_shared>>
      tpu.wait_indirect_dma semaphore(%arg23 : memref<!tpu.dma_semaphore, #tpu.memory_space<semaphore_mem>>) src(%arg15 : memref<80x128xf32, #tpu.memory_space<vmem>>) dst(%dma_wait3A_534 : memref<10240x128xf32, #tpu.memory_space<vmem_shared>>)
      %dma_wait3A_535 = arith.constant 0 : i32
      %dma_wait3A_536 = arith.constant 0 : i32
      %dma_wait3A_537 = tpu.memref_slice %arg11[%dma_wait3A_535, %dma_wait3A_536] : memref<1x80xi32, #tpu.memory_space<vmem>> -> memref<1x80xi32, #tpu.memory_space<vmem>>
      %dma_wait3A_538 = tpu.memref_squeeze %dma_wait3A_537 : memref<1x80xi32, #tpu.memory_space<vmem>> -> memref<80xi32, #tpu.memory_space<vmem>>
      %dma_wait3A_539 = arith.constant 0 : i32
      %dma_wait3A_540 = arith.constant 0 : i32
      %dma_wait3A_541 = tpu.memref_slice %arg20[%dma_wait3A_539, %dma_wait3A_540] : memref<10240x16xf32, #tpu.memory_space<vmem_shared>> -> memref<10240x16xf32, #tpu.memory_space<vmem_shared>>
      tpu.wait_indirect_dma semaphore(%arg24 : memref<!tpu.dma_semaphore, #tpu.memory_space<semaphore_mem>>) src(%arg17 : memref<80x16xf32, #tpu.memory_space<vmem>>) dst(%dma_wait3A_541 : memref<10240x16xf32, #tpu.memory_space<vmem_shared>>)
      %dma_wait3A_542 = arith.constant 0 : i32
      %dma_wait3A_543 = arith.constant 0 : i32
      %dma_wait3A_544 = tpu.memref_slice %arg14[%dma_wait3A_542, %dma_wait3A_543] : memref<1x80xi32, #tpu.memory_space<vmem>> -> memref<1x80xi32, #tpu.memory_space<vmem>>
      %dma_wait3A_545 = tpu.memref_squeeze %dma_wait3A_544 : memref<1x80xi32, #tpu.memory_space<vmem>> -> memref<80xi32, #tpu.memory_space<vmem>>
      %dma_wait3A_546 = arith.constant 0 : i32
      %dma_wait3A_547 = arith.constant 0 : i32
      %dma_wait3A_548 = tpu.memref_slice %arg19[%dma_wait3A_546, %dma_wait3A_547] : memref<10240x128xf32, #tpu.memory_space<vmem_shared>> -> memref<10240x128xf32, #tpu.memory_space<vmem_shared>>
      tpu.wait_indirect_dma semaphore(%arg25 : memref<!tpu.dma_semaphore, #tpu.memory_space<semaphore_mem>>) src(%arg15 : memref<80x128xf32, #tpu.memory_space<vmem>>) dst(%dma_wait3A_548 : memref<10240x128xf32, #tpu.memory_space<vmem_shared>>)
      %dma_wait3A_549 = arith.constant 0 : i32
      %dma_wait3A_550 = arith.constant 0 : i32
      %dma_wait3A_551 = tpu.memref_slice %arg14[%dma_wait3A_549, %dma_wait3A_550] : memref<1x80xi32, #tpu.memory_space<vmem>> -> memref<1x80xi32, #tpu.memory_space<vmem>>
      %dma_wait3A_552 = tpu.memref_squeeze %dma_wait3A_551 : memref<1x80xi32, #tpu.memory_space<vmem>> -> memref<80xi32, #tpu.memory_space<vmem>>
      %dma_wait3A_553 = arith.constant 0 : i32
      %dma_wait3A_554 = arith.constant 0 : i32
      %dma_wait3A_555 = tpu.memref_slice %arg20[%dma_wait3A_553, %dma_wait3A_554] : memref<10240x16xf32, #tpu.memory_space<vmem_shared>> -> memref<10240x16xf32, #tpu.memory_space<vmem_shared>>
      tpu.wait_indirect_dma semaphore(%arg26 : memref<!tpu.dma_semaphore, #tpu.memory_space<semaphore_mem>>) src(%arg17 : memref<80x16xf32, #tpu.memory_space<vmem>>) dst(%dma_wait3A_555 : memref<10240x16xf32, #tpu.memory_space<vmem_shared>>)
      %add3A_556 = arith.constant 1 : i32
      %add3A_557 = arith.addi %mul3A_341, %add3A_556 : i32
      %add3A_558 = arith.constant 2 : i32
      %add3A_559 = arith.addi %mul3A_341, %add3A_558 : i32
      %mul3A_560 = arith.constant 80 : i32
      %mul3A_561 = arith.muli %add3A_557, %mul3A_560 : i32
      %add3A_562 = arith.addi %mul3A_62, %mul3A_561 : i32
      %dma_start3A_563 = arith.constant 0 : i32
      %dma_start3A_564 = tpu.memref_slice %arg3[%add3A_562, %dma_start3A_563] : memref<320000x128xf32, #tpu.memory_space<hbm>> -> memref<80x128xf32, #tpu.memory_space<hbm>>
      %dma_start3A_565 = arith.constant 0 : i32
      %dma_start3A_566 = tpu.memref_slice %arg3[%add3A_562, %dma_start3A_565] : memref<320000x128xf32, #tpu.memory_space<hbm>> -> memref<80x128xf32, #tpu.memory_space<hbm>>
      tpu.enqueue_dma source(%dma_start3A_566 : memref<80x128xf32, #tpu.memory_space<hbm>>) target(%arg16 : memref<80x128xf32, #tpu.memory_space<vmem>>) target_semaphore(%arg29 : memref<!tpu.dma_semaphore, #tpu.memory_space<semaphore_mem>>)
      %mul3A_567 = arith.constant 80 : i32
      %mul3A_568 = arith.muli %add3A_557, %mul3A_567 : i32
      %add3A_569 = arith.addi %mul3A_62, %mul3A_568 : i32
      %dma_wait3A_570 = tpu.memref_slice %arg4[%add3A_569] : memref<320000xi32, #tpu.memory_space<hbm>> -> memref<80xi32, #tpu.memory_space<hbm>>
      %dma_wait3A_571 = tpu.memref_slice %arg4[%add3A_569] : memref<320000xi32, #tpu.memory_space<hbm>> -> memref<80xi32, #tpu.memory_space<hbm>>
      tpu.wait_dma2 semaphore(%arg27 : memref<!tpu.dma_semaphore, #tpu.memory_space<semaphore_mem>>) src(%dma_wait3A_571 : memref<80xi32, #tpu.memory_space<hbm>>) dst(%arg12 : memref<80xi32, #tpu.memory_space<vmem>>)
      %dma_wait3A_572 = arith.constant 0 : i32
      %dma_wait3A_573 = arith.constant 0 : i32
      %dma_wait3A_574 = tpu.memref_slice %arg13[%dma_wait3A_572, %dma_wait3A_573] : memref<1x80xi32, #tpu.memory_space<vmem>> -> memref<1x80xi32, #tpu.memory_space<vmem>>
      %dma_wait3A_575 = tpu.memref_squeeze %dma_wait3A_574 : memref<1x80xi32, #tpu.memory_space<vmem>> -> memref<80xi32, #tpu.memory_space<vmem>>
      %dma_wait3A_576 = tpu.memref_slice %arg5[%add3A_569] : memref<320000xi32, #tpu.memory_space<hbm>> -> memref<80xi32, #tpu.memory_space<hbm>>
      %dma_wait3A_577 = arith.constant 0 : i32
      %dma_wait3A_578 = tpu.memref_slice %arg13[%dma_wait3A_572, %dma_wait3A_577] : memref<1x80xi32, #tpu.memory_space<vmem>> -> memref<1x80xi32, #tpu.memory_space<vmem>>
      %dma_wait3A_579 = tpu.memref_squeeze %dma_wait3A_578 : memref<1x80xi32, #tpu.memory_space<vmem>> -> memref<80xi32, #tpu.memory_space<vmem>>
      %dma_wait3A_580 = tpu.memref_slice %arg5[%add3A_569] : memref<320000xi32, #tpu.memory_space<hbm>> -> memref<80xi32, #tpu.memory_space<hbm>>
      tpu.wait_dma2 semaphore(%arg28 : memref<!tpu.dma_semaphore, #tpu.memory_space<semaphore_mem>>) src(%dma_wait3A_580 : memref<80xi32, #tpu.memory_space<hbm>>) dst(%dma_wait3A_579 : memref<80xi32, #tpu.memory_space<vmem>>)
      %dma_start3A_581 = arith.constant 0 : i32
      %dma_start3A_582 = arith.constant 0 : i32
      %dma_start3A_583 = tpu.memref_slice %arg2[%dma_start3A_581, %dma_start3A_582] : memref<10000x128xf32, #tpu.memory_space<hbm>> -> memref<10000x128xf32, #tpu.memory_space<hbm>>
      tpu.enqueue_indirect_dma source(%dma_start3A_583 : memref<10000x128xf32, #tpu.memory_space<hbm>>) target(%arg15 : memref<80x128xf32, #tpu.memory_space<vmem>>) offsets(%arg12 : memref<80xi32, #tpu.memory_space<vmem>>) semaphore(%arg21 : memref<!tpu.dma_semaphore, #tpu.memory_space<semaphore_mem>>)
      %mul3A_584 = arith.constant 80 : i32
      %mul3A_585 = arith.muli %add3A_559, %mul3A_584 : i32
      %add3A_586 = arith.addi %mul3A_62, %mul3A_585 : i32
      %dma_start3A_587 = tpu.memref_slice %arg4[%add3A_586] : memref<320000xi32, #tpu.memory_space<hbm>> -> memref<80xi32, #tpu.memory_space<hbm>>
      %dma_start3A_588 = tpu.memref_slice %arg4[%add3A_586] : memref<320000xi32, #tpu.memory_space<hbm>> -> memref<80xi32, #tpu.memory_space<hbm>>
      tpu.enqueue_dma source(%dma_start3A_588 : memref<80xi32, #tpu.memory_space<hbm>>) target(%arg10 : memref<80xi32, #tpu.memory_space<vmem>>) target_semaphore(%arg27 : memref<!tpu.dma_semaphore, #tpu.memory_space<semaphore_mem>>)
      %dma_start3A_589 = arith.constant 0 : i32
      %dma_start3A_590 = arith.constant 0 : i32
      %dma_start3A_591 = tpu.memref_slice %arg11[%dma_start3A_589, %dma_start3A_590] : memref<1x80xi32, #tpu.memory_space<vmem>> -> memref<1x80xi32, #tpu.memory_space<vmem>>
      %dma_start3A_592 = tpu.memref_squeeze %dma_start3A_591 : memref<1x80xi32, #tpu.memory_space<vmem>> -> memref<80xi32, #tpu.memory_space<vmem>>
      %dma_start3A_593 = tpu.memref_slice %arg5[%add3A_586] : memref<320000xi32, #tpu.memory_space<hbm>> -> memref<80xi32, #tpu.memory_space<hbm>>
      %dma_start3A_594 = arith.constant 0 : i32
      %dma_start3A_595 = tpu.memref_slice %arg11[%dma_start3A_589, %dma_start3A_594] : memref<1x80xi32, #tpu.memory_space<vmem>> -> memref<1x80xi32, #tpu.memory_space<vmem>>
      %dma_start3A_596 = tpu.memref_squeeze %dma_start3A_595 : memref<1x80xi32, #tpu.memory_space<vmem>> -> memref<80xi32, #tpu.memory_space<vmem>>
      %dma_start3A_597 = tpu.memref_slice %arg5[%add3A_586] : memref<320000xi32, #tpu.memory_space<hbm>> -> memref<80xi32, #tpu.memory_space<hbm>>
      tpu.enqueue_dma source(%dma_start3A_597 : memref<80xi32, #tpu.memory_space<hbm>>) target(%dma_start3A_596 : memref<80xi32, #tpu.memory_space<vmem>>) target_semaphore(%arg28 : memref<!tpu.dma_semaphore, #tpu.memory_space<semaphore_mem>>)
      %get3A_598 = arith.constant 0 : i32
      %get3A_599 = arith.index_cast %get3A_598 : i32 to index
      %get3A_600 = arith.constant 0 : index
      %get3A_601 = tpu.vector_load %arg18[%get3A_599, %get3A_600] {strides = array<i32>} : memref<8x128xi32, #tpu.memory_space<vmem>>, vector<16xi32>,
      %get3A_602 = arith.constant 1 : i32
      %get3A_603 = arith.index_cast %get3A_602 : i32 to index
      %get3A_604 = arith.constant 0 : index
      %get3A_605 = tpu.vector_load %arg18[%get3A_603, %get3A_604] {strides = array<i32>} : memref<8x128xi32, #tpu.memory_space<vmem>>, vector<16xi32>,
      %get3A_606 = arith.constant 2 : i32
      %get3A_607 = arith.index_cast %get3A_606 : i32 to index
      %get3A_608 = arith.constant 0 : index
      %get3A_609 = tpu.vector_load %arg18[%get3A_607, %get3A_608] {strides = array<i32>} : memref<8x128xi32, #tpu.memory_space<vmem>>, vector<16xi32>,
      %broadcast_in_dim3A_610 = arith.constant 1 : i32
      %broadcast_in_dim3A_611 = vector.broadcast %broadcast_in_dim3A_610 : i32 to vector<16xi32>
      %broadcast_in_dim3A_612 = arith.constant 0 : i32
      %broadcast_in_dim3A_613 = vector.broadcast %broadcast_in_dim3A_612 : i32 to vector<16xi32>
      %mul3A_614 = arith.constant 4 : i32
      %mul3A_615 = arith.muli %arg1, %mul3A_614 : i32
      %add3A_616 = arith.constant 10000 : i32
      %add3A_617 = arith.addi %add3A_616, %mul3A_615 : i32
      %get3A_618 = arith.constant 0 : index
      %get3A_619 = tpu.vector_load %arg12[%get3A_618] {strides = array<i32>} : memref<80xi32, #tpu.memory_space<vmem>>, vector<16xi32>,
      %ge3A_620 = arith.cmpi sge, %get3A_619, %get3A_601 : vector<16xi32>
      %select_n3A_621 = arith.select %ge3A_620, %broadcast_in_dim3A_611, %broadcast_in_dim3A_613 : vector<16xi1>, vector<16xi32>
      %ge3A_622 = arith.cmpi sge, %get3A_619, %get3A_605 : vector<16xi32>
      %select_n3A_623 = arith.select %ge3A_622, %broadcast_in_dim3A_611, %broadcast_in_dim3A_613 : vector<16xi1>, vector<16xi32>
      %add3A_624 = arith.addi %select_n3A_621, %select_n3A_623 : vector<16xi32>
      %ge3A_625 = arith.cmpi sge, %get3A_619, %get3A_609 : vector<16xi32>
      %select_n3A_626 = arith.select %ge3A_625, %broadcast_in_dim3A_611, %broadcast_in_dim3A_613 : vector<16xi1>, vector<16xi32>
      %add3A_627 = arith.addi %add3A_624, %select_n3A_626 : vector<16xi32>
      %add3A_628 = vector.broadcast %add3A_617 : i32 to vector<16xi32>
      %add3A_629 = arith.addi %add3A_627, %add3A_628 : vector<16xi32>
      %swap3A_630 = arith.constant 0 : i32
      %swap3A_631 = arith.index_cast %swap3A_630 : i32 to index
      %swap3A_632 = arith.constant 0 : index
      %swap3A_633 = tpu.vector_load %arg14[%swap3A_631, %swap3A_632] {strides = array<i32>} : memref<1x80xi32, #tpu.memory_space<vmem>>, vector<16xi32>,
      tpu.vector_store %arg14[%swap3A_631, %swap3A_632], %add3A_629 {strides = array<i32>} : memref<1x80xi32, #tpu.memory_space<vmem>>, vector<16xi32>,
      %get3A_634 = arith.constant 16 : index
      %get3A_635 = tpu.vector_load %arg12[%get3A_634] {strides = array<i32>} : memref<80xi32, #tpu.memory_space<vmem>>, vector<16xi32>,
      %ge3A_636 = arith.cmpi sge, %get3A_635, %get3A_601 : vector<16xi32>
      %select_n3A_637 = arith.select %ge3A_636, %broadcast_in_dim3A_611, %broadcast_in_dim3A_613 : vector<16xi1>, vector<16xi32>
      %ge3A_638 = arith.cmpi sge, %get3A_635, %get3A_605 : vector<16xi32>
      %select_n3A_639 = arith.select %ge3A_638, %broadcast_in_dim3A_611, %broadcast_in_dim3A_613 : vector<16xi1>, vector<16xi32>
      %add3A_640 = arith.addi %select_n3A_637, %select_n3A_639 : vector<16xi32>
      %ge3A_641 = arith.cmpi sge, %get3A_635, %get3A_609 : vector<16xi32>
      %select_n3A_642 = arith.select %ge3A_641, %broadcast_in_dim3A_611, %broadcast_in_dim3A_613 : vector<16xi1>, vector<16xi32>
      %add3A_643 = arith.addi %add3A_640, %select_n3A_642 : vector<16xi32>
      %add3A_644 = vector.broadcast %add3A_617 : i32 to vector<16xi32>
      %add3A_645 = arith.addi %add3A_643, %add3A_644 : vector<16xi32>
      %swap3A_646 = arith.constant 0 : i32
      %swap3A_647 = arith.index_cast %swap3A_646 : i32 to index
      %swap3A_648 = arith.constant 16 : index
      %swap3A_649 = tpu.vector_load %arg14[%swap3A_647, %swap3A_648] {strides = array<i32>} : memref<1x80xi32, #tpu.memory_space<vmem>>, vector<16xi32>,
      tpu.vector_store %arg14[%swap3A_647, %swap3A_648], %add3A_645 {strides = array<i32>} : memref<1x80xi32, #tpu.memory_space<vmem>>, vector<16xi32>,
      %get3A_650 = arith.constant 32 : index
      %get3A_651 = tpu.vector_load %arg12[%get3A_650] {strides = array<i32>} : memref<80xi32, #tpu.memory_space<vmem>>, vector<16xi32>,
      %ge3A_652 = arith.cmpi sge, %get3A_651, %get3A_601 : vector<16xi32>
      %select_n3A_653 = arith.select %ge3A_652, %broadcast_in_dim3A_611, %broadcast_in_dim3A_613 : vector<16xi1>, vector<16xi32>
      %ge3A_654 = arith.cmpi sge, %get3A_651, %get3A_605 : vector<16xi32>
      %select_n3A_655 = arith.select %ge3A_654, %broadcast_in_dim3A_611, %broadcast_in_dim3A_613 : vector<16xi1>, vector<16xi32>
      %add3A_656 = arith.addi %select_n3A_653, %select_n3A_655 : vector<16xi32>
      %ge3A_657 = arith.cmpi sge, %get3A_651, %get3A_609 : vector<16xi32>
      %select_n3A_658 = arith.select %ge3A_657, %broadcast_in_dim3A_611, %broadcast_in_dim3A_613 : vector<16xi1>, vector<16xi32>
      %add3A_659 = arith.addi %add3A_656, %select_n3A_658 : vector<16xi32>
      %add3A_660 = vector.broadcast %add3A_617 : i32 to vector<16xi32>
      %add3A_661 = arith.addi %add3A_659, %add3A_660 : vector<16xi32>
      %swap3A_662 = arith.constant 0 : i32
      %swap3A_663 = arith.index_cast %swap3A_662 : i32 to index
      %swap3A_664 = arith.constant 32 : index
      %swap3A_665 = tpu.vector_load %arg14[%swap3A_663, %swap3A_664] {strides = array<i32>} : memref<1x80xi32, #tpu.memory_space<vmem>>, vector<16xi32>,
      tpu.vector_store %arg14[%swap3A_663, %swap3A_664], %add3A_661 {strides = array<i32>} : memref<1x80xi32, #tpu.memory_space<vmem>>, vector<16xi32>,
      %get3A_666 = arith.constant 48 : index
      %get3A_667 = tpu.vector_load %arg12[%get3A_666] {strides = array<i32>} : memref<80xi32, #tpu.memory_space<vmem>>, vector<16xi32>,
      %ge3A_668 = arith.cmpi sge, %get3A_667, %get3A_601 : vector<16xi32>
      %select_n3A_669 = arith.select %ge3A_668, %broadcast_in_dim3A_611, %broadcast_in_dim3A_613 : vector<16xi1>, vector<16xi32>
      %ge3A_670 = arith.cmpi sge, %get3A_667, %get3A_605 : vector<16xi32>
      %select_n3A_671 = arith.select %ge3A_670, %broadcast_in_dim3A_611, %broadcast_in_dim3A_613 : vector<16xi1>, vector<16xi32>
      %add3A_672 = arith.addi %select_n3A_669, %select_n3A_671 : vector<16xi32>
      %ge3A_673 = arith.cmpi sge, %get3A_667, %get3A_609 : vector<16xi32>
      %select_n3A_674 = arith.select %ge3A_673, %broadcast_in_dim3A_611, %broadcast_in_dim3A_613 : vector<16xi1>, vector<16xi32>
      %add3A_675 = arith.addi %add3A_672, %select_n3A_674 : vector<16xi32>
      %add3A_676 = vector.broadcast %add3A_617 : i32 to vector<16xi32>
      %add3A_677 = arith.addi %add3A_675, %add3A_676 : vector<16xi32>
      %swap3A_678 = arith.constant 0 : i32
      %swap3A_679 = arith.index_cast %swap3A_678 : i32 to index
      %swap3A_680 = arith.constant 48 : index
      %swap3A_681 = tpu.vector_load %arg14[%swap3A_679, %swap3A_680] {strides = array<i32>} : memref<1x80xi32, #tpu.memory_space<vmem>>, vector<16xi32>,
      tpu.vector_store %arg14[%swap3A_679, %swap3A_680], %add3A_677 {strides = array<i32>} : memref<1x80xi32, #tpu.memory_space<vmem>>, vector<16xi32>,
      %get3A_682 = arith.constant 64 : index
      %get3A_683 = tpu.vector_load %arg12[%get3A_682] {strides = array<i32>} : memref<80xi32, #tpu.memory_space<vmem>>, vector<16xi32>,
      %ge3A_684 = arith.cmpi sge, %get3A_683, %get3A_601 : vector<16xi32>
      %select_n3A_685 = arith.select %ge3A_684, %broadcast_in_dim3A_611, %broadcast_in_dim3A_613 : vector<16xi1>, vector<16xi32>
      %ge3A_686 = arith.cmpi sge, %get3A_683, %get3A_605 : vector<16xi32>
      %select_n3A_687 = arith.select %ge3A_686, %broadcast_in_dim3A_611, %broadcast_in_dim3A_613 : vector<16xi1>, vector<16xi32>
      %add3A_688 = arith.addi %select_n3A_685, %select_n3A_687 : vector<16xi32>
      %ge3A_689 = arith.cmpi sge, %get3A_683, %get3A_609 : vector<16xi32>
      %select_n3A_690 = arith.select %ge3A_689, %broadcast_in_dim3A_611, %broadcast_in_dim3A_613 : vector<16xi1>, vector<16xi32>
      %add3A_691 = arith.addi %add3A_688, %select_n3A_690 : vector<16xi32>
      %add3A_692 = vector.broadcast %add3A_617 : i32 to vector<16xi32>
      %add3A_693 = arith.addi %add3A_691, %add3A_692 : vector<16xi32>
      %swap3A_694 = arith.constant 0 : i32
      %swap3A_695 = arith.index_cast %swap3A_694 : i32 to index
      %swap3A_696 = arith.constant 64 : index
      %swap3A_697 = tpu.vector_load %arg14[%swap3A_695, %swap3A_696] {strides = array<i32>} : memref<1x80xi32, #tpu.memory_space<vmem>>, vector<16xi32>,
      tpu.vector_store %arg14[%swap3A_695, %swap3A_696], %add3A_693 {strides = array<i32>} : memref<1x80xi32, #tpu.memory_space<vmem>>, vector<16xi32>,
      %dma_wait3A_698 = arith.constant 0 : i32
      %dma_wait3A_699 = tpu.memref_slice %arg3[%add3A_562, %dma_wait3A_698] : memref<320000x128xf32, #tpu.memory_space<hbm>> -> memref<80x128xf32, #tpu.memory_space<hbm>>
      %dma_wait3A_700 = arith.constant 0 : i32
      %dma_wait3A_701 = tpu.memref_slice %arg3[%add3A_562, %dma_wait3A_700] : memref<320000x128xf32, #tpu.memory_space<hbm>> -> memref<80x128xf32, #tpu.memory_space<hbm>>
      tpu.wait_dma2 semaphore(%arg29 : memref<!tpu.dma_semaphore, #tpu.memory_space<semaphore_mem>>) src(%dma_wait3A_701 : memref<80x128xf32, #tpu.memory_space<hbm>>) dst(%arg16 : memref<80x128xf32, #tpu.memory_space<vmem>>)
      %dma_wait3A_702 = arith.constant 0 : i32
      %dma_wait3A_703 = arith.constant 0 : i32
      %dma_wait3A_704 = tpu.memref_slice %arg2[%dma_wait3A_702, %dma_wait3A_703] : memref<10000x128xf32, #tpu.memory_space<hbm>> -> memref<10000x128xf32, #tpu.memory_space<hbm>>
      tpu.wait_indirect_dma semaphore(%arg21 : memref<!tpu.dma_semaphore, #tpu.memory_space<semaphore_mem>>) src(%dma_wait3A_704 : memref<10000x128xf32, #tpu.memory_space<hbm>>) dst(%arg15 : memref<80x128xf32, #tpu.memory_space<vmem>>)
      %parallel_loop3A_705 = arith.constant 0 : i32
      %parallel_loop3A_706 = arith.constant 80 : i32
      %parallel_loop3A_707 = arith.constant 1 : i32
      scf.for %parallel_loop3A_772 = %parallel_loop3A_705 to %parallel_loop3A_706 step %parallel_loop3A_707  : i32 {
        %parallel_loop3A_773 = arith.index_cast %parallel_loop3A_772 : i32 to index
        %parallel_loop3A_774 = arith.constant 0 : index
        %parallel_loop3A_775 = tpu.vector_load %arg15[%parallel_loop3A_773, %parallel_loop3A_774] {strides = array<i32>} : memref<80x128xf32, #tpu.memory_space<vmem>>, vector<16xf32>,
        %parallel_loop3A_776 = arith.index_cast %parallel_loop3A_772 : i32 to index
        %parallel_loop3A_777 = arith.constant 0 : index
        %parallel_loop3A_778 = tpu.vector_load %arg16[%parallel_loop3A_776, %parallel_loop3A_777] {strides = array<i32>} : memref<80x128xf32, #tpu.memory_space<vmem>>, vector<16xf32>,
        %parallel_loop3A_779 = arith.addf %parallel_loop3A_775, %parallel_loop3A_778 : vector<16xf32>
        %parallel_loop3A_780 = arith.constant 0.000000e+00 : f32
        %parallel_loop3A_781 = vector.broadcast %parallel_loop3A_780 : f32 to vector<16xf32>
        %parallel_loop3A_782 = arith.maximumf %parallel_loop3A_779, %parallel_loop3A_781 : vector<16xf32>
        %parallel_loop3A_783 = arith.index_cast %parallel_loop3A_772 : i32 to index
        %parallel_loop3A_784 = arith.constant 0 : index
        %parallel_loop3A_785 = tpu.vector_load %arg15[%parallel_loop3A_783, %parallel_loop3A_784] {strides = array<i32>} : memref<80x128xf32, #tpu.memory_space<vmem>>, vector<16xf32>,
        tpu.vector_store %arg15[%parallel_loop3A_783, %parallel_loop3A_784], %parallel_loop3A_782 {strides = array<i32>} : memref<80x128xf32, #tpu.memory_space<vmem>>, vector<16xf32>,
        %parallel_loop3A_786 = arith.index_cast %parallel_loop3A_772 : i32 to index
        %parallel_loop3A_787 = arith.constant 16 : index
        %parallel_loop3A_788 = tpu.vector_load %arg15[%parallel_loop3A_786, %parallel_loop3A_787] {strides = array<i32>} : memref<80x128xf32, #tpu.memory_space<vmem>>, vector<16xf32>,
        %parallel_loop3A_789 = arith.index_cast %parallel_loop3A_772 : i32 to index
        %parallel_loop3A_790 = arith.constant 16 : index
        %parallel_loop3A_791 = tpu.vector_load %arg16[%parallel_loop3A_789, %parallel_loop3A_790] {strides = array<i32>} : memref<80x128xf32, #tpu.memory_space<vmem>>, vector<16xf32>,
        %parallel_loop3A_792 = arith.addf %parallel_loop3A_788, %parallel_loop3A_791 : vector<16xf32>
        %parallel_loop3A_793 = arith.constant 0.000000e+00 : f32
        %parallel_loop3A_794 = vector.broadcast %parallel_loop3A_793 : f32 to vector<16xf32>
        %parallel_loop3A_795 = arith.maximumf %parallel_loop3A_792, %parallel_loop3A_794 : vector<16xf32>
        %parallel_loop3A_796 = arith.index_cast %parallel_loop3A_772 : i32 to index
        %parallel_loop3A_797 = arith.constant 16 : index
        %parallel_loop3A_798 = tpu.vector_load %arg15[%parallel_loop3A_796, %parallel_loop3A_797] {strides = array<i32>} : memref<80x128xf32, #tpu.memory_space<vmem>>, vector<16xf32>,
        tpu.vector_store %arg15[%parallel_loop3A_796, %parallel_loop3A_797], %parallel_loop3A_795 {strides = array<i32>} : memref<80x128xf32, #tpu.memory_space<vmem>>, vector<16xf32>,
        %parallel_loop3A_799 = arith.index_cast %parallel_loop3A_772 : i32 to index
        %parallel_loop3A_800 = arith.constant 32 : index
        %parallel_loop3A_801 = tpu.vector_load %arg15[%parallel_loop3A_799, %parallel_loop3A_800] {strides = array<i32>} : memref<80x128xf32, #tpu.memory_space<vmem>>, vector<16xf32>,
        %parallel_loop3A_802 = arith.index_cast %parallel_loop3A_772 : i32 to index
        %parallel_loop3A_803 = arith.constant 32 : index
        %parallel_loop3A_804 = tpu.vector_load %arg16[%parallel_loop3A_802, %parallel_loop3A_803] {strides = array<i32>} : memref<80x128xf32, #tpu.memory_space<vmem>>, vector<16xf32>,
        %parallel_loop3A_805 = arith.addf %parallel_loop3A_801, %parallel_loop3A_804 : vector<16xf32>
        %parallel_loop3A_806 = arith.constant 0.000000e+00 : f32
        %parallel_loop3A_807 = vector.broadcast %parallel_loop3A_806 : f32 to vector<16xf32>
        %parallel_loop3A_808 = arith.maximumf %parallel_loop3A_805, %parallel_loop3A_807 : vector<16xf32>
        %parallel_loop3A_809 = arith.index_cast %parallel_loop3A_772 : i32 to index
        %parallel_loop3A_810 = arith.constant 32 : index
        %parallel_loop3A_811 = tpu.vector_load %arg15[%parallel_loop3A_809, %parallel_loop3A_810] {strides = array<i32>} : memref<80x128xf32, #tpu.memory_space<vmem>>, vector<16xf32>,
        tpu.vector_store %arg15[%parallel_loop3A_809, %parallel_loop3A_810], %parallel_loop3A_808 {strides = array<i32>} : memref<80x128xf32, #tpu.memory_space<vmem>>, vector<16xf32>,
        %parallel_loop3A_812 = arith.index_cast %parallel_loop3A_772 : i32 to index
        %parallel_loop3A_813 = arith.constant 48 : index
        %parallel_loop3A_814 = tpu.vector_load %arg15[%parallel_loop3A_812, %parallel_loop3A_813] {strides = array<i32>} : memref<80x128xf32, #tpu.memory_space<vmem>>, vector<16xf32>,
        %parallel_loop3A_815 = arith.index_cast %parallel_loop3A_772 : i32 to index
        %parallel_loop3A_816 = arith.constant 48 : index
        %parallel_loop3A_817 = tpu.vector_load %arg16[%parallel_loop3A_815, %parallel_loop3A_816] {strides = array<i32>} : memref<80x128xf32, #tpu.memory_space<vmem>>, vector<16xf32>,
        %parallel_loop3A_818 = arith.addf %parallel_loop3A_814, %parallel_loop3A_817 : vector<16xf32>
        %parallel_loop3A_819 = arith.constant 0.000000e+00 : f32
        %parallel_loop3A_820 = vector.broadcast %parallel_loop3A_819 : f32 to vector<16xf32>
        %parallel_loop3A_821 = arith.maximumf %parallel_loop3A_818, %parallel_loop3A_820 : vector<16xf32>
        %parallel_loop3A_822 = arith.index_cast %parallel_loop3A_772 : i32 to index
        %parallel_loop3A_823 = arith.constant 48 : index
        %parallel_loop3A_824 = tpu.vector_load %arg15[%parallel_loop3A_822, %parallel_loop3A_823] {strides = array<i32>} : memref<80x128xf32, #tpu.memory_space<vmem>>, vector<16xf32>,
        tpu.vector_store %arg15[%parallel_loop3A_822, %parallel_loop3A_823], %parallel_loop3A_821 {strides = array<i32>} : memref<80x128xf32, #tpu.memory_space<vmem>>, vector<16xf32>,
        %parallel_loop3A_825 = arith.index_cast %parallel_loop3A_772 : i32 to index
        %parallel_loop3A_826 = arith.constant 64 : index
        %parallel_loop3A_827 = tpu.vector_load %arg15[%parallel_loop3A_825, %parallel_loop3A_826] {strides = array<i32>} : memref<80x128xf32, #tpu.memory_space<vmem>>, vector<16xf32>,
        %parallel_loop3A_828 = arith.index_cast %parallel_loop3A_772 : i32 to index
        %parallel_loop3A_829 = arith.constant 64 : index
        %parallel_loop3A_830 = tpu.vector_load %arg16[%parallel_loop3A_828, %parallel_loop3A_829] {strides = array<i32>} : memref<80x128xf32, #tpu.memory_space<vmem>>, vector<16xf32>,
        %parallel_loop3A_831 = arith.addf %parallel_loop3A_827, %parallel_loop3A_830 : vector<16xf32>
        %parallel_loop3A_832 = arith.constant 0.000000e+00 : f32
        %parallel_loop3A_833 = vector.broadcast %parallel_loop3A_832 : f32 to vector<16xf32>
        %parallel_loop3A_834 = arith.maximumf %parallel_loop3A_831, %parallel_loop3A_833 : vector<16xf32>
        %parallel_loop3A_835 = arith.index_cast %parallel_loop3A_772 : i32 to index
        %parallel_loop3A_836 = arith.constant 64 : index
        %parallel_loop3A_837 = tpu.vector_load %arg15[%parallel_loop3A_835, %parallel_loop3A_836] {strides = array<i32>} : memref<80x128xf32, #tpu.memory_space<vmem>>, vector<16xf32>,
        tpu.vector_store %arg15[%parallel_loop3A_835, %parallel_loop3A_836], %parallel_loop3A_834 {strides = array<i32>} : memref<80x128xf32, #tpu.memory_space<vmem>>, vector<16xf32>,
        %parallel_loop3A_838 = arith.index_cast %parallel_loop3A_772 : i32 to index
        %parallel_loop3A_839 = arith.constant 80 : index
        %parallel_loop3A_840 = tpu.vector_load %arg15[%parallel_loop3A_838, %parallel_loop3A_839] {strides = array<i32>} : memref<80x128xf32, #tpu.memory_space<vmem>>, vector<16xf32>,
        %parallel_loop3A_841 = arith.index_cast %parallel_loop3A_772 : i32 to index
        %parallel_loop3A_842 = arith.constant 80 : index
        %parallel_loop3A_843 = tpu.vector_load %arg16[%parallel_loop3A_841, %parallel_loop3A_842] {strides = array<i32>} : memref<80x128xf32, #tpu.memory_space<vmem>>, vector<16xf32>,
        %parallel_loop3A_844 = arith.addf %parallel_loop3A_840, %parallel_loop3A_843 : vector<16xf32>
        %parallel_loop3A_845 = arith.constant 0.000000e+00 : f32
        %parallel_loop3A_846 = vector.broadcast %parallel_loop3A_845 : f32 to vector<16xf32>
        %parallel_loop3A_847 = arith.maximumf %parallel_loop3A_844, %parallel_loop3A_846 : vector<16xf32>
        %parallel_loop3A_848 = arith.index_cast %parallel_loop3A_772 : i32 to index
        %parallel_loop3A_849 = arith.constant 80 : index
        %parallel_loop3A_850 = tpu.vector_load %arg15[%parallel_loop3A_848, %parallel_loop3A_849] {strides = array<i32>} : memref<80x128xf32, #tpu.memory_space<vmem>>, vector<16xf32>,
        tpu.vector_store %arg15[%parallel_loop3A_848, %parallel_loop3A_849], %parallel_loop3A_847 {strides = array<i32>} : memref<80x128xf32, #tpu.memory_space<vmem>>, vector<16xf32>,
        %parallel_loop3A_851 = arith.index_cast %parallel_loop3A_772 : i32 to index
        %parallel_loop3A_852 = arith.constant 96 : index
        %parallel_loop3A_853 = tpu.vector_load %arg15[%parallel_loop3A_851, %parallel_loop3A_852] {strides = array<i32>} : memref<80x128xf32, #tpu.memory_space<vmem>>, vector<16xf32>,
        %parallel_loop3A_854 = arith.index_cast %parallel_loop3A_772 : i32 to index
        %parallel_loop3A_855 = arith.constant 96 : index
        %parallel_loop3A_856 = tpu.vector_load %arg16[%parallel_loop3A_854, %parallel_loop3A_855] {strides = array<i32>} : memref<80x128xf32, #tpu.memory_space<vmem>>, vector<16xf32>,
        %parallel_loop3A_857 = arith.addf %parallel_loop3A_853, %parallel_loop3A_856 : vector<16xf32>
        %parallel_loop3A_858 = arith.constant 0.000000e+00 : f32
        %parallel_loop3A_859 = vector.broadcast %parallel_loop3A_858 : f32 to vector<16xf32>
        %parallel_loop3A_860 = arith.maximumf %parallel_loop3A_857, %parallel_loop3A_859 : vector<16xf32>
        %parallel_loop3A_861 = arith.index_cast %parallel_loop3A_772 : i32 to index
        %parallel_loop3A_862 = arith.constant 96 : index
        %parallel_loop3A_863 = tpu.vector_load %arg15[%parallel_loop3A_861, %parallel_loop3A_862] {strides = array<i32>} : memref<80x128xf32, #tpu.memory_space<vmem>>, vector<16xf32>,
        tpu.vector_store %arg15[%parallel_loop3A_861, %parallel_loop3A_862], %parallel_loop3A_860 {strides = array<i32>} : memref<80x128xf32, #tpu.memory_space<vmem>>, vector<16xf32>,
        %parallel_loop3A_864 = arith.index_cast %parallel_loop3A_772 : i32 to index
        %parallel_loop3A_865 = arith.constant 112 : index
        %parallel_loop3A_866 = tpu.vector_load %arg15[%parallel_loop3A_864, %parallel_loop3A_865] {strides = array<i32>} : memref<80x128xf32, #tpu.memory_space<vmem>>, vector<16xf32>,
        %parallel_loop3A_867 = arith.index_cast %parallel_loop3A_772 : i32 to index
        %parallel_loop3A_868 = arith.constant 112 : index
        %parallel_loop3A_869 = tpu.vector_load %arg16[%parallel_loop3A_867, %parallel_loop3A_868] {strides = array<i32>} : memref<80x128xf32, #tpu.memory_space<vmem>>, vector<16xf32>,
        %parallel_loop3A_870 = arith.addf %parallel_loop3A_866, %parallel_loop3A_869 : vector<16xf32>
        %parallel_loop3A_871 = arith.constant 0.000000e+00 : f32
        %parallel_loop3A_872 = vector.broadcast %parallel_loop3A_871 : f32 to vector<16xf32>
        %parallel_loop3A_873 = arith.maximumf %parallel_loop3A_870, %parallel_loop3A_872 : vector<16xf32>
        %parallel_loop3A_874 = arith.index_cast %parallel_loop3A_772 : i32 to index
        %parallel_loop3A_875 = arith.constant 112 : index
        %parallel_loop3A_876 = tpu.vector_load %arg15[%parallel_loop3A_874, %parallel_loop3A_875] {strides = array<i32>} : memref<80x128xf32, #tpu.memory_space<vmem>>, vector<16xf32>,
        tpu.vector_store %arg15[%parallel_loop3A_874, %parallel_loop3A_875], %parallel_loop3A_873 {strides = array<i32>} : memref<80x128xf32, #tpu.memory_space<vmem>>, vector<16xf32>,
      } {sc.loop_unroll_factor = 2 : i64, sc.parallel_access}
      %dma_start3A_708 = arith.constant 0 : i32
      %dma_start3A_709 = tpu.memref_slice %arg7[%add3A_562, %dma_start3A_708] : memref<320000x128xf32, #tpu.memory_space<hbm>> -> memref<80x128xf32, #tpu.memory_space<hbm>>
      %dma_start3A_710 = arith.constant 0 : i32
      %dma_start3A_711 = tpu.memref_slice %arg7[%add3A_562, %dma_start3A_710] : memref<320000x128xf32, #tpu.memory_space<hbm>> -> memref<80x128xf32, #tpu.memory_space<hbm>>
      tpu.enqueue_dma source(%arg15 : memref<80x128xf32, #tpu.memory_space<vmem>>) target(%dma_start3A_711 : memref<80x128xf32, #tpu.memory_space<hbm>>) target_semaphore(%arg22 : memref<!tpu.dma_semaphore, #tpu.memory_space<semaphore_mem>>)
      %dma_start3A_712 = arith.constant 0 : i32
      %dma_start3A_713 = arith.constant 0 : i32
      %dma_start3A_714 = tpu.memref_slice %arg13[%dma_start3A_712, %dma_start3A_713] : memref<1x80xi32, #tpu.memory_space<vmem>> -> memref<1x80xi32, #tpu.memory_space<vmem>>
      %dma_start3A_715 = tpu.memref_squeeze %dma_start3A_714 : memref<1x80xi32, #tpu.memory_space<vmem>> -> memref<80xi32, #tpu.memory_space<vmem>>
      %dma_start3A_716 = arith.constant 0 : i32
      %dma_start3A_717 = arith.constant 0 : i32
      %dma_start3A_718 = tpu.memref_slice %arg19[%dma_start3A_716, %dma_start3A_717] : memref<10240x128xf32, #tpu.memory_space<vmem_shared>> -> memref<10240x128xf32, #tpu.memory_space<vmem_shared>>
      tpu.enqueue_indirect_dma source(%arg15 : memref<80x128xf32, #tpu.memory_space<vmem>>) target(%dma_start3A_718 : memref<10240x128xf32, #tpu.memory_space<vmem_shared>>) offsets(%dma_start3A_715 : memref<80xi32, #tpu.memory_space<vmem>>) semaphore(%arg23 : memref<!tpu.dma_semaphore, #tpu.memory_space<semaphore_mem>>) {add = true}
      %dma_start3A_719 = arith.constant 0 : i32
      %dma_start3A_720 = arith.constant 0 : i32
      %dma_start3A_721 = tpu.memref_slice %arg13[%dma_start3A_719, %dma_start3A_720] : memref<1x80xi32, #tpu.memory_space<vmem>> -> memref<1x80xi32, #tpu.memory_space<vmem>>
      %dma_start3A_722 = tpu.memref_squeeze %dma_start3A_721 : memref<1x80xi32, #tpu.memory_space<vmem>> -> memref<80xi32, #tpu.memory_space<vmem>>
      %dma_start3A_723 = arith.constant 0 : i32
      %dma_start3A_724 = arith.constant 0 : i32
      %dma_start3A_725 = tpu.memref_slice %arg20[%dma_start3A_723, %dma_start3A_724] : memref<10240x16xf32, #tpu.memory_space<vmem_shared>> -> memref<10240x16xf32, #tpu.memory_space<vmem_shared>>
      tpu.enqueue_indirect_dma source(%arg17 : memref<80x16xf32, #tpu.memory_space<vmem>>) target(%dma_start3A_725 : memref<10240x16xf32, #tpu.memory_space<vmem_shared>>) offsets(%dma_start3A_722 : memref<80xi32, #tpu.memory_space<vmem>>) semaphore(%arg24 : memref<!tpu.dma_semaphore, #tpu.memory_space<semaphore_mem>>) {add = true}
      %dma_start3A_726 = arith.constant 0 : i32
      %dma_start3A_727 = arith.constant 0 : i32
      %dma_start3A_728 = tpu.memref_slice %arg14[%dma_start3A_726, %dma_start3A_727] : memref<1x80xi32, #tpu.memory_space<vmem>> -> memref<1x80xi32, #tpu.memory_space<vmem>>
      %dma_start3A_729 = tpu.memref_squeeze %dma_start3A_728 : memref<1x80xi32, #tpu.memory_space<vmem>> -> memref<80xi32, #tpu.memory_space<vmem>>
      %dma_start3A_730 = arith.constant 0 : i32
      %dma_start3A_731 = arith.constant 0 : i32
      %dma_start3A_732 = tpu.memref_slice %arg19[%dma_start3A_730, %dma_start3A_731] : memref<10240x128xf32, #tpu.memory_space<vmem_shared>> -> memref<10240x128xf32, #tpu.memory_space<vmem_shared>>
      tpu.enqueue_indirect_dma source(%arg15 : memref<80x128xf32, #tpu.memory_space<vmem>>) target(%dma_start3A_732 : memref<10240x128xf32, #tpu.memory_space<vmem_shared>>) offsets(%dma_start3A_729 : memref<80xi32, #tpu.memory_space<vmem>>) semaphore(%arg25 : memref<!tpu.dma_semaphore, #tpu.memory_space<semaphore_mem>>) {add = true}
      %dma_start3A_733 = arith.constant 0 : i32
      %dma_start3A_734 = arith.constant 0 : i32
      %dma_start3A_735 = tpu.memref_slice %arg14[%dma_start3A_733, %dma_start3A_734] : memref<1x80xi32, #tpu.memory_space<vmem>> -> memref<1x80xi32, #tpu.memory_space<vmem>>
      %dma_start3A_736 = tpu.memref_squeeze %dma_start3A_735 : memref<1x80xi32, #tpu.memory_space<vmem>> -> memref<80xi32, #tpu.memory_space<vmem>>
      %dma_start3A_737 = arith.constant 0 : i32
      %dma_start3A_738 = arith.constant 0 : i32
      %dma_start3A_739 = tpu.memref_slice %arg20[%dma_start3A_737, %dma_start3A_738] : memref<10240x16xf32, #tpu.memory_space<vmem_shared>> -> memref<10240x16xf32, #tpu.memory_space<vmem_shared>>
      tpu.enqueue_indirect_dma source(%arg17 : memref<80x16xf32, #tpu.memory_space<vmem>>) target(%dma_start3A_739 : memref<10240x16xf32, #tpu.memory_space<vmem_shared>>) offsets(%dma_start3A_736 : memref<80xi32, #tpu.memory_space<vmem>>) semaphore(%arg26 : memref<!tpu.dma_semaphore, #tpu.memory_space<semaphore_mem>>) {add = true}
      %dma_wait3A_740 = arith.constant 0 : i32
      %dma_wait3A_741 = tpu.memref_slice %arg7[%add3A_562, %dma_wait3A_740] : memref<320000x128xf32, #tpu.memory_space<hbm>> -> memref<80x128xf32, #tpu.memory_space<hbm>>
      %dma_wait3A_742 = arith.constant 0 : i32
      %dma_wait3A_743 = tpu.memref_slice %arg7[%add3A_562, %dma_wait3A_742] : memref<320000x128xf32, #tpu.memory_space<hbm>> -> memref<80x128xf32, #tpu.memory_space<hbm>>
      tpu.wait_dma2 semaphore(%arg22 : memref<!tpu.dma_semaphore, #tpu.memory_space<semaphore_mem>>) src(%arg15 : memref<80x128xf32, #tpu.memory_space<vmem>>) dst(%dma_wait3A_743 : memref<80x128xf32, #tpu.memory_space<hbm>>)
      %dma_wait3A_744 = arith.constant 0 : i32
      %dma_wait3A_745 = arith.constant 0 : i32
      %dma_wait3A_746 = tpu.memref_slice %arg13[%dma_wait3A_744, %dma_wait3A_745] : memref<1x80xi32, #tpu.memory_space<vmem>> -> memref<1x80xi32, #tpu.memory_space<vmem>>
      %dma_wait3A_747 = tpu.memref_squeeze %dma_wait3A_746 : memref<1x80xi32, #tpu.memory_space<vmem>> -> memref<80xi32, #tpu.memory_space<vmem>>
      %dma_wait3A_748 = arith.constant 0 : i32
      %dma_wait3A_749 = arith.constant 0 : i32
      %dma_wait3A_750 = tpu.memref_slice %arg19[%dma_wait3A_748, %dma_wait3A_749] : memref<10240x128xf32, #tpu.memory_space<vmem_shared>> -> memref<10240x128xf32, #tpu.memory_space<vmem_shared>>
      tpu.wait_indirect_dma semaphore(%arg23 : memref<!tpu.dma_semaphore, #tpu.memory_space<semaphore_mem>>) src(%arg15 : memref<80x128xf32, #tpu.memory_space<vmem>>) dst(%dma_wait3A_750 : memref<10240x128xf32, #tpu.memory_space<vmem_shared>>)
      %dma_wait3A_751 = arith.constant 0 : i32
      %dma_wait3A_752 = arith.constant 0 : i32
      %dma_wait3A_753 = tpu.memref_slice %arg13[%dma_wait3A_751, %dma_wait3A_752] : memref<1x80xi32, #tpu.memory_space<vmem>> -> memref<1x80xi32, #tpu.memory_space<vmem>>
      %dma_wait3A_754 = tpu.memref_squeeze %dma_wait3A_753 : memref<1x80xi32, #tpu.memory_space<vmem>> -> memref<80xi32, #tpu.memory_space<vmem>>
      %dma_wait3A_755 = arith.constant 0 : i32
      %dma_wait3A_756 = arith.constant 0 : i32
      %dma_wait3A_757 = tpu.memref_slice %arg20[%dma_wait3A_755, %dma_wait3A_756] : memref<10240x16xf32, #tpu.memory_space<vmem_shared>> -> memref<10240x16xf32, #tpu.memory_space<vmem_shared>>
      tpu.wait_indirect_dma semaphore(%arg24 : memref<!tpu.dma_semaphore, #tpu.memory_space<semaphore_mem>>) src(%arg17 : memref<80x16xf32, #tpu.memory_space<vmem>>) dst(%dma_wait3A_757 : memref<10240x16xf32, #tpu.memory_space<vmem_shared>>)
      %dma_wait3A_758 = arith.constant 0 : i32
      %dma_wait3A_759 = arith.constant 0 : i32
      %dma_wait3A_760 = tpu.memref_slice %arg14[%dma_wait3A_758, %dma_wait3A_759] : memref<1x80xi32, #tpu.memory_space<vmem>> -> memref<1x80xi32, #tpu.memory_space<vmem>>
      %dma_wait3A_761 = tpu.memref_squeeze %dma_wait3A_760 : memref<1x80xi32, #tpu.memory_space<vmem>> -> memref<80xi32, #tpu.memory_space<vmem>>
      %dma_wait3A_762 = arith.constant 0 : i32
      %dma_wait3A_763 = arith.constant 0 : i32
      %dma_wait3A_764 = tpu.memref_slice %arg19[%dma_wait3A_762, %dma_wait3A_763] : memref<10240x128xf32, #tpu.memory_space<vmem_shared>> -> memref<10240x128xf32, #tpu.memory_space<vmem_shared>>
      tpu.wait_indirect_dma semaphore(%arg25 : memref<!tpu.dma_semaphore, #tpu.memory_space<semaphore_mem>>) src(%arg15 : memref<80x128xf32, #tpu.memory_space<vmem>>) dst(%dma_wait3A_764 : memref<10240x128xf32, #tpu.memory_space<vmem_shared>>)
      %dma_wait3A_765 = arith.constant 0 : i32
      %dma_wait3A_766 = arith.constant 0 : i32
      %dma_wait3A_767 = tpu.memref_slice %arg14[%dma_wait3A_765, %dma_wait3A_766] : memref<1x80xi32, #tpu.memory_space<vmem>> -> memref<1x80xi32, #tpu.memory_space<vmem>>
      %dma_wait3A_768 = tpu.memref_squeeze %dma_wait3A_767 : memref<1x80xi32, #tpu.memory_space<vmem>> -> memref<80xi32, #tpu.memory_space<vmem>>
      %dma_wait3A_769 = arith.constant 0 : i32
      %dma_wait3A_770 = arith.constant 0 : i32
      %dma_wait3A_771 = tpu.memref_slice %arg20[%dma_wait3A_769, %dma_wait3A_770] : memref<10240x16xf32, #tpu.memory_space<vmem_shared>> -> memref<10240x16xf32, #tpu.memory_space<vmem_shared>>
      tpu.wait_indirect_dma semaphore(%arg26 : memref<!tpu.dma_semaphore, #tpu.memory_space<semaphore_mem>>) src(%arg17 : memref<80x16xf32, #tpu.memory_space<vmem>>) dst(%dma_wait3A_771 : memref<10240x16xf32, #tpu.memory_space<vmem_shared>>)
    }
    %scan3A_82 = arith.constant 62 : i32
    %add3A_83 = arith.constant 9920 : i32
    %add3A_84 = arith.addi %mul3A_62, %add3A_83 : i32
    %dma_start3A_85 = arith.constant 0 : i32
    %dma_start3A_86 = tpu.memref_slice %arg3[%add3A_84, %dma_start3A_85] : memref<320000x128xf32, #tpu.memory_space<hbm>> -> memref<80x128xf32, #tpu.memory_space<hbm>>
    %dma_start3A_87 = arith.constant 0 : i32
    %dma_start3A_88 = tpu.memref_slice %arg3[%add3A_84, %dma_start3A_87] : memref<320000x128xf32, #tpu.memory_space<hbm>> -> memref<80x128xf32, #tpu.memory_space<hbm>>
    tpu.enqueue_dma source(%dma_start3A_88 : memref<80x128xf32, #tpu.memory_space<hbm>>) target(%arg16 : memref<80x128xf32, #tpu.memory_space<vmem>>) target_semaphore(%arg29 : memref<!tpu.dma_semaphore, #tpu.memory_space<semaphore_mem>>)
    %add3A_89 = arith.constant 9920 : i32
    %add3A_90 = arith.addi %mul3A_62, %add3A_89 : i32
    %dma_wait3A = tpu.memref_slice %arg4[%add3A_90] : memref<320000xi32, #tpu.memory_space<hbm>> -> memref<80xi32, #tpu.memory_space<hbm>>
    %dma_wait3A_91 = tpu.memref_slice %arg4[%add3A_90] : memref<320000xi32, #tpu.memory_space<hbm>> -> memref<80xi32, #tpu.memory_space<hbm>>
    tpu.wait_dma2 semaphore(%arg27 : memref<!tpu.dma_semaphore, #tpu.memory_space<semaphore_mem>>) src(%dma_wait3A_91 : memref<80xi32, #tpu.memory_space<hbm>>) dst(%arg10 : memref<80xi32, #tpu.memory_space<vmem>>)
    %dma_wait3A_92 = arith.constant 0 : i32
    %dma_wait3A_93 = arith.constant 0 : i32
    %dma_wait3A_94 = tpu.memref_slice %arg11[%dma_wait3A_92, %dma_wait3A_93] : memref<1x80xi32, #tpu.memory_space<vmem>> -> memref<1x80xi32, #tpu.memory_space<vmem>>
    %dma_wait3A_95 = tpu.memref_squeeze %dma_wait3A_94 : memref<1x80xi32, #tpu.memory_space<vmem>> -> memref<80xi32, #tpu.memory_space<vmem>>
    %dma_wait3A_96 = tpu.memref_slice %arg5[%add3A_90] : memref<320000xi32, #tpu.memory_space<hbm>> -> memref<80xi32, #tpu.memory_space<hbm>>
    %dma_wait3A_97 = arith.constant 0 : i32
    %dma_wait3A_98 = tpu.memref_slice %arg11[%dma_wait3A_92, %dma_wait3A_97] : memref<1x80xi32, #tpu.memory_space<vmem>> -> memref<1x80xi32, #tpu.memory_space<vmem>>
    %dma_wait3A_99 = tpu.memref_squeeze %dma_wait3A_98 : memref<1x80xi32, #tpu.memory_space<vmem>> -> memref<80xi32, #tpu.memory_space<vmem>>
    %dma_wait3A_100 = tpu.memref_slice %arg5[%add3A_90] : memref<320000xi32, #tpu.memory_space<hbm>> -> memref<80xi32, #tpu.memory_space<hbm>>
    tpu.wait_dma2 semaphore(%arg28 : memref<!tpu.dma_semaphore, #tpu.memory_space<semaphore_mem>>) src(%dma_wait3A_100 : memref<80xi32, #tpu.memory_space<hbm>>) dst(%dma_wait3A_99 : memref<80xi32, #tpu.memory_space<vmem>>)
    %dma_start3A_101 = arith.constant 0 : i32
    %dma_start3A_102 = arith.constant 0 : i32
    %dma_start3A_103 = tpu.memref_slice %arg2[%dma_start3A_101, %dma_start3A_102] : memref<10000x128xf32, #tpu.memory_space<hbm>> -> memref<10000x128xf32, #tpu.memory_space<hbm>>
    tpu.enqueue_indirect_dma source(%dma_start3A_103 : memref<10000x128xf32, #tpu.memory_space<hbm>>) target(%arg15 : memref<80x128xf32, #tpu.memory_space<vmem>>) offsets(%arg10 : memref<80xi32, #tpu.memory_space<vmem>>) semaphore(%arg21 : memref<!tpu.dma_semaphore, #tpu.memory_space<semaphore_mem>>)
    %get3A = arith.constant 0 : i32
    %get3A_104 = arith.index_cast %get3A : i32 to index
    %get3A_105 = arith.constant 0 : index
    %get3A_106 = tpu.vector_load %arg18[%get3A_104, %get3A_105] {strides = array<i32>} : memref<8x128xi32, #tpu.memory_space<vmem>>, vector<16xi32>,
    %get3A_107 = arith.constant 1 : i32
    %get3A_108 = arith.index_cast %get3A_107 : i32 to index
    %get3A_109 = arith.constant 0 : index
    %get3A_110 = tpu.vector_load %arg18[%get3A_108, %get3A_109] {strides = array<i32>} : memref<8x128xi32, #tpu.memory_space<vmem>>, vector<16xi32>,
    %get3A_111 = arith.constant 2 : i32
    %get3A_112 = arith.index_cast %get3A_111 : i32 to index
    %get3A_113 = arith.constant 0 : index
    %get3A_114 = tpu.vector_load %arg18[%get3A_112, %get3A_113] {strides = array<i32>} : memref<8x128xi32, #tpu.memory_space<vmem>>, vector<16xi32>,
    %broadcast_in_dim3A_115 = arith.constant 1 : i32
    %broadcast_in_dim3A_116 = vector.broadcast %broadcast_in_dim3A_115 : i32 to vector<16xi32>
    %broadcast_in_dim3A_117 = arith.constant 0 : i32
    %broadcast_in_dim3A_118 = vector.broadcast %broadcast_in_dim3A_117 : i32 to vector<16xi32>
    %mul3A_119 = arith.constant 4 : i32
    %mul3A_120 = arith.muli %arg1, %mul3A_119 : i32
    %add3A_121 = arith.constant 10000 : i32
    %add3A_122 = arith.addi %add3A_121, %mul3A_120 : i32
    %get3A_123 = arith.constant 0 : index
    %get3A_124 = tpu.vector_load %arg10[%get3A_123] {strides = array<i32>} : memref<80xi32, #tpu.memory_space<vmem>>, vector<16xi32>,
    %ge3A = arith.cmpi sge, %get3A_124, %get3A_106 : vector<16xi32>
    %select_n3A_125 = arith.select %ge3A, %broadcast_in_dim3A_116, %broadcast_in_dim3A_118 : vector<16xi1>, vector<16xi32>
    %ge3A_126 = arith.cmpi sge, %get3A_124, %get3A_110 : vector<16xi32>
    %select_n3A_127 = arith.select %ge3A_126, %broadcast_in_dim3A_116, %broadcast_in_dim3A_118 : vector<16xi1>, vector<16xi32>
    %add3A_128 = arith.addi %select_n3A_125, %select_n3A_127 : vector<16xi32>
    %ge3A_129 = arith.cmpi sge, %get3A_124, %get3A_114 : vector<16xi32>
    %select_n3A_130 = arith.select %ge3A_129, %broadcast_in_dim3A_116, %broadcast_in_dim3A_118 : vector<16xi1>, vector<16xi32>
    %add3A_131 = arith.addi %add3A_128, %select_n3A_130 : vector<16xi32>
    %add3A_132 = vector.broadcast %add3A_122 : i32 to vector<16xi32>
    %add3A_133 = arith.addi %add3A_131, %add3A_132 : vector<16xi32>
    %swap3A = arith.constant 0 : i32
    %swap3A_134 = arith.index_cast %swap3A : i32 to index
    %swap3A_135 = arith.constant 0 : index
    %swap3A_136 = tpu.vector_load %arg14[%swap3A_134, %swap3A_135] {strides = array<i32>} : memref<1x80xi32, #tpu.memory_space<vmem>>, vector<16xi32>,
    tpu.vector_store %arg14[%swap3A_134, %swap3A_135], %add3A_133 {strides = array<i32>} : memref<1x80xi32, #tpu.memory_space<vmem>>, vector<16xi32>,
    %get3A_137 = arith.constant 16 : index
    %get3A_138 = tpu.vector_load %arg10[%get3A_137] {strides = array<i32>} : memref<80xi32, #tpu.memory_space<vmem>>, vector<16xi32>,
    %ge3A_139 = arith.cmpi sge, %get3A_138, %get3A_106 : vector<16xi32>
    %select_n3A_140 = arith.select %ge3A_139, %broadcast_in_dim3A_116, %broadcast_in_dim3A_118 : vector<16xi1>, vector<16xi32>
    %ge3A_141 = arith.cmpi sge, %get3A_138, %get3A_110 : vector<16xi32>
    %select_n3A_142 = arith.select %ge3A_141, %broadcast_in_dim3A_116, %broadcast_in_dim3A_118 : vector<16xi1>, vector<16xi32>
    %add3A_143 = arith.addi %select_n3A_140, %select_n3A_142 : vector<16xi32>
    %ge3A_144 = arith.cmpi sge, %get3A_138, %get3A_114 : vector<16xi32>
    %select_n3A_145 = arith.select %ge3A_144, %broadcast_in_dim3A_116, %broadcast_in_dim3A_118 : vector<16xi1>, vector<16xi32>
    %add3A_146 = arith.addi %add3A_143, %select_n3A_145 : vector<16xi32>
    %add3A_147 = vector.broadcast %add3A_122 : i32 to vector<16xi32>
    %add3A_148 = arith.addi %add3A_146, %add3A_147 : vector<16xi32>
    %swap3A_149 = arith.constant 0 : i32
    %swap3A_150 = arith.index_cast %swap3A_149 : i32 to index
    %swap3A_151 = arith.constant 16 : index
    %swap3A_152 = tpu.vector_load %arg14[%swap3A_150, %swap3A_151] {strides = array<i32>} : memref<1x80xi32, #tpu.memory_space<vmem>>, vector<16xi32>,
    tpu.vector_store %arg14[%swap3A_150, %swap3A_151], %add3A_148 {strides = array<i32>} : memref<1x80xi32, #tpu.memory_space<vmem>>, vector<16xi32>,
    %get3A_153 = arith.constant 32 : index
    %get3A_154 = tpu.vector_load %arg10[%get3A_153] {strides = array<i32>} : memref<80xi32, #tpu.memory_space<vmem>>, vector<16xi32>,
    %ge3A_155 = arith.cmpi sge, %get3A_154, %get3A_106 : vector<16xi32>
    %select_n3A_156 = arith.select %ge3A_155, %broadcast_in_dim3A_116, %broadcast_in_dim3A_118 : vector<16xi1>, vector<16xi32>
    %ge3A_157 = arith.cmpi sge, %get3A_154, %get3A_110 : vector<16xi32>
    %select_n3A_158 = arith.select %ge3A_157, %broadcast_in_dim3A_116, %broadcast_in_dim3A_118 : vector<16xi1>, vector<16xi32>
    %add3A_159 = arith.addi %select_n3A_156, %select_n3A_158 : vector<16xi32>
    %ge3A_160 = arith.cmpi sge, %get3A_154, %get3A_114 : vector<16xi32>
    %select_n3A_161 = arith.select %ge3A_160, %broadcast_in_dim3A_116, %broadcast_in_dim3A_118 : vector<16xi1>, vector<16xi32>
    %add3A_162 = arith.addi %add3A_159, %select_n3A_161 : vector<16xi32>
    %add3A_163 = vector.broadcast %add3A_122 : i32 to vector<16xi32>
    %add3A_164 = arith.addi %add3A_162, %add3A_163 : vector<16xi32>
    %swap3A_165 = arith.constant 0 : i32
    %swap3A_166 = arith.index_cast %swap3A_165 : i32 to index
    %swap3A_167 = arith.constant 32 : index
    %swap3A_168 = tpu.vector_load %arg14[%swap3A_166, %swap3A_167] {strides = array<i32>} : memref<1x80xi32, #tpu.memory_space<vmem>>, vector<16xi32>,
    tpu.vector_store %arg14[%swap3A_166, %swap3A_167], %add3A_164 {strides = array<i32>} : memref<1x80xi32, #tpu.memory_space<vmem>>, vector<16xi32>,
    %get3A_169 = arith.constant 48 : index
    %get3A_170 = tpu.vector_load %arg10[%get3A_169] {strides = array<i32>} : memref<80xi32, #tpu.memory_space<vmem>>, vector<16xi32>,
    %ge3A_171 = arith.cmpi sge, %get3A_170, %get3A_106 : vector<16xi32>
    %select_n3A_172 = arith.select %ge3A_171, %broadcast_in_dim3A_116, %broadcast_in_dim3A_118 : vector<16xi1>, vector<16xi32>
    %ge3A_173 = arith.cmpi sge, %get3A_170, %get3A_110 : vector<16xi32>
    %select_n3A_174 = arith.select %ge3A_173, %broadcast_in_dim3A_116, %broadcast_in_dim3A_118 : vector<16xi1>, vector<16xi32>
    %add3A_175 = arith.addi %select_n3A_172, %select_n3A_174 : vector<16xi32>
    %ge3A_176 = arith.cmpi sge, %get3A_170, %get3A_114 : vector<16xi32>
    %select_n3A_177 = arith.select %ge3A_176, %broadcast_in_dim3A_116, %broadcast_in_dim3A_118 : vector<16xi1>, vector<16xi32>
    %add3A_178 = arith.addi %add3A_175, %select_n3A_177 : vector<16xi32>
    %add3A_179 = vector.broadcast %add3A_122 : i32 to vector<16xi32>
    %add3A_180 = arith.addi %add3A_178, %add3A_179 : vector<16xi32>
    %swap3A_181 = arith.constant 0 : i32
    %swap3A_182 = arith.index_cast %swap3A_181 : i32 to index
    %swap3A_183 = arith.constant 48 : index
    %swap3A_184 = tpu.vector_load %arg14[%swap3A_182, %swap3A_183] {strides = array<i32>} : memref<1x80xi32, #tpu.memory_space<vmem>>, vector<16xi32>,
    tpu.vector_store %arg14[%swap3A_182, %swap3A_183], %add3A_180 {strides = array<i32>} : memref<1x80xi32, #tpu.memory_space<vmem>>, vector<16xi32>,
    %get3A_185 = arith.constant 64 : index
    %get3A_186 = tpu.vector_load %arg10[%get3A_185] {strides = array<i32>} : memref<80xi32, #tpu.memory_space<vmem>>, vector<16xi32>,
    %ge3A_187 = arith.cmpi sge, %get3A_186, %get3A_106 : vector<16xi32>
    %select_n3A_188 = arith.select %ge3A_187, %broadcast_in_dim3A_116, %broadcast_in_dim3A_118 : vector<16xi1>, vector<16xi32>
    %ge3A_189 = arith.cmpi sge, %get3A_186, %get3A_110 : vector<16xi32>
    %select_n3A_190 = arith.select %ge3A_189, %broadcast_in_dim3A_116, %broadcast_in_dim3A_118 : vector<16xi1>, vector<16xi32>
    %add3A_191 = arith.addi %select_n3A_188, %select_n3A_190 : vector<16xi32>
    %ge3A_192 = arith.cmpi sge, %get3A_186, %get3A_114 : vector<16xi32>
    %select_n3A_193 = arith.select %ge3A_192, %broadcast_in_dim3A_116, %broadcast_in_dim3A_118 : vector<16xi1>, vector<16xi32>
    %add3A_194 = arith.addi %add3A_191, %select_n3A_193 : vector<16xi32>
    %add3A_195 = vector.broadcast %add3A_122 : i32 to vector<16xi32>
    %add3A_196 = arith.addi %add3A_194, %add3A_195 : vector<16xi32>
    %swap3A_197 = arith.constant 0 : i32
    %swap3A_198 = arith.index_cast %swap3A_197 : i32 to index
    %swap3A_199 = arith.constant 64 : index
    %swap3A_200 = tpu.vector_load %arg14[%swap3A_198, %swap3A_199] {strides = array<i32>} : memref<1x80xi32, #tpu.memory_space<vmem>>, vector<16xi32>,
    tpu.vector_store %arg14[%swap3A_198, %swap3A_199], %add3A_196 {strides = array<i32>} : memref<1x80xi32, #tpu.memory_space<vmem>>, vector<16xi32>,
    %dma_wait3A_201 = arith.constant 0 : i32
    %dma_wait3A_202 = tpu.memref_slice %arg3[%add3A_84, %dma_wait3A_201] : memref<320000x128xf32, #tpu.memory_space<hbm>> -> memref<80x128xf32, #tpu.memory_space<hbm>>
    %dma_wait3A_203 = arith.constant 0 : i32
    %dma_wait3A_204 = tpu.memref_slice %arg3[%add3A_84, %dma_wait3A_203] : memref<320000x128xf32, #tpu.memory_space<hbm>> -> memref<80x128xf32, #tpu.memory_space<hbm>>
    tpu.wait_dma2 semaphore(%arg29 : memref<!tpu.dma_semaphore, #tpu.memory_space<semaphore_mem>>) src(%dma_wait3A_204 : memref<80x128xf32, #tpu.memory_space<hbm>>) dst(%arg16 : memref<80x128xf32, #tpu.memory_space<vmem>>)
    %dma_wait3A_205 = arith.constant 0 : i32
    %dma_wait3A_206 = arith.constant 0 : i32
    %dma_wait3A_207 = tpu.memref_slice %arg2[%dma_wait3A_205, %dma_wait3A_206] : memref<10000x128xf32, #tpu.memory_space<hbm>> -> memref<10000x128xf32, #tpu.memory_space<hbm>>
    tpu.wait_indirect_dma semaphore(%arg21 : memref<!tpu.dma_semaphore, #tpu.memory_space<semaphore_mem>>) src(%dma_wait3A_207 : memref<10000x128xf32, #tpu.memory_space<hbm>>) dst(%arg15 : memref<80x128xf32, #tpu.memory_space<vmem>>)
    %parallel_loop3A = arith.constant 0 : i32
    %parallel_loop3A_208 = arith.constant 80 : i32
    %parallel_loop3A_209 = arith.constant 1 : i32
    scf.for %parallel_loop3A_339 = %parallel_loop3A to %parallel_loop3A_208 step %parallel_loop3A_209  : i32 {
      %parallel_loop3A_340 = arith.index_cast %parallel_loop3A_339 : i32 to index
      %parallel_loop3A_341 = arith.constant 0 : index
      %parallel_loop3A_342 = tpu.vector_load %arg15[%parallel_loop3A_340, %parallel_loop3A_341] {strides = array<i32>} : memref<80x128xf32, #tpu.memory_space<vmem>>, vector<16xf32>,
      %parallel_loop3A_343 = arith.index_cast %parallel_loop3A_339 : i32 to index
      %parallel_loop3A_344 = arith.constant 0 : index
      %parallel_loop3A_345 = tpu.vector_load %arg16[%parallel_loop3A_343, %parallel_loop3A_344] {strides = array<i32>} : memref<80x128xf32, #tpu.memory_space<vmem>>, vector<16xf32>,
      %parallel_loop3A_346 = arith.addf %parallel_loop3A_342, %parallel_loop3A_345 : vector<16xf32>
      %parallel_loop3A_347 = arith.constant 0.000000e+00 : f32
      %parallel_loop3A_348 = vector.broadcast %parallel_loop3A_347 : f32 to vector<16xf32>
      %parallel_loop3A_349 = arith.maximumf %parallel_loop3A_346, %parallel_loop3A_348 : vector<16xf32>
      %parallel_loop3A_350 = arith.index_cast %parallel_loop3A_339 : i32 to index
      %parallel_loop3A_351 = arith.constant 0 : index
      %parallel_loop3A_352 = tpu.vector_load %arg15[%parallel_loop3A_350, %parallel_loop3A_351] {strides = array<i32>} : memref<80x128xf32, #tpu.memory_space<vmem>>, vector<16xf32>,
      tpu.vector_store %arg15[%parallel_loop3A_350, %parallel_loop3A_351], %parallel_loop3A_349 {strides = array<i32>} : memref<80x128xf32, #tpu.memory_space<vmem>>, vector<16xf32>,
      %parallel_loop3A_353 = arith.index_cast %parallel_loop3A_339 : i32 to index
      %parallel_loop3A_354 = arith.constant 16 : index
      %parallel_loop3A_355 = tpu.vector_load %arg15[%parallel_loop3A_353, %parallel_loop3A_354] {strides = array<i32>} : memref<80x128xf32, #tpu.memory_space<vmem>>, vector<16xf32>,
      %parallel_loop3A_356 = arith.index_cast %parallel_loop3A_339 : i32 to index
      %parallel_loop3A_357 = arith.constant 16 : index
      %parallel_loop3A_358 = tpu.vector_load %arg16[%parallel_loop3A_356, %parallel_loop3A_357] {strides = array<i32>} : memref<80x128xf32, #tpu.memory_space<vmem>>, vector<16xf32>,
      %parallel_loop3A_359 = arith.addf %parallel_loop3A_355, %parallel_loop3A_358 : vector<16xf32>
      %parallel_loop3A_360 = arith.constant 0.000000e+00 : f32
      %parallel_loop3A_361 = vector.broadcast %parallel_loop3A_360 : f32 to vector<16xf32>
      %parallel_loop3A_362 = arith.maximumf %parallel_loop3A_359, %parallel_loop3A_361 : vector<16xf32>
      %parallel_loop3A_363 = arith.index_cast %parallel_loop3A_339 : i32 to index
      %parallel_loop3A_364 = arith.constant 16 : index
      %parallel_loop3A_365 = tpu.vector_load %arg15[%parallel_loop3A_363, %parallel_loop3A_364] {strides = array<i32>} : memref<80x128xf32, #tpu.memory_space<vmem>>, vector<16xf32>,
      tpu.vector_store %arg15[%parallel_loop3A_363, %parallel_loop3A_364], %parallel_loop3A_362 {strides = array<i32>} : memref<80x128xf32, #tpu.memory_space<vmem>>, vector<16xf32>,
      %parallel_loop3A_366 = arith.index_cast %parallel_loop3A_339 : i32 to index
      %parallel_loop3A_367 = arith.constant 32 : index
      %parallel_loop3A_368 = tpu.vector_load %arg15[%parallel_loop3A_366, %parallel_loop3A_367] {strides = array<i32>} : memref<80x128xf32, #tpu.memory_space<vmem>>, vector<16xf32>,
      %parallel_loop3A_369 = arith.index_cast %parallel_loop3A_339 : i32 to index
      %parallel_loop3A_370 = arith.constant 32 : index
      %parallel_loop3A_371 = tpu.vector_load %arg16[%parallel_loop3A_369, %parallel_loop3A_370] {strides = array<i32>} : memref<80x128xf32, #tpu.memory_space<vmem>>, vector<16xf32>,
      %parallel_loop3A_372 = arith.addf %parallel_loop3A_368, %parallel_loop3A_371 : vector<16xf32>
      %parallel_loop3A_373 = arith.constant 0.000000e+00 : f32
      %parallel_loop3A_374 = vector.broadcast %parallel_loop3A_373 : f32 to vector<16xf32>
      %parallel_loop3A_375 = arith.maximumf %parallel_loop3A_372, %parallel_loop3A_374 : vector<16xf32>
      %parallel_loop3A_376 = arith.index_cast %parallel_loop3A_339 : i32 to index
      %parallel_loop3A_377 = arith.constant 32 : index
      %parallel_loop3A_378 = tpu.vector_load %arg15[%parallel_loop3A_376, %parallel_loop3A_377] {strides = array<i32>} : memref<80x128xf32, #tpu.memory_space<vmem>>, vector<16xf32>,
      tpu.vector_store %arg15[%parallel_loop3A_376, %parallel_loop3A_377], %parallel_loop3A_375 {strides = array<i32>} : memref<80x128xf32, #tpu.memory_space<vmem>>, vector<16xf32>,
      %parallel_loop3A_379 = arith.index_cast %parallel_loop3A_339 : i32 to index
      %parallel_loop3A_380 = arith.constant 48 : index
      %parallel_loop3A_381 = tpu.vector_load %arg15[%parallel_loop3A_379, %parallel_loop3A_380] {strides = array<i32>} : memref<80x128xf32, #tpu.memory_space<vmem>>, vector<16xf32>,
      %parallel_loop3A_382 = arith.index_cast %parallel_loop3A_339 : i32 to index
      %parallel_loop3A_383 = arith.constant 48 : index
      %parallel_loop3A_384 = tpu.vector_load %arg16[%parallel_loop3A_382, %parallel_loop3A_383] {strides = array<i32>} : memref<80x128xf32, #tpu.memory_space<vmem>>, vector<16xf32>,
      %parallel_loop3A_385 = arith.addf %parallel_loop3A_381, %parallel_loop3A_384 : vector<16xf32>
      %parallel_loop3A_386 = arith.constant 0.000000e+00 : f32
      %parallel_loop3A_387 = vector.broadcast %parallel_loop3A_386 : f32 to vector<16xf32>
      %parallel_loop3A_388 = arith.maximumf %parallel_loop3A_385, %parallel_loop3A_387 : vector<16xf32>
      %parallel_loop3A_389 = arith.index_cast %parallel_loop3A_339 : i32 to index
      %parallel_loop3A_390 = arith.constant 48 : index
      %parallel_loop3A_391 = tpu.vector_load %arg15[%parallel_loop3A_389, %parallel_loop3A_390] {strides = array<i32>} : memref<80x128xf32, #tpu.memory_space<vmem>>, vector<16xf32>,
      tpu.vector_store %arg15[%parallel_loop3A_389, %parallel_loop3A_390], %parallel_loop3A_388 {strides = array<i32>} : memref<80x128xf32, #tpu.memory_space<vmem>>, vector<16xf32>,
      %parallel_loop3A_392 = arith.index_cast %parallel_loop3A_339 : i32 to index
      %parallel_loop3A_393 = arith.constant 64 : index
      %parallel_loop3A_394 = tpu.vector_load %arg15[%parallel_loop3A_392, %parallel_loop3A_393] {strides = array<i32>} : memref<80x128xf32, #tpu.memory_space<vmem>>, vector<16xf32>,
      %parallel_loop3A_395 = arith.index_cast %parallel_loop3A_339 : i32 to index
      %parallel_loop3A_396 = arith.constant 64 : index
      %parallel_loop3A_397 = tpu.vector_load %arg16[%parallel_loop3A_395, %parallel_loop3A_396] {strides = array<i32>} : memref<80x128xf32, #tpu.memory_space<vmem>>, vector<16xf32>,
      %parallel_loop3A_398 = arith.addf %parallel_loop3A_394, %parallel_loop3A_397 : vector<16xf32>
      %parallel_loop3A_399 = arith.constant 0.000000e+00 : f32
      %parallel_loop3A_400 = vector.broadcast %parallel_loop3A_399 : f32 to vector<16xf32>
      %parallel_loop3A_401 = arith.maximumf %parallel_loop3A_398, %parallel_loop3A_400 : vector<16xf32>
      %parallel_loop3A_402 = arith.index_cast %parallel_loop3A_339 : i32 to index
      %parallel_loop3A_403 = arith.constant 64 : index
      %parallel_loop3A_404 = tpu.vector_load %arg15[%parallel_loop3A_402, %parallel_loop3A_403] {strides = array<i32>} : memref<80x128xf32, #tpu.memory_space<vmem>>, vector<16xf32>,
      tpu.vector_store %arg15[%parallel_loop3A_402, %parallel_loop3A_403], %parallel_loop3A_401 {strides = array<i32>} : memref<80x128xf32, #tpu.memory_space<vmem>>, vector<16xf32>,
      %parallel_loop3A_405 = arith.index_cast %parallel_loop3A_339 : i32 to index
      %parallel_loop3A_406 = arith.constant 80 : index
      %parallel_loop3A_407 = tpu.vector_load %arg15[%parallel_loop3A_405, %parallel_loop3A_406] {strides = array<i32>} : memref<80x128xf32, #tpu.memory_space<vmem>>, vector<16xf32>,
      %parallel_loop3A_408 = arith.index_cast %parallel_loop3A_339 : i32 to index
      %parallel_loop3A_409 = arith.constant 80 : index
      %parallel_loop3A_410 = tpu.vector_load %arg16[%parallel_loop3A_408, %parallel_loop3A_409] {strides = array<i32>} : memref<80x128xf32, #tpu.memory_space<vmem>>, vector<16xf32>,
      %parallel_loop3A_411 = arith.addf %parallel_loop3A_407, %parallel_loop3A_410 : vector<16xf32>
      %parallel_loop3A_412 = arith.constant 0.000000e+00 : f32
      %parallel_loop3A_413 = vector.broadcast %parallel_loop3A_412 : f32 to vector<16xf32>
      %parallel_loop3A_414 = arith.maximumf %parallel_loop3A_411, %parallel_loop3A_413 : vector<16xf32>
      %parallel_loop3A_415 = arith.index_cast %parallel_loop3A_339 : i32 to index
      %parallel_loop3A_416 = arith.constant 80 : index
      %parallel_loop3A_417 = tpu.vector_load %arg15[%parallel_loop3A_415, %parallel_loop3A_416] {strides = array<i32>} : memref<80x128xf32, #tpu.memory_space<vmem>>, vector<16xf32>,
      tpu.vector_store %arg15[%parallel_loop3A_415, %parallel_loop3A_416], %parallel_loop3A_414 {strides = array<i32>} : memref<80x128xf32, #tpu.memory_space<vmem>>, vector<16xf32>,
      %parallel_loop3A_418 = arith.index_cast %parallel_loop3A_339 : i32 to index
      %parallel_loop3A_419 = arith.constant 96 : index
      %parallel_loop3A_420 = tpu.vector_load %arg15[%parallel_loop3A_418, %parallel_loop3A_419] {strides = array<i32>} : memref<80x128xf32, #tpu.memory_space<vmem>>, vector<16xf32>,
      %parallel_loop3A_421 = arith.index_cast %parallel_loop3A_339 : i32 to index
      %parallel_loop3A_422 = arith.constant 96 : index
      %parallel_loop3A_423 = tpu.vector_load %arg16[%parallel_loop3A_421, %parallel_loop3A_422] {strides = array<i32>} : memref<80x128xf32, #tpu.memory_space<vmem>>, vector<16xf32>,
      %parallel_loop3A_424 = arith.addf %parallel_loop3A_420, %parallel_loop3A_423 : vector<16xf32>
      %parallel_loop3A_425 = arith.constant 0.000000e+00 : f32
      %parallel_loop3A_426 = vector.broadcast %parallel_loop3A_425 : f32 to vector<16xf32>
      %parallel_loop3A_427 = arith.maximumf %parallel_loop3A_424, %parallel_loop3A_426 : vector<16xf32>
      %parallel_loop3A_428 = arith.index_cast %parallel_loop3A_339 : i32 to index
      %parallel_loop3A_429 = arith.constant 96 : index
      %parallel_loop3A_430 = tpu.vector_load %arg15[%parallel_loop3A_428, %parallel_loop3A_429] {strides = array<i32>} : memref<80x128xf32, #tpu.memory_space<vmem>>, vector<16xf32>,
      tpu.vector_store %arg15[%parallel_loop3A_428, %parallel_loop3A_429], %parallel_loop3A_427 {strides = array<i32>} : memref<80x128xf32, #tpu.memory_space<vmem>>, vector<16xf32>,
      %parallel_loop3A_431 = arith.index_cast %parallel_loop3A_339 : i32 to index
      %parallel_loop3A_432 = arith.constant 112 : index
      %parallel_loop3A_433 = tpu.vector_load %arg15[%parallel_loop3A_431, %parallel_loop3A_432] {strides = array<i32>} : memref<80x128xf32, #tpu.memory_space<vmem>>, vector<16xf32>,
      %parallel_loop3A_434 = arith.index_cast %parallel_loop3A_339 : i32 to index
      %parallel_loop3A_435 = arith.constant 112 : index
      %parallel_loop3A_436 = tpu.vector_load %arg16[%parallel_loop3A_434, %parallel_loop3A_435] {strides = array<i32>} : memref<80x128xf32, #tpu.memory_space<vmem>>, vector<16xf32>,
      %parallel_loop3A_437 = arith.addf %parallel_loop3A_433, %parallel_loop3A_436 : vector<16xf32>
      %parallel_loop3A_438 = arith.constant 0.000000e+00 : f32
      %parallel_loop3A_439 = vector.broadcast %parallel_loop3A_438 : f32 to vector<16xf32>
      %parallel_loop3A_440 = arith.maximumf %parallel_loop3A_437, %parallel_loop3A_439 : vector<16xf32>
      %parallel_loop3A_441 = arith.index_cast %parallel_loop3A_339 : i32 to index
      %parallel_loop3A_442 = arith.constant 112 : index
      %parallel_loop3A_443 = tpu.vector_load %arg15[%parallel_loop3A_441, %parallel_loop3A_442] {strides = array<i32>} : memref<80x128xf32, #tpu.memory_space<vmem>>, vector<16xf32>,
      tpu.vector_store %arg15[%parallel_loop3A_441, %parallel_loop3A_442], %parallel_loop3A_440 {strides = array<i32>} : memref<80x128xf32, #tpu.memory_space<vmem>>, vector<16xf32>,
    } {sc.loop_unroll_factor = 2 : i64, sc.parallel_access}
    %dma_start3A_210 = arith.constant 0 : i32
    %dma_start3A_211 = tpu.memref_slice %arg7[%add3A_84, %dma_start3A_210] : memref<320000x128xf32, #tpu.memory_space<hbm>> -> memref<80x128xf32, #tpu.memory_space<hbm>>
    %dma_start3A_212 = arith.constant 0 : i32
    %dma_start3A_213 = tpu.memref_slice %arg7[%add3A_84, %dma_start3A_212] : memref<320000x128xf32, #tpu.memory_space<hbm>> -> memref<80x128xf32, #tpu.memory_space<hbm>>
    tpu.enqueue_dma source(%arg15 : memref<80x128xf32, #tpu.memory_space<vmem>>) target(%dma_start3A_213 : memref<80x128xf32, #tpu.memory_space<hbm>>) target_semaphore(%arg22 : memref<!tpu.dma_semaphore, #tpu.memory_space<semaphore_mem>>)
    %dma_start3A_214 = arith.constant 0 : i32
    %dma_start3A_215 = arith.constant 0 : i32
    %dma_start3A_216 = tpu.memref_slice %arg11[%dma_start3A_214, %dma_start3A_215] : memref<1x80xi32, #tpu.memory_space<vmem>> -> memref<1x80xi32, #tpu.memory_space<vmem>>
    %dma_start3A_217 = tpu.memref_squeeze %dma_start3A_216 : memref<1x80xi32, #tpu.memory_space<vmem>> -> memref<80xi32, #tpu.memory_space<vmem>>
    %dma_start3A_218 = arith.constant 0 : i32
    %dma_start3A_219 = arith.constant 0 : i32
    %dma_start3A_220 = tpu.memref_slice %arg19[%dma_start3A_218, %dma_start3A_219] : memref<10240x128xf32, #tpu.memory_space<vmem_shared>> -> memref<10240x128xf32, #tpu.memory_space<vmem_shared>>
    tpu.enqueue_indirect_dma source(%arg15 : memref<80x128xf32, #tpu.memory_space<vmem>>) target(%dma_start3A_220 : memref<10240x128xf32, #tpu.memory_space<vmem_shared>>) offsets(%dma_start3A_217 : memref<80xi32, #tpu.memory_space<vmem>>) semaphore(%arg23 : memref<!tpu.dma_semaphore, #tpu.memory_space<semaphore_mem>>) {add = true}
    %dma_start3A_221 = arith.constant 0 : i32
    %dma_start3A_222 = arith.constant 0 : i32
    %dma_start3A_223 = tpu.memref_slice %arg11[%dma_start3A_221, %dma_start3A_222] : memref<1x80xi32, #tpu.memory_space<vmem>> -> memref<1x80xi32, #tpu.memory_space<vmem>>
    %dma_start3A_224 = tpu.memref_squeeze %dma_start3A_223 : memref<1x80xi32, #tpu.memory_space<vmem>> -> memref<80xi32, #tpu.memory_space<vmem>>
    %dma_start3A_225 = arith.constant 0 : i32
    %dma_start3A_226 = arith.constant 0 : i32
    %dma_start3A_227 = tpu.memref_slice %arg20[%dma_start3A_225, %dma_start3A_226] : memref<10240x16xf32, #tpu.memory_space<vmem_shared>> -> memref<10240x16xf32, #tpu.memory_space<vmem_shared>>
    tpu.enqueue_indirect_dma source(%arg17 : memref<80x16xf32, #tpu.memory_space<vmem>>) target(%dma_start3A_227 : memref<10240x16xf32, #tpu.memory_space<vmem_shared>>) offsets(%dma_start3A_224 : memref<80xi32, #tpu.memory_space<vmem>>) semaphore(%arg24 : memref<!tpu.dma_semaphore, #tpu.memory_space<semaphore_mem>>) {add = true}
    %dma_start3A_228 = arith.constant 0 : i32
    %dma_start3A_229 = arith.constant 0 : i32
    %dma_start3A_230 = tpu.memref_slice %arg14[%dma_start3A_228, %dma_start3A_229] : memref<1x80xi32, #tpu.memory_space<vmem>> -> memref<1x80xi32, #tpu.memory_space<vmem>>
    %dma_start3A_231 = tpu.memref_squeeze %dma_start3A_230 : memref<1x80xi32, #tpu.memory_space<vmem>> -> memref<80xi32, #tpu.memory_space<vmem>>
    %dma_start3A_232 = arith.constant 0 : i32
    %dma_start3A_233 = arith.constant 0 : i32
    %dma_start3A_234 = tpu.memref_slice %arg19[%dma_start3A_232, %dma_start3A_233] : memref<10240x128xf32, #tpu.memory_space<vmem_shared>> -> memref<10240x128xf32, #tpu.memory_space<vmem_shared>>
    tpu.enqueue_indirect_dma source(%arg15 : memref<80x128xf32, #tpu.memory_space<vmem>>) target(%dma_start3A_234 : memref<10240x128xf32, #tpu.memory_space<vmem_shared>>) offsets(%dma_start3A_231 : memref<80xi32, #tpu.memory_space<vmem>>) semaphore(%arg25 : memref<!tpu.dma_semaphore, #tpu.memory_space<semaphore_mem>>) {add = true}
    %dma_start3A_235 = arith.constant 0 : i32
    %dma_start3A_236 = arith.constant 0 : i32
    %dma_start3A_237 = tpu.memref_slice %arg14[%dma_start3A_235, %dma_start3A_236] : memref<1x80xi32, #tpu.memory_space<vmem>> -> memref<1x80xi32, #tpu.memory_space<vmem>>
    %dma_start3A_238 = tpu.memref_squeeze %dma_start3A_237 : memref<1x80xi32, #tpu.memory_space<vmem>> -> memref<80xi32, #tpu.memory_space<vmem>>
    %dma_start3A_239 = arith.constant 0 : i32
    %dma_start3A_240 = arith.constant 0 : i32
    %dma_start3A_241 = tpu.memref_slice %arg20[%dma_start3A_239, %dma_start3A_240] : memref<10240x16xf32, #tpu.memory_space<vmem_shared>> -> memref<10240x16xf32, #tpu.memory_space<vmem_shared>>
    tpu.enqueue_indirect_dma source(%arg17 : memref<80x16xf32, #tpu.memory_space<vmem>>) target(%dma_start3A_241 : memref<10240x16xf32, #tpu.memory_space<vmem_shared>>) offsets(%dma_start3A_238 : memref<80xi32, #tpu.memory_space<vmem>>) semaphore(%arg26 : memref<!tpu.dma_semaphore, #tpu.memory_space<semaphore_mem>>) {add = true}
    %dma_wait3A_242 = arith.constant 0 : i32
    %dma_wait3A_243 = tpu.memref_slice %arg7[%add3A_84, %dma_wait3A_242] : memref<320000x128xf32, #tpu.memory_space<hbm>> -> memref<80x128xf32, #tpu.memory_space<hbm>>
    %dma_wait3A_244 = arith.constant 0 : i32
    %dma_wait3A_245 = tpu.memref_slice %arg7[%add3A_84, %dma_wait3A_244] : memref<320000x128xf32, #tpu.memory_space<hbm>> -> memref<80x128xf32, #tpu.memory_space<hbm>>
    tpu.wait_dma2 semaphore(%arg22 : memref<!tpu.dma_semaphore, #tpu.memory_space<semaphore_mem>>) src(%arg15 : memref<80x128xf32, #tpu.memory_space<vmem>>) dst(%dma_wait3A_245 : memref<80x128xf32, #tpu.memory_space<hbm>>)
    %dma_wait3A_246 = arith.constant 0 : i32
    %dma_wait3A_247 = arith.constant 0 : i32
    %dma_wait3A_248 = tpu.memref_slice %arg11[%dma_wait3A_246, %dma_wait3A_247] : memref<1x80xi32, #tpu.memory_space<vmem>> -> memref<1x80xi32, #tpu.memory_space<vmem>>
    %dma_wait3A_249 = tpu.memref_squeeze %dma_wait3A_248 : memref<1x80xi32, #tpu.memory_space<vmem>> -> memref<80xi32, #tpu.memory_space<vmem>>
    %dma_wait3A_250 = arith.constant 0 : i32
    %dma_wait3A_251 = arith.constant 0 : i32
    %dma_wait3A_252 = tpu.memref_slice %arg19[%dma_wait3A_250, %dma_wait3A_251] : memref<10240x128xf32, #tpu.memory_space<vmem_shared>> -> memref<10240x128xf32, #tpu.memory_space<vmem_shared>>
    tpu.wait_indirect_dma semaphore(%arg23 : memref<!tpu.dma_semaphore, #tpu.memory_space<semaphore_mem>>) src(%arg15 : memref<80x128xf32, #tpu.memory_space<vmem>>) dst(%dma_wait3A_252 : memref<10240x128xf32, #tpu.memory_space<vmem_shared>>)
    %dma_wait3A_253 = arith.constant 0 : i32
    %dma_wait3A_254 = arith.constant 0 : i32
    %dma_wait3A_255 = tpu.memref_slice %arg11[%dma_wait3A_253, %dma_wait3A_254] : memref<1x80xi32, #tpu.memory_space<vmem>> -> memref<1x80xi32, #tpu.memory_space<vmem>>
    %dma_wait3A_256 = tpu.memref_squeeze %dma_wait3A_255 : memref<1x80xi32, #tpu.memory_space<vmem>> -> memref<80xi32, #tpu.memory_space<vmem>>
    %dma_wait3A_257 = arith.constant 0 : i32
    %dma_wait3A_258 = arith.constant 0 : i32
    %dma_wait3A_259 = tpu.memref_slice %arg20[%dma_wait3A_257, %dma_wait3A_258] : memref<10240x16xf32, #tpu.memory_space<vmem_shared>> -> memref<10240x16xf32, #tpu.memory_space<vmem_shared>>
    tpu.wait_indirect_dma semaphore(%arg24 : memref<!tpu.dma_semaphore, #tpu.memory_space<semaphore_mem>>) src(%arg17 : memref<80x16xf32, #tpu.memory_space<vmem>>) dst(%dma_wait3A_259 : memref<10240x16xf32, #tpu.memory_space<vmem_shared>>)
    %dma_wait3A_260 = arith.constant 0 : i32
    %dma_wait3A_261 = arith.constant 0 : i32
    %dma_wait3A_262 = tpu.memref_slice %arg14[%dma_wait3A_260, %dma_wait3A_261] : memref<1x80xi32, #tpu.memory_space<vmem>> -> memref<1x80xi32, #tpu.memory_space<vmem>>
    %dma_wait3A_263 = tpu.memref_squeeze %dma_wait3A_262 : memref<1x80xi32, #tpu.memory_space<vmem>> -> memref<80xi32, #tpu.memory_space<vmem>>
    %dma_wait3A_264 = arith.constant 0 : i32
    %dma_wait3A_265 = arith.constant 0 : i32
    %dma_wait3A_266 = tpu.memref_slice %arg19[%dma_wait3A_264, %dma_wait3A_265] : memref<10240x128xf32, #tpu.memory_space<vmem_shared>> -> memref<10240x128xf32, #tpu.memory_space<vmem_shared>>
    tpu.wait_indirect_dma semaphore(%arg25 : memref<!tpu.dma_semaphore, #tpu.memory_space<semaphore_mem>>) src(%arg15 : memref<80x128xf32, #tpu.memory_space<vmem>>) dst(%dma_wait3A_266 : memref<10240x128xf32, #tpu.memory_space<vmem_shared>>)
    %dma_wait3A_267 = arith.constant 0 : i32
    %dma_wait3A_268 = arith.constant 0 : i32
    %dma_wait3A_269 = tpu.memref_slice %arg14[%dma_wait3A_267, %dma_wait3A_268] : memref<1x80xi32, #tpu.memory_space<vmem>> -> memref<1x80xi32, #tpu.memory_space<vmem>>
    %dma_wait3A_270 = tpu.memref_squeeze %dma_wait3A_269 : memref<1x80xi32, #tpu.memory_space<vmem>> -> memref<80xi32, #tpu.memory_space<vmem>>
    %dma_wait3A_271 = arith.constant 0 : i32
    %dma_wait3A_272 = arith.constant 0 : i32
    %dma_wait3A_273 = tpu.memref_slice %arg20[%dma_wait3A_271, %dma_wait3A_272] : memref<10240x16xf32, #tpu.memory_space<vmem_shared>> -> memref<10240x16xf32, #tpu.memory_space<vmem_shared>>
    tpu.wait_indirect_dma semaphore(%arg26 : memref<!tpu.dma_semaphore, #tpu.memory_space<semaphore_mem>>) src(%arg17 : memref<80x16xf32, #tpu.memory_space<vmem>>) dst(%dma_wait3A_273 : memref<10240x16xf32, #tpu.memory_space<vmem_shared>>)
    %barrier3A_274 = arith.constant 0 : index
    tpu.barrier barrier_id(%barrier3A_274)
    %add3A_275 = arith.constant 0 : i32
    %add3A_276 = arith.addi %mul3A_14, %add3A_275 : i32
    "tpu.region"() ({
      %run_scoped3A = tpu.sem_alloc : memref<!tpu.dma_semaphore, #tpu.memory_space<semaphore_mem>>
      %dma_start3A_339 = arith.constant 0 : i32
      %dma_start3A_340 = tpu.memref_slice %arg19[%add3A_276, %dma_start3A_339] : memref<10240x128xf32, #tpu.memory_space<vmem_shared>> -> memref<80x128xf32, #tpu.memory_space<vmem_shared>>
      %dma_start3A_341 = arith.constant 0 : i32
      %dma_start3A_342 = tpu.memref_slice %arg19[%add3A_276, %dma_start3A_341] : memref<10240x128xf32, #tpu.memory_space<vmem_shared>> -> memref<80x128xf32, #tpu.memory_space<vmem_shared>>
      tpu.enqueue_dma source(%dma_start3A_342 : memref<80x128xf32, #tpu.memory_space<vmem_shared>>) target(%arg15 : memref<80x128xf32, #tpu.memory_space<vmem>>) target_semaphore(%run_scoped3A : memref<!tpu.dma_semaphore, #tpu.memory_space<semaphore_mem>>)
      %dma_wait3A_343 = arith.constant 0 : i32
      %dma_wait3A_344 = tpu.memref_slice %arg19[%add3A_276, %dma_wait3A_343] : memref<10240x128xf32, #tpu.memory_space<vmem_shared>> -> memref<80x128xf32, #tpu.memory_space<vmem_shared>>
      %dma_wait3A_345 = arith.constant 0 : i32
      %dma_wait3A_346 = tpu.memref_slice %arg19[%add3A_276, %dma_wait3A_345] : memref<10240x128xf32, #tpu.memory_space<vmem_shared>> -> memref<80x128xf32, #tpu.memory_space<vmem_shared>>
      tpu.wait_dma2 semaphore(%run_scoped3A : memref<!tpu.dma_semaphore, #tpu.memory_space<semaphore_mem>>) src(%dma_wait3A_346 : memref<80x128xf32, #tpu.memory_space<vmem_shared>>) dst(%arg15 : memref<80x128xf32, #tpu.memory_space<vmem>>)
      tpu.yield
    }) : () -> ()
    %add3A_277 = arith.constant 0 : i32
    %add3A_278 = arith.addi %add3A_17, %add3A_277 : i32
    "tpu.region"() ({
      %run_scoped3A = tpu.sem_alloc : memref<!tpu.dma_semaphore, #tpu.memory_space<semaphore_mem>>
      %dma_start3A_339 = arith.constant 0 : i32
      %dma_start3A_340 = tpu.memref_slice %arg8[%add3A_278, %dma_start3A_339] : memref<20480x128xf32, #tpu.memory_space<hbm>> -> memref<80x128xf32, #tpu.memory_space<hbm>>
      %dma_start3A_341 = arith.constant 0 : i32
      %dma_start3A_342 = tpu.memref_slice %arg8[%add3A_278, %dma_start3A_341] : memref<20480x128xf32, #tpu.memory_space<hbm>> -> memref<80x128xf32, #tpu.memory_space<hbm>>
      tpu.enqueue_dma source(%arg15 : memref<80x128xf32, #tpu.memory_space<vmem>>) target(%dma_start3A_342 : memref<80x128xf32, #tpu.memory_space<hbm>>) target_semaphore(%run_scoped3A : memref<!tpu.dma_semaphore, #tpu.memory_space<semaphore_mem>>)
      %dma_wait3A_343 = arith.constant 0 : i32
      %dma_wait3A_344 = tpu.memref_slice %arg8[%add3A_278, %dma_wait3A_343] : memref<20480x128xf32, #tpu.memory_space<hbm>> -> memref<80x128xf32, #tpu.memory_space<hbm>>
      %dma_wait3A_345 = arith.constant 0 : i32
      %dma_wait3A_346 = tpu.memref_slice %arg8[%add3A_278, %dma_wait3A_345] : memref<20480x128xf32, #tpu.memory_space<hbm>> -> memref<80x128xf32, #tpu.memory_space<hbm>>
      tpu.wait_dma2 semaphore(%run_scoped3A : memref<!tpu.dma_semaphore, #tpu.memory_space<semaphore_mem>>) src(%arg15 : memref<80x128xf32, #tpu.memory_space<vmem>>) dst(%dma_wait3A_346 : memref<80x128xf32, #tpu.memory_space<hbm>>)
      tpu.yield
    }) : () -> ()
    %add3A_279 = arith.constant 0 : i32
    %add3A_280 = arith.addi %mul3A_14, %add3A_279 : i32
    "tpu.region"() ({
      %run_scoped3A = tpu.sem_alloc : memref<!tpu.dma_semaphore, #tpu.memory_space<semaphore_mem>>
      %dma_start3A_339 = arith.constant 0 : i32
      %dma_start3A_340 = tpu.memref_slice %arg20[%add3A_280, %dma_start3A_339] : memref<10240x16xf32, #tpu.memory_space<vmem_shared>> -> memref<80x16xf32, #tpu.memory_space<vmem_shared>>
      %dma_start3A_341 = arith.constant 0 : i32
      %dma_start3A_342 = tpu.memref_slice %arg20[%add3A_280, %dma_start3A_341] : memref<10240x16xf32, #tpu.memory_space<vmem_shared>> -> memref<80x16xf32, #tpu.memory_space<vmem_shared>>
      tpu.enqueue_dma source(%dma_start3A_342 : memref<80x16xf32, #tpu.memory_space<vmem_shared>>) target(%arg17 : memref<80x16xf32, #tpu.memory_space<vmem>>) target_semaphore(%run_scoped3A : memref<!tpu.dma_semaphore, #tpu.memory_space<semaphore_mem>>)
      %dma_wait3A_343 = arith.constant 0 : i32
      %dma_wait3A_344 = tpu.memref_slice %arg20[%add3A_280, %dma_wait3A_343] : memref<10240x16xf32, #tpu.memory_space<vmem_shared>> -> memref<80x16xf32, #tpu.memory_space<vmem_shared>>
      %dma_wait3A_345 = arith.constant 0 : i32
      %dma_wait3A_346 = tpu.memref_slice %arg20[%add3A_280, %dma_wait3A_345] : memref<10240x16xf32, #tpu.memory_space<vmem_shared>> -> memref<80x16xf32, #tpu.memory_space<vmem_shared>>
      tpu.wait_dma2 semaphore(%run_scoped3A : memref<!tpu.dma_semaphore, #tpu.memory_space<semaphore_mem>>) src(%dma_wait3A_346 : memref<80x16xf32, #tpu.memory_space<vmem_shared>>) dst(%arg17 : memref<80x16xf32, #tpu.memory_space<vmem>>)
      tpu.yield
    }) : () -> ()
    %add3A_281 = arith.constant 0 : i32
    %add3A_282 = arith.addi %add3A_17, %add3A_281 : i32
    "tpu.region"() ({
      %run_scoped3A = tpu.sem_alloc : memref<!tpu.dma_semaphore, #tpu.memory_space<semaphore_mem>>
      %dma_start3A_339 = arith.constant 0 : i32
      %dma_start3A_340 = tpu.memref_slice %arg9[%add3A_282, %dma_start3A_339] : memref<20480x16xf32, #tpu.memory_space<hbm>> -> memref<80x16xf32, #tpu.memory_space<hbm>>
      %dma_start3A_341 = arith.constant 0 : i32
      %dma_start3A_342 = tpu.memref_slice %arg9[%add3A_282, %dma_start3A_341] : memref<20480x16xf32, #tpu.memory_space<hbm>> -> memref<80x16xf32, #tpu.memory_space<hbm>>
      tpu.enqueue_dma source(%arg17 : memref<80x16xf32, #tpu.memory_space<vmem>>) target(%dma_start3A_342 : memref<80x16xf32, #tpu.memory_space<hbm>>) target_semaphore(%run_scoped3A : memref<!tpu.dma_semaphore, #tpu.memory_space<semaphore_mem>>)
      %dma_wait3A_343 = arith.constant 0 : i32
      %dma_wait3A_344 = tpu.memref_slice %arg9[%add3A_282, %dma_wait3A_343] : memref<20480x16xf32, #tpu.memory_space<hbm>> -> memref<80x16xf32, #tpu.memory_space<hbm>>
      %dma_wait3A_345 = arith.constant 0 : i32
      %dma_wait3A_346 = tpu.memref_slice %arg9[%add3A_282, %dma_wait3A_345] : memref<20480x16xf32, #tpu.memory_space<hbm>> -> memref<80x16xf32, #tpu.memory_space<hbm>>
      tpu.wait_dma2 semaphore(%run_scoped3A : memref<!tpu.dma_semaphore, #tpu.memory_space<semaphore_mem>>) src(%arg17 : memref<80x16xf32, #tpu.memory_space<vmem>>) dst(%dma_wait3A_346 : memref<80x16xf32, #tpu.memory_space<hbm>>)
      tpu.yield
    }) : () -> ()
    %add3A_283 = arith.constant 80 : i32
    %add3A_284 = arith.addi %mul3A_14, %add3A_283 : i32
    "tpu.region"() ({
      %run_scoped3A = tpu.sem_alloc : memref<!tpu.dma_semaphore, #tpu.memory_space<semaphore_mem>>
      %dma_start3A_339 = arith.constant 0 : i32
      %dma_start3A_340 = tpu.memref_slice %arg19[%add3A_284, %dma_start3A_339] : memref<10240x128xf32, #tpu.memory_space<vmem_shared>> -> memref<80x128xf32, #tpu.memory_space<vmem_shared>>
      %dma_start3A_341 = arith.constant 0 : i32
      %dma_start3A_342 = tpu.memref_slice %arg19[%add3A_284, %dma_start3A_341] : memref<10240x128xf32, #tpu.memory_space<vmem_shared>> -> memref<80x128xf32, #tpu.memory_space<vmem_shared>>
      tpu.enqueue_dma source(%dma_start3A_342 : memref<80x128xf32, #tpu.memory_space<vmem_shared>>) target(%arg15 : memref<80x128xf32, #tpu.memory_space<vmem>>) target_semaphore(%run_scoped3A : memref<!tpu.dma_semaphore, #tpu.memory_space<semaphore_mem>>)
      %dma_wait3A_343 = arith.constant 0 : i32
      %dma_wait3A_344 = tpu.memref_slice %arg19[%add3A_284, %dma_wait3A_343] : memref<10240x128xf32, #tpu.memory_space<vmem_shared>> -> memref<80x128xf32, #tpu.memory_space<vmem_shared>>
      %dma_wait3A_345 = arith.constant 0 : i32
      %dma_wait3A_346 = tpu.memref_slice %arg19[%add3A_284, %dma_wait3A_345] : memref<10240x128xf32, #tpu.memory_space<vmem_shared>> -> memref<80x128xf32, #tpu.memory_space<vmem_shared>>
      tpu.wait_dma2 semaphore(%run_scoped3A : memref<!tpu.dma_semaphore, #tpu.memory_space<semaphore_mem>>) src(%dma_wait3A_346 : memref<80x128xf32, #tpu.memory_space<vmem_shared>>) dst(%arg15 : memref<80x128xf32, #tpu.memory_space<vmem>>)
      tpu.yield
    }) : () -> ()
    %add3A_285 = arith.constant 80 : i32
    %add3A_286 = arith.addi %add3A_17, %add3A_285 : i32
    "tpu.region"() ({
      %run_scoped3A = tpu.sem_alloc : memref<!tpu.dma_semaphore, #tpu.memory_space<semaphore_mem>>
      %dma_start3A_339 = arith.constant 0 : i32
      %dma_start3A_340 = tpu.memref_slice %arg8[%add3A_286, %dma_start3A_339] : memref<20480x128xf32, #tpu.memory_space<hbm>> -> memref<80x128xf32, #tpu.memory_space<hbm>>
      %dma_start3A_341 = arith.constant 0 : i32
      %dma_start3A_342 = tpu.memref_slice %arg8[%add3A_286, %dma_start3A_341] : memref<20480x128xf32, #tpu.memory_space<hbm>> -> memref<80x128xf32, #tpu.memory_space<hbm>>
      tpu.enqueue_dma source(%arg15 : memref<80x128xf32, #tpu.memory_space<vmem>>) target(%dma_start3A_342 : memref<80x128xf32, #tpu.memory_space<hbm>>) target_semaphore(%run_scoped3A : memref<!tpu.dma_semaphore, #tpu.memory_space<semaphore_mem>>)
      %dma_wait3A_343 = arith.constant 0 : i32
      %dma_wait3A_344 = tpu.memref_slice %arg8[%add3A_286, %dma_wait3A_343] : memref<20480x128xf32, #tpu.memory_space<hbm>> -> memref<80x128xf32, #tpu.memory_space<hbm>>
      %dma_wait3A_345 = arith.constant 0 : i32
      %dma_wait3A_346 = tpu.memref_slice %arg8[%add3A_286, %dma_wait3A_345] : memref<20480x128xf32, #tpu.memory_space<hbm>> -> memref<80x128xf32, #tpu.memory_space<hbm>>
      tpu.wait_dma2 semaphore(%run_scoped3A : memref<!tpu.dma_semaphore, #tpu.memory_space<semaphore_mem>>) src(%arg15 : memref<80x128xf32, #tpu.memory_space<vmem>>) dst(%dma_wait3A_346 : memref<80x128xf32, #tpu.memory_space<hbm>>)
      tpu.yield
    }) : () -> ()
    %add3A_287 = arith.constant 80 : i32
    %add3A_288 = arith.addi %mul3A_14, %add3A_287 : i32
    "tpu.region"() ({
      %run_scoped3A = tpu.sem_alloc : memref<!tpu.dma_semaphore, #tpu.memory_space<semaphore_mem>>
      %dma_start3A_339 = arith.constant 0 : i32
      %dma_start3A_340 = tpu.memref_slice %arg20[%add3A_288, %dma_start3A_339] : memref<10240x16xf32, #tpu.memory_space<vmem_shared>> -> memref<80x16xf32, #tpu.memory_space<vmem_shared>>
      %dma_start3A_341 = arith.constant 0 : i32
      %dma_start3A_342 = tpu.memref_slice %arg20[%add3A_288, %dma_start3A_341] : memref<10240x16xf32, #tpu.memory_space<vmem_shared>> -> memref<80x16xf32, #tpu.memory_space<vmem_shared>>
      tpu.enqueue_dma source(%dma_start3A_342 : memref<80x16xf32, #tpu.memory_space<vmem_shared>>) target(%arg17 : memref<80x16xf32, #tpu.memory_space<vmem>>) target_semaphore(%run_scoped3A : memref<!tpu.dma_semaphore, #tpu.memory_space<semaphore_mem>>)
      %dma_wait3A_343 = arith.constant 0 : i32
      %dma_wait3A_344 = tpu.memref_slice %arg20[%add3A_288, %dma_wait3A_343] : memref<10240x16xf32, #tpu.memory_space<vmem_shared>> -> memref<80x16xf32, #tpu.memory_space<vmem_shared>>
      %dma_wait3A_345 = arith.constant 0 : i32
      %dma_wait3A_346 = tpu.memref_slice %arg20[%add3A_288, %dma_wait3A_345] : memref<10240x16xf32, #tpu.memory_space<vmem_shared>> -> memref<80x16xf32, #tpu.memory_space<vmem_shared>>
      tpu.wait_dma2 semaphore(%run_scoped3A : memref<!tpu.dma_semaphore, #tpu.memory_space<semaphore_mem>>) src(%dma_wait3A_346 : memref<80x16xf32, #tpu.memory_space<vmem_shared>>) dst(%arg17 : memref<80x16xf32, #tpu.memory_space<vmem>>)
      tpu.yield
    }) : () -> ()
    %add3A_289 = arith.constant 80 : i32
    %add3A_290 = arith.addi %add3A_17, %add3A_289 : i32
    "tpu.region"() ({
      %run_scoped3A = tpu.sem_alloc : memref<!tpu.dma_semaphore, #tpu.memory_space<semaphore_mem>>
      %dma_start3A_339 = arith.constant 0 : i32
      %dma_start3A_340 = tpu.memref_slice %arg9[%add3A_290, %dma_start3A_339] : memref<20480x16xf32, #tpu.memory_space<hbm>> -> memref<80x16xf32, #tpu.memory_space<hbm>>
      %dma_start3A_341 = arith.constant 0 : i32
      %dma_start3A_342 = tpu.memref_slice %arg9[%add3A_290, %dma_start3A_341] : memref<20480x16xf32, #tpu.memory_space<hbm>> -> memref<80x16xf32, #tpu.memory_space<hbm>>
      tpu.enqueue_dma source(%arg17 : memref<80x16xf32, #tpu.memory_space<vmem>>) target(%dma_start3A_342 : memref<80x16xf32, #tpu.memory_space<hbm>>) target_semaphore(%run_scoped3A : memref<!tpu.dma_semaphore, #tpu.memory_space<semaphore_mem>>)
      %dma_wait3A_343 = arith.constant 0 : i32
      %dma_wait3A_344 = tpu.memref_slice %arg9[%add3A_290, %dma_wait3A_343] : memref<20480x16xf32, #tpu.memory_space<hbm>> -> memref<80x16xf32, #tpu.memory_space<hbm>>
      %dma_wait3A_345 = arith.constant 0 : i32
      %dma_wait3A_346 = tpu.memref_slice %arg9[%add3A_290, %dma_wait3A_345] : memref<20480x16xf32, #tpu.memory_space<hbm>> -> memref<80x16xf32, #tpu.memory_space<hbm>>
      tpu.wait_dma2 semaphore(%run_scoped3A : memref<!tpu.dma_semaphore, #tpu.memory_space<semaphore_mem>>) src(%arg17 : memref<80x16xf32, #tpu.memory_space<vmem>>) dst(%dma_wait3A_346 : memref<80x16xf32, #tpu.memory_space<hbm>>)
      tpu.yield
    }) : () -> ()
    %add3A_291 = arith.constant 160 : i32
    %add3A_292 = arith.addi %mul3A_14, %add3A_291 : i32
    "tpu.region"() ({
      %run_scoped3A = tpu.sem_alloc : memref<!tpu.dma_semaphore, #tpu.memory_space<semaphore_mem>>
      %dma_start3A_339 = arith.constant 0 : i32
      %dma_start3A_340 = tpu.memref_slice %arg19[%add3A_292, %dma_start3A_339] : memref<10240x128xf32, #tpu.memory_space<vmem_shared>> -> memref<80x128xf32, #tpu.memory_space<vmem_shared>>
      %dma_start3A_341 = arith.constant 0 : i32
      %dma_start3A_342 = tpu.memref_slice %arg19[%add3A_292, %dma_start3A_341] : memref<10240x128xf32, #tpu.memory_space<vmem_shared>> -> memref<80x128xf32, #tpu.memory_space<vmem_shared>>
      tpu.enqueue_dma source(%dma_start3A_342 : memref<80x128xf32, #tpu.memory_space<vmem_shared>>) target(%arg15 : memref<80x128xf32, #tpu.memory_space<vmem>>) target_semaphore(%run_scoped3A : memref<!tpu.dma_semaphore, #tpu.memory_space<semaphore_mem>>)
      %dma_wait3A_343 = arith.constant 0 : i32
      %dma_wait3A_344 = tpu.memref_slice %arg19[%add3A_292, %dma_wait3A_343] : memref<10240x128xf32, #tpu.memory_space<vmem_shared>> -> memref<80x128xf32, #tpu.memory_space<vmem_shared>>
      %dma_wait3A_345 = arith.constant 0 : i32
      %dma_wait3A_346 = tpu.memref_slice %arg19[%add3A_292, %dma_wait3A_345] : memref<10240x128xf32, #tpu.memory_space<vmem_shared>> -> memref<80x128xf32, #tpu.memory_space<vmem_shared>>
      tpu.wait_dma2 semaphore(%run_scoped3A : memref<!tpu.dma_semaphore, #tpu.memory_space<semaphore_mem>>) src(%dma_wait3A_346 : memref<80x128xf32, #tpu.memory_space<vmem_shared>>) dst(%arg15 : memref<80x128xf32, #tpu.memory_space<vmem>>)
      tpu.yield
    }) : () -> ()
    %add3A_293 = arith.constant 160 : i32
    %add3A_294 = arith.addi %add3A_17, %add3A_293 : i32
    "tpu.region"() ({
      %run_scoped3A = tpu.sem_alloc : memref<!tpu.dma_semaphore, #tpu.memory_space<semaphore_mem>>
      %dma_start3A_339 = arith.constant 0 : i32
      %dma_start3A_340 = tpu.memref_slice %arg8[%add3A_294, %dma_start3A_339] : memref<20480x128xf32, #tpu.memory_space<hbm>> -> memref<80x128xf32, #tpu.memory_space<hbm>>
      %dma_start3A_341 = arith.constant 0 : i32
      %dma_start3A_342 = tpu.memref_slice %arg8[%add3A_294, %dma_start3A_341] : memref<20480x128xf32, #tpu.memory_space<hbm>> -> memref<80x128xf32, #tpu.memory_space<hbm>>
      tpu.enqueue_dma source(%arg15 : memref<80x128xf32, #tpu.memory_space<vmem>>) target(%dma_start3A_342 : memref<80x128xf32, #tpu.memory_space<hbm>>) target_semaphore(%run_scoped3A : memref<!tpu.dma_semaphore, #tpu.memory_space<semaphore_mem>>)
      %dma_wait3A_343 = arith.constant 0 : i32
      %dma_wait3A_344 = tpu.memref_slice %arg8[%add3A_294, %dma_wait3A_343] : memref<20480x128xf32, #tpu.memory_space<hbm>> -> memref<80x128xf32, #tpu.memory_space<hbm>>
      %dma_wait3A_345 = arith.constant 0 : i32
      %dma_wait3A_346 = tpu.memref_slice %arg8[%add3A_294, %dma_wait3A_345] : memref<20480x128xf32, #tpu.memory_space<hbm>> -> memref<80x128xf32, #tpu.memory_space<hbm>>
      tpu.wait_dma2 semaphore(%run_scoped3A : memref<!tpu.dma_semaphore, #tpu.memory_space<semaphore_mem>>) src(%arg15 : memref<80x128xf32, #tpu.memory_space<vmem>>) dst(%dma_wait3A_346 : memref<80x128xf32, #tpu.memory_space<hbm>>)
      tpu.yield
    }) : () -> ()
    %add3A_295 = arith.constant 160 : i32
    %add3A_296 = arith.addi %mul3A_14, %add3A_295 : i32
    "tpu.region"() ({
      %run_scoped3A = tpu.sem_alloc : memref<!tpu.dma_semaphore, #tpu.memory_space<semaphore_mem>>
      %dma_start3A_339 = arith.constant 0 : i32
      %dma_start3A_340 = tpu.memref_slice %arg20[%add3A_296, %dma_start3A_339] : memref<10240x16xf32, #tpu.memory_space<vmem_shared>> -> memref<80x16xf32, #tpu.memory_space<vmem_shared>>
      %dma_start3A_341 = arith.constant 0 : i32
      %dma_start3A_342 = tpu.memref_slice %arg20[%add3A_296, %dma_start3A_341] : memref<10240x16xf32, #tpu.memory_space<vmem_shared>> -> memref<80x16xf32, #tpu.memory_space<vmem_shared>>
      tpu.enqueue_dma source(%dma_start3A_342 : memref<80x16xf32, #tpu.memory_space<vmem_shared>>) target(%arg17 : memref<80x16xf32, #tpu.memory_space<vmem>>) target_semaphore(%run_scoped3A : memref<!tpu.dma_semaphore, #tpu.memory_space<semaphore_mem>>)
      %dma_wait3A_343 = arith.constant 0 : i32
      %dma_wait3A_344 = tpu.memref_slice %arg20[%add3A_296, %dma_wait3A_343] : memref<10240x16xf32, #tpu.memory_space<vmem_shared>> -> memref<80x16xf32, #tpu.memory_space<vmem_shared>>
      %dma_wait3A_345 = arith.constant 0 : i32
      %dma_wait3A_346 = tpu.memref_slice %arg20[%add3A_296, %dma_wait3A_345] : memref<10240x16xf32, #tpu.memory_space<vmem_shared>> -> memref<80x16xf32, #tpu.memory_space<vmem_shared>>
      tpu.wait_dma2 semaphore(%run_scoped3A : memref<!tpu.dma_semaphore, #tpu.memory_space<semaphore_mem>>) src(%dma_wait3A_346 : memref<80x16xf32, #tpu.memory_space<vmem_shared>>) dst(%arg17 : memref<80x16xf32, #tpu.memory_space<vmem>>)
      tpu.yield
    }) : () -> ()
    %add3A_297 = arith.constant 160 : i32
    %add3A_298 = arith.addi %add3A_17, %add3A_297 : i32
    "tpu.region"() ({
      %run_scoped3A = tpu.sem_alloc : memref<!tpu.dma_semaphore, #tpu.memory_space<semaphore_mem>>
      %dma_start3A_339 = arith.constant 0 : i32
      %dma_start3A_340 = tpu.memref_slice %arg9[%add3A_298, %dma_start3A_339] : memref<20480x16xf32, #tpu.memory_space<hbm>> -> memref<80x16xf32, #tpu.memory_space<hbm>>
      %dma_start3A_341 = arith.constant 0 : i32
      %dma_start3A_342 = tpu.memref_slice %arg9[%add3A_298, %dma_start3A_341] : memref<20480x16xf32, #tpu.memory_space<hbm>> -> memref<80x16xf32, #tpu.memory_space<hbm>>
      tpu.enqueue_dma source(%arg17 : memref<80x16xf32, #tpu.memory_space<vmem>>) target(%dma_start3A_342 : memref<80x16xf32, #tpu.memory_space<hbm>>) target_semaphore(%run_scoped3A : memref<!tpu.dma_semaphore, #tpu.memory_space<semaphore_mem>>)
      %dma_wait3A_343 = arith.constant 0 : i32
      %dma_wait3A_344 = tpu.memref_slice %arg9[%add3A_298, %dma_wait3A_343] : memref<20480x16xf32, #tpu.memory_space<hbm>> -> memref<80x16xf32, #tpu.memory_space<hbm>>
      %dma_wait3A_345 = arith.constant 0 : i32
      %dma_wait3A_346 = tpu.memref_slice %arg9[%add3A_298, %dma_wait3A_345] : memref<20480x16xf32, #tpu.memory_space<hbm>> -> memref<80x16xf32, #tpu.memory_space<hbm>>
      tpu.wait_dma2 semaphore(%run_scoped3A : memref<!tpu.dma_semaphore, #tpu.memory_space<semaphore_mem>>) src(%arg17 : memref<80x16xf32, #tpu.memory_space<vmem>>) dst(%dma_wait3A_346 : memref<80x16xf32, #tpu.memory_space<hbm>>)
      tpu.yield
    }) : () -> ()
    %add3A_299 = arith.constant 240 : i32
    %add3A_300 = arith.addi %mul3A_14, %add3A_299 : i32
    "tpu.region"() ({
      %run_scoped3A = tpu.sem_alloc : memref<!tpu.dma_semaphore, #tpu.memory_space<semaphore_mem>>
      %dma_start3A_339 = arith.constant 0 : i32
      %dma_start3A_340 = tpu.memref_slice %arg19[%add3A_300, %dma_start3A_339] : memref<10240x128xf32, #tpu.memory_space<vmem_shared>> -> memref<80x128xf32, #tpu.memory_space<vmem_shared>>
      %dma_start3A_341 = arith.constant 0 : i32
      %dma_start3A_342 = tpu.memref_slice %arg19[%add3A_300, %dma_start3A_341] : memref<10240x128xf32, #tpu.memory_space<vmem_shared>> -> memref<80x128xf32, #tpu.memory_space<vmem_shared>>
      tpu.enqueue_dma source(%dma_start3A_342 : memref<80x128xf32, #tpu.memory_space<vmem_shared>>) target(%arg15 : memref<80x128xf32, #tpu.memory_space<vmem>>) target_semaphore(%run_scoped3A : memref<!tpu.dma_semaphore, #tpu.memory_space<semaphore_mem>>)
      %dma_wait3A_343 = arith.constant 0 : i32
      %dma_wait3A_344 = tpu.memref_slice %arg19[%add3A_300, %dma_wait3A_343] : memref<10240x128xf32, #tpu.memory_space<vmem_shared>> -> memref<80x128xf32, #tpu.memory_space<vmem_shared>>
      %dma_wait3A_345 = arith.constant 0 : i32
      %dma_wait3A_346 = tpu.memref_slice %arg19[%add3A_300, %dma_wait3A_345] : memref<10240x128xf32, #tpu.memory_space<vmem_shared>> -> memref<80x128xf32, #tpu.memory_space<vmem_shared>>
      tpu.wait_dma2 semaphore(%run_scoped3A : memref<!tpu.dma_semaphore, #tpu.memory_space<semaphore_mem>>) src(%dma_wait3A_346 : memref<80x128xf32, #tpu.memory_space<vmem_shared>>) dst(%arg15 : memref<80x128xf32, #tpu.memory_space<vmem>>)
      tpu.yield
    }) : () -> ()
    %add3A_301 = arith.constant 240 : i32
    %add3A_302 = arith.addi %add3A_17, %add3A_301 : i32
    "tpu.region"() ({
      %run_scoped3A = tpu.sem_alloc : memref<!tpu.dma_semaphore, #tpu.memory_space<semaphore_mem>>
      %dma_start3A_339 = arith.constant 0 : i32
      %dma_start3A_340 = tpu.memref_slice %arg8[%add3A_302, %dma_start3A_339] : memref<20480x128xf32, #tpu.memory_space<hbm>> -> memref<80x128xf32, #tpu.memory_space<hbm>>
      %dma_start3A_341 = arith.constant 0 : i32
      %dma_start3A_342 = tpu.memref_slice %arg8[%add3A_302, %dma_start3A_341] : memref<20480x128xf32, #tpu.memory_space<hbm>> -> memref<80x128xf32, #tpu.memory_space<hbm>>
      tpu.enqueue_dma source(%arg15 : memref<80x128xf32, #tpu.memory_space<vmem>>) target(%dma_start3A_342 : memref<80x128xf32, #tpu.memory_space<hbm>>) target_semaphore(%run_scoped3A : memref<!tpu.dma_semaphore, #tpu.memory_space<semaphore_mem>>)
      %dma_wait3A_343 = arith.constant 0 : i32
      %dma_wait3A_344 = tpu.memref_slice %arg8[%add3A_302, %dma_wait3A_343] : memref<20480x128xf32, #tpu.memory_space<hbm>> -> memref<80x128xf32, #tpu.memory_space<hbm>>
      %dma_wait3A_345 = arith.constant 0 : i32
      %dma_wait3A_346 = tpu.memref_slice %arg8[%add3A_302, %dma_wait3A_345] : memref<20480x128xf32, #tpu.memory_space<hbm>> -> memref<80x128xf32, #tpu.memory_space<hbm>>
      tpu.wait_dma2 semaphore(%run_scoped3A : memref<!tpu.dma_semaphore, #tpu.memory_space<semaphore_mem>>) src(%arg15 : memref<80x128xf32, #tpu.memory_space<vmem>>) dst(%dma_wait3A_346 : memref<80x128xf32, #tpu.memory_space<hbm>>)
      tpu.yield
    }) : () -> ()
    %add3A_303 = arith.constant 240 : i32
    %add3A_304 = arith.addi %mul3A_14, %add3A_303 : i32
    "tpu.region"() ({
      %run_scoped3A = tpu.sem_alloc : memref<!tpu.dma_semaphore, #tpu.memory_space<semaphore_mem>>
      %dma_start3A_339 = arith.constant 0 : i32
      %dma_start3A_340 = tpu.memref_slice %arg20[%add3A_304, %dma_start3A_339] : memref<10240x16xf32, #tpu.memory_space<vmem_shared>> -> memref<80x16xf32, #tpu.memory_space<vmem_shared>>
      %dma_start3A_341 = arith.constant 0 : i32
      %dma_start3A_342 = tpu.memref_slice %arg20[%add3A_304, %dma_start3A_341] : memref<10240x16xf32, #tpu.memory_space<vmem_shared>> -> memref<80x16xf32, #tpu.memory_space<vmem_shared>>
      tpu.enqueue_dma source(%dma_start3A_342 : memref<80x16xf32, #tpu.memory_space<vmem_shared>>) target(%arg17 : memref<80x16xf32, #tpu.memory_space<vmem>>) target_semaphore(%run_scoped3A : memref<!tpu.dma_semaphore, #tpu.memory_space<semaphore_mem>>)
      %dma_wait3A_343 = arith.constant 0 : i32
      %dma_wait3A_344 = tpu.memref_slice %arg20[%add3A_304, %dma_wait3A_343] : memref<10240x16xf32, #tpu.memory_space<vmem_shared>> -> memref<80x16xf32, #tpu.memory_space<vmem_shared>>
      %dma_wait3A_345 = arith.constant 0 : i32
      %dma_wait3A_346 = tpu.memref_slice %arg20[%add3A_304, %dma_wait3A_345] : memref<10240x16xf32, #tpu.memory_space<vmem_shared>> -> memref<80x16xf32, #tpu.memory_space<vmem_shared>>
      tpu.wait_dma2 semaphore(%run_scoped3A : memref<!tpu.dma_semaphore, #tpu.memory_space<semaphore_mem>>) src(%dma_wait3A_346 : memref<80x16xf32, #tpu.memory_space<vmem_shared>>) dst(%arg17 : memref<80x16xf32, #tpu.memory_space<vmem>>)
      tpu.yield
    }) : () -> ()
    %add3A_305 = arith.constant 240 : i32
    %add3A_306 = arith.addi %add3A_17, %add3A_305 : i32
    "tpu.region"() ({
      %run_scoped3A = tpu.sem_alloc : memref<!tpu.dma_semaphore, #tpu.memory_space<semaphore_mem>>
      %dma_start3A_339 = arith.constant 0 : i32
      %dma_start3A_340 = tpu.memref_slice %arg9[%add3A_306, %dma_start3A_339] : memref<20480x16xf32, #tpu.memory_space<hbm>> -> memref<80x16xf32, #tpu.memory_space<hbm>>
      %dma_start3A_341 = arith.constant 0 : i32
      %dma_start3A_342 = tpu.memref_slice %arg9[%add3A_306, %dma_start3A_341] : memref<20480x16xf32, #tpu.memory_space<hbm>> -> memref<80x16xf32, #tpu.memory_space<hbm>>
      tpu.enqueue_dma source(%arg17 : memref<80x16xf32, #tpu.memory_space<vmem>>) target(%dma_start3A_342 : memref<80x16xf32, #tpu.memory_space<hbm>>) target_semaphore(%run_scoped3A : memref<!tpu.dma_semaphore, #tpu.memory_space<semaphore_mem>>)
      %dma_wait3A_343 = arith.constant 0 : i32
      %dma_wait3A_344 = tpu.memref_slice %arg9[%add3A_306, %dma_wait3A_343] : memref<20480x16xf32, #tpu.memory_space<hbm>> -> memref<80x16xf32, #tpu.memory_space<hbm>>
      %dma_wait3A_345 = arith.constant 0 : i32
      %dma_wait3A_346 = tpu.memref_slice %arg9[%add3A_306, %dma_wait3A_345] : memref<20480x16xf32, #tpu.memory_space<hbm>> -> memref<80x16xf32, #tpu.memory_space<hbm>>
      tpu.wait_dma2 semaphore(%run_scoped3A : memref<!tpu.dma_semaphore, #tpu.memory_space<semaphore_mem>>) src(%arg17 : memref<80x16xf32, #tpu.memory_space<vmem>>) dst(%dma_wait3A_346 : memref<80x16xf32, #tpu.memory_space<hbm>>)
      tpu.yield
    }) : () -> ()
    %add3A_307 = arith.constant 320 : i32
    %add3A_308 = arith.addi %mul3A_14, %add3A_307 : i32
    "tpu.region"() ({
      %run_scoped3A = tpu.sem_alloc : memref<!tpu.dma_semaphore, #tpu.memory_space<semaphore_mem>>
      %dma_start3A_339 = arith.constant 0 : i32
      %dma_start3A_340 = tpu.memref_slice %arg19[%add3A_308, %dma_start3A_339] : memref<10240x128xf32, #tpu.memory_space<vmem_shared>> -> memref<80x128xf32, #tpu.memory_space<vmem_shared>>
      %dma_start3A_341 = arith.constant 0 : i32
      %dma_start3A_342 = tpu.memref_slice %arg19[%add3A_308, %dma_start3A_341] : memref<10240x128xf32, #tpu.memory_space<vmem_shared>> -> memref<80x128xf32, #tpu.memory_space<vmem_shared>>
      tpu.enqueue_dma source(%dma_start3A_342 : memref<80x128xf32, #tpu.memory_space<vmem_shared>>) target(%arg15 : memref<80x128xf32, #tpu.memory_space<vmem>>) target_semaphore(%run_scoped3A : memref<!tpu.dma_semaphore, #tpu.memory_space<semaphore_mem>>)
      %dma_wait3A_343 = arith.constant 0 : i32
      %dma_wait3A_344 = tpu.memref_slice %arg19[%add3A_308, %dma_wait3A_343] : memref<10240x128xf32, #tpu.memory_space<vmem_shared>> -> memref<80x128xf32, #tpu.memory_space<vmem_shared>>
      %dma_wait3A_345 = arith.constant 0 : i32
      %dma_wait3A_346 = tpu.memref_slice %arg19[%add3A_308, %dma_wait3A_345] : memref<10240x128xf32, #tpu.memory_space<vmem_shared>> -> memref<80x128xf32, #tpu.memory_space<vmem_shared>>
      tpu.wait_dma2 semaphore(%run_scoped3A : memref<!tpu.dma_semaphore, #tpu.memory_space<semaphore_mem>>) src(%dma_wait3A_346 : memref<80x128xf32, #tpu.memory_space<vmem_shared>>) dst(%arg15 : memref<80x128xf32, #tpu.memory_space<vmem>>)
      tpu.yield
    }) : () -> ()
    %add3A_309 = arith.constant 320 : i32
    %add3A_310 = arith.addi %add3A_17, %add3A_309 : i32
    "tpu.region"() ({
      %run_scoped3A = tpu.sem_alloc : memref<!tpu.dma_semaphore, #tpu.memory_space<semaphore_mem>>
      %dma_start3A_339 = arith.constant 0 : i32
      %dma_start3A_340 = tpu.memref_slice %arg8[%add3A_310, %dma_start3A_339] : memref<20480x128xf32, #tpu.memory_space<hbm>> -> memref<80x128xf32, #tpu.memory_space<hbm>>
      %dma_start3A_341 = arith.constant 0 : i32
      %dma_start3A_342 = tpu.memref_slice %arg8[%add3A_310, %dma_start3A_341] : memref<20480x128xf32, #tpu.memory_space<hbm>> -> memref<80x128xf32, #tpu.memory_space<hbm>>
      tpu.enqueue_dma source(%arg15 : memref<80x128xf32, #tpu.memory_space<vmem>>) target(%dma_start3A_342 : memref<80x128xf32, #tpu.memory_space<hbm>>) target_semaphore(%run_scoped3A : memref<!tpu.dma_semaphore, #tpu.memory_space<semaphore_mem>>)
      %dma_wait3A_343 = arith.constant 0 : i32
      %dma_wait3A_344 = tpu.memref_slice %arg8[%add3A_310, %dma_wait3A_343] : memref<20480x128xf32, #tpu.memory_space<hbm>> -> memref<80x128xf32, #tpu.memory_space<hbm>>
      %dma_wait3A_345 = arith.constant 0 : i32
      %dma_wait3A_346 = tpu.memref_slice %arg8[%add3A_310, %dma_wait3A_345] : memref<20480x128xf32, #tpu.memory_space<hbm>> -> memref<80x128xf32, #tpu.memory_space<hbm>>
      tpu.wait_dma2 semaphore(%run_scoped3A : memref<!tpu.dma_semaphore, #tpu.memory_space<semaphore_mem>>) src(%arg15 : memref<80x128xf32, #tpu.memory_space<vmem>>) dst(%dma_wait3A_346 : memref<80x128xf32, #tpu.memory_space<hbm>>)
      tpu.yield
    }) : () -> ()
    %add3A_311 = arith.constant 320 : i32
    %add3A_312 = arith.addi %mul3A_14, %add3A_311 : i32
    "tpu.region"() ({
      %run_scoped3A = tpu.sem_alloc : memref<!tpu.dma_semaphore, #tpu.memory_space<semaphore_mem>>
      %dma_start3A_339 = arith.constant 0 : i32
      %dma_start3A_340 = tpu.memref_slice %arg20[%add3A_312, %dma_start3A_339] : memref<10240x16xf32, #tpu.memory_space<vmem_shared>> -> memref<80x16xf32, #tpu.memory_space<vmem_shared>>
      %dma_start3A_341 = arith.constant 0 : i32
      %dma_start3A_342 = tpu.memref_slice %arg20[%add3A_312, %dma_start3A_341] : memref<10240x16xf32, #tpu.memory_space<vmem_shared>> -> memref<80x16xf32, #tpu.memory_space<vmem_shared>>
      tpu.enqueue_dma source(%dma_start3A_342 : memref<80x16xf32, #tpu.memory_space<vmem_shared>>) target(%arg17 : memref<80x16xf32, #tpu.memory_space<vmem>>) target_semaphore(%run_scoped3A : memref<!tpu.dma_semaphore, #tpu.memory_space<semaphore_mem>>)
      %dma_wait3A_343 = arith.constant 0 : i32
      %dma_wait3A_344 = tpu.memref_slice %arg20[%add3A_312, %dma_wait3A_343] : memref<10240x16xf32, #tpu.memory_space<vmem_shared>> -> memref<80x16xf32, #tpu.memory_space<vmem_shared>>
      %dma_wait3A_345 = arith.constant 0 : i32
      %dma_wait3A_346 = tpu.memref_slice %arg20[%add3A_312, %dma_wait3A_345] : memref<10240x16xf32, #tpu.memory_space<vmem_shared>> -> memref<80x16xf32, #tpu.memory_space<vmem_shared>>
      tpu.wait_dma2 semaphore(%run_scoped3A : memref<!tpu.dma_semaphore, #tpu.memory_space<semaphore_mem>>) src(%dma_wait3A_346 : memref<80x16xf32, #tpu.memory_space<vmem_shared>>) dst(%arg17 : memref<80x16xf32, #tpu.memory_space<vmem>>)
      tpu.yield
    }) : () -> ()
    %add3A_313 = arith.constant 320 : i32
    %add3A_314 = arith.addi %add3A_17, %add3A_313 : i32
    "tpu.region"() ({
      %run_scoped3A = tpu.sem_alloc : memref<!tpu.dma_semaphore, #tpu.memory_space<semaphore_mem>>
      %dma_start3A_339 = arith.constant 0 : i32
      %dma_start3A_340 = tpu.memref_slice %arg9[%add3A_314, %dma_start3A_339] : memref<20480x16xf32, #tpu.memory_space<hbm>> -> memref<80x16xf32, #tpu.memory_space<hbm>>
      %dma_start3A_341 = arith.constant 0 : i32
      %dma_start3A_342 = tpu.memref_slice %arg9[%add3A_314, %dma_start3A_341] : memref<20480x16xf32, #tpu.memory_space<hbm>> -> memref<80x16xf32, #tpu.memory_space<hbm>>
      tpu.enqueue_dma source(%arg17 : memref<80x16xf32, #tpu.memory_space<vmem>>) target(%dma_start3A_342 : memref<80x16xf32, #tpu.memory_space<hbm>>) target_semaphore(%run_scoped3A : memref<!tpu.dma_semaphore, #tpu.memory_space<semaphore_mem>>)
      %dma_wait3A_343 = arith.constant 0 : i32
      %dma_wait3A_344 = tpu.memref_slice %arg9[%add3A_314, %dma_wait3A_343] : memref<20480x16xf32, #tpu.memory_space<hbm>> -> memref<80x16xf32, #tpu.memory_space<hbm>>
      %dma_wait3A_345 = arith.constant 0 : i32
      %dma_wait3A_346 = tpu.memref_slice %arg9[%add3A_314, %dma_wait3A_345] : memref<20480x16xf32, #tpu.memory_space<hbm>> -> memref<80x16xf32, #tpu.memory_space<hbm>>
      tpu.wait_dma2 semaphore(%run_scoped3A : memref<!tpu.dma_semaphore, #tpu.memory_space<semaphore_mem>>) src(%arg17 : memref<80x16xf32, #tpu.memory_space<vmem>>) dst(%dma_wait3A_346 : memref<80x16xf32, #tpu.memory_space<hbm>>)
      tpu.yield
    }) : () -> ()
    %add3A_315 = arith.constant 400 : i32
    %add3A_316 = arith.addi %mul3A_14, %add3A_315 : i32
    "tpu.region"() ({
      %run_scoped3A = tpu.sem_alloc : memref<!tpu.dma_semaphore, #tpu.memory_space<semaphore_mem>>
      %dma_start3A_339 = arith.constant 0 : i32
      %dma_start3A_340 = tpu.memref_slice %arg19[%add3A_316, %dma_start3A_339] : memref<10240x128xf32, #tpu.memory_space<vmem_shared>> -> memref<80x128xf32, #tpu.memory_space<vmem_shared>>
      %dma_start3A_341 = arith.constant 0 : i32
      %dma_start3A_342 = tpu.memref_slice %arg19[%add3A_316, %dma_start3A_341] : memref<10240x128xf32, #tpu.memory_space<vmem_shared>> -> memref<80x128xf32, #tpu.memory_space<vmem_shared>>
      tpu.enqueue_dma source(%dma_start3A_342 : memref<80x128xf32, #tpu.memory_space<vmem_shared>>) target(%arg15 : memref<80x128xf32, #tpu.memory_space<vmem>>) target_semaphore(%run_scoped3A : memref<!tpu.dma_semaphore, #tpu.memory_space<semaphore_mem>>)
      %dma_wait3A_343 = arith.constant 0 : i32
      %dma_wait3A_344 = tpu.memref_slice %arg19[%add3A_316, %dma_wait3A_343] : memref<10240x128xf32, #tpu.memory_space<vmem_shared>> -> memref<80x128xf32, #tpu.memory_space<vmem_shared>>
      %dma_wait3A_345 = arith.constant 0 : i32
      %dma_wait3A_346 = tpu.memref_slice %arg19[%add3A_316, %dma_wait3A_345] : memref<10240x128xf32, #tpu.memory_space<vmem_shared>> -> memref<80x128xf32, #tpu.memory_space<vmem_shared>>
      tpu.wait_dma2 semaphore(%run_scoped3A : memref<!tpu.dma_semaphore, #tpu.memory_space<semaphore_mem>>) src(%dma_wait3A_346 : memref<80x128xf32, #tpu.memory_space<vmem_shared>>) dst(%arg15 : memref<80x128xf32, #tpu.memory_space<vmem>>)
      tpu.yield
    }) : () -> ()
    %add3A_317 = arith.constant 400 : i32
    %add3A_318 = arith.addi %add3A_17, %add3A_317 : i32
    "tpu.region"() ({
      %run_scoped3A = tpu.sem_alloc : memref<!tpu.dma_semaphore, #tpu.memory_space<semaphore_mem>>
      %dma_start3A_339 = arith.constant 0 : i32
      %dma_start3A_340 = tpu.memref_slice %arg8[%add3A_318, %dma_start3A_339] : memref<20480x128xf32, #tpu.memory_space<hbm>> -> memref<80x128xf32, #tpu.memory_space<hbm>>
      %dma_start3A_341 = arith.constant 0 : i32
      %dma_start3A_342 = tpu.memref_slice %arg8[%add3A_318, %dma_start3A_341] : memref<20480x128xf32, #tpu.memory_space<hbm>> -> memref<80x128xf32, #tpu.memory_space<hbm>>
      tpu.enqueue_dma source(%arg15 : memref<80x128xf32, #tpu.memory_space<vmem>>) target(%dma_start3A_342 : memref<80x128xf32, #tpu.memory_space<hbm>>) target_semaphore(%run_scoped3A : memref<!tpu.dma_semaphore, #tpu.memory_space<semaphore_mem>>)
      %dma_wait3A_343 = arith.constant 0 : i32
      %dma_wait3A_344 = tpu.memref_slice %arg8[%add3A_318, %dma_wait3A_343] : memref<20480x128xf32, #tpu.memory_space<hbm>> -> memref<80x128xf32, #tpu.memory_space<hbm>>
      %dma_wait3A_345 = arith.constant 0 : i32
      %dma_wait3A_346 = tpu.memref_slice %arg8[%add3A_318, %dma_wait3A_345] : memref<20480x128xf32, #tpu.memory_space<hbm>> -> memref<80x128xf32, #tpu.memory_space<hbm>>
      tpu.wait_dma2 semaphore(%run_scoped3A : memref<!tpu.dma_semaphore, #tpu.memory_space<semaphore_mem>>) src(%arg15 : memref<80x128xf32, #tpu.memory_space<vmem>>) dst(%dma_wait3A_346 : memref<80x128xf32, #tpu.memory_space<hbm>>)
      tpu.yield
    }) : () -> ()
    %add3A_319 = arith.constant 400 : i32
    %add3A_320 = arith.addi %mul3A_14, %add3A_319 : i32
    "tpu.region"() ({
      %run_scoped3A = tpu.sem_alloc : memref<!tpu.dma_semaphore, #tpu.memory_space<semaphore_mem>>
      %dma_start3A_339 = arith.constant 0 : i32
      %dma_start3A_340 = tpu.memref_slice %arg20[%add3A_320, %dma_start3A_339] : memref<10240x16xf32, #tpu.memory_space<vmem_shared>> -> memref<80x16xf32, #tpu.memory_space<vmem_shared>>
      %dma_start3A_341 = arith.constant 0 : i32
      %dma_start3A_342 = tpu.memref_slice %arg20[%add3A_320, %dma_start3A_341] : memref<10240x16xf32, #tpu.memory_space<vmem_shared>> -> memref<80x16xf32, #tpu.memory_space<vmem_shared>>
      tpu.enqueue_dma source(%dma_start3A_342 : memref<80x16xf32, #tpu.memory_space<vmem_shared>>) target(%arg17 : memref<80x16xf32, #tpu.memory_space<vmem>>) target_semaphore(%run_scoped3A : memref<!tpu.dma_semaphore, #tpu.memory_space<semaphore_mem>>)
      %dma_wait3A_343 = arith.constant 0 : i32
      %dma_wait3A_344 = tpu.memref_slice %arg20[%add3A_320, %dma_wait3A_343] : memref<10240x16xf32, #tpu.memory_space<vmem_shared>> -> memref<80x16xf32, #tpu.memory_space<vmem_shared>>
      %dma_wait3A_345 = arith.constant 0 : i32
      %dma_wait3A_346 = tpu.memref_slice %arg20[%add3A_320, %dma_wait3A_345] : memref<10240x16xf32, #tpu.memory_space<vmem_shared>> -> memref<80x16xf32, #tpu.memory_space<vmem_shared>>
      tpu.wait_dma2 semaphore(%run_scoped3A : memref<!tpu.dma_semaphore, #tpu.memory_space<semaphore_mem>>) src(%dma_wait3A_346 : memref<80x16xf32, #tpu.memory_space<vmem_shared>>) dst(%arg17 : memref<80x16xf32, #tpu.memory_space<vmem>>)
      tpu.yield
    }) : () -> ()
    %add3A_321 = arith.constant 400 : i32
    %add3A_322 = arith.addi %add3A_17, %add3A_321 : i32
    "tpu.region"() ({
      %run_scoped3A = tpu.sem_alloc : memref<!tpu.dma_semaphore, #tpu.memory_space<semaphore_mem>>
      %dma_start3A_339 = arith.constant 0 : i32
      %dma_start3A_340 = tpu.memref_slice %arg9[%add3A_322, %dma_start3A_339] : memref<20480x16xf32, #tpu.memory_space<hbm>> -> memref<80x16xf32, #tpu.memory_space<hbm>>
      %dma_start3A_341 = arith.constant 0 : i32
      %dma_start3A_342 = tpu.memref_slice %arg9[%add3A_322, %dma_start3A_341] : memref<20480x16xf32, #tpu.memory_space<hbm>> -> memref<80x16xf32, #tpu.memory_space<hbm>>
      tpu.enqueue_dma source(%arg17 : memref<80x16xf32, #tpu.memory_space<vmem>>) target(%dma_start3A_342 : memref<80x16xf32, #tpu.memory_space<hbm>>) target_semaphore(%run_scoped3A : memref<!tpu.dma_semaphore, #tpu.memory_space<semaphore_mem>>)
      %dma_wait3A_343 = arith.constant 0 : i32
      %dma_wait3A_344 = tpu.memref_slice %arg9[%add3A_322, %dma_wait3A_343] : memref<20480x16xf32, #tpu.memory_space<hbm>> -> memref<80x16xf32, #tpu.memory_space<hbm>>
      %dma_wait3A_345 = arith.constant 0 : i32
      %dma_wait3A_346 = tpu.memref_slice %arg9[%add3A_322, %dma_wait3A_345] : memref<20480x16xf32, #tpu.memory_space<hbm>> -> memref<80x16xf32, #tpu.memory_space<hbm>>
      tpu.wait_dma2 semaphore(%run_scoped3A : memref<!tpu.dma_semaphore, #tpu.memory_space<semaphore_mem>>) src(%arg17 : memref<80x16xf32, #tpu.memory_space<vmem>>) dst(%dma_wait3A_346 : memref<80x16xf32, #tpu.memory_space<hbm>>)
      tpu.yield
    }) : () -> ()
    %add3A_323 = arith.constant 480 : i32
    %add3A_324 = arith.addi %mul3A_14, %add3A_323 : i32
    "tpu.region"() ({
      %run_scoped3A = tpu.sem_alloc : memref<!tpu.dma_semaphore, #tpu.memory_space<semaphore_mem>>
      %dma_start3A_339 = arith.constant 0 : i32
      %dma_start3A_340 = tpu.memref_slice %arg19[%add3A_324, %dma_start3A_339] : memref<10240x128xf32, #tpu.memory_space<vmem_shared>> -> memref<80x128xf32, #tpu.memory_space<vmem_shared>>
      %dma_start3A_341 = arith.constant 0 : i32
      %dma_start3A_342 = tpu.memref_slice %arg19[%add3A_324, %dma_start3A_341] : memref<10240x128xf32, #tpu.memory_space<vmem_shared>> -> memref<80x128xf32, #tpu.memory_space<vmem_shared>>
      tpu.enqueue_dma source(%dma_start3A_342 : memref<80x128xf32, #tpu.memory_space<vmem_shared>>) target(%arg15 : memref<80x128xf32, #tpu.memory_space<vmem>>) target_semaphore(%run_scoped3A : memref<!tpu.dma_semaphore, #tpu.memory_space<semaphore_mem>>)
      %dma_wait3A_343 = arith.constant 0 : i32
      %dma_wait3A_344 = tpu.memref_slice %arg19[%add3A_324, %dma_wait3A_343] : memref<10240x128xf32, #tpu.memory_space<vmem_shared>> -> memref<80x128xf32, #tpu.memory_space<vmem_shared>>
      %dma_wait3A_345 = arith.constant 0 : i32
      %dma_wait3A_346 = tpu.memref_slice %arg19[%add3A_324, %dma_wait3A_345] : memref<10240x128xf32, #tpu.memory_space<vmem_shared>> -> memref<80x128xf32, #tpu.memory_space<vmem_shared>>
      tpu.wait_dma2 semaphore(%run_scoped3A : memref<!tpu.dma_semaphore, #tpu.memory_space<semaphore_mem>>) src(%dma_wait3A_346 : memref<80x128xf32, #tpu.memory_space<vmem_shared>>) dst(%arg15 : memref<80x128xf32, #tpu.memory_space<vmem>>)
      tpu.yield
    }) : () -> ()
    %add3A_325 = arith.constant 480 : i32
    %add3A_326 = arith.addi %add3A_17, %add3A_325 : i32
    "tpu.region"() ({
      %run_scoped3A = tpu.sem_alloc : memref<!tpu.dma_semaphore, #tpu.memory_space<semaphore_mem>>
      %dma_start3A_339 = arith.constant 0 : i32
      %dma_start3A_340 = tpu.memref_slice %arg8[%add3A_326, %dma_start3A_339] : memref<20480x128xf32, #tpu.memory_space<hbm>> -> memref<80x128xf32, #tpu.memory_space<hbm>>
      %dma_start3A_341 = arith.constant 0 : i32
      %dma_start3A_342 = tpu.memref_slice %arg8[%add3A_326, %dma_start3A_341] : memref<20480x128xf32, #tpu.memory_space<hbm>> -> memref<80x128xf32, #tpu.memory_space<hbm>>
      tpu.enqueue_dma source(%arg15 : memref<80x128xf32, #tpu.memory_space<vmem>>) target(%dma_start3A_342 : memref<80x128xf32, #tpu.memory_space<hbm>>) target_semaphore(%run_scoped3A : memref<!tpu.dma_semaphore, #tpu.memory_space<semaphore_mem>>)
      %dma_wait3A_343 = arith.constant 0 : i32
      %dma_wait3A_344 = tpu.memref_slice %arg8[%add3A_326, %dma_wait3A_343] : memref<20480x128xf32, #tpu.memory_space<hbm>> -> memref<80x128xf32, #tpu.memory_space<hbm>>
      %dma_wait3A_345 = arith.constant 0 : i32
      %dma_wait3A_346 = tpu.memref_slice %arg8[%add3A_326, %dma_wait3A_345] : memref<20480x128xf32, #tpu.memory_space<hbm>> -> memref<80x128xf32, #tpu.memory_space<hbm>>
      tpu.wait_dma2 semaphore(%run_scoped3A : memref<!tpu.dma_semaphore, #tpu.memory_space<semaphore_mem>>) src(%arg15 : memref<80x128xf32, #tpu.memory_space<vmem>>) dst(%dma_wait3A_346 : memref<80x128xf32, #tpu.memory_space<hbm>>)
      tpu.yield
    }) : () -> ()
    %add3A_327 = arith.constant 480 : i32
    %add3A_328 = arith.addi %mul3A_14, %add3A_327 : i32
    "tpu.region"() ({
      %run_scoped3A = tpu.sem_alloc : memref<!tpu.dma_semaphore, #tpu.memory_space<semaphore_mem>>
      %dma_start3A_339 = arith.constant 0 : i32
      %dma_start3A_340 = tpu.memref_slice %arg20[%add3A_328, %dma_start3A_339] : memref<10240x16xf32, #tpu.memory_space<vmem_shared>> -> memref<80x16xf32, #tpu.memory_space<vmem_shared>>
      %dma_start3A_341 = arith.constant 0 : i32
      %dma_start3A_342 = tpu.memref_slice %arg20[%add3A_328, %dma_start3A_341] : memref<10240x16xf32, #tpu.memory_space<vmem_shared>> -> memref<80x16xf32, #tpu.memory_space<vmem_shared>>
      tpu.enqueue_dma source(%dma_start3A_342 : memref<80x16xf32, #tpu.memory_space<vmem_shared>>) target(%arg17 : memref<80x16xf32, #tpu.memory_space<vmem>>) target_semaphore(%run_scoped3A : memref<!tpu.dma_semaphore, #tpu.memory_space<semaphore_mem>>)
      %dma_wait3A_343 = arith.constant 0 : i32
      %dma_wait3A_344 = tpu.memref_slice %arg20[%add3A_328, %dma_wait3A_343] : memref<10240x16xf32, #tpu.memory_space<vmem_shared>> -> memref<80x16xf32, #tpu.memory_space<vmem_shared>>
      %dma_wait3A_345 = arith.constant 0 : i32
      %dma_wait3A_346 = tpu.memref_slice %arg20[%add3A_328, %dma_wait3A_345] : memref<10240x16xf32, #tpu.memory_space<vmem_shared>> -> memref<80x16xf32, #tpu.memory_space<vmem_shared>>
      tpu.wait_dma2 semaphore(%run_scoped3A : memref<!tpu.dma_semaphore, #tpu.memory_space<semaphore_mem>>) src(%dma_wait3A_346 : memref<80x16xf32, #tpu.memory_space<vmem_shared>>) dst(%arg17 : memref<80x16xf32, #tpu.memory_space<vmem>>)
      tpu.yield
    }) : () -> ()
    %add3A_329 = arith.constant 480 : i32
    %add3A_330 = arith.addi %add3A_17, %add3A_329 : i32
    "tpu.region"() ({
      %run_scoped3A = tpu.sem_alloc : memref<!tpu.dma_semaphore, #tpu.memory_space<semaphore_mem>>
      %dma_start3A_339 = arith.constant 0 : i32
      %dma_start3A_340 = tpu.memref_slice %arg9[%add3A_330, %dma_start3A_339] : memref<20480x16xf32, #tpu.memory_space<hbm>> -> memref<80x16xf32, #tpu.memory_space<hbm>>
      %dma_start3A_341 = arith.constant 0 : i32
      %dma_start3A_342 = tpu.memref_slice %arg9[%add3A_330, %dma_start3A_341] : memref<20480x16xf32, #tpu.memory_space<hbm>> -> memref<80x16xf32, #tpu.memory_space<hbm>>
      tpu.enqueue_dma source(%arg17 : memref<80x16xf32, #tpu.memory_space<vmem>>) target(%dma_start3A_342 : memref<80x16xf32, #tpu.memory_space<hbm>>) target_semaphore(%run_scoped3A : memref<!tpu.dma_semaphore, #tpu.memory_space<semaphore_mem>>)
      %dma_wait3A_343 = arith.constant 0 : i32
      %dma_wait3A_344 = tpu.memref_slice %arg9[%add3A_330, %dma_wait3A_343] : memref<20480x16xf32, #tpu.memory_space<hbm>> -> memref<80x16xf32, #tpu.memory_space<hbm>>
      %dma_wait3A_345 = arith.constant 0 : i32
      %dma_wait3A_346 = tpu.memref_slice %arg9[%add3A_330, %dma_wait3A_345] : memref<20480x16xf32, #tpu.memory_space<hbm>> -> memref<80x16xf32, #tpu.memory_space<hbm>>
      tpu.wait_dma2 semaphore(%run_scoped3A : memref<!tpu.dma_semaphore, #tpu.memory_space<semaphore_mem>>) src(%arg17 : memref<80x16xf32, #tpu.memory_space<vmem>>) dst(%dma_wait3A_346 : memref<80x16xf32, #tpu.memory_space<hbm>>)
      tpu.yield
    }) : () -> ()
    %add3A_331 = arith.constant 560 : i32
    %add3A_332 = arith.addi %mul3A_14, %add3A_331 : i32
    "tpu.region"() ({
      %run_scoped3A = tpu.sem_alloc : memref<!tpu.dma_semaphore, #tpu.memory_space<semaphore_mem>>
      %dma_start3A_339 = arith.constant 0 : i32
      %dma_start3A_340 = tpu.memref_slice %arg19[%add3A_332, %dma_start3A_339] : memref<10240x128xf32, #tpu.memory_space<vmem_shared>> -> memref<80x128xf32, #tpu.memory_space<vmem_shared>>
      %dma_start3A_341 = arith.constant 0 : i32
      %dma_start3A_342 = tpu.memref_slice %arg19[%add3A_332, %dma_start3A_341] : memref<10240x128xf32, #tpu.memory_space<vmem_shared>> -> memref<80x128xf32, #tpu.memory_space<vmem_shared>>
      tpu.enqueue_dma source(%dma_start3A_342 : memref<80x128xf32, #tpu.memory_space<vmem_shared>>) target(%arg15 : memref<80x128xf32, #tpu.memory_space<vmem>>) target_semaphore(%run_scoped3A : memref<!tpu.dma_semaphore, #tpu.memory_space<semaphore_mem>>)
      %dma_wait3A_343 = arith.constant 0 : i32
      %dma_wait3A_344 = tpu.memref_slice %arg19[%add3A_332, %dma_wait3A_343] : memref<10240x128xf32, #tpu.memory_space<vmem_shared>> -> memref<80x128xf32, #tpu.memory_space<vmem_shared>>
      %dma_wait3A_345 = arith.constant 0 : i32
      %dma_wait3A_346 = tpu.memref_slice %arg19[%add3A_332, %dma_wait3A_345] : memref<10240x128xf32, #tpu.memory_space<vmem_shared>> -> memref<80x128xf32, #tpu.memory_space<vmem_shared>>
      tpu.wait_dma2 semaphore(%run_scoped3A : memref<!tpu.dma_semaphore, #tpu.memory_space<semaphore_mem>>) src(%dma_wait3A_346 : memref<80x128xf32, #tpu.memory_space<vmem_shared>>) dst(%arg15 : memref<80x128xf32, #tpu.memory_space<vmem>>)
      tpu.yield
    }) : () -> ()
    %add3A_333 = arith.constant 560 : i32
    %add3A_334 = arith.addi %add3A_17, %add3A_333 : i32
    "tpu.region"() ({
      %run_scoped3A = tpu.sem_alloc : memref<!tpu.dma_semaphore, #tpu.memory_space<semaphore_mem>>
      %dma_start3A_339 = arith.constant 0 : i32
      %dma_start3A_340 = tpu.memref_slice %arg8[%add3A_334, %dma_start3A_339] : memref<20480x128xf32, #tpu.memory_space<hbm>> -> memref<80x128xf32, #tpu.memory_space<hbm>>
      %dma_start3A_341 = arith.constant 0 : i32
      %dma_start3A_342 = tpu.memref_slice %arg8[%add3A_334, %dma_start3A_341] : memref<20480x128xf32, #tpu.memory_space<hbm>> -> memref<80x128xf32, #tpu.memory_space<hbm>>
      tpu.enqueue_dma source(%arg15 : memref<80x128xf32, #tpu.memory_space<vmem>>) target(%dma_start3A_342 : memref<80x128xf32, #tpu.memory_space<hbm>>) target_semaphore(%run_scoped3A : memref<!tpu.dma_semaphore, #tpu.memory_space<semaphore_mem>>)
      %dma_wait3A_343 = arith.constant 0 : i32
      %dma_wait3A_344 = tpu.memref_slice %arg8[%add3A_334, %dma_wait3A_343] : memref<20480x128xf32, #tpu.memory_space<hbm>> -> memref<80x128xf32, #tpu.memory_space<hbm>>
      %dma_wait3A_345 = arith.constant 0 : i32
      %dma_wait3A_346 = tpu.memref_slice %arg8[%add3A_334, %dma_wait3A_345] : memref<20480x128xf32, #tpu.memory_space<hbm>> -> memref<80x128xf32, #tpu.memory_space<hbm>>
      tpu.wait_dma2 semaphore(%run_scoped3A : memref<!tpu.dma_semaphore, #tpu.memory_space<semaphore_mem>>) src(%arg15 : memref<80x128xf32, #tpu.memory_space<vmem>>) dst(%dma_wait3A_346 : memref<80x128xf32, #tpu.memory_space<hbm>>)
      tpu.yield
    }) : () -> ()
    %add3A_335 = arith.constant 560 : i32
    %add3A_336 = arith.addi %mul3A_14, %add3A_335 : i32
    "tpu.region"() ({
      %run_scoped3A = tpu.sem_alloc : memref<!tpu.dma_semaphore, #tpu.memory_space<semaphore_mem>>
      %dma_start3A_339 = arith.constant 0 : i32
      %dma_start3A_340 = tpu.memref_slice %arg20[%add3A_336, %dma_start3A_339] : memref<10240x16xf32, #tpu.memory_space<vmem_shared>> -> memref<80x16xf32, #tpu.memory_space<vmem_shared>>
      %dma_start3A_341 = arith.constant 0 : i32
      %dma_start3A_342 = tpu.memref_slice %arg20[%add3A_336, %dma_start3A_341] : memref<10240x16xf32, #tpu.memory_space<vmem_shared>> -> memref<80x16xf32, #tpu.memory_space<vmem_shared>>
      tpu.enqueue_dma source(%dma_start3A_342 : memref<80x16xf32, #tpu.memory_space<vmem_shared>>) target(%arg17 : memref<80x16xf32, #tpu.memory_space<vmem>>) target_semaphore(%run_scoped3A : memref<!tpu.dma_semaphore, #tpu.memory_space<semaphore_mem>>)
      %dma_wait3A_343 = arith.constant 0 : i32
      %dma_wait3A_344 = tpu.memref_slice %arg20[%add3A_336, %dma_wait3A_343] : memref<10240x16xf32, #tpu.memory_space<vmem_shared>> -> memref<80x16xf32, #tpu.memory_space<vmem_shared>>
      %dma_wait3A_345 = arith.constant 0 : i32
      %dma_wait3A_346 = tpu.memref_slice %arg20[%add3A_336, %dma_wait3A_345] : memref<10240x16xf32, #tpu.memory_space<vmem_shared>> -> memref<80x16xf32, #tpu.memory_space<vmem_shared>>
      tpu.wait_dma2 semaphore(%run_scoped3A : memref<!tpu.dma_semaphore, #tpu.memory_space<semaphore_mem>>) src(%dma_wait3A_346 : memref<80x16xf32, #tpu.memory_space<vmem_shared>>) dst(%arg17 : memref<80x16xf32, #tpu.memory_space<vmem>>)
      tpu.yield
    }) : () -> ()
    %add3A_337 = arith.constant 560 : i32
    %add3A_338 = arith.addi %add3A_17, %add3A_337 : i32
    "tpu.region"() ({
      %run_scoped3A = tpu.sem_alloc : memref<!tpu.dma_semaphore, #tpu.memory_space<semaphore_mem>>
      %dma_start3A_339 = arith.constant 0 : i32
      %dma_start3A_340 = tpu.memref_slice %arg9[%add3A_338, %dma_start3A_339] : memref<20480x16xf32, #tpu.memory_space<hbm>> -> memref<80x16xf32, #tpu.memory_space<hbm>>
      %dma_start3A_341 = arith.constant 0 : i32
      %dma_start3A_342 = tpu.memref_slice %arg9[%add3A_338, %dma_start3A_341] : memref<20480x16xf32, #tpu.memory_space<hbm>> -> memref<80x16xf32, #tpu.memory_space<hbm>>
      tpu.enqueue_dma source(%arg17 : memref<80x16xf32, #tpu.memory_space<vmem>>) target(%dma_start3A_342 : memref<80x16xf32, #tpu.memory_space<hbm>>) target_semaphore(%run_scoped3A : memref<!tpu.dma_semaphore, #tpu.memory_space<semaphore_mem>>)
      %dma_wait3A_343 = arith.constant 0 : i32
      %dma_wait3A_344 = tpu.memref_slice %arg9[%add3A_338, %dma_wait3A_343] : memref<20480x16xf32, #tpu.memory_space<hbm>> -> memref<80x16xf32, #tpu.memory_space<hbm>>
      %dma_wait3A_345 = arith.constant 0 : i32
      %dma_wait3A_346 = tpu.memref_slice %arg9[%add3A_338, %dma_wait3A_345] : memref<20480x16xf32, #tpu.memory_space<hbm>> -> memref<80x16xf32, #tpu.memory_space<hbm>>
      tpu.wait_dma2 semaphore(%run_scoped3A : memref<!tpu.dma_semaphore, #tpu.memory_space<semaphore_mem>>) src(%arg17 : memref<80x16xf32, #tpu.memory_space<vmem>>) dst(%dma_wait3A_346 : memref<80x16xf32, #tpu.memory_space<hbm>>)
      tpu.yield
    }) : () -> ()
    return
  }
}

module attributes {stable_mosaic.version = 14 : i64} {
  func.func @_b_body(%arg0: i32, %arg1: memref<4000x16xf32, #tpu.memory_space<vmem>>, %arg2: memref<16x128xf32, #tpu.memory_space<vmem>>, %arg3: memref<4000x128xf32, #tpu.memory_space<vmem>>) attributes {dimension_semantics = [#tpu.dimension_semantics<arbitrary>], iteration_bounds = array<i64: 80>, scalar_prefetch = 0 : i64, scratch_operands = 0 : i64, tpu.core_type = #tpu.core_type<tc>, window_params = [{transform_indices = @transform_0, window_bounds = array<i64: 4000, 16>}, {pipeline_mode = #tpu.pipeline_mode<synchronous>, transform_indices = @transform_1, window_bounds = array<i64: 16, 128>}, {transform_indices = @transform_2, window_bounds = array<i64: 4000, 128>}]} {
    %get3A = arith.constant 0 : index
    %get3A_0 = arith.constant 0 : index
    %get3A_1 = vector.load %arg1[%get3A, %get3A_0] : memref<4000x16xf32, #tpu.memory_space<vmem>>, vector<4000x16xf32>
    %get3A_2 = arith.constant 0 : index
    %get3A_3 = arith.constant 0 : index
    %get3A_4 = vector.load %arg2[%get3A_2, %get3A_3] : memref<16x128xf32, #tpu.memory_space<vmem>>, vector<16x128xf32>
    %dot_general3A = arith.constant dense<0.000000e+00> : vector<4000x128xf32>
    %dot_general3A_5 = tpu.matmul %get3A_1, %get3A_4, %dot_general3A {dimension_numbers = #tpu.dot_dimension_numbers<[1], [0], [0], [1], [0, 0, 1, 1], [], []>, transpose_lhs_hint = false} : vector<4000x16xf32>, vector<16x128xf32>, vector<4000x128xf32> -> vector<4000x128xf32>
    %swap3A = arith.constant 0 : index
    %swap3A_6 = arith.constant 0 : index
    %swap3A_7 = vector.load %arg3[%swap3A, %swap3A_6] : memref<4000x128xf32, #tpu.memory_space<vmem>>, vector<4000x128xf32>
    tpu.vector_store %arg3[%swap3A, %swap3A_6], %dot_general3A_5 {strides = array<i32>} : memref<4000x128xf32, #tpu.memory_space<vmem>>, vector<4000x128xf32>,
    return
  }
  func.func @transform_0(%arg0: i32) -> (i32, i32) {
    %c0_i32 = arith.constant 0 : i32
    %c0_i32_0 = arith.constant 0 : i32
    return %arg0, %c0_i32 : i32, i32
  }
  func.func @transform_1(%arg0: i32) -> (i32, i32) {
    %c0_i32 = arith.constant 0 : i32
    %c0_i32_0 = arith.constant 0 : i32
    %c0_i32_1 = arith.constant 0 : i32
    return %c0_i32, %c0_i32_0 : i32, i32
  }
  func.func @transform_2(%arg0: i32) -> (i32, i32) {
    %c0_i32 = arith.constant 0 : i32
    %c0_i32_0 = arith.constant 0 : i32
    return %arg0, %c0_i32 : i32, i32
  }
}

module attributes {stable_mosaic.version = 14 : i64} {
  func.func @_a2_body(%arg0: i32, %arg1: memref<1000x128xf32, #tpu.memory_space<vmem>>, %arg2: memref<1000x1xi32, #tpu.memory_space<vmem>>, %arg3: memref<10000x1xi32, #tpu.memory_space<vmem>>, %arg4: memref<4x32xf32, #tpu.memory_space<vmem>>, %arg5: memref<128x128xf32, #tpu.memory_space<vmem>>, %arg6: memref<32x128xf32, #tpu.memory_space<vmem>>, %arg7: memref<1x128xf32, #tpu.memory_space<vmem>>, %arg8: memref<1000x128xf32, #tpu.memory_space<vmem>>, %arg9: memref<8x128xi32, #tpu.memory_space<vmem>>) attributes {dimension_semantics = [#tpu.dimension_semantics<arbitrary>], iteration_bounds = array<i64: 10>, scalar_prefetch = 0 : i64, scratch_operands = 0 : i64, tpu.core_type = #tpu.core_type<tc>, window_params = [{transform_indices = @transform_0, window_bounds = array<i64: 1000, 128>}, {transform_indices = @transform_1, window_bounds = array<i64: 1000, 1>}, {pipeline_mode = #tpu.pipeline_mode<synchronous>, transform_indices = @transform_2, window_bounds = array<i64: 10000, 1>}, {pipeline_mode = #tpu.pipeline_mode<synchronous>, transform_indices = @transform_3, window_bounds = array<i64: 4, 32>}, {pipeline_mode = #tpu.pipeline_mode<synchronous>, transform_indices = @transform_4, window_bounds = array<i64: 128, 128>}, {pipeline_mode = #tpu.pipeline_mode<synchronous>, transform_indices = @transform_5, window_bounds = array<i64: 32, 128>}, {pipeline_mode = #tpu.pipeline_mode<synchronous>, transform_indices = @transform_6, window_bounds = array<i64: 1, 128>}, {transform_indices = @transform_7, window_bounds = array<i64: 1000, 128>}, {pipeline_mode = #tpu.pipeline_mode<synchronous>, transform_indices = @transform_8, window_bounds = array<i64: 8, 128>}]} {
    %iota3A = tpu.iota {dimensions = array<i32: 1>} : vector<1000x4xi32>
    %get3A = arith.constant 0 : index
    %get3A_0 = arith.constant 0 : index
    %get3A_1 = vector.load %arg2[%get3A, %get3A_0] : memref<1000x1xi32, #tpu.memory_space<vmem>>, vector<1000x1xi32>
    %eq3A = vector.broadcast %get3A_1 : vector<1000x1xi32> to vector<1000x4xi32>
    %eq3A_2 = arith.cmpi eq, %iota3A, %eq3A : vector<1000x4xi32>
    %convert_element_type3A = arith.extui %eq3A_2 : vector<1000x4xi1> to vector<1000x4xi32>
    %convert_element_type3A_3 = arith.sitofp %convert_element_type3A : vector<1000x4xi32> to vector<1000x4xf32>
    %get3A_4 = arith.constant 0 : index
    %get3A_5 = arith.constant 0 : index
    %get3A_6 = vector.load %arg4[%get3A_4, %get3A_5] : memref<4x32xf32, #tpu.memory_space<vmem>>, vector<4x32xf32>
    %get3A_7 = arith.constant 0 : index
    %get3A_8 = arith.constant 0 : index
    %get3A_9 = vector.load %arg6[%get3A_7, %get3A_8] : memref<32x128xf32, #tpu.memory_space<vmem>>, vector<32x128xf32>
    %dot_general3A = arith.constant dense<0.000000e+00> : vector<4x128xf32>
    %dot_general3A_10 = tpu.matmul %get3A_6, %get3A_9, %dot_general3A {dimension_numbers = #tpu.dot_dimension_numbers<[1], [0], [0], [1], [0, 0, 1, 1], [], []>, transpose_lhs_hint = false} : vector<4x32xf32>, vector<32x128xf32>, vector<4x128xf32> -> vector<4x128xf32>
    %get3A_11 = arith.constant 0 : index
    %get3A_12 = arith.constant 0 : index
    %get3A_13 = vector.load %arg1[%get3A_11, %get3A_12] : memref<1000x128xf32, #tpu.memory_space<vmem>>, vector<1000x128xf32>
    %get3A_14 = arith.constant 0 : index
    %get3A_15 = arith.constant 0 : index
    %get3A_16 = vector.load %arg5[%get3A_14, %get3A_15] : memref<128x128xf32, #tpu.memory_space<vmem>>, vector<128x128xf32>
    %dot_general3A_17 = arith.constant dense<0.000000e+00> : vector<1000x128xf32>
    %dot_general3A_18 = tpu.matmul %get3A_13, %get3A_16, %dot_general3A_17 {dimension_numbers = #tpu.dot_dimension_numbers<[1], [0], [0], [1], [0, 0, 1, 1], [], []>, transpose_lhs_hint = false} : vector<1000x128xf32>, vector<128x128xf32>, vector<1000x128xf32> -> vector<1000x128xf32>
    %dot_general3A_19 = arith.constant dense<0.000000e+00> : vector<1000x128xf32>
    %dot_general3A_20 = tpu.matmul %convert_element_type3A_3, %dot_general3A_10, %dot_general3A_19 {dimension_numbers = #tpu.dot_dimension_numbers<[1], [0], [0], [1], [0, 0, 1, 1], [], []>, transpose_lhs_hint = false} : vector<1000x4xf32>, vector<4x128xf32>, vector<1000x128xf32> -> vector<1000x128xf32>
    %add3A = arith.addf %dot_general3A_18, %dot_general3A_20 : vector<1000x128xf32>
    %get3A_21 = arith.constant 0 : index
    %get3A_22 = arith.constant 0 : index
    %get3A_23 = vector.load %arg7[%get3A_21, %get3A_22] : memref<1x128xf32, #tpu.memory_space<vmem>>, vector<1x128xf32>
    %add3A_24 = vector.broadcast %get3A_23 : vector<1x128xf32> to vector<1000x128xf32>
    %add3A_25 = arith.addf %add3A, %add3A_24 : vector<1000x128xf32>
    %swap3A = arith.constant 0 : index
    %swap3A_26 = arith.constant 0 : index
    %swap3A_27 = vector.load %arg8[%swap3A, %swap3A_26] : memref<1000x128xf32, #tpu.memory_space<vmem>>, vector<1000x128xf32>
    tpu.vector_store %arg8[%swap3A, %swap3A_26], %add3A_25 {strides = array<i32>} : memref<1000x128xf32, #tpu.memory_space<vmem>>, vector<1000x128xf32>,
    %eq3A_28 = arith.constant 0 : i32
    %eq3A_29 = arith.cmpi eq, %arg0, %eq3A_28 : i32
    %convert_element_type3A_30 = arith.extui %eq3A_29 : i1 to i32
    %cond3A = arith.constant 0 : i32
    %cond3A_31 = arith.cmpi ne, %convert_element_type3A_30, %cond3A : i32
    scf.if %cond3A_31 {
      %get3A_32 = arith.constant 0 : index
      %get3A_33 = arith.constant 0 : index
      %get3A_34 = vector.load %arg3[%get3A_32, %get3A_33] : memref<10000x1xi32, #tpu.memory_space<vmem>>, vector<10000x1xi32>
      %convert_element_type3A_35 = arith.sitofp %get3A_34 : vector<10000x1xi32> to vector<10000x1xf32>
      %lt3A = arith.constant 1.000000e+00 : f32
      %lt3A_36 = vector.broadcast %lt3A : f32 to vector<10000x1xf32>
      %lt3A_37 = arith.cmpf olt, %convert_element_type3A_35, %lt3A_36 : vector<10000x1xf32>
      %convert_element_type3A_38 = arith.extui %lt3A_37 : vector<10000x1xi1> to vector<10000x1xi32>
      %convert_element_type3A_39 = arith.sitofp %convert_element_type3A_38 : vector<10000x1xi32> to vector<10000x1xf32>
      %reduce_sum3A = vector.shape_cast %convert_element_type3A_39 : vector<10000x1xf32> to vector<1x10000x1xf32>
      %reduce_sum3A_40 = arith.constant dense<0.000000e+00> : vector<1xf32>
      %reduce_sum3A_41 = vector.multi_reduction <add>, %reduce_sum3A, %reduce_sum3A_40 [1, 2] : vector<1x10000x1xf32> to vector<1xf32>
      %reduce_sum3A_42 = vector.shape_cast %reduce_sum3A_41 : vector<1xf32> to vector<1x1x1xf32>
      %reduce_sum3A_43 = vector.extract %reduce_sum3A_42[0, 0, 0] : f32 from vector<1x1x1xf32>
      %lt3A_44 = arith.constant 2.000000e+00 : f32
      %lt3A_45 = vector.broadcast %lt3A_44 : f32 to vector<10000x1xf32>
      %lt3A_46 = arith.cmpf olt, %convert_element_type3A_35, %lt3A_45 : vector<10000x1xf32>
      %convert_element_type3A_47 = arith.extui %lt3A_46 : vector<10000x1xi1> to vector<10000x1xi32>
      %convert_element_type3A_48 = arith.sitofp %convert_element_type3A_47 : vector<10000x1xi32> to vector<10000x1xf32>
      %reduce_sum3A_49 = vector.shape_cast %convert_element_type3A_48 : vector<10000x1xf32> to vector<1x10000x1xf32>
      %reduce_sum3A_50 = arith.constant dense<0.000000e+00> : vector<1xf32>
      %reduce_sum3A_51 = vector.multi_reduction <add>, %reduce_sum3A_49, %reduce_sum3A_50 [1, 2] : vector<1x10000x1xf32> to vector<1xf32>
      %reduce_sum3A_52 = vector.shape_cast %reduce_sum3A_51 : vector<1xf32> to vector<1x1x1xf32>
      %reduce_sum3A_53 = vector.extract %reduce_sum3A_52[0, 0, 0] : f32 from vector<1x1x1xf32>
      %lt3A_54 = arith.constant 3.000000e+00 : f32
      %lt3A_55 = vector.broadcast %lt3A_54 : f32 to vector<10000x1xf32>
      %lt3A_56 = arith.cmpf olt, %convert_element_type3A_35, %lt3A_55 : vector<10000x1xf32>
      %convert_element_type3A_57 = arith.extui %lt3A_56 : vector<10000x1xi1> to vector<10000x1xi32>
      %convert_element_type3A_58 = arith.sitofp %convert_element_type3A_57 : vector<10000x1xi32> to vector<10000x1xf32>
      %reduce_sum3A_59 = vector.shape_cast %convert_element_type3A_58 : vector<10000x1xf32> to vector<1x10000x1xf32>
      %reduce_sum3A_60 = arith.constant dense<0.000000e+00> : vector<1xf32>
      %reduce_sum3A_61 = vector.multi_reduction <add>, %reduce_sum3A_59, %reduce_sum3A_60 [1, 2] : vector<1x10000x1xf32> to vector<1xf32>
      %reduce_sum3A_62 = vector.shape_cast %reduce_sum3A_61 : vector<1xf32> to vector<1x1x1xf32>
      %reduce_sum3A_63 = vector.extract %reduce_sum3A_62[0, 0, 0] : f32 from vector<1x1x1xf32>
      %iota3A_64 = tpu.iota {dimensions = array<i32: 0>} : vector<8x128xi32>
      %convert_element_type3A_65 = arith.fptosi %reduce_sum3A_43 : f32 to i32
      %convert_element_type3A_66 = arith.fptosi %reduce_sum3A_53 : f32 to i32
      %convert_element_type3A_67 = arith.fptosi %reduce_sum3A_63 : f32 to i32
      %eq3A_68 = arith.constant 0 : i32
      %eq3A_69 = vector.broadcast %eq3A_68 : i32 to vector<8x128xi32>
      %eq3A_70 = arith.cmpi eq, %iota3A_64, %eq3A_69 : vector<8x128xi32>
      %eq3A_71 = arith.constant 1 : i32
      %eq3A_72 = vector.broadcast %eq3A_71 : i32 to vector<8x128xi32>
      %eq3A_73 = arith.cmpi eq, %iota3A_64, %eq3A_72 : vector<8x128xi32>
      %eq3A_74 = arith.constant 2 : i32
      %eq3A_75 = vector.broadcast %eq3A_74 : i32 to vector<8x128xi32>
      %eq3A_76 = arith.cmpi eq, %iota3A_64, %eq3A_75 : vector<8x128xi32>
      %jit3A = arith.constant 0 : i32
      %broadcast_in_dim3A = vector.broadcast %convert_element_type3A_67 : i32 to vector<8x128xi32>
      %broadcast_in_dim3A_77 = vector.broadcast %jit3A : i32 to vector<8x128xi32>
      %select_n3A = arith.select %eq3A_76, %broadcast_in_dim3A, %broadcast_in_dim3A_77 : vector<8x128xi1>, vector<8x128xi32>
      %broadcast_in_dim3A_78 = vector.broadcast %convert_element_type3A_66 : i32 to vector<8x128xi32>
      %select_n3A_79 = arith.select %eq3A_73, %broadcast_in_dim3A_78, %select_n3A : vector<8x128xi1>, vector<8x128xi32>
      %broadcast_in_dim3A_80 = vector.broadcast %convert_element_type3A_65 : i32 to vector<8x128xi32>
      %select_n3A_81 = arith.select %eq3A_70, %broadcast_in_dim3A_80, %select_n3A_79 : vector<8x128xi1>, vector<8x128xi32>
      %swap3A_82 = arith.constant 0 : index
      %swap3A_83 = arith.constant 0 : index
      %swap3A_84 = vector.load %arg9[%swap3A_82, %swap3A_83] : memref<8x128xi32, #tpu.memory_space<vmem>>, vector<8x128xi32>
      tpu.vector_store %arg9[%swap3A_82, %swap3A_83], %select_n3A_81 {strides = array<i32>} : memref<8x128xi32, #tpu.memory_space<vmem>>, vector<8x128xi32>,
    } else {
    }
    return
  }
  func.func @transform_0(%arg0: i32) -> (i32, i32) {
    %c0_i32 = arith.constant 0 : i32
    %c0_i32_0 = arith.constant 0 : i32
    return %arg0, %c0_i32 : i32, i32
  }
  func.func @transform_1(%arg0: i32) -> (i32, i32) {
    %c0_i32 = arith.constant 0 : i32
    %c0_i32_0 = arith.constant 0 : i32
    return %arg0, %c0_i32 : i32, i32
  }
  func.func @transform_2(%arg0: i32) -> (i32, i32) {
    %c0_i32 = arith.constant 0 : i32
    %c0_i32_0 = arith.constant 0 : i32
    %c0_i32_1 = arith.constant 0 : i32
    return %c0_i32, %c0_i32_0 : i32, i32
  }
  func.func @transform_3(%arg0: i32) -> (i32, i32) {
    %c0_i32 = arith.constant 0 : i32
    %c0_i32_0 = arith.constant 0 : i32
    %c0_i32_1 = arith.constant 0 : i32
    return %c0_i32, %c0_i32_0 : i32, i32
  }
  func.func @transform_4(%arg0: i32) -> (i32, i32) {
    %c0_i32 = arith.constant 0 : i32
    %c0_i32_0 = arith.constant 0 : i32
    %c0_i32_1 = arith.constant 0 : i32
    return %c0_i32, %c0_i32_0 : i32, i32
  }
  func.func @transform_5(%arg0: i32) -> (i32, i32) {
    %c0_i32 = arith.constant 0 : i32
    %c0_i32_0 = arith.constant 0 : i32
    %c0_i32_1 = arith.constant 0 : i32
    return %c0_i32, %c0_i32_0 : i32, i32
  }
  func.func @transform_6(%arg0: i32) -> (i32, i32) {
    %c0_i32 = arith.constant 0 : i32
    %c0_i32_0 = arith.constant 0 : i32
    %c0_i32_1 = arith.constant 0 : i32
    return %c0_i32, %c0_i32_0 : i32, i32
  }
  func.func @transform_7(%arg0: i32) -> (i32, i32) {
    %c0_i32 = arith.constant 0 : i32
    %c0_i32_0 = arith.constant 0 : i32
    return %arg0, %c0_i32 : i32, i32
  }
  func.func @transform_8(%arg0: i32) -> (i32, i32) {
    %c0_i32 = arith.constant 0 : i32
    %c0_i32_0 = arith.constant 0 : i32
    %c0_i32_1 = arith.constant 0 : i32
    return %c0_i32, %c0_i32_0 : i32, i32
  }
}

module attributes {stable_mosaic.version = 14 : i64} {
  func.func @_node_body(%arg0: i32, %arg1: memref<1000x128xf32, #tpu.memory_space<vmem>>, %arg2: memref<1000x128xf32, #tpu.memory_space<vmem>>, %arg3: memref<1000x128xf32, #tpu.memory_space<vmem>>, %arg4: memref<1000x16xf32, #tpu.memory_space<vmem>>, %arg5: memref<1000x16xf32, #tpu.memory_space<vmem>>, %arg6: memref<1000x1xi32, #tpu.memory_space<vmem>>, %arg7: memref<4x32xf32, #tpu.memory_space<vmem>>, %arg8: memref<128x128xf32, #tpu.memory_space<vmem>>, %arg9: memref<128x128xf32, #tpu.memory_space<vmem>>, %arg10: memref<32x128xf32, #tpu.memory_space<vmem>>, %arg11: memref<1x128xf32, #tpu.memory_space<vmem>>, %arg12: memref<1000x128xf32, #tpu.memory_space<vmem>>, %arg13: memref<4x128xf32, #tpu.memory_space<vmem>>, %arg14: memref<4x128xf32, #tpu.memory_space<vmem>>) attributes {dimension_semantics = [#tpu.dimension_semantics<arbitrary>], iteration_bounds = array<i64: 10>, scalar_prefetch = 0 : i64, scratch_operands = 0 : i64, tpu.core_type = #tpu.core_type<tc>, window_params = [{transform_indices = @transform_0, window_bounds = array<i64: 1000, 128>}, {transform_indices = @transform_1, window_bounds = array<i64: 1000, 128>}, {transform_indices = @transform_2, window_bounds = array<i64: 1000, 128>}, {transform_indices = @transform_3, window_bounds = array<i64: 1000, 16>}, {transform_indices = @transform_4, window_bounds = array<i64: 1000, 16>}, {transform_indices = @transform_5, window_bounds = array<i64: 1000, 1>}, {pipeline_mode = #tpu.pipeline_mode<synchronous>, transform_indices = @transform_6, window_bounds = array<i64: 4, 32>}, {pipeline_mode = #tpu.pipeline_mode<synchronous>, transform_indices = @transform_7, window_bounds = array<i64: 128, 128>}, {pipeline_mode = #tpu.pipeline_mode<synchronous>, transform_indices = @transform_8, window_bounds = array<i64: 128, 128>}, {pipeline_mode = #tpu.pipeline_mode<synchronous>, transform_indices = @transform_9, window_bounds = array<i64: 32, 128>}, {pipeline_mode = #tpu.pipeline_mode<synchronous>, transform_indices = @transform_10, window_bounds = array<i64: 1, 128>}, {transform_indices = @transform_11, window_bounds = array<i64: 1000, 128>}, {pipeline_mode = #tpu.pipeline_mode<synchronous>, transform_indices = @transform_12, window_bounds = array<i64: 4, 128>}, {pipeline_mode = #tpu.pipeline_mode<synchronous>, transform_indices = @transform_13, window_bounds = array<i64: 4, 128>}]} {
    %get3A = arith.constant 0 : index
    %get3A_0 = arith.constant 0 : index
    %get3A_1 = vector.load %arg4[%get3A, %get3A_0] : memref<1000x16xf32, #tpu.memory_space<vmem>>, vector<1000x1xf32>
    %get3A_2 = arith.constant 0 : index
    %get3A_3 = arith.constant 0 : index
    %get3A_4 = vector.load %arg5[%get3A_2, %get3A_3] : memref<1000x16xf32, #tpu.memory_space<vmem>>, vector<1000x1xf32>
    %add3A = arith.addf %get3A_1, %get3A_4 : vector<1000x1xf32>
    %get3A_5 = arith.constant 0 : index
    %get3A_6 = arith.constant 0 : index
    %get3A_7 = vector.load %arg2[%get3A_5, %get3A_6] : memref<1000x128xf32, #tpu.memory_space<vmem>>, vector<1000x128xf32>
    %get3A_8 = arith.constant 0 : index
    %get3A_9 = arith.constant 0 : index
    %get3A_10 = vector.load %arg3[%get3A_8, %get3A_9] : memref<1000x128xf32, #tpu.memory_space<vmem>>, vector<1000x128xf32>
    %add3A_11 = arith.addf %get3A_7, %get3A_10 : vector<1000x128xf32>
    %max3A = arith.constant 1.000000e+00 : f32
    %max3A_12 = vector.broadcast %max3A : f32 to vector<1000x1xf32>
    %max3A_13 = arith.maximumf %add3A, %max3A_12 : vector<1000x1xf32>
    %div3A = vector.broadcast %max3A_13 : vector<1000x1xf32> to vector<1000x128xf32>
    %div3A_14 = arith.divf %add3A_11, %div3A : vector<1000x128xf32>
    %iota3A = tpu.iota {dimensions = array<i32: 1>} : vector<1000x4xi32>
    %get3A_15 = arith.constant 0 : index
    %get3A_16 = arith.constant 0 : index
    %get3A_17 = vector.load %arg6[%get3A_15, %get3A_16] : memref<1000x1xi32, #tpu.memory_space<vmem>>, vector<1000x1xi32>
    %eq3A = vector.broadcast %get3A_17 : vector<1000x1xi32> to vector<1000x4xi32>
    %eq3A_18 = arith.cmpi eq, %iota3A, %eq3A : vector<1000x4xi32>
    %convert_element_type3A = arith.extui %eq3A_18 : vector<1000x4xi1> to vector<1000x4xi32>
    %convert_element_type3A_19 = arith.sitofp %convert_element_type3A : vector<1000x4xi32> to vector<1000x4xf32>
    %get3A_20 = arith.constant 0 : index
    %get3A_21 = arith.constant 0 : index
    %get3A_22 = vector.load %arg7[%get3A_20, %get3A_21] : memref<4x32xf32, #tpu.memory_space<vmem>>, vector<4x32xf32>
    %get3A_23 = arith.constant 0 : index
    %get3A_24 = arith.constant 0 : index
    %get3A_25 = vector.load %arg10[%get3A_23, %get3A_24] : memref<32x128xf32, #tpu.memory_space<vmem>>, vector<32x128xf32>
    %dot_general3A = arith.constant dense<0.000000e+00> : vector<4x128xf32>
    %dot_general3A_26 = tpu.matmul %get3A_22, %get3A_25, %dot_general3A {dimension_numbers = #tpu.dot_dimension_numbers<[1], [0], [0], [1], [0, 0, 1, 1], [], []>, transpose_lhs_hint = false} : vector<4x32xf32>, vector<32x128xf32>, vector<4x128xf32> -> vector<4x128xf32>
    %get3A_27 = arith.constant 0 : index
    %get3A_28 = arith.constant 0 : index
    %get3A_29 = vector.load %arg1[%get3A_27, %get3A_28] : memref<1000x128xf32, #tpu.memory_space<vmem>>, vector<1000x128xf32>
    %get3A_30 = arith.constant 0 : index
    %get3A_31 = arith.constant 0 : index
    %get3A_32 = vector.load %arg8[%get3A_30, %get3A_31] : memref<128x128xf32, #tpu.memory_space<vmem>>, vector<128x128xf32>
    %dot_general3A_33 = arith.constant dense<0.000000e+00> : vector<1000x128xf32>
    %dot_general3A_34 = tpu.matmul %get3A_29, %get3A_32, %dot_general3A_33 {dimension_numbers = #tpu.dot_dimension_numbers<[1], [0], [0], [1], [0, 0, 1, 1], [], []>, transpose_lhs_hint = false} : vector<1000x128xf32>, vector<128x128xf32>, vector<1000x128xf32> -> vector<1000x128xf32>
    %get3A_35 = arith.constant 0 : index
    %get3A_36 = arith.constant 0 : index
    %get3A_37 = vector.load %arg9[%get3A_35, %get3A_36] : memref<128x128xf32, #tpu.memory_space<vmem>>, vector<128x128xf32>
    %dot_general3A_38 = arith.constant dense<0.000000e+00> : vector<1000x128xf32>
    %dot_general3A_39 = tpu.matmul %div3A_14, %get3A_37, %dot_general3A_38 {dimension_numbers = #tpu.dot_dimension_numbers<[1], [0], [0], [1], [0, 0, 1, 1], [], []>, transpose_lhs_hint = false} : vector<1000x128xf32>, vector<128x128xf32>, vector<1000x128xf32> -> vector<1000x128xf32>
    %add3A_40 = arith.addf %dot_general3A_34, %dot_general3A_39 : vector<1000x128xf32>
    %dot_general3A_41 = arith.constant dense<0.000000e+00> : vector<1000x128xf32>
    %dot_general3A_42 = tpu.matmul %convert_element_type3A_19, %dot_general3A_26, %dot_general3A_41 {dimension_numbers = #tpu.dot_dimension_numbers<[1], [0], [0], [1], [0, 0, 1, 1], [], []>, transpose_lhs_hint = false} : vector<1000x4xf32>, vector<4x128xf32>, vector<1000x128xf32> -> vector<1000x128xf32>
    %add3A_43 = arith.addf %add3A_40, %dot_general3A_42 : vector<1000x128xf32>
    %get3A_44 = arith.constant 0 : index
    %get3A_45 = arith.constant 0 : index
    %get3A_46 = vector.load %arg11[%get3A_44, %get3A_45] : memref<1x128xf32, #tpu.memory_space<vmem>>, vector<1x128xf32>
    %add3A_47 = vector.broadcast %get3A_46 : vector<1x128xf32> to vector<1000x128xf32>
    %add3A_48 = arith.addf %add3A_43, %add3A_47 : vector<1000x128xf32>
    %max3A_49 = arith.constant 0.000000e+00 : f32
    %max3A_50 = vector.broadcast %max3A_49 : f32 to vector<1000x128xf32>
    %max3A_51 = arith.maximumf %add3A_48, %max3A_50 : vector<1000x128xf32>
    %swap3A = arith.constant 0 : index
    %swap3A_52 = arith.constant 0 : index
    %swap3A_53 = vector.load %arg12[%swap3A, %swap3A_52] : memref<1000x128xf32, #tpu.memory_space<vmem>>, vector<1000x128xf32>
    tpu.vector_store %arg12[%swap3A, %swap3A_52], %max3A_51 {strides = array<i32>} : memref<1000x128xf32, #tpu.memory_space<vmem>>, vector<1000x128xf32>,
    %eq3A_54 = arith.constant 0 : i32
    %eq3A_55 = arith.cmpi eq, %arg0, %eq3A_54 : i32
    %convert_element_type3A_56 = arith.extui %eq3A_55 : i1 to i32
    %cond3A = arith.constant 0 : i32
    %cond3A_57 = arith.cmpi ne, %convert_element_type3A_56, %cond3A : i32
    scf.if %cond3A_57 {
      %broadcast_in_dim3A_77 = arith.constant 0.000000e+00 : f32
      %broadcast_in_dim3A_78 = vector.broadcast %broadcast_in_dim3A_77 : f32 to vector<4x128xf32>
      %swap3A_79 = arith.constant 0 : index
      %swap3A_80 = arith.constant 0 : index
      %swap3A_81 = vector.load %arg13[%swap3A_79, %swap3A_80] : memref<4x128xf32, #tpu.memory_space<vmem>>, vector<4x128xf32>
      tpu.vector_store %arg13[%swap3A_79, %swap3A_80], %broadcast_in_dim3A_78 {strides = array<i32>} : memref<4x128xf32, #tpu.memory_space<vmem>>, vector<4x128xf32>,
      %broadcast_in_dim3A_82 = arith.constant 0.000000e+00 : f32
      %broadcast_in_dim3A_83 = vector.broadcast %broadcast_in_dim3A_82 : f32 to vector<4x128xf32>
      %swap3A_84 = arith.constant 0 : index
      %swap3A_85 = arith.constant 0 : index
      %swap3A_86 = vector.load %arg14[%swap3A_84, %swap3A_85] : memref<4x128xf32, #tpu.memory_space<vmem>>, vector<4x128xf32>
      tpu.vector_store %arg14[%swap3A_84, %swap3A_85], %broadcast_in_dim3A_83 {strides = array<i32>} : memref<4x128xf32, #tpu.memory_space<vmem>>, vector<4x128xf32>,
    } else {
    }
    %get3A_58 = arith.constant 0 : index
    %get3A_59 = arith.constant 0 : index
    %get3A_60 = vector.load %arg13[%get3A_58, %get3A_59] : memref<4x128xf32, #tpu.memory_space<vmem>>, vector<4x128xf32>
    %dot_general3A_61 = arith.constant dense<0.000000e+00> : vector<4x128xf32>
    %dot_general3A_62 = tpu.matmul %convert_element_type3A_19, %max3A_51, %dot_general3A_61 {dimension_numbers = #tpu.dot_dimension_numbers<[0], [0], [1], [1], [0, 1, 1, 1], [], []>, transpose_lhs_hint = false} : vector<1000x4xf32>, vector<1000x128xf32>, vector<4x128xf32> -> vector<4x128xf32>
    %add3A_63 = arith.addf %get3A_60, %dot_general3A_62 : vector<4x128xf32>
    %swap3A_64 = arith.constant 0 : index
    %swap3A_65 = arith.constant 0 : index
    %swap3A_66 = vector.load %arg13[%swap3A_64, %swap3A_65] : memref<4x128xf32, #tpu.memory_space<vmem>>, vector<4x128xf32>
    tpu.vector_store %arg13[%swap3A_64, %swap3A_65], %add3A_63 {strides = array<i32>} : memref<4x128xf32, #tpu.memory_space<vmem>>, vector<4x128xf32>,
    %get3A_67 = arith.constant 0 : index
    %get3A_68 = arith.constant 0 : index
    %get3A_69 = vector.load %arg14[%get3A_67, %get3A_68] : memref<4x128xf32, #tpu.memory_space<vmem>>, vector<4x128xf32>
    %broadcast_in_dim3A = arith.constant 1.000000e+00 : f32
    %broadcast_in_dim3A_70 = vector.broadcast %broadcast_in_dim3A : f32 to vector<1000x128xf32>
    %dot_general3A_71 = arith.constant dense<0.000000e+00> : vector<4x128xf32>
    %dot_general3A_72 = tpu.matmul %convert_element_type3A_19, %broadcast_in_dim3A_70, %dot_general3A_71 {dimension_numbers = #tpu.dot_dimension_numbers<[0], [0], [1], [1], [0, 1, 1, 1], [], []>, transpose_lhs_hint = false} : vector<1000x4xf32>, vector<1000x128xf32>, vector<4x128xf32> -> vector<4x128xf32>
    %add3A_73 = arith.addf %get3A_69, %dot_general3A_72 : vector<4x128xf32>
    %swap3A_74 = arith.constant 0 : index
    %swap3A_75 = arith.constant 0 : index
    %swap3A_76 = vector.load %arg14[%swap3A_74, %swap3A_75] : memref<4x128xf32, #tpu.memory_space<vmem>>, vector<4x128xf32>
    tpu.vector_store %arg14[%swap3A_74, %swap3A_75], %add3A_73 {strides = array<i32>} : memref<4x128xf32, #tpu.memory_space<vmem>>, vector<4x128xf32>,
    return
  }
  func.func @transform_0(%arg0: i32) -> (i32, i32) {
    %c0_i32 = arith.constant 0 : i32
    %c0_i32_0 = arith.constant 0 : i32
    return %arg0, %c0_i32 : i32, i32
  }
  func.func @transform_1(%arg0: i32) -> (i32, i32) {
    %c0_i32 = arith.constant 0 : i32
    %c0_i32_0 = arith.constant 0 : i32
    return %arg0, %c0_i32 : i32, i32
  }
  func.func @transform_2(%arg0: i32) -> (i32, i32) {
    %c0_i32 = arith.constant 0 : i32
    %c0_i32_0 = arith.constant 0 : i32
    return %arg0, %c0_i32 : i32, i32
  }
  func.func @transform_3(%arg0: i32) -> (i32, i32) {
    %c0_i32 = arith.constant 0 : i32
    %c0_i32_0 = arith.constant 0 : i32
    return %arg0, %c0_i32 : i32, i32
  }
  func.func @transform_4(%arg0: i32) -> (i32, i32) {
    %c0_i32 = arith.constant 0 : i32
    %c0_i32_0 = arith.constant 0 : i32
    return %arg0, %c0_i32 : i32, i32
  }
  func.func @transform_5(%arg0: i32) -> (i32, i32) {
    %c0_i32 = arith.constant 0 : i32
    %c0_i32_0 = arith.constant 0 : i32
    return %arg0, %c0_i32 : i32, i32
  }
  func.func @transform_6(%arg0: i32) -> (i32, i32) {
    %c0_i32 = arith.constant 0 : i32
    %c0_i32_0 = arith.constant 0 : i32
    %c0_i32_1 = arith.constant 0 : i32
    return %c0_i32, %c0_i32_0 : i32, i32
  }
  func.func @transform_7(%arg0: i32) -> (i32, i32) {
    %c0_i32 = arith.constant 0 : i32
    %c0_i32_0 = arith.constant 0 : i32
    %c0_i32_1 = arith.constant 0 : i32
    return %c0_i32, %c0_i32_0 : i32, i32
  }
  func.func @transform_8(%arg0: i32) -> (i32, i32) {
    %c0_i32 = arith.constant 0 : i32
    %c0_i32_0 = arith.constant 0 : i32
    %c0_i32_1 = arith.constant 0 : i32
    return %c0_i32, %c0_i32_0 : i32, i32
  }
  func.func @transform_9(%arg0: i32) -> (i32, i32) {
    %c0_i32 = arith.constant 0 : i32
    %c0_i32_0 = arith.constant 0 : i32
    %c0_i32_1 = arith.constant 0 : i32
    return %c0_i32, %c0_i32_0 : i32, i32
  }
  func.func @transform_10(%arg0: i32) -> (i32, i32) {
    %c0_i32 = arith.constant 0 : i32
    %c0_i32_0 = arith.constant 0 : i32
    %c0_i32_1 = arith.constant 0 : i32
    return %c0_i32, %c0_i32_0 : i32, i32
  }
  func.func @transform_11(%arg0: i32) -> (i32, i32) {
    %c0_i32 = arith.constant 0 : i32
    %c0_i32_0 = arith.constant 0 : i32
    return %arg0, %c0_i32 : i32, i32
  }
  func.func @transform_12(%arg0: i32) -> (i32, i32) {
    %c0_i32 = arith.constant 0 : i32
    %c0_i32_0 = arith.constant 0 : i32
    %c0_i32_1 = arith.constant 0 : i32
    return %c0_i32, %c0_i32_0 : i32, i32
  }
  func.func @transform_13(%arg0: i32) -> (i32, i32) {
    %c0_i32 = arith.constant 0 : i32
    %c0_i32_0 = arith.constant 0 : i32
    %c0_i32_1 = arith.constant 0 : i32
    return %c0_i32, %c0_i32_0 : i32, i32
  }
}

module attributes {stable_mosaic.version = 14 : i64} {
  func.func @_glob_body(%arg0: i32, %arg1: memref<32x4x128xf32, #tpu.memory_space<vmem>>, %arg2: memref<32x4x16xf32, #tpu.memory_space<vmem>>, %arg3: memref<4x128xf32, #tpu.memory_space<vmem>>, %arg4: memref<4x128xf32, #tpu.memory_space<vmem>>, %arg5: memref<4x32xf32, #tpu.memory_space<vmem>>, %arg6: memref<128x128xf32, #tpu.memory_space<vmem>>, %arg7: memref<128x128xf32, #tpu.memory_space<vmem>>, %arg8: memref<32x128xf32, #tpu.memory_space<vmem>>, %arg9: memref<1x128xf32, #tpu.memory_space<vmem>>, %arg10: memref<4x128xf32, #tpu.memory_space<vmem>>) attributes {dimension_semantics = [#tpu.dimension_semantics<arbitrary>], iteration_bounds = array<i64: 1>, scalar_prefetch = 0 : i64, scratch_operands = 0 : i64, tpu.core_type = #tpu.core_type<tc>, window_params = [{pipeline_mode = #tpu.pipeline_mode<synchronous>, transform_indices = @transform_0, window_bounds = array<i64: 32, 4, 128>}, {pipeline_mode = #tpu.pipeline_mode<synchronous>, transform_indices = @transform_1, window_bounds = array<i64: 32, 4, 16>}, {pipeline_mode = #tpu.pipeline_mode<synchronous>, transform_indices = @transform_2, window_bounds = array<i64: 4, 128>}, {pipeline_mode = #tpu.pipeline_mode<synchronous>, transform_indices = @transform_3, window_bounds = array<i64: 4, 128>}, {pipeline_mode = #tpu.pipeline_mode<synchronous>, transform_indices = @transform_4, window_bounds = array<i64: 4, 32>}, {pipeline_mode = #tpu.pipeline_mode<synchronous>, transform_indices = @transform_5, window_bounds = array<i64: 128, 128>}, {pipeline_mode = #tpu.pipeline_mode<synchronous>, transform_indices = @transform_6, window_bounds = array<i64: 128, 128>}, {pipeline_mode = #tpu.pipeline_mode<synchronous>, transform_indices = @transform_7, window_bounds = array<i64: 32, 128>}, {pipeline_mode = #tpu.pipeline_mode<synchronous>, transform_indices = @transform_8, window_bounds = array<i64: 1, 128>}, {pipeline_mode = #tpu.pipeline_mode<synchronous>, transform_indices = @transform_9, window_bounds = array<i64: 4, 128>}]} {
    %get3A = arith.constant 0 : index
    %get3A_0 = arith.constant 0 : index
    %get3A_1 = arith.constant 0 : index
    %get3A_2 = vector.load %arg1[%get3A, %get3A_0, %get3A_1] : memref<32x4x128xf32, #tpu.memory_space<vmem>>, vector<32x4x128xf32>
    %reduce_sum3A = arith.constant dense<0.000000e+00> : vector<4x128xf32>
    %reduce_sum3A_3 = vector.multi_reduction <add>, %get3A_2, %reduce_sum3A [0] : vector<32x4x128xf32> to vector<4x128xf32>
    %get3A_4 = arith.constant 0 : index
    %get3A_5 = arith.constant 0 : index
    %get3A_6 = arith.constant 0 : index
    %get3A_7 = vector.load %arg2[%get3A_4, %get3A_5, %get3A_6] : memref<32x4x16xf32, #tpu.memory_space<vmem>>, vector<32x4x16xf32>
    %reduce_sum3A_8 = arith.constant dense<0.000000e+00> : vector<4x16xf32>
    %reduce_sum3A_9 = vector.multi_reduction <add>, %get3A_7, %reduce_sum3A_8 [0] : vector<32x4x16xf32> to vector<4x16xf32>
    %reduce_sum3A_10 = arith.constant dense<0.000000e+00> : vector<4xf32>
    %reduce_sum3A_11 = vector.multi_reduction <add>, %reduce_sum3A_9, %reduce_sum3A_10 [1] : vector<4x16xf32> to vector<4xf32>
    %broadcast_in_dim3A = vector.shape_cast %reduce_sum3A_11 : vector<4xf32> to vector<4x1xf32>
    %max3A = arith.constant 1.000000e+00 : f32
    %max3A_12 = vector.broadcast %max3A : f32 to vector<4x1xf32>
    %max3A_13 = arith.maximumf %broadcast_in_dim3A, %max3A_12 : vector<4x1xf32>
    %div3A = vector.broadcast %max3A_13 : vector<4x1xf32> to vector<4x128xf32>
    %div3A_14 = arith.divf %reduce_sum3A_3, %div3A : vector<4x128xf32>
    %get3A_15 = arith.constant 0 : index
    %get3A_16 = arith.constant 0 : index
    %get3A_17 = vector.load %arg3[%get3A_15, %get3A_16] : memref<4x128xf32, #tpu.memory_space<vmem>>, vector<4x128xf32>
    %get3A_18 = arith.constant 0 : index
    %get3A_19 = arith.constant 0 : index
    %get3A_20 = vector.load %arg4[%get3A_18, %get3A_19] : memref<4x128xf32, #tpu.memory_space<vmem>>, vector<4x128xf32>
    %max3A_21 = arith.constant 1.000000e+00 : f32
    %max3A_22 = vector.broadcast %max3A_21 : f32 to vector<4x128xf32>
    %max3A_23 = arith.maximumf %get3A_20, %max3A_22 : vector<4x128xf32>
    %div3A_24 = arith.divf %get3A_17, %max3A_23 : vector<4x128xf32>
    %get3A_25 = arith.constant 0 : index
    %get3A_26 = arith.constant 0 : index
    %get3A_27 = vector.load %arg6[%get3A_25, %get3A_26] : memref<128x128xf32, #tpu.memory_space<vmem>>, vector<128x128xf32>
    %dot_general3A = arith.constant dense<0.000000e+00> : vector<4x128xf32>
    %dot_general3A_28 = tpu.matmul %div3A_14, %get3A_27, %dot_general3A {dimension_numbers = #tpu.dot_dimension_numbers<[1], [0], [0], [1], [0, 0, 1, 1], [], []>, transpose_lhs_hint = false} : vector<4x128xf32>, vector<128x128xf32>, vector<4x128xf32> -> vector<4x128xf32>
    %get3A_29 = arith.constant 0 : index
    %get3A_30 = arith.constant 0 : index
    %get3A_31 = vector.load %arg7[%get3A_29, %get3A_30] : memref<128x128xf32, #tpu.memory_space<vmem>>, vector<128x128xf32>
    %dot_general3A_32 = arith.constant dense<0.000000e+00> : vector<4x128xf32>
    %dot_general3A_33 = tpu.matmul %div3A_24, %get3A_31, %dot_general3A_32 {dimension_numbers = #tpu.dot_dimension_numbers<[1], [0], [0], [1], [0, 0, 1, 1], [], []>, transpose_lhs_hint = false} : vector<4x128xf32>, vector<128x128xf32>, vector<4x128xf32> -> vector<4x128xf32>
    %add3A = arith.addf %dot_general3A_28, %dot_general3A_33 : vector<4x128xf32>
    %get3A_34 = arith.constant 0 : index
    %get3A_35 = arith.constant 0 : index
    %get3A_36 = vector.load %arg5[%get3A_34, %get3A_35] : memref<4x32xf32, #tpu.memory_space<vmem>>, vector<4x32xf32>
    %get3A_37 = arith.constant 0 : index
    %get3A_38 = arith.constant 0 : index
    %get3A_39 = vector.load %arg8[%get3A_37, %get3A_38] : memref<32x128xf32, #tpu.memory_space<vmem>>, vector<32x128xf32>
    %dot_general3A_40 = arith.constant dense<0.000000e+00> : vector<4x128xf32>
    %dot_general3A_41 = tpu.matmul %get3A_36, %get3A_39, %dot_general3A_40 {dimension_numbers = #tpu.dot_dimension_numbers<[1], [0], [0], [1], [0, 0, 1, 1], [], []>, transpose_lhs_hint = false} : vector<4x32xf32>, vector<32x128xf32>, vector<4x128xf32> -> vector<4x128xf32>
    %add3A_42 = arith.addf %add3A, %dot_general3A_41 : vector<4x128xf32>
    %get3A_43 = arith.constant 0 : index
    %get3A_44 = arith.constant 0 : index
    %get3A_45 = vector.load %arg9[%get3A_43, %get3A_44] : memref<1x128xf32, #tpu.memory_space<vmem>>, vector<1x128xf32>
    %add3A_46 = vector.broadcast %get3A_45 : vector<1x128xf32> to vector<4x128xf32>
    %add3A_47 = arith.addf %add3A_42, %add3A_46 : vector<4x128xf32>
    %max3A_48 = arith.constant 0.000000e+00 : f32
    %max3A_49 = vector.broadcast %max3A_48 : f32 to vector<4x128xf32>
    %max3A_50 = arith.maximumf %add3A_47, %max3A_49 : vector<4x128xf32>
    %swap3A = arith.constant 0 : index
    %swap3A_51 = arith.constant 0 : index
    %swap3A_52 = vector.load %arg10[%swap3A, %swap3A_51] : memref<4x128xf32, #tpu.memory_space<vmem>>, vector<4x128xf32>
    tpu.vector_store %arg10[%swap3A, %swap3A_51], %max3A_50 {strides = array<i32>} : memref<4x128xf32, #tpu.memory_space<vmem>>, vector<4x128xf32>,
    return
  }
  func.func @transform_0(%arg0: i32) -> (i32, i32, i32) {
    %c0_i32 = arith.constant 0 : i32
    %c0_i32_0 = arith.constant 0 : i32
    %c0_i32_1 = arith.constant 0 : i32
    %c0_i32_2 = arith.constant 0 : i32
    return %c0_i32, %c0_i32_0, %c0_i32_1 : i32, i32, i32
  }
  func.func @transform_1(%arg0: i32) -> (i32, i32, i32) {
    %c0_i32 = arith.constant 0 : i32
    %c0_i32_0 = arith.constant 0 : i32
    %c0_i32_1 = arith.constant 0 : i32
    %c0_i32_2 = arith.constant 0 : i32
    return %c0_i32, %c0_i32_0, %c0_i32_1 : i32, i32, i32
  }
  func.func @transform_2(%arg0: i32) -> (i32, i32) {
    %c0_i32 = arith.constant 0 : i32
    %c0_i32_0 = arith.constant 0 : i32
    %c0_i32_1 = arith.constant 0 : i32
    return %c0_i32, %c0_i32_0 : i32, i32
  }
  func.func @transform_3(%arg0: i32) -> (i32, i32) {
    %c0_i32 = arith.constant 0 : i32
    %c0_i32_0 = arith.constant 0 : i32
    %c0_i32_1 = arith.constant 0 : i32
    return %c0_i32, %c0_i32_0 : i32, i32
  }
  func.func @transform_4(%arg0: i32) -> (i32, i32) {
    %c0_i32 = arith.constant 0 : i32
    %c0_i32_0 = arith.constant 0 : i32
    %c0_i32_1 = arith.constant 0 : i32
    return %c0_i32, %c0_i32_0 : i32, i32
  }
  func.func @transform_5(%arg0: i32) -> (i32, i32) {
    %c0_i32 = arith.constant 0 : i32
    %c0_i32_0 = arith.constant 0 : i32
    %c0_i32_1 = arith.constant 0 : i32
    return %c0_i32, %c0_i32_0 : i32, i32
  }
  func.func @transform_6(%arg0: i32) -> (i32, i32) {
    %c0_i32 = arith.constant 0 : i32
    %c0_i32_0 = arith.constant 0 : i32
    %c0_i32_1 = arith.constant 0 : i32
    return %c0_i32, %c0_i32_0 : i32, i32
  }
  func.func @transform_7(%arg0: i32) -> (i32, i32) {
    %c0_i32 = arith.constant 0 : i32
    %c0_i32_0 = arith.constant 0 : i32
    %c0_i32_1 = arith.constant 0 : i32
    return %c0_i32, %c0_i32_0 : i32, i32
  }
  func.func @transform_8(%arg0: i32) -> (i32, i32) {
    %c0_i32 = arith.constant 0 : i32
    %c0_i32_0 = arith.constant 0 : i32
    %c0_i32_1 = arith.constant 0 : i32
    return %c0_i32, %c0_i32_0 : i32, i32
  }
  func.func @transform_9(%arg0: i32) -> (i32, i32) {
    %c0_i32 = arith.constant 0 : i32
    %c0_i32_0 = arith.constant 0 : i32
    %c0_i32_1 = arith.constant 0 : i32
    return %c0_i32, %c0_i32_0 : i32, i32
  }
}

</mosaic_0001>

<sc_bundles>
// kernel: kernel.7.cloned.1.call-start
scs
__scs_entry_jumppad:
0x0: {  	(pc) =	sbr.rel $0x88, $3  }
0x1: {  	(tag) =	ssettag $0x0;
	lr =	simm.s32 $0x1  }
0x2: {  	[smem:$0x3F96] =	sst lr;
	_ =	strace $0xD0000000  }
0x3: {  	_ = 	snop  }
0x4: {  	_ = 	snop  }
0x5: {  	_ = 	snop  }
0x6: {  	_ = 	snop  }
0x7: {  	_ = 	snop  }
__scs_overlays_trampoline_lowered:
0x8: {  	[smem:$0x3FA5] =	sst s0  }
0x9: {  	[smem:$0x3FA6] =	sst s1  }
0xa: {  	[smem:$0x3FA7] =	sst s2  }
0xb: {  	[smem:$0x3FA8] =	sst s3  }
0xc: {  	[smem:$0x3FA9] =	sst s4  }
0xd: {  	[smem:$0x3FAA] =	sst s5  }
0xe: {  	[smem:$0x3FAB] =	sst s6  }
0xf: {  	[smem:$0x3FAC] =	sst s7  }
0x10: {  	[smem:$0x3FAD] =	sst s8  }
0x11: {  	[smem:$0x3FAE] =	sst s9;
	s0 =	simm.s32 @!p0 $0x0  }
0x12: {  	s1 =	sld [smem:$0x3F94];
	s0 =	simm.s32 @p0 $0x1  }
0x13: {  	[smem:$0x3FAF] =	sst s0;
	s0 =	simm.s32 @!p1 $0x0  }
0x14: {  	s2 =	sld [smem:$0x3F93];
	s0 =	simm.s32 @p1 $0x1  }
0x15: {  	[smem:$0x3FB0] =	sst s0;
	s0 =	simm.s32 @!p2 $0x0  }
0x16: {  	s3 =	sld [smem:$0x3FDB];
	s0 =	simm.s32 @p2 $0x1  }
0x17: {  	s4 =	simm.s32 $0x1BF5;
	[smem:$0x3FB2] =	sst s0  }
0x18: {  	s0 =	sld [smem:$0x3F95];
	_ =	swait.ge [sflag:s4], $0x0  }
0x19: {  	s7 =	sld [smem:$0x3F96]  }
0x1a: {  	s8 =	sadd.s32 $0xFFFFE003, lr  }
0x1b: {  	s9 =	sadd.s32 $0xFFFFFEF7, lr;
	s5 =	simm.s32 $0xFFFFFFFF;
	p2 =	slt.u32 s8, $0xFFFFF086  }
0x1c: {  	p1 =	slt.u32 s9, $0xF7A;
	s5 =	simm.s32 @!p2 $0x0  }
0x1d: {  	s5 =	simm.s32 @p1 $0x1;
	p0 =	seq.s32 s7, s2  }
0x1e: {  	s7 =	smul.u32 @!p0 $0xF7A, s2;
	p2 =	seq.s32 @!p0 s5, $0x0  }
0x1f: {  	s9 =	smul.u32 $0xF7A, s1;
	s8 =	simm.s32 @!p0 $0x1BF5;
	p2 =	por !p2, p0  }
0x20: {  	[sflag:s8] =	ssyncset.s32 @!p0 $0xFFFFF086;
	s6 =	sadd.s32 @!p0 s3, s7;
	s7 =	simm.s32 @!p0 $0x108  }
0x21: {  	s3 =	sadd.s32 s3, s9;
	s6 =	sadd.s32 @!p0 $0x88, s6;
	s7 =	simm.s32 @p2 $0x1082  }
0x22: {  	[simem:s7], [sflag:s8] =	dma.local @!p0 [hbm:s6], $0xF7A  }
0x23: {  	s9 =	sor.u32 $0xD0000000, s2;
	s6 =	simm.s32 $0x108;
	_ =	swait.ge @!p0 [sflag:s8], $0x0  }
0x24: {  	s3 =	sadd.s32 $0x88, s3;
	s6 =	simm.s32 @!p1 $0x1082;
	[sflag:s4] =	ssyncset.s32 $0xFFFFF086  }
0x25: {  	[simem:s6], [sflag:s4] =	dma.local [hbm:s3], $0xF7A  }
0x26: {  	[smem:$0x3F96] =	sst s1;
	(tag) =	ssettag s2;
	_ =	strace s9  }
0x27: {  	s1 =	sld [smem:$0x3FA6]  }
0x28: {  	s2 =	sld [smem:$0x3FA7]  }
0x29: {  	s4 =	sld [smem:$0x3FA9]  }
0x2a: {  	p0 =	seq.s32 s5, $0x0;
	s5 =	sld [smem:$0x3FAA]  }
0x2b: {  	s6 =	sld [smem:$0x3FAB]  }
0x2c: {  	s7 =	sld [smem:$0x3FAC]  }
0x2d: {  	s3 =	simm.s32 $0x108;
	s8 =	sld [smem:$0x3FAD]  }
0x2e: {  	s3 =	simm.s32 @!p0 $0x1082;
	s9 =	sld [smem:$0x3FAE]  }
0x2f: {  	lr =	sadd.s32 s0, s3;
	s0 =	sld [smem:$0x3FA5]  }
0x30: {  	s3 =	sld [smem:$0x3FA8]  }
0x31: {  	[smem:$0x3FB1] =	sst s10  }
0x32: {  	s10 =	sld [smem:$0x3FAF];
	_ =	sdelay $0x3  }
0x33: {  	p0 =	seq.s32 s10, $0x1;
	s10 =	sld [smem:$0x3FB1];
	_ =	sdelay $0x3  }
0x34: {  	[smem:$0x3FB1] =	sst s10  }
0x35: {  	s10 =	sld [smem:$0x3FB0];
	_ =	sdelay $0x3  }
0x36: {  	p1 =	seq.s32 s10, $0x1;
	s10 =	sld [smem:$0x3FB1];
	_ =	sdelay $0x3  }
0x37: {  	[smem:$0x3FB1] =	sst s10  }
0x38: {  	s10 =	sld [smem:$0x3FB2]  }
0x39: {  	_ = 	snop;
	(pc) =	sbr.ind lr, $3  }
0x3a: {  	_ = 	snop  }
0x3b: {  	_ = 	snop  }
0x3c: {  	p2 =	seq.s32 s10, $0x1;
	s10 =	sld [smem:$0x3FB1]  }
0x3d: {  	_ =	shalt  }
0x3e: {  	_ =	shalt  }
0x3f: {  	_ =	shalt  }
0x40: {  	_ =	shalt  }
0x41: {  	_ =	shalt  }
0x42: {  	_ =	shalt  }
0x43: {  	_ =	shalt  }
0x44: {  	_ =	shalt  }
0x45: {  	_ =	shalt  }
0x46: {  	_ =	shalt  }
0x47: {  	_ =	shalt  }
0x48: {  	_ =	shalt  }
0x49: {  	_ =	shalt  }
0x4a: {  	_ =	shalt  }
0x4b: {  	_ =	shalt  }
0x4c: {  	_ =	shalt  }
0x4d: {  	_ =	shalt  }
0x4e: {  	_ =	shalt  }
0x4f: {  	_ =	shalt  }
0x50: {  	_ =	shalt  }
0x51: {  	_ =	shalt  }
0x52: {  	_ =	shalt  }
0x53: {  	_ =	shalt  }
0x54: {  	_ =	shalt  }
0x55: {  	_ =	shalt  }
0x56: {  	_ =	shalt  }
0x57: {  	_ =	shalt  }
0x58: {  	_ =	shalt  }
0x59: {  	_ =	shalt  }
0x5a: {  	_ =	shalt  }
0x5b: {  	_ =	shalt  }
0x5c: {  	_ =	shalt  }
0x5d: {  	_ =	shalt  }
0x5e: {  	_ =	shalt  }
0x5f: {  	_ =	shalt  }
0x60: {  	_ =	shalt  }
0x61: {  	_ =	shalt  }
0x62: {  	_ =	shalt  }
0x63: {  	_ =	shalt  }
0x64: {  	_ =	shalt  }
0x65: {  	_ =	shalt  }
0x66: {  	_ =	shalt  }
0x67: {  	_ =	shalt  }
0x68: {  	_ =	shalt  }
0x69: {  	_ =	shalt  }
0x6a: {  	_ =	shalt  }
0x6b: {  	_ =	shalt  }
0x6c: {  	_ =	shalt  }
0x6d: {  	_ =	shalt  }
0x6e: {  	_ =	shalt  }
0x6f: {  	_ =	shalt  }
0x70: {  	_ =	shalt  }
0x71: {  	_ =	shalt  }
0x72: {  	_ =	shalt  }
0x73: {  	_ =	shalt  }
0x74: {  	_ =	shalt  }
0x75: {  	_ =	shalt  }
0x76: {  	_ =	shalt  }
0x77: {  	_ =	shalt  }
0x78: {  	_ =	shalt  }
0x79: {  	_ =	shalt  }
0x7a: {  	_ =	shalt  }
0x7b: {  	_ =	shalt  }
0x7c: {  	_ =	shalt  }
0x7d: {  	_ =	shalt  }
0x7e: {  	_ =	shalt  }
0x7f: {  	_ =	shalt  }
0x80: {  	_ =	shalt  }
0x81: {  	_ =	shalt  }
0x82: {  	_ =	shalt  }
0x83: {  	_ =	shalt  }
0x84: {  	_ =	shalt  }
0x85: {  	_ =	shalt  }
0x86: {  	_ =	shalt  }
0x87: {  	_ =	shalt  }
.Lfunc_end0:
.L_simem_size_0:
called_computation_lowered:
.L_overlay_start_0:
0x88: {  	s2 =	sld [smem:$0x3FD9]  }
0x89: {  	s3 =	sld [smem:$0x3FFE];
	_ =	sdelay $0x1  }
0x8a: {  	s1 =	srdreg.scid  }
0x8b: {  	s0 =	sand.u32 $0x1, s1  }
0x8c: {  	s14 =	sshll.u32 s0, $0xA;
	s2 =	sadd.s32 s3, s2  }
0x8d: {  	s2 =	sadd.s32 s2, s14  }
0x8e: {  	[smem:$0x3FBD] =	sst s2  }
0x8f: {  	_ = 	snop  }
0x90: {  	s2 =	sld [smem:$0x3FD0];
	_ =	sdelay $0x2  }
0x91: {  	s15 =	simm.s32 $0xA;
	s4 =	simm.s32 $0x10  }
0x92: {  	[smem:s4], [sflag:s15] =	dma.local [hbm:s2], $0x1  }
0x93: {  	_ =	swait.eq [sflag:s15], $0x1  }
0x94: {  	s16 =	sld [smem:$0x10]  }
0x95: {  	s17 =	sld [smem:$0x11];
	[sflag:s15] =	ssyncset.done $0x0  }
0x96: {  	s5 =	sld [smem:$0x12];
	[sflag:s15] =	ssyncadd.s32 $0xFFFFFFFF  }
0x97: {  	s18 =	sld [smem:$0x14];
	(tm) =	ssettm $0x1  }
0x98: {  	s6 =	sld [smem:$0x3FFB];
	_ =	sdelay $0x3  }
0x99: {  	_ =	strace s6  }
0x9a: {  	s6 =	sld [smem:$0x3FFC];
	_ =	sdelay $0x3  }
0x9b: {  	_ =	strace s6  }
0x9c: {  	s6 =	sld [smem:$0x3FFD];
	_ =	sdelay $0x3  }
0x9d: {  	_ =	strace s6  }
0x9e: {  	_ =	strace $0x8FFFFFFF  }
0x9f: {  	s19 =	sld [smem:$0x3FDB];
	_ =	sdelay $0x1  }
0xa0: {  	s7 =	simm.s32 $_scs_section_size  }
0xa1: {  	s8 =	simm.s32 $_size__tile_overlayer_lowered;
	s9 =	simm.s32 $_tile_overlayer_lowered  }
0xa2: {  	s22 =	simm.s32 $0x1BFF;
	s21 =	sshll.u32 s9, $0x1;
	s6 =	sadd.s32 s7, s19  }
0xa3: {  	s10 =	simm.s32 $0x0;
	s20 =	sshll.u32 s8, $0x1;
	s8 =	sadd.s32 s21, s6  }
0xa4: {  	[timem:s10], [sflag:s22] =	dma.local [hbm:s8], s20  }
0xa5: {  	_ =	swait.ge [sflag:s22], s20  }
0xa6: {  	s7 =	ssub.s32 $0x0, s20;
	[sflag:s22] =	ssyncset.done $0x0  }
0xa7: {  	[sflag:s22] =	ssyncadd.s32 s7;
	_ =	sdelay $0x1  }
0xa8: {  	s23 =	simm.s32 $0x1B8B  }
0xa9: {  	_ =	swait.ge [sflag:s23], $0x1  }
0xaa: {  	[sflag:s23] =	ssyncset.done $0x0  }
0xab: {  	s25 =	simm.s32 $0x1B8E;
	s24 =	sld [smem:$0x3FFE];
	[sflag:s23] =	ssyncadd.s32 $0xFFFFFFFF  }
0xac: {  	s26 =	simm.s32 $execute0_lowered;
	[smem:$0x3FD2] =	sst s25  }
0xad: {  	s8 =	sshll.u32 s26, $0x1;
	_ =	strace $0x80000046;
	[dreg:$0x1] =	wrdreg $0xFFFFFFFF  }
0xae: {  	s28 =	simm.s32 $_size_execute0_lowered;
	s6 =	sadd.s32 s6, s8;
	[dreg:$0x0] =	wrdreg $0x0  }
0xaf: {  	s8 =	sshll.u32 s28, $0x1;
	[dreg:$0x2] =	wrdreg s6  }
0xb0: {  	[dreg:$0x3] =	wrdreg s8  }
0xb1: {  	[dreg:$0x4] =	wrdreg $0xC0  }
0xb2: {  	_ =	task [dreg:s10], $0x5FFFF  }
0xb3: {  	[dreg:$0x1] =	wrdreg $0xFFFFFFFF  }
0xb4: {  	[dreg:$0x0] =	wrdreg $0x60  }
0xb5: {  	[dreg:$0x2] =	wrdreg s16  }
0xb6: {  	[dreg:$0x3] =	wrdreg s24  }
0xb7: {  	[dreg:$0x4] =	wrdreg s18  }
0xb8: {  	[dreg:$0x5] =	wrdreg s17  }
0xb9: {  	[dreg:$0x6] =	wrdreg s5  }
0xba: {  	[dreg:$0x7] =	wrdreg $0x5A900  }
0xbb: {  	[dreg:$0x8] =	wrdreg $0x19A900  }
0xbc: {  	[dreg:$0x9] =	wrdreg $0x9  }
0xbd: {  	_ =	task.clear_ibuf [dreg:s10], $0xAFFFF;
	_ =	strace $0x90000046  }
0xbe: {  	s29 =	simm.s32 $0x9;
	_ =	strace $0x80000048  }
0xbf: {  	_ =	swait.ge [sflag:s29], $0x1  }
0xc0: {  	[sflag:s29] =	ssyncadd.s32 $0xFFFFFFFF  }
0xc1: {  	_ =	strace $0x90000048  }
0xc2: {  	_ =	sfence  }
0xc3: {  	s30 =	sld [smem:$0x0];
	_ =	sdelay $0x2  }
0xc4: {  	s31 =	sshll.u32 s1, $0xD;
	s1 =	sshrl.u32 s1, $0x2  }
0xc5: {  	s3 =	sand.u32 $0x4000, s31;
	s1 =	sadd.s32 s1, s30  }
0xc6: {  	s0 =	sor.u32 s3, s0;
	s1 =	sshll.u32 s1, $0x11  }
0xc7: {  	s0 =	sor.u32 s1, s0  }
0xc8: {  	s0 =	sadd.s32 $0x8F2B, s0  }
0xc9: {  	[sflag:s0] =	ssyncadd.remote.s32 $0x1  }
0xca: {  	_ =	sfence.sel $0xFFFF  }
0xcb: {  	[dreg:$0x0] =	wrdreg $0xFFFFFFFF;
	(pc) =	sbr.abs _section_cstart, $3  }
0xcc: {  	[dreg:$0x1] =	wrdreg $0xFFFFFFFF  }
0xcd: {  	_ =	task.clear_ibuf [dreg:s10], $0x2FFFF;
	_ =	strace $0x9FFFFFFF  }
0xce: {  	(tm) =	ssettm $0x7FFFFFFF  }
0xcf: {  	_ =	shalt  }
tec
execute0_lowered:
.L_overlay_start_1:
0x0: {  	(tag) =	ssettag $0x1  }
0x1: {  	s28 =	rddreg [dreg:$0x0]  }
0x2: {  	s0 =	srdreg.scid;
	s16 =	stileid.u32  }
0x3: {  	s2 =	rddreg [dreg:$0x1];
	s3 =	sand.u32 $0x1, s0;
	s1 =	smul.u32 $0x280, s16  }
0x4: {  	s31 =	rddreg [dreg:$0x3];
	s0 =	smul.u32 $0x2800, s3  }
0x5: {  	s4 =	rddreg [dreg:$0x4];
	s6 =	ssub.s32 $0x2, s3  }
0x6: {  	s5 =	sadd.s32 $0x520600, s2;
	s22 =	sshrl.u32 s6, $0x1;
	s7 =	sadd.s32 s1, s0  }
0x7: {  	s3 =	sshll.u32 s3, $0x4;
	s0 =	ssub.s32 s6, s22;
	s8 =	sshll.u32 s7, $0x4  }
0x8: {  	s9 =	sor.u32 $0x50, s7;
	s25 =	sadd.s32 $0xA0, s7;
	s26 =	sadd.s32 $0xF0, s7  }
0x9: {  	s13 =	sadd.s32 $0x140, s7;
	s17 =	sadd.s32 $0x190, s7;
	s18 =	sadd.s32 $0x1E0, s7  }
0xa: {  	s21 =	sshll.u32 s7, $0x1;
	s23 =	sadd.s32 s5, s8;
	s24 =	sshll.u32 s9, $0x4  }
0xb: {  	s10 =	sshll.u32 s25, $0x4;
	s11 =	sshll.u32 s26, $0x4;
	s15 =	sshll.u32 s13, $0x4  }
0xc: {  	s12 =	sshll.u32 s17, $0x4;
	s22 =	sshll.u32 s9, $0x1;
	[dreg:$0x8] =	wrdreg s23  }
0xd: {  	s6 =	sadd.s32 s5, s24;
	s10 =	sadd.s32 s5, s10;
	s14 =	sadd.s32 s5, s11  }
0xe: {  	s12 =	sadd.s32 s5, s12;
	s23 =	sshll.u32 s25, $0x1;
	[dreg:$0x9] =	wrdreg s6  }
0xf: {  	s24 =	sshll.u32 s26, $0x1;
	s26 =	sshll.u32 s13, $0x1;
	[dreg:$0xa] =	wrdreg s10  }
0x10: {  	[dreg:$0xb] =	wrdreg s14;
	s10 =	sadd.s32 s5, s15;
	s14 =	sshll.u32 s18, $0x4  }
0x11: {  	s15 =	sadd.s32 $0x230, s7;
	[dreg:$0xd] =	wrdreg s12;
	s12 =	simm.s32 $0x0  }
0x12: {  	s25 =	sadd.s32 s4, s24;
	s6 =	sshll.u32 s17, $0x1;
	[dreg:$0xc] =	wrdreg s10  }
0x13: {  	s7 =	sshll.u32 s18, $0x1;
	s19 =	sadd.s32 s5, s14;
	[smem:$0x7FF] =	sst s12  }
0x14: {  	s20 =	sshll.u32 s15, $0x4;
	[dreg:$0x13] =	wrdreg s25;
	s8 =	sshll.u32 s15, $0x1  }
0x15: {  	s14 =	sor.u32 $0x50, s1;
	[dreg:$0xe] =	wrdreg s19;
	s5 =	sadd.s32 s5, s20  }
0x16: {  	s10 =	smul.u32 $0xA000, s16;
	s15 =	sshll.u32 s14, $0x7;
	[dreg:$0xf] =	wrdreg s5  }
0x17: {  	s17 =	sshll.u32 s14, $0x4;
	s5 =	sadd.s32 s4, s21;
	s21 =	rddreg [dreg:$0x6]  }
0x18: {  	s19 =	sadd.s32 $0xA0, s1;
	[dreg:$0x10] =	wrdreg s5;
	s5 =	sadd.s32 s4, s22  }
0x19: {  	s13 =	sshrl.u32 s10, $0x2;
	[dreg:$0x11] =	wrdreg s5;
	s5 =	sadd.s32 s4, s23  }
0x1a: {  	s20 =	sshll.u32 s19, $0x7;
	s14 =	sadd.s32 s17, s21;
	[dreg:$0x12] =	wrdreg s5  }
0x1b: {  	s23 =	sadd.s32 $0xF0, s1;
	s5 =	sadd.s32 s4, s26;
	s26 =	rddreg [dreg:$0x5]  }
0x1c: {  	s17 =	sadd.s32 $0x190, s1;
	s24 =	sshll.u32 s23, $0x7;
	[dreg:$0x14] =	wrdreg s5  }
0x1d: {  	s5 =	sadd.s32 s4, s6;
	s6 =	sadd.s32 $0x3E600, s2;
	s10 =	sadd.s32 s20, s26  }
0x1e: {  	s20 =	sshll.u32 s17, $0x7;
	[dreg:$0x15] =	wrdreg s5;
	s5 =	sadd.s32 s4, s7  }
0x1f: {  	s4 =	sadd.s32 s4, s8;
	s7 =	sadd.s32 $0x34800, s2;
	s8 =	sadd.s32 $0x2AA00, s2  }
0x20: {  	s2 =	sor.u32 s16, s3;
	s3 =	sshll.u32 s23, $0x4;
	[dreg:$0x16] =	wrdreg s5  }
0x21: {  	[dreg:$0x17] =	wrdreg s4;
	s23 =	sadd.s32 s3, s21;
	s3 =	sadd.s32 s20, s26  }
0x22: {  	_ =	strace $0x80000047;
	[smem:$0x7EC] =	sst s3  }
0x23: {  	s9 =	smul.u32 $0x50000, s16;
	[dreg:$0x19] =	wrdreg s7  }
0x24: {  	[dreg:$0x1a] =	wrdreg s8  }
0x25: {  	s0 =	smax.u32 s0, $0x1;
	s11 =	sshrl.u32 s9, $0x2;
	[dreg:$0x18] =	wrdreg s6  }
0x26: {  	s18 =	sadd.s32 s11, s26;
	[smem:$0x7F6] =	sst s0  }
0x27: {  	s29 =	simm.s32 $0x7;
	s11 =	sadd.s32 s13, s21;
	[dreg:$0x1b] =	wrdreg s18  }
0x28: {  	s25 =	sadd.s32 $0x140, s1;
	s13 =	sadd.s32 s15, s26;
	[dreg:$0x1c] =	wrdreg s11  }
0x29: {  	s30 =	simm.s32 $0x8;
	s15 =	sshll.u32 s25, $0x4;
	[dreg:$0x1d] =	wrdreg s13  }
0x2a: {  	s9 =	sshll.u32 s25, $0x7;
	s25 =	sadd.s32 s15, s21;
	[dreg:$0x1e] =	wrdreg s14  }
0x2b: {  	s4 =	sshll.u32 s19, $0x4;
	s19 =	sadd.s32 s24, s26;
	[dreg:$0x1f] =	wrdreg s10  }
0x2c: {  	s24 =	sadd.s32 s9, s26;
	s9 =	sshll.u32 s17, $0x4;
	[smem:$0x7FA] =	sst s19  }
0x2d: {  	s22 =	sadd.s32 s4, s21;
	s4 =	smul.u32 $0x2710, s2;
	[smem:$0x7FB] =	sst s23  }
0x2e: {  	s3 =	sadd.s32 s9, s21;
	s2 =	smul.u32 $0x138800, s2;
	[smem:$0x7FC] =	sst s24  }
0x2f: {  	s9 =	sshll.u32 s16, $0x2;
	s16 =	simm.s32 $0xA;
	[smem:$0x7FD] =	sst s25  }
0x30: {  	s0 =	simm.s32 $0x9;
	[smem:$0x7EB] =	sst s22;
	s22 =	sadd.s32 $0x1E0, s1  }
0x31: {  	[smem:$0x7ED] =	sst s3;
	s1 =	sadd.s32 $0x230, s1;
	s15 =	sshll.u32 s22, $0x7  }
0x32: {  	s20 =	sshll.u32 s22, $0x4;
	s22 =	sshll.u32 s1, $0x7;
	s1 =	sshll.u32 s1, $0x4  }
0x33: {  	s5 =	sshrl.u32 s4, $0x3;
	[smem:$0x7F8] =	sst s4;
	s17 =	sadd.s32 s15, s26  }
0x34: {  	s2 =	sshrl.u32 s2, $0x3;
	s3 =	sadd.s32 s20, s21;
	[smem:$0x7EE] =	sst s17  }
0x35: {  	s1 =	sadd.s32 s1, s21;
	s7 =	sadd.s32 s7, s5;
	[smem:$0x7EF] =	sst s3  }
0x36: {  	s15 =	sadd.s32 $0x2710, s9;
	s2 =	sadd.s32 $0x26C00, s2;
	[smem:$0x7F1] =	sst s1  }
0x37: {  	s20 =	sadd.s32 $0x50, s4;
	s9 =	simm.s32 $0x6;
	[smem:$0x7F2] =	sst s7  }
0x38: {  	s3 =	sadd.s32 s22, s26;
	s1 =	sadd.s32 s8, s5;
	[smem:$0x7F7] =	sst s20  }
0x39: {  	s17 =	sadd.s32 s6, s2;
	s2 =	sadd.s32 s31, s2;
	[smem:$0x7F0] =	sst s3  }
0x3a: {  	s22 =	sadd.s32 $0xA0, s4;
	s20 =	simm.s32 $0x5190;
	[smem:$0x7F3] =	sst s1  }
0x3b: {  	s4 =	simm.s32 $0x140;
	s5 =	simm.s32 $0x2;
	[smem:$0x7F4] =	sst s17  }
0x3c: {  	s6 =	simm.s32 $0x3;
	s7 =	simm.s32 $0x4;
	[smem:$0x7F5] =	sst s2  }
0x3d: {  	v0 =	vimm.f32 $0.0e+00;
	vm0 =	vcmask $0x300;
	s8 =	simm.s32 $0x5;
	[smem:$0x7F9] =	sst s22;
	s17 =	simm.s32 $0x190  }
0x3e: {  	v3 =	vimm.s32 $0x0;
	v2 =	vsel vm0, $0x3F800000, v0;
	v1 =	vmov s15;
	s22 =	simm.s32 $0x50;
	s2 =	simm.s32 $0x1;
	s3 =	simm.s32 $0x0  }
.LBB2_1:
0x3f: {  	[smem:$0x7EA] =	sst s3;
	s1 =	simm.s32 $0x0  }
.LBB2_2:
0x40: {  	p0 =	sne.s32 s1, $0x13C0  }
.Ltmp0:
0x41: {  	_ = 	snop;
	(pc) =	sbr.rel @p0 .LBB2_2-.Ltmp0, $3  }
0x42: {  	_ =	sdelay $0x1  }
0x43: {  	s3 =	sshra.s32 s1, $0x2  }
0x44: {  	s1 =	sadd.s32 $0x40, s1;
	[tilespmem:s3+$0x5190] =	vst v0  }
0x45: {  	s1 =	simm.s32 $0x0;
	s3 =	simm.s32 $0x200  }
.LBB2_4:
0x46: {  	p0 =	sne.s32 s3, $0x9E00;
	[tilespmem:s1+$0x200] =	vst v0  }
0x47: {  	[tilespmem:s1+$0x190] =	vst v0  }
0x48: {  	[tilespmem:s1+$0x1A0] =	vst v0  }
.Ltmp1:
0x49: {  	[tilespmem:s1+$0x1B0] =	vst v0;
	(pc) =	sbr.rel @p0 .LBB2_4-.Ltmp1, $4  }
0x4a: {  	[tilespmem:s1+$0x1C0] =	vst v0  }
0x4b: {  	[tilespmem:s1+$0x1D0] =	vst v0  }
0x4c: {  	[tilespmem:s1+$0x1E0] =	vst v0  }
0x4d: {  	[tilespmem:s1+$0x1F0] =	vst v0;
	s1 =	sshra.s32 s3, $0x2;
	s3 =	sadd.s32 $0x200, s3  }
0x4e: {  	[tilespmem:s1+$0x200] =	vst v0  }
0x4f: {  	[tilespmem:s1+$0x190] =	vst v0  }
0x50: {  	[tilespmem:s1+$0x1A0] =	vst v0  }
0x51: {  	[tilespmem:s1+$0x1B0] =	vst v0  }
0x52: {  	[tilespmem:s1+$0x1C0] =	vst v0  }
0x53: {  	[tilespmem:s1+$0x1D0] =	vst v0  }
0x54: {  	[tilespmem:s1+$0x1E0] =	vst v0  }
0x55: {  	[tilespmem:s1+$0x1F0] =	vst v0;
	s1 =	simm.s32 $0x0;
	s3 =	rddreg [dreg:$0x2];
	s15 =	simm.s32 $0x5690  }
0x56: {  	[tilespmem:s15], [sflag:$0xA] =	stream.linear.gather [hbm4b:s3+s1], $0x400, $0x38;
	[tilespmem:$0x1C290] =	vst v63  }
0x57: {  	_ =	swait.ge [sflag:s16], $0x400  }
0x58: {  	[sflag:s16] =	ssyncset.done $0x0  }
0x59: {  	[sflag:s16] =	ssyncadd.s32 $0xFFFFFC00  }
0x5a: {  	[spmem:s18] =	stream.linear.scatter [tilespmem:s17], [sflag:$0xA], $0x2800, $0x38;
	[tilespmem:$0x1C290] =	vst v63  }
0x5b: {  	_ =	swait.ge [sflag:s16], $0x2800  }
0x5c: {  	[sflag:s16] =	ssyncset.done $0x0  }
0x5d: {  	[sflag:s16] =	ssyncadd.s32 $0xFFFFD800  }
0x5e: {  	[spmem:s11] =	stream.linear.scatter [tilespmem:s20], [sflag:$0xA], $0x500, $0x38;
	[tilespmem:$0x1C290] =	vst v63  }
0x5f: {  	_ =	swait.ge [sflag:s16], $0x500  }
0x60: {  	[sflag:s16] =	ssyncset.done $0x0  }
0x61: {  	[sflag:s16] =	ssyncadd.s32 $0xFFFFFB00  }
0x62: {  	[spmem:s13] =	stream.linear.scatter [tilespmem:s17], [sflag:$0xA], $0x2800, $0x38;
	[tilespmem:$0x1C290] =	vst v63  }
0x63: {  	_ =	swait.ge [sflag:s16], $0x2800  }
0x64: {  	[sflag:s16] =	ssyncset.done $0x0  }
0x65: {  	[sflag:s16] =	ssyncadd.s32 $0xFFFFD800  }
0x66: {  	[spmem:s14] =	stream.linear.scatter [tilespmem:s20], [sflag:$0xA], $0x500, $0x38;
	[tilespmem:$0x1C290] =	vst v63  }
0x67: {  	_ =	swait.ge [sflag:s16], $0x500  }
0x68: {  	[sflag:s16] =	ssyncset.done $0x0  }
0x69: {  	[sflag:s16] =	ssyncadd.s32 $0xFFFFFB00  }
0x6a: {  	[spmem:s10] =	stream.linear.scatter [tilespmem:s17], [sflag:$0xA], $0x2800, $0x38;
	[tilespmem:$0x1C290] =	vst v63  }
0x6b: {  	_ =	swait.ge [sflag:s16], $0x2800  }
0x6c: {  	s14 =	sld [smem:$0x7EB]  }
0x6d: {  	[sflag:s16] =	ssyncset.done $0x0  }
0x6e: {  	[sflag:s16] =	ssyncadd.s32 $0xFFFFD800  }
0x6f: {  	[spmem:s14] =	stream.linear.scatter [tilespmem:s20], [sflag:$0xA], $0x500, $0x38;
	[tilespmem:$0x1C290] =	vst v63  }
0x70: {  	_ =	swait.ge [sflag:s16], $0x500  }
0x71: {  	[sflag:s16] =	ssyncset.done $0x0  }
0x72: {  	[sflag:s16] =	ssyncadd.s32 $0xFFFFFB00  }
0x73: {  	[spmem:s19] =	stream.linear.scatter [tilespmem:s17], [sflag:$0xA], $0x2800, $0x38;
	[tilespmem:$0x1C290] =	vst v63  }
0x74: {  	_ =	swait.ge [sflag:s16], $0x2800  }
0x75: {  	[sflag:s16] =	ssyncset.done $0x0  }
0x76: {  	[sflag:s16] =	ssyncadd.s32 $0xFFFFD800  }
0x77: {  	[spmem:s23] =	stream.linear.scatter [tilespmem:s20], [sflag:$0xA], $0x500, $0x38;
	[tilespmem:$0x1C290] =	vst v63  }
0x78: {  	_ =	swait.ge [sflag:s16], $0x500  }
0x79: {  	[sflag:s16] =	ssyncset.done $0x0  }
0x7a: {  	[sflag:s16] =	ssyncadd.s32 $0xFFFFFB00  }
0x7b: {  	[spmem:s24] =	stream.linear.scatter [tilespmem:s17], [sflag:$0xA], $0x2800, $0x38;
	[tilespmem:$0x1C290] =	vst v63  }
0x7c: {  	_ =	swait.ge [sflag:s16], $0x2800  }
0x7d: {  	[sflag:s16] =	ssyncset.done $0x0  }
0x7e: {  	[sflag:s16] =	ssyncadd.s32 $0xFFFFD800  }
0x7f: {  	[spmem:s25] =	stream.linear.scatter [tilespmem:s20], [sflag:$0xA], $0x500, $0x38;
	[tilespmem:$0x1C290] =	vst v63  }
0x80: {  	_ =	swait.ge [sflag:s16], $0x500  }
0x81: {  	s15 =	sld [smem:$0x7EC]  }
0x82: {  	[sflag:s16] =	ssyncset.done $0x0  }
0x83: {  	[sflag:s16] =	ssyncadd.s32 $0xFFFFFB00  }
0x84: {  	[spmem:s15] =	stream.linear.scatter [tilespmem:s17], [sflag:$0xA], $0x2800, $0x38;
	[tilespmem:$0x1C290] =	vst v63  }
0x85: {  	_ =	swait.ge [sflag:s16], $0x2800  }
0x86: {  	s18 =	sld [smem:$0x7ED]  }
0x87: {  	[sflag:s16] =	ssyncset.done $0x0  }
0x88: {  	[sflag:s16] =	ssyncadd.s32 $0xFFFFD800  }
0x89: {  	[spmem:s18] =	stream.linear.scatter [tilespmem:s20], [sflag:$0xA], $0x500, $0x38;
	[tilespmem:$0x1C290] =	vst v63  }
0x8a: {  	_ =	swait.ge [sflag:s16], $0x500  }
0x8b: {  	s19 =	sld [smem:$0x7EE]  }
0x8c: {  	[sflag:s16] =	ssyncset.done $0x0  }
0x8d: {  	[sflag:s16] =	ssyncadd.s32 $0xFFFFFB00  }
0x8e: {  	[spmem:s19] =	stream.linear.scatter [tilespmem:s17], [sflag:$0xA], $0x2800, $0x38;
	[tilespmem:$0x1C290] =	vst v63  }
0x8f: {  	_ =	swait.ge [sflag:s16], $0x2800  }
0x90: {  	s23 =	sld [smem:$0x7EF]  }
0x91: {  	[sflag:s16] =	ssyncset.done $0x0  }
0x92: {  	[sflag:s16] =	ssyncadd.s32 $0xFFFFD800  }
0x93: {  	[spmem:s23] =	stream.linear.scatter [tilespmem:s20], [sflag:$0xA], $0x500, $0x38;
	[tilespmem:$0x1C290] =	vst v63  }
0x94: {  	_ =	swait.ge [sflag:s16], $0x500  }
0x95: {  	s24 =	sld [smem:$0x7F0]  }
0x96: {  	[sflag:s16] =	ssyncset.done $0x0  }
0x97: {  	[sflag:s16] =	ssyncadd.s32 $0xFFFFFB00  }
0x98: {  	[spmem:s24] =	stream.linear.scatter [tilespmem:s17], [sflag:$0xA], $0x2800, $0x38;
	[tilespmem:$0x1C290] =	vst v63  }
0x99: {  	_ =	swait.ge [sflag:s16], $0x2800  }
0x9a: {  	s25 =	sld [smem:$0x7F1]  }
0x9b: {  	[sflag:s16] =	ssyncset.done $0x0  }
0x9c: {  	[sflag:s16] =	ssyncadd.s32 $0xFFFFD800  }
0x9d: {  	[spmem:s25] =	stream.linear.scatter [tilespmem:s20], [sflag:$0xA], $0x500, $0x38;
	[tilespmem:$0x1C290] =	vst v63  }
0x9e: {  	_ =	swait.ge [sflag:s16], $0x500  }
0x9f: {  	[sflag:s16] =	ssyncset.done $0x0  }
0xa0: {  	s1 =	simm.s32 $0x40;
	s3 =	simm.s32 $0x0;
	[sflag:s16] =	ssyncadd.s32 $0xFFFFFB00  }
.LBB2_6:
0xa1: {  	p0 =	sne.s32 s1, $0x13C0;
	[tilespmem:s3+$0x5190] =	vst v2;
	s3 =	smov.u32 s1;
	s1 =	sadd.s32 $0x40, s1  }
.Ltmp2:
0xa2: {  	(pc) =	sbr.rel @p0 .LBB2_6-.Ltmp2, $2  }
0xa3: {  	_ =	sdelay $0x2  }
0xa4: {  	s3 =	sshra.s32 s3, $0x2  }
0xa5: {  	[tilespmem:s3+$0x5190] =	vst v2  }
0xa6: {  	[bflag:$0x0] =	sbarrier.arrive $0xFFFF  }
0xa7: {  	s1 =	sld [smem:$0x7F2];
	_ =	sdelay $0x1  }
0xa8: {  	s13 =	simm.s32 $0x0;
	s25 =	sld [smem:$0x7F3]  }
0xa9: {  	[tilespmem:s13], [sflag:$0x7] =	stream.linear.gather [hbm4b:s1+s13], $0x50, $0x38;
	[tilespmem:$0x1C290] =	vst v63  }
0xaa: {  	s18 =	simm.s32 $0xF0  }
0xab: {  	[tilespmem:s22], [sflag:$0x8] =	stream.linear.gather [hbm4b:s25+s13], $0x50, $0x38;
	[tilespmem:$0x1C290] =	vst v63  }
.LBB2_8:
0xac: {  	s1 =	sld [smem:$0x7F8]  }
0xad: {  	s14 =	smul.u32 $0xA0, s13;
	_ =	sdelay $0x1  }
0xae: {  	s1 =	sadd.s32 s1, s14  }
0xaf: {  	s15 =	rddreg [dreg:$0x18];
	s3 =	sshll.u32 s1, $0x4  }
0xb0: {  	s10 =	simm.s32 $0x2990;
	s1 =	sadd.s32 s15, s3  }
0xb1: {  	[tilespmem:s10], [sflag:$0x9] =	stream.linear.gather [hbm4b:s1+s12], $0x2800, $0x38;
	[tilespmem:$0x1C290] =	vst v63  }
0xb2: {  	_ =	swait.ge [sflag:s29], $0x50  }
0xb3: {  	[sflag:s29] =	ssyncset.done $0x0  }
0xb4: {  	[sflag:s29] =	ssyncadd.s32 $0xFFFFFFB0  }
0xb5: {  	_ =	swait.ge [sflag:s30], $0x50  }
0xb6: {  	[sflag:s30] =	ssyncset.done $0x0;
	s23 =	sld [smem:$0x7F7]  }
0xb7: {  	[sflag:s30] =	ssyncadd.s32 $0xFFFFFFB0  }
0xb8: {  	[tilespmem:s17], [sflag:$0x1] =	stream.indirect.gather [hbm4b:s28+s22], $0x80, s12, s22, $0xb8;
	[tilespmem:$0x1C290] =	vst v63  }
0xb9: {  	s10 =	sadd.s32 s14, s23  }
0xba: {  	s11 =	rddreg [dreg:$0x19];
	s1 =	sshrl.u32 s10, $0x3  }
0xbb: {  	s15 =	simm.s32 $0xA0;
	s24 =	rddreg [dreg:$0x1a];
	s11 =	sadd.s32 s11, s1  }
0xbc: {  	[tilespmem:s15], [sflag:$0x7] =	stream.linear.gather [hbm4b:s11+s12], $0x50, $0x38;
	[tilespmem:$0x1C290] =	vst v63  }
0xbd: {  	s1 =	sadd.s32 s24, s1  }
0xbe: {  	[tilespmem:s18], [sflag:$0x8] =	stream.linear.gather [hbm4b:s1+s12], $0x50, $0x38;
	[tilespmem:$0x1C290] =	vst v63  }
0xbf: {  	v4 =	vld [tilespmem:$0x5690]  }
0xc0: {  	v5 =	vld [tilespmem:$0x5710]  }
0xc1: {  	v6 =	vld [tilespmem:$0x0]  }
0xc2: {  	v7 =	vld [tilespmem:$0x5790]  }
0xc3: {  	v8 =	vld [tilespmem:$0x10]  }
0xc4: {  	v9 =	vld [tilespmem:$0x20]  }
0xc5: {  	v12 =	vld [tilespmem:$0x30];
	_ =	sdelay $0x1  }
0xc6: {  	v13 =	vld [tilespmem:$0x40];
	vm0 =	vge.s32 v6, v4;
	vm1 =	vge.s32 v6, v5;
	vm15 =	vge.s32 v6, v7  }
0xc7: {  	vm4 =	vge.s32 v8, v4;
	vm5 =	vge.s32 v8, v5;
	vm6 =	vge.s32 v8, v7  }
0xc8: {  	vm7 =	vge.s32 v9, v4;
	vm8 =	vge.s32 v9, v5;
	vm9 =	vge.s32 v9, v7  }
0xc9: {  	vm10 =	vge.s32 v12, v4;
	vm11 =	vge.s32 v12, v5;
	v11 =	vsel vm1, $0x1, v3  }
0xca: {  	vm12 =	vge.s32 v12, v7;
	v10 =	vsel vm0, $0x1, v3;
	v11 =	vor.u32 v11, v1  }
0xcb: {  	vm13 =	vge.s32 v13, v5;
	v6 =	vsel vm15, $0x1, v3;
	v10 =	vadd.s32 v10, v11  }
0xcc: {  	vm14 =	vge.s32 v13, v4;
	v6 =	vadd.s32 v6, v10;
	v10 =	vsel vm5, $0x1, v3  }
0xcd: {  	v8 =	vsel vm6, $0x1, v3;
	v11 =	vsel vm4, $0x1, v3;
	v10 =	vor.u32 v10, v1  }
0xce: {  	v9 =	vsel vm9, $0x1, v3;
	v4 =	vsel vm14, $0x1, v3;
	v10 =	vadd.s32 v11, v10  }
0xcf: {  	vm15 =	vge.s32 v13, v7;
	v8 =	vadd.s32 v8, v10;
	v10 =	vsel vm8, $0x1, v3  }
0xd0: {  	[tilespmem:$0x140] =	vst v6;
	v6 =	vsel vm13, $0x1, v3;
	v11 =	vsel vm7, $0x1, v3;
	v10 =	vor.u32 v10, v1  }
0xd1: {  	v7 =	vsel vm15, $0x1, v3;
	v6 =	vor.u32 v6, v1;
	v10 =	vadd.s32 v11, v10  }
0xd2: {  	v4 =	vadd.s32 v4, v6;
	v9 =	vadd.s32 v9, v10;
	v10 =	vsel vm11, $0x1, v3  }
0xd3: {  	[tilespmem:$0x150] =	vst v8;
	v4 =	vadd.s32 v7, v4;
	v11 =	vsel vm10, $0x1, v3;
	v10 =	vor.u32 v10, v1  }
0xd4: {  	v12 =	vsel vm12, $0x1, v3;
	[tilespmem:$0x180] =	vst v4;
	v5 =	vadd.s32 v11, v10  }
0xd5: {  	[tilespmem:$0x160] =	vst v9;
	v5 =	vadd.s32 v12, v5  }
0xd6: {  	[tilespmem:$0x170] =	vst v5  }
0xd7: {  	_ =	swait.ge [sflag:s0], $0x2800  }
0xd8: {  	[sflag:s0] =	ssyncset.done $0x0  }
0xd9: {  	[sflag:s0] =	ssyncadd.s32 $0xFFFFD800  }
0xda: {  	_ =	swait.ge [sflag:s2], $0x2800  }
0xdb: {  	[sflag:s2] =	ssyncset.done $0x0  }
0xdc: {  	s1 =	simm.s32 $0x210;
	[sflag:s2] =	ssyncadd.s32 $0xFFFFD800  }
0xdd: {  	s25 =	smov.u32 s28;
	s28 =	simm.s32 $0x2A10;
	v4 =	vld [tilespmem:s1+$0x0]  }
0xde: {  	v5 =	vld [tilespmem:s28+$0x0];
	_ =	sdelay $0x4  }
0xdf: {  	v4 =	vadd.f32 v5, v4;
	_ =	sdelay $0x1  }
0xe0: {  	v4 =	vmax.f32 v4, $0.0e+00  }
0xe1: {  	[tilespmem:s1+$0x0] =	vst v4;
	v4 =	vld [tilespmem:s1+$0x10]  }
0xe2: {  	v5 =	vld [tilespmem:s28+$0x10];
	_ =	sdelay $0x3  }
0xe3: {  	v6 =	vld [tilespmem:s1+$0xFFFFFF80]  }
0xe4: {  	v4 =	vadd.f32 v5, v4;
	v5 =	vld [tilespmem:s28+$0xFFFFFF80];
	_ =	sdelay $0x1  }
0xe5: {  	v4 =	vmax.f32 v4, $0.0e+00  }
0xe6: {  	[tilespmem:s1+$0x10] =	vst v4;
	v4 =	vld [tilespmem:s1+$0x20]  }
0xe7: {  	v7 =	vld [tilespmem:s28+$0x20]  }
0xe8: {  	s11 =	simm.s32 $0x310;
	v8 =	vld [tilespmem:s1+$0xFFFFFFA0];
	v5 =	vadd.f32 v5, v6  }
0xe9: {  	v10 =	vld [tilespmem:s11+$0x0]  }
0xea: {  	v11 =	vld [tilespmem:s1+$0xFFFFFFC0];
	v5 =	vmax.f32 v5, $0.0e+00  }
0xeb: {  	v6 =	vld [tilespmem:s1+$0xFFFFFF90];
	[tilespmem:s1+$0xFFFFFF80] =	vst v5  }
0xec: {  	v4 =	vadd.f32 v7, v4;
	v5 =	vld [tilespmem:s28+$0xFFFFFF90]  }
0xed: {  	v12 =	vld [tilespmem:s1+$0xFFFFFFD0]  }
0xee: {  	v13 =	vld [tilespmem:s1+$0x40];
	v4 =	vmax.f32 v4, $0.0e+00  }
0xef: {  	[tilespmem:s1+$0x20] =	vst v4;
	v4 =	vld [tilespmem:s1+$0x30]  }
0xf0: {  	v9 =	vld [tilespmem:s28+$0x30]  }
0xf1: {  	s23 =	simm.s32 $0x2B10;
	v14 =	vld [tilespmem:s11+$0x10];
	v5 =	vadd.f32 v5, v6  }
0xf2: {  	s19 =	smov.u32 s21;
	v6 =	vld [tilespmem:s23+$0x0]  }
0xf3: {  	s21 =	smov.u32 s26;
	s26 =	smov.u32 s31;
	s31 =	simm.s32 $0x2C10;
	v16 =	vld [tilespmem:s1+$0xFFFFFFE0];
	v5 =	vmax.f32 v5, $0.0e+00  }
0xf4: {  	v20 =	vld [tilespmem:s31+$0xFFFFFF80];
	[tilespmem:s1+$0xFFFFFF90] =	vst v5  }
0xf5: {  	v4 =	vadd.f32 v9, v4;
	v5 =	vld [tilespmem:s28+$0xFFFFFFA0]  }
0xf6: {  	v9 =	vld [tilespmem:s23+$0xFFFFFF80]  }
0xf7: {  	s15 =	simm.s32 $0x410;
	v6 =	vadd.f32 v6, v10;
	v10 =	vld [tilespmem:s11+$0xFFFFFF80];
	v4 =	vmax.f32 v4, $0.0e+00  }
0xf8: {  	v21 =	vld [tilespmem:s15+$0xFFFFFF80];
	[tilespmem:s1+$0x30] =	vst v4  }
0xf9: {  	v4 =	vmax.f32 v6, $0.0e+00;
	v6 =	vld [tilespmem:s28+$0x40]  }
0xfa: {  	v22 =	vld [tilespmem:s15+$0xFFFFFF90];
	[tilespmem:s11+$0x0] =	vst v4  }
0xfb: {  	v15 =	vld [tilespmem:s23+$0x10];
	v5 =	vadd.f32 v5, v8  }
0xfc: {  	v63 =	vld [tilespmem:s11+$0x60];
	v8 =	vadd.f32 v9, v10  }
0xfd: {  	v7 =	vld [tilespmem:s1+$0xFFFFFFB0];
	v5 =	vmax.f32 v5, $0.0e+00  }
0xfe: {  	v9 =	vld [tilespmem:s11+$0xFFFFFF90];
	[tilespmem:s1+$0xFFFFFFA0] =	vst v5;
	v5 =	vmax.f32 v8, $0.0e+00;
	v6 =	vadd.f32 v6, v13  }
0xff: {  	v8 =	vld [tilespmem:s28+$0xFFFFFFB0];
	[tilespmem:s11+$0xFFFFFF80] =	vst v5  }
0x100: {  	v13 =	vld [tilespmem:s23+$0xFFFFFF90];
	v5 =	vmax.f32 v6, $0.0e+00;
	v6 =	vadd.f32 v15, v14  }
0x101: {  	v15 =	vld [tilespmem:s11+$0x20]  }
0x102: {  	[tilespmem:s1+$0x40] =	vst v5;
	v5 =	vld [tilespmem:s1+$0x50];
	v6 =	vmax.f32 v6, $0.0e+00  }
0x103: {  	v14 =	vld [tilespmem:s28+$0x50];
	[tilespmem:s11+$0x10] =	vst v6  }
0x104: {  	v6 =	vadd.f32 v8, v7;
	v17 =	vld [tilespmem:s23+$0x20]  }
0x105: {  	v4 =	vld [tilespmem:s1+$0xFFFFFFF0]  }
0x106: {  	v10 =	vld [tilespmem:s11+$0xFFFFFFA0];
	v7 =	vadd.f32 v13, v9;
	v13 =	vmax.f32 v6, $0.0e+00  }
0x107: {  	v8 =	vld [tilespmem:s11+$0xFFFFFFB0];
	[tilespmem:s1+$0xFFFFFFB0] =	vst v13  }
0x108: {  	v5 =	vadd.f32 v14, v5;
	v14 =	vld [tilespmem:s28+$0xFFFFFFC0]  }
0x109: {  	v9 =	vld [tilespmem:s11+$0xFFFFFFC0];
	v7 =	vmax.f32 v7, $0.0e+00;
	v13 =	vadd.f32 v17, v15  }
0x10a: {  	v6 =	vld [tilespmem:s11+$0xFFFFFFD0];
	[tilespmem:s11+$0xFFFFFF90] =	vst v7;
	v5 =	vmax.f32 v5, $0.0e+00  }
0x10b: {  	v7 =	vld [tilespmem:s11+$0xFFFFFFE0];
	[tilespmem:s1+$0x50] =	vst v5;
	v5 =	vmax.f32 v13, $0.0e+00  }
0x10c: {  	v17 =	vld [tilespmem:s11+$0x30];
	[tilespmem:s11+$0x20] =	vst v5  }
0x10d: {  	v11 =	vadd.f32 v14, v11;
	v18 =	vld [tilespmem:s23+$0x30]  }
0x10e: {  	v15 =	vld [tilespmem:s23+$0xFFFFFFA0]  }
0x10f: {  	v14 =	vld [tilespmem:s15+$0x0];
	v11 =	vmax.f32 v11, $0.0e+00  }
0x110: {  	[tilespmem:s1+$0xFFFFFFC0] =	vst v11;
	v11 =	vld [tilespmem:s31+$0x0]  }
0x111: {  	v13 =	vld [tilespmem:s1+$0x60]  }
0x112: {  	v19 =	vld [tilespmem:s28+$0x60];
	v17 =	vadd.f32 v18, v17  }
0x113: {  	v5 =	vld [tilespmem:s11+$0xFFFFFFF0]  }
0x114: {  	v10 =	vadd.f32 v15, v10;
	v15 =	vld [tilespmem:s11+$0x40];
	v17 =	vmax.f32 v17, $0.0e+00  }
0x115: {  	v18 =	vld [tilespmem:s28+$0xFFFFFFD0];
	v11 =	vadd.f32 v11, v14;
	[tilespmem:s11+$0x30] =	vst v17  }
0x116: {  	v10 =	vmax.f32 v10, $0.0e+00;
	v17 =	vld [tilespmem:s23+$0x40]  }
0x117: {  	[tilespmem:s11+$0xFFFFFFA0] =	vst v10;
	v14 =	vld [tilespmem:s1+$0x70];
	v10 =	vmax.f32 v11, $0.0e+00;
	v11 =	vadd.f32 v19, v13  }
0x118: {  	v13 =	vld [tilespmem:s23+$0xFFFFFFB0]  }
0x119: {  	v19 =	vld [tilespmem:s15+$0x10];
	[tilespmem:s15+$0x0] =	vst v10;
	v10 =	vadd.f32 v20, v21;
	v11 =	vmax.f32 v11, $0.0e+00  }
0x11a: {  	v20 =	vld [tilespmem:s31+$0x10];
	[tilespmem:s1+$0x60] =	vst v11  }
0x11b: {  	v10 =	vmax.f32 v10, $0.0e+00;
	v62 =	vld [tilespmem:s28+$0x70];
	v15 =	vadd.f32 v17, v15  }
0x11c: {  	[tilespmem:s15+$0xFFFFFF80] =	vst v10;
	v17 =	vld [tilespmem:s15+$0xFFFFFFA0]  }
0x11d: {  	v11 =	vld [tilespmem:s31+$0xFFFFFF90];
	v10 =	vmax.f32 v15, $0.0e+00  }
0x11e: {  	v8 =	vadd.f32 v13, v8;
	v13 =	vld [tilespmem:s11+$0x50];
	[tilespmem:s11+$0x40] =	vst v10  }
0x11f: {  	v19 =	vadd.f32 v20, v19;
	v15 =	vld [tilespmem:s23+$0x50]  }
0x120: {  	v8 =	vmax.f32 v8, $0.0e+00;
	v20 =	vld [tilespmem:s15+$0x20]  }
0x121: {  	v12 =	vadd.f32 v18, v12;
	v10 =	vld [tilespmem:s15+$0xFFFFFFB0];
	[tilespmem:s11+$0xFFFFFFB0] =	vst v8;
	v19 =	vmax.f32 v19, $0.0e+00  }
0x122: {  	v18 =	vld [tilespmem:s23+$0xFFFFFFC0];
	[tilespmem:s15+$0x10] =	vst v19;
	v19 =	vadd.f32 v11, v22  }
0x123: {  	v8 =	vld [tilespmem:s15+$0xFFFFFFC0];
	v11 =	vmax.f32 v12, $0.0e+00  }
0x124: {  	v12 =	vld [tilespmem:s31+$0x20];
	[tilespmem:s1+$0xFFFFFFD0] =	vst v11;
	v13 =	vadd.f32 v15, v13;
	v15 =	vmax.f32 v19, $0.0e+00  }
0x125: {  	[tilespmem:s15+$0xFFFFFF90] =	vst v15;
	v15 =	vld [tilespmem:s28+$0xFFFFFFE0]  }
0x126: {  	v11 =	vld [tilespmem:s15+$0xFFFFFFD0];
	v13 =	vmax.f32 v13, $0.0e+00  }
0x127: {  	v19 =	vld [tilespmem:s31+$0xFFFFFFA0];
	[tilespmem:s11+$0x50] =	vst v13;
	v13 =	vadd.f32 v18, v9  }
0x128: {  	v23 =	vld [tilespmem:s23+$0x60]  }
0x129: {  	v18 =	vadd.f32 v12, v20;
	v9 =	vld [tilespmem:s15+$0xFFFFFFE0];
	v12 =	vmax.f32 v13, $0.0e+00  }
0x12a: {  	[tilespmem:s11+$0xFFFFFFC0] =	vst v12;
	v13 =	vadd.f32 v15, v16;
	v12 =	vld [tilespmem:s15+$0xFFFFFFF0]  }
0x12b: {  	v14 =	vadd.f32 v62, v14;
	v16 =	vmax.f32 v18, $0.0e+00;
	v15 =	vld [tilespmem:s23+$0xFFFFFFD0]  }
0x12c: {  	[tilespmem:s15+$0x20] =	vst v16;
	v17 =	vadd.f32 v19, v17;
	v16 =	vld [tilespmem:s15+$0x30];
	v13 =	vmax.f32 v13, $0.0e+00  }
0x12d: {  	v14 =	vmax.f32 v14, $0.0e+00;
	v18 =	vld [tilespmem:s31+$0x30];
	v19 =	vadd.f32 v23, v63;
	[tilespmem:s1+$0xFFFFFFE0] =	vst v13  }
0x12e: {  	[tilespmem:s1+$0x70] =	vst v14;
	v13 =	vmax.f32 v17, $0.0e+00;
	v14 =	vld [tilespmem:s28+$0xFFFFFFF0]  }
0x12f: {  	s24 =	simm.s32 $0x510;
	s18 =	simm.s32 $0x4;
	[tilespmem:s15+$0xFFFFFFA0] =	vst v13;
	v13 =	vld [tilespmem:s11+$0x70];
	s28 =	simm.s32 $0x2C10;
	v17 =	vmax.f32 v19, $0.0e+00  }
.LBB2_9:
0x130: {  	v19 =	vld [tilespmem:s24+$0x0];
	v15 =	vadd.f32 v15, v6;
	[tilespmem:s11+$0x60] =	vst v17;
	v6 =	vmov v11  }
0x131: {  	s31 =	sadd.s32 $0x100, s31;
	v11 =	vld [tilespmem:s23+$0x70]  }
0x132: {  	s18 =	sadd.s32 $0x2, s18;
	v17 =	vld [tilespmem:s31+$0x0];
	v16 =	vadd.f32 v18, v16;
	v15 =	vmax.f32 v15, $0.0e+00  }
0x133: {  	p0 =	slt.u32 s18, $0x4E;
	v18 =	vld [tilespmem:s31+$0xFFFFFF80];
	[tilespmem:s11+$0xFFFFFFD0] =	vst v15;
	v14 =	vadd.f32 v14, v4;
	v4 =	vmov v5;
	v5 =	vmov v12  }
0x134: {  	v12 =	vld [tilespmem:s24+$0xFFFFFF80];
	v15 =	vmax.f32 v16, $0.0e+00  }
0x135: {  	[tilespmem:s15+$0x30] =	vst v15;
	v15 =	vld [tilespmem:s15+$0x40];
	v14 =	vmax.f32 v14, $0.0e+00  }
0x136: {  	v16 =	vld [tilespmem:s28+$0x40];
	v11 =	vadd.f32 v11, v13;
	[tilespmem:s1+$0xFFFFFFF0] =	vst v14;
	s1 =	smov.u32 s11;
	s11 =	smov.u32 s15;
	s15 =	smov.u32 s24  }
0x137: {  	v13 =	vld [tilespmem:s24+$0xFFFFFF90];
	v14 =	vadd.f32 v17, v19  }
0x138: {  	v17 =	vld [tilespmem:s24+$0xFFFFFFA0];
	v11 =	vmax.f32 v11, $0.0e+00  }
0x139: {  	v12 =	vadd.f32 v18, v12;
	v14 =	vmax.f32 v14, $0.0e+00;
	v18 =	vld [tilespmem:s28+$0xFFFFFFB0];
	[tilespmem:s1+$0x70] =	vst v11  }
0x13a: {  	[tilespmem:s24+$0x0] =	vst v14;
	v11 =	vld [tilespmem:s24+$0x10]  }
0x13b: {  	v12 =	vmax.f32 v12, $0.0e+00;
	v14 =	vld [tilespmem:s31+$0x10];
	v15 =	vadd.f32 v16, v15  }
0x13c: {  	[tilespmem:s24+$0xFFFFFF80] =	vst v12;
	v12 =	vld [tilespmem:s24+$0xFFFFFFB0]  }
0x13d: {  	v16 =	vld [tilespmem:s31+$0xFFFFFF90];
	v15 =	vmax.f32 v15, $0.0e+00  }
0x13e: {  	v21 =	vadd.f32 v18, v10;
	[tilespmem:s11+$0x40] =	vst v15;
	v15 =	vld [tilespmem:s11+$0x50]  }
0x13f: {  	v18 =	vld [tilespmem:s28+$0x50]  }
0x140: {  	v19 =	vld [tilespmem:s24+$0xFFFFFFC0];
	v14 =	vadd.f32 v14, v11;
	v20 =	vmax.f32 v21, $0.0e+00  }
0x141: {  	v11 =	vld [tilespmem:s24+$0xFFFFFFD0];
	[tilespmem:s11+$0xFFFFFFB0] =	vst v20;
	v10 =	vmov v12  }
0x142: {  	v12 =	vadd.f32 v16, v13;
	v13 =	vmax.f32 v14, $0.0e+00;
	v14 =	vld [tilespmem:s28+$0xFFFFFFC0]  }
0x143: {  	[tilespmem:s24+$0x10] =	vst v13;
	v13 =	vld [tilespmem:s24+$0x20]  }
0x144: {  	v12 =	vmax.f32 v12, $0.0e+00;
	v16 =	vld [tilespmem:s31+$0x20];
	v15 =	vadd.f32 v18, v15  }
0x145: {  	[tilespmem:s24+$0xFFFFFF90] =	vst v12;
	v18 =	vld [tilespmem:s23+$0xFFFFFFE0]  }
0x146: {  	v20 =	vld [tilespmem:s31+$0xFFFFFFA0];
	v12 =	vmax.f32 v15, $0.0e+00  }
0x147: {  	v14 =	vadd.f32 v14, v8;
	[tilespmem:s11+$0x50] =	vst v12;
	v21 =	vld [tilespmem:s11+$0x60];
	v8 =	vmov v19  }
0x148: {  	v19 =	vld [tilespmem:s28+$0x60]  }
0x149: {  	v22 =	vld [tilespmem:s24+$0xFFFFFFE0];
	v13 =	vadd.f32 v16, v13;
	v14 =	vmax.f32 v14, $0.0e+00  }
0x14a: {  	v12 =	vld [tilespmem:s24+$0xFFFFFFF0];
	[tilespmem:s11+$0xFFFFFFC0] =	vst v14;
	v14 =	vadd.f32 v18, v7;
	v7 =	vmov v9  }
.Ltmp3:
0x14b: {  	v23 =	vadd.f32 v20, v17;
	v13 =	vmax.f32 v13, $0.0e+00;
	v15 =	vld [tilespmem:s28+$0xFFFFFFD0];
	(pc) =	sbr.rel @p0 .LBB2_9-.Ltmp3, $4  }
0x14c: {  	[tilespmem:s24+$0x20] =	vst v13;
	v16 =	vld [tilespmem:s24+$0x30];
	v13 =	vmax.f32 v14, $0.0e+00  }
0x14d: {  	v20 =	vmax.f32 v23, $0.0e+00;
	v18 =	vld [tilespmem:s31+$0x30];
	v17 =	vadd.f32 v19, v21;
	[tilespmem:s1+$0xFFFFFFE0] =	vst v13  }
0x14e: {  	[tilespmem:s24+$0xFFFFFFA0] =	vst v20;
	v14 =	vld [tilespmem:s23+$0xFFFFFFF0];
	v9 =	vmov v22;
	s23 =	smov.u32 s28;
	s28 =	smov.u32 s31  }
0x14f: {  	s24 =	sadd.s32 $0x100, s24;
	v17 =	vmax.f32 v17, $0.0e+00;
	v13 =	vld [tilespmem:s11+$0x70]  }
0x150: {  	v19 =	vld [tilespmem:s28+$0xFFFFFFB0];
	_ =	sdelay $0x3  }
0x151: {  	v16 =	vadd.f32 v18, v16  }
0x152: {  	v10 =	vadd.f32 v19, v10  }
0x153: {  	v16 =	vmax.f32 v16, $0.0e+00  }
0x154: {  	[tilespmem:s15+$0x30] =	vst v16;
	v16 =	vld [tilespmem:s15+$0x40];
	v10 =	vmax.f32 v10, $0.0e+00  }
0x155: {  	v18 =	vld [tilespmem:s28+$0x40];
	[tilespmem:s15+$0xFFFFFFB0] =	vst v10  }
0x156: {  	v10 =	vld [tilespmem:s28+$0xFFFFFFC0];
	_ =	sdelay $0x3  }
0x157: {  	v16 =	vadd.f32 v18, v16  }
0x158: {  	v8 =	vadd.f32 v10, v8  }
0x159: {  	v16 =	vmax.f32 v16, $0.0e+00  }
0x15a: {  	[tilespmem:s15+$0x40] =	vst v16;
	v10 =	vld [tilespmem:s15+$0x50];
	v8 =	vmax.f32 v8, $0.0e+00  }
0x15b: {  	v16 =	vld [tilespmem:s28+$0x50];
	[tilespmem:s15+$0xFFFFFFC0] =	vst v8  }
0x15c: {  	v8 =	vld [tilespmem:s28+$0xFFFFFFD0];
	_ =	sdelay $0x1  }
0x15d: {  	v6 =	vadd.f32 v15, v6;
	_ =	sdelay $0x1  }
0x15e: {  	v6 =	vmax.f32 v6, $0.0e+00;
	v10 =	vadd.f32 v16, v10  }
0x15f: {  	[tilespmem:s11+$0xFFFFFFD0] =	vst v6;
	v8 =	vadd.f32 v8, v11  }
0x160: {  	v6 =	vmax.f32 v10, $0.0e+00;
	v10 =	vld [tilespmem:s23+$0xFFFFFFE0]  }
0x161: {  	[tilespmem:s15+$0x50] =	vst v6;
	v6 =	vld [tilespmem:s15+$0x60];
	v8 =	vmax.f32 v8, $0.0e+00  }
0x162: {  	v11 =	vld [tilespmem:s28+$0x60];
	[tilespmem:s15+$0xFFFFFFD0] =	vst v8  }
0x163: {  	v8 =	vld [tilespmem:s28+$0xFFFFFFE0];
	_ =	sdelay $0x2  }
0x164: {  	v7 =	vadd.f32 v10, v7  }
0x165: {  	[tilespmem:s11+$0x60] =	vst v17;
	v6 =	vadd.f32 v11, v6  }
0x166: {  	v10 =	vld [tilespmem:s23+$0x70];
	v7 =	vmax.f32 v7, $0.0e+00;
	v8 =	vadd.f32 v8, v9  }
0x167: {  	[tilespmem:s11+$0xFFFFFFE0] =	vst v7;
	v7 =	vld [tilespmem:s15+$0x70];
	v6 =	vmax.f32 v6, $0.0e+00  }
0x168: {  	v9 =	vld [tilespmem:s23+$0xFFFFFFF0];
	[tilespmem:s15+$0x60] =	vst v6;
	v6 =	vmax.f32 v8, $0.0e+00  }
0x169: {  	v8 =	vld [tilespmem:s28+$0x70];
	[tilespmem:s15+$0xFFFFFFE0] =	vst v6  }
0x16a: {  	v6 =	vld [tilespmem:s28+$0xFFFFFFF0]  }
0x16b: {  	v4 =	vadd.f32 v14, v4  }
0x16c: {  	v10 =	vadd.f32 v10, v13  }
0x16d: {  	v4 =	vmax.f32 v4, $0.0e+00;
	v5 =	vadd.f32 v9, v5  }
0x16e: {  	[tilespmem:s1+$0xFFFFFFF0] =	vst v4;
	v4 =	vmax.f32 v10, $0.0e+00;
	v7 =	vadd.f32 v8, v7  }
0x16f: {  	[tilespmem:s11+$0x70] =	vst v4;
	v4 =	vmax.f32 v5, $0.0e+00;
	v5 =	vadd.f32 v6, v12  }
0x170: {  	[tilespmem:s11+$0xFFFFFFF0] =	vst v4;
	v4 =	vmax.f32 v7, $0.0e+00  }
0x171: {  	[tilespmem:s15+$0x70] =	vst v4;
	v4 =	vmax.f32 v5, $0.0e+00  }
0x172: {  	s3 =	sadd.s32 s26, s3;
	[tilespmem:s15+$0xFFFFFFF0] =	vst v4  }
0x173: {  	[hbm4b:s3+s12] =	stream.linear.scatter [tilespmem:s17], [sflag:$0x2], $0x2800, $0x38;
	[tilespmem:$0x1C290] =	vst v63  }
0x174: {  	_ = 	snop  }
0x175: {  	[spmem:s21] =	stream.indirect.scatter.add.f32 [tilespmem:s17], [sflag:$0x3], $0x80, s22, s22, $0xb8;
	[tilespmem:$0x1C290] =	vst v63  }
0x176: {  	_ = 	snop  }
0x177: {  	[spmem:s19] =	stream.indirect.scatter.add.f32 [tilespmem:s20], [sflag:$0x4], $0x10, s22, s22, $0xb8;
	[tilespmem:$0x1C290] =	vst v63  }
0x178: {  	s31 =	smov.u32 s26;
	s26 =	smov.u32 s21  }
0x179: {  	[spmem:s26] =	stream.indirect.scatter.add.f32 [tilespmem:s17], [sflag:$0x5], $0x80, s4, s22, $0xb8;
	[tilespmem:$0x1C290] =	vst v63  }
0x17a: {  	_ = 	snop  }
0x17b: {  	[spmem:s19] =	stream.indirect.scatter.add.f32 [tilespmem:s20], [sflag:$0x6], $0x10, s4, s22, $0xb8;
	[tilespmem:$0x1C290] =	vst v63  }
0x17c: {  	_ =	swait.ge [sflag:s5], $0x2800  }
0x17d: {  	[sflag:s5] =	ssyncset.done $0x0  }
0x17e: {  	[sflag:s5] =	ssyncadd.s32 $0xFFFFD800  }
0x17f: {  	_ =	swait.ge [sflag:s6], $0x2800  }
0x180: {  	[sflag:s6] =	ssyncset.done $0x0  }
0x181: {  	[sflag:s6] =	ssyncadd.s32 $0xFFFFD800  }
0x182: {  	_ =	swait.ge [sflag:s7], $0x500  }
0x183: {  	[sflag:s7] =	ssyncset.done $0x0  }
0x184: {  	[sflag:s7] =	ssyncadd.s32 $0xFFFFFB00  }
0x185: {  	_ =	swait.ge [sflag:s8], $0x2800  }
0x186: {  	[sflag:s8] =	ssyncset.done $0x0  }
0x187: {  	[sflag:s8] =	ssyncadd.s32 $0xFFFFD800  }
0x188: {  	s10 =	sshll.u32 s10, $0x4;
	_ =	swait.ge [sflag:s9], $0x500  }
0x189: {  	s10 =	sand.u32 $0x1FFFFF00, s10;
	[sflag:s9] =	ssyncset.done $0x0;
	s11 =	rddreg [dreg:$0x18]  }
0x18a: {  	s15 =	simm.s32 $0x2990;
	[sflag:s9] =	ssyncadd.s32 $0xFFFFFB00;
	s1 =	sadd.s32 s11, s10  }
0x18b: {  	[tilespmem:s15], [sflag:$0x9] =	stream.linear.gather [hbm4b:s1+s12], $0x2800, $0x38;
	[tilespmem:$0x1C290] =	vst v63  }
0x18c: {  	_ =	swait.ge [sflag:s29], $0x50  }
0x18d: {  	[sflag:s29] =	ssyncset.done $0x0  }
0x18e: {  	[sflag:s29] =	ssyncadd.s32 $0xFFFFFFB0  }
0x18f: {  	_ =	swait.ge [sflag:s30], $0x50  }
0x190: {  	s21 =	smov.u32 s19;
	[sflag:s30] =	ssyncset.done $0x0;
	s19 =	sld [smem:$0x7F9]  }
0x191: {  	s18 =	simm.s32 $0xA0;
	[sflag:s30] =	ssyncadd.s32 $0xFFFFFFB0  }
0x192: {  	[tilespmem:s17], [sflag:$0x1] =	stream.indirect.gather [hbm4b:s25+s22], $0x80, s18, s22, $0xb8;
	[tilespmem:$0x1C290] =	vst v63  }
0x193: {  	s1 =	sadd.s32 s14, s19  }
0x194: {  	s23 =	rddreg [dreg:$0x19];
	s1 =	sshrl.u32 s1, $0x3  }
0x195: {  	s24 =	rddreg [dreg:$0x1a];
	s3 =	sadd.s32 s23, s1  }
0x196: {  	[tilespmem:s12], [sflag:$0x7] =	stream.linear.gather [hbm4b:s3+s12], $0x50, $0x38;
	[tilespmem:$0x1C290] =	vst v63  }
0x197: {  	s1 =	sadd.s32 s24, s1  }
0x198: {  	[tilespmem:s22], [sflag:$0x8] =	stream.linear.gather [hbm4b:s1+s12], $0x50, $0x38;
	[tilespmem:$0x1C290] =	vst v63  }
0x199: {  	v4 =	vld [tilespmem:$0x5690]  }
0x19a: {  	v5 =	vld [tilespmem:$0x5710]  }
0x19b: {  	v6 =	vld [tilespmem:$0xA0]  }
0x19c: {  	v7 =	vld [tilespmem:$0x5790]  }
0x19d: {  	v8 =	vld [tilespmem:$0xB0]  }
0x19e: {  	v9 =	vld [tilespmem:$0xC0]  }
0x19f: {  	v12 =	vld [tilespmem:$0xD0];
	_ =	sdelay $0x1  }
0x1a0: {  	v13 =	vld [tilespmem:$0xE0];
	vm0 =	vge.s32 v6, v4;
	vm1 =	vge.s32 v6, v5;
	vm15 =	vge.s32 v6, v7  }
0x1a1: {  	vm4 =	vge.s32 v8, v4;
	vm5 =	vge.s32 v8, v5;
	vm6 =	vge.s32 v8, v7  }
0x1a2: {  	vm7 =	vge.s32 v9, v4;
	vm8 =	vge.s32 v9, v5;
	vm9 =	vge.s32 v9, v7  }
0x1a3: {  	vm10 =	vge.s32 v12, v4;
	vm11 =	vge.s32 v12, v5;
	v11 =	vsel vm1, $0x1, v3  }
0x1a4: {  	vm12 =	vge.s32 v12, v7;
	v10 =	vsel vm0, $0x1, v3;
	v11 =	vor.u32 v11, v1  }
0x1a5: {  	vm13 =	vge.s32 v13, v5;
	v6 =	vsel vm15, $0x1, v3;
	v10 =	vadd.s32 v10, v11  }
0x1a6: {  	vm14 =	vge.s32 v13, v4;
	v6 =	vadd.s32 v6, v10;
	v10 =	vsel vm5, $0x1, v3  }
0x1a7: {  	v8 =	vsel vm6, $0x1, v3;
	v11 =	vsel vm4, $0x1, v3;
	v10 =	vor.u32 v10, v1  }
0x1a8: {  	v9 =	vsel vm9, $0x1, v3;
	v4 =	vsel vm14, $0x1, v3;
	v10 =	vadd.s32 v11, v10  }
0x1a9: {  	vm15 =	vge.s32 v13, v7;
	v8 =	vadd.s32 v8, v10;
	v10 =	vsel vm8, $0x1, v3  }
0x1aa: {  	[tilespmem:$0x140] =	vst v6;
	v6 =	vsel vm13, $0x1, v3;
	v11 =	vsel vm7, $0x1, v3;
	v10 =	vor.u32 v10, v1  }
0x1ab: {  	v7 =	vsel vm15, $0x1, v3;
	v6 =	vor.u32 v6, v1;
	v10 =	vadd.s32 v11, v10  }
0x1ac: {  	v4 =	vadd.s32 v4, v6;
	v9 =	vadd.s32 v9, v10;
	v10 =	vsel vm11, $0x1, v3  }
0x1ad: {  	[tilespmem:$0x150] =	vst v8;
	v4 =	vadd.s32 v7, v4;
	v11 =	vsel vm10, $0x1, v3;
	v10 =	vor.u32 v10, v1  }
0x1ae: {  	v12 =	vsel vm12, $0x1, v3;
	[tilespmem:$0x180] =	vst v4;
	v5 =	vadd.s32 v11, v10  }
0x1af: {  	[tilespmem:$0x160] =	vst v9;
	v5 =	vadd.s32 v12, v5  }
0x1b0: {  	[tilespmem:$0x170] =	vst v5  }
0x1b1: {  	_ =	swait.ge [sflag:s0], $0x2800  }
0x1b2: {  	[sflag:s0] =	ssyncset.done $0x0  }
0x1b3: {  	[sflag:s0] =	ssyncadd.s32 $0xFFFFD800  }
0x1b4: {  	_ =	swait.ge [sflag:s2], $0x2800  }
0x1b5: {  	[sflag:s2] =	ssyncset.done $0x0  }
0x1b6: {  	s1 =	simm.s32 $0x210;
	[sflag:s2] =	ssyncadd.s32 $0xFFFFD800  }
0x1b7: {  	s28 =	smov.u32 s25;
	s25 =	simm.s32 $0x2A10;
	v4 =	vld [tilespmem:s1+$0x0]  }
0x1b8: {  	v5 =	vld [tilespmem:s25+$0x0];
	_ =	sdelay $0x4  }
0x1b9: {  	v4 =	vadd.f32 v5, v4;
	_ =	sdelay $0x1  }
0x1ba: {  	v4 =	vmax.f32 v4, $0.0e+00  }
0x1bb: {  	[tilespmem:s1+$0x0] =	vst v4;
	v4 =	vld [tilespmem:s1+$0x10]  }
0x1bc: {  	v5 =	vld [tilespmem:s25+$0x10];
	_ =	sdelay $0x3  }
0x1bd: {  	v6 =	vld [tilespmem:s1+$0xFFFFFF80]  }
0x1be: {  	v4 =	vadd.f32 v5, v4;
	v5 =	vld [tilespmem:s25+$0xFFFFFF80];
	_ =	sdelay $0x1  }
0x1bf: {  	v4 =	vmax.f32 v4, $0.0e+00  }
0x1c0: {  	[tilespmem:s1+$0x10] =	vst v4;
	v4 =	vld [tilespmem:s1+$0x20]  }
0x1c1: {  	v7 =	vld [tilespmem:s25+$0x20]  }
0x1c2: {  	s3 =	simm.s32 $0x310;
	v8 =	vld [tilespmem:s1+$0xFFFFFFA0];
	v5 =	vadd.f32 v5, v6  }
0x1c3: {  	v10 =	vld [tilespmem:s3+$0x0]  }
0x1c4: {  	v11 =	vld [tilespmem:s1+$0xFFFFFFC0];
	v5 =	vmax.f32 v5, $0.0e+00  }
0x1c5: {  	v6 =	vld [tilespmem:s1+$0xFFFFFF90];
	[tilespmem:s1+$0xFFFFFF80] =	vst v5  }
0x1c6: {  	v4 =	vadd.f32 v7, v4;
	v5 =	vld [tilespmem:s25+$0xFFFFFF90]  }
0x1c7: {  	v12 =	vld [tilespmem:s1+$0xFFFFFFD0]  }
0x1c8: {  	v13 =	vld [tilespmem:s1+$0x40];
	v4 =	vmax.f32 v4, $0.0e+00  }
0x1c9: {  	[tilespmem:s1+$0x20] =	vst v4;
	v4 =	vld [tilespmem:s1+$0x30]  }
0x1ca: {  	v9 =	vld [tilespmem:s25+$0x30]  }
0x1cb: {  	s11 =	simm.s32 $0x2B10;
	v14 =	vld [tilespmem:s3+$0x10];
	v5 =	vadd.f32 v5, v6  }
0x1cc: {  	v6 =	vld [tilespmem:s11+$0x0]  }
0x1cd: {  	s15 =	simm.s32 $0x2C10;
	v16 =	vld [tilespmem:s1+$0xFFFFFFE0];
	v5 =	vmax.f32 v5, $0.0e+00  }
0x1ce: {  	v20 =	vld [tilespmem:s15+$0xFFFFFF80];
	[tilespmem:s1+$0xFFFFFF90] =	vst v5  }
0x1cf: {  	v4 =	vadd.f32 v9, v4;
	v5 =	vld [tilespmem:s25+$0xFFFFFFA0]  }
0x1d0: {  	v9 =	vld [tilespmem:s11+$0xFFFFFF80]  }
0x1d1: {  	s14 =	simm.s32 $0x410;
	v6 =	vadd.f32 v6, v10;
	v10 =	vld [tilespmem:s3+$0xFFFFFF80];
	v4 =	vmax.f32 v4, $0.0e+00  }
0x1d2: {  	v21 =	vld [tilespmem:s14+$0xFFFFFF80];
	[tilespmem:s1+$0x30] =	vst v4  }
0x1d3: {  	v4 =	vmax.f32 v6, $0.0e+00;
	v6 =	vld [tilespmem:s25+$0x40]  }
0x1d4: {  	v22 =	vld [tilespmem:s14+$0xFFFFFF90];
	[tilespmem:s3+$0x0] =	vst v4  }
0x1d5: {  	v15 =	vld [tilespmem:s11+$0x10];
	v5 =	vadd.f32 v5, v8  }
0x1d6: {  	v63 =	vld [tilespmem:s3+$0x60];
	v8 =	vadd.f32 v9, v10  }
0x1d7: {  	v7 =	vld [tilespmem:s1+$0xFFFFFFB0];
	v5 =	vmax.f32 v5, $0.0e+00  }
0x1d8: {  	v9 =	vld [tilespmem:s3+$0xFFFFFF90];
	[tilespmem:s1+$0xFFFFFFA0] =	vst v5;
	v5 =	vmax.f32 v8, $0.0e+00;
	v6 =	vadd.f32 v6, v13  }
0x1d9: {  	v8 =	vld [tilespmem:s25+$0xFFFFFFB0];
	[tilespmem:s3+$0xFFFFFF80] =	vst v5  }
0x1da: {  	v13 =	vld [tilespmem:s11+$0xFFFFFF90];
	v5 =	vmax.f32 v6, $0.0e+00;
	v6 =	vadd.f32 v15, v14  }
0x1db: {  	v15 =	vld [tilespmem:s3+$0x20]  }
0x1dc: {  	[tilespmem:s1+$0x40] =	vst v5;
	v5 =	vld [tilespmem:s1+$0x50];
	v6 =	vmax.f32 v6, $0.0e+00  }
0x1dd: {  	v14 =	vld [tilespmem:s25+$0x50];
	[tilespmem:s3+$0x10] =	vst v6  }
0x1de: {  	v6 =	vadd.f32 v8, v7;
	v17 =	vld [tilespmem:s11+$0x20]  }
0x1df: {  	v4 =	vld [tilespmem:s1+$0xFFFFFFF0]  }
0x1e0: {  	v10 =	vld [tilespmem:s3+$0xFFFFFFA0];
	v7 =	vadd.f32 v13, v9;
	v13 =	vmax.f32 v6, $0.0e+00  }
0x1e1: {  	v8 =	vld [tilespmem:s3+$0xFFFFFFB0];
	[tilespmem:s1+$0xFFFFFFB0] =	vst v13  }
0x1e2: {  	v5 =	vadd.f32 v14, v5;
	v14 =	vld [tilespmem:s25+$0xFFFFFFC0]  }
0x1e3: {  	v9 =	vld [tilespmem:s3+$0xFFFFFFC0];
	v7 =	vmax.f32 v7, $0.0e+00;
	v13 =	vadd.f32 v17, v15  }
0x1e4: {  	v6 =	vld [tilespmem:s3+$0xFFFFFFD0];
	[tilespmem:s3+$0xFFFFFF90] =	vst v7;
	v5 =	vmax.f32 v5, $0.0e+00  }
0x1e5: {  	v7 =	vld [tilespmem:s3+$0xFFFFFFE0];
	[tilespmem:s1+$0x50] =	vst v5;
	v5 =	vmax.f32 v13, $0.0e+00  }
0x1e6: {  	v17 =	vld [tilespmem:s3+$0x30];
	[tilespmem:s3+$0x20] =	vst v5  }
0x1e7: {  	v11 =	vadd.f32 v14, v11;
	v18 =	vld [tilespmem:s11+$0x30]  }
0x1e8: {  	v15 =	vld [tilespmem:s11+$0xFFFFFFA0]  }
0x1e9: {  	v14 =	vld [tilespmem:s14+$0x0];
	v11 =	vmax.f32 v11, $0.0e+00  }
0x1ea: {  	[tilespmem:s1+$0xFFFFFFC0] =	vst v11;
	v11 =	vld [tilespmem:s15+$0x0]  }
0x1eb: {  	v13 =	vld [tilespmem:s1+$0x60]  }
0x1ec: {  	v19 =	vld [tilespmem:s25+$0x60];
	v17 =	vadd.f32 v18, v17  }
0x1ed: {  	v5 =	vld [tilespmem:s3+$0xFFFFFFF0]  }
0x1ee: {  	v10 =	vadd.f32 v15, v10;
	v15 =	vld [tilespmem:s3+$0x40];
	v17 =	vmax.f32 v17, $0.0e+00  }
0x1ef: {  	v18 =	vld [tilespmem:s25+$0xFFFFFFD0];
	v11 =	vadd.f32 v11, v14;
	[tilespmem:s3+$0x30] =	vst v17  }
0x1f0: {  	v10 =	vmax.f32 v10, $0.0e+00;
	v17 =	vld [tilespmem:s11+$0x40]  }
0x1f1: {  	[tilespmem:s3+$0xFFFFFFA0] =	vst v10;
	v14 =	vld [tilespmem:s1+$0x70];
	v10 =	vmax.f32 v11, $0.0e+00;
	v11 =	vadd.f32 v19, v13  }
0x1f2: {  	v13 =	vld [tilespmem:s11+$0xFFFFFFB0]  }
0x1f3: {  	v19 =	vld [tilespmem:s14+$0x10];
	[tilespmem:s14+$0x0] =	vst v10;
	v10 =	vadd.f32 v20, v21;
	v11 =	vmax.f32 v11, $0.0e+00  }
0x1f4: {  	v20 =	vld [tilespmem:s15+$0x10];
	[tilespmem:s1+$0x60] =	vst v11  }
0x1f5: {  	v10 =	vmax.f32 v10, $0.0e+00;
	v62 =	vld [tilespmem:s25+$0x70];
	v15 =	vadd.f32 v17, v15  }
0x1f6: {  	[tilespmem:s14+$0xFFFFFF80] =	vst v10;
	v17 =	vld [tilespmem:s14+$0xFFFFFFA0]  }
0x1f7: {  	v11 =	vld [tilespmem:s15+$0xFFFFFF90];
	v10 =	vmax.f32 v15, $0.0e+00  }
0x1f8: {  	v8 =	vadd.f32 v13, v8;
	v13 =	vld [tilespmem:s3+$0x50];
	[tilespmem:s3+$0x40] =	vst v10  }
0x1f9: {  	v19 =	vadd.f32 v20, v19;
	v15 =	vld [tilespmem:s11+$0x50]  }
0x1fa: {  	v8 =	vmax.f32 v8, $0.0e+00;
	v20 =	vld [tilespmem:s14+$0x20]  }
0x1fb: {  	v12 =	vadd.f32 v18, v12;
	v10 =	vld [tilespmem:s14+$0xFFFFFFB0];
	[tilespmem:s3+$0xFFFFFFB0] =	vst v8;
	v19 =	vmax.f32 v19, $0.0e+00  }
0x1fc: {  	v18 =	vld [tilespmem:s11+$0xFFFFFFC0];
	[tilespmem:s14+$0x10] =	vst v19;
	v19 =	vadd.f32 v11, v22  }
0x1fd: {  	v8 =	vld [tilespmem:s14+$0xFFFFFFC0];
	v11 =	vmax.f32 v12, $0.0e+00  }
0x1fe: {  	v12 =	vld [tilespmem:s15+$0x20];
	[tilespmem:s1+$0xFFFFFFD0] =	vst v11;
	v13 =	vadd.f32 v15, v13;
	v15 =	vmax.f32 v19, $0.0e+00  }
0x1ff: {  	[tilespmem:s14+$0xFFFFFF90] =	vst v15;
	v15 =	vld [tilespmem:s25+$0xFFFFFFE0]  }
0x200: {  	v11 =	vld [tilespmem:s14+$0xFFFFFFD0];
	v13 =	vmax.f32 v13, $0.0e+00  }
0x201: {  	v19 =	vld [tilespmem:s15+$0xFFFFFFA0];
	[tilespmem:s3+$0x50] =	vst v13;
	v13 =	vadd.f32 v18, v9  }
0x202: {  	v23 =	vld [tilespmem:s11+$0x60]  }
0x203: {  	v18 =	vadd.f32 v12, v20;
	v9 =	vld [tilespmem:s14+$0xFFFFFFE0];
	v12 =	vmax.f32 v13, $0.0e+00  }
0x204: {  	[tilespmem:s3+$0xFFFFFFC0] =	vst v12;
	v13 =	vadd.f32 v15, v16;
	v12 =	vld [tilespmem:s14+$0xFFFFFFF0]  }
0x205: {  	v14 =	vadd.f32 v62, v14;
	v16 =	vmax.f32 v18, $0.0e+00;
	v15 =	vld [tilespmem:s11+$0xFFFFFFD0]  }
0x206: {  	[tilespmem:s14+$0x20] =	vst v16;
	v17 =	vadd.f32 v19, v17;
	v16 =	vld [tilespmem:s14+$0x30];
	v13 =	vmax.f32 v13, $0.0e+00  }
0x207: {  	v14 =	vmax.f32 v14, $0.0e+00;
	v18 =	vld [tilespmem:s15+$0x30];
	v19 =	vadd.f32 v23, v63;
	[tilespmem:s1+$0xFFFFFFE0] =	vst v13  }
0x208: {  	[tilespmem:s1+$0x70] =	vst v14;
	v13 =	vmax.f32 v17, $0.0e+00;
	v14 =	vld [tilespmem:s25+$0xFFFFFFF0]  }
0x209: {  	s18 =	simm.s32 $0x4;
	s24 =	simm.s32 $0x510;
	s23 =	simm.s32 $0x2C10;
	[tilespmem:s14+$0xFFFFFFA0] =	vst v13;
	v13 =	vld [tilespmem:s3+$0x70];
	v17 =	vmax.f32 v19, $0.0e+00  }
.LBB2_11:
0x20a: {  	v19 =	vld [tilespmem:s24+$0x0];
	v15 =	vadd.f32 v15, v6;
	[tilespmem:s3+$0x60] =	vst v17;
	v6 =	vmov v11  }
0x20b: {  	s15 =	sadd.s32 $0x100, s15;
	v11 =	vld [tilespmem:s11+$0x70]  }
0x20c: {  	s18 =	sadd.s32 $0x2, s18;
	v17 =	vld [tilespmem:s15+$0x0];
	v16 =	vadd.f32 v18, v16;
	v15 =	vmax.f32 v15, $0.0e+00  }
0x20d: {  	p0 =	slt.u32 s18, $0x4E;
	v18 =	vld [tilespmem:s15+$0xFFFFFF80];
	[tilespmem:s3+$0xFFFFFFD0] =	vst v15;
	v14 =	vadd.f32 v14, v4;
	v4 =	vmov v5;
	v5 =	vmov v12  }
0x20e: {  	v12 =	vld [tilespmem:s24+$0xFFFFFF80];
	v15 =	vmax.f32 v16, $0.0e+00  }
0x20f: {  	[tilespmem:s14+$0x30] =	vst v15;
	v15 =	vld [tilespmem:s14+$0x40];
	v14 =	vmax.f32 v14, $0.0e+00  }
0x210: {  	v16 =	vld [tilespmem:s23+$0x40];
	v11 =	vadd.f32 v11, v13;
	[tilespmem:s1+$0xFFFFFFF0] =	vst v14;
	s1 =	smov.u32 s3;
	s3 =	smov.u32 s14;
	s14 =	smov.u32 s24  }
0x211: {  	v13 =	vld [tilespmem:s24+$0xFFFFFF90];
	v14 =	vadd.f32 v17, v19  }
0x212: {  	v17 =	vld [tilespmem:s24+$0xFFFFFFA0];
	v11 =	vmax.f32 v11, $0.0e+00  }
0x213: {  	v12 =	vadd.f32 v18, v12;
	v14 =	vmax.f32 v14, $0.0e+00;
	v18 =	vld [tilespmem:s23+$0xFFFFFFB0];
	[tilespmem:s1+$0x70] =	vst v11  }
0x214: {  	[tilespmem:s24+$0x0] =	vst v14;
	v11 =	vld [tilespmem:s24+$0x10]  }
0x215: {  	v12 =	vmax.f32 v12, $0.0e+00;
	v14 =	vld [tilespmem:s15+$0x10];
	v15 =	vadd.f32 v16, v15  }
0x216: {  	[tilespmem:s24+$0xFFFFFF80] =	vst v12;
	v12 =	vld [tilespmem:s24+$0xFFFFFFB0]  }
0x217: {  	v16 =	vld [tilespmem:s15+$0xFFFFFF90];
	v15 =	vmax.f32 v15, $0.0e+00  }
0x218: {  	v21 =	vadd.f32 v18, v10;
	[tilespmem:s3+$0x40] =	vst v15;
	v15 =	vld [tilespmem:s3+$0x50]  }
0x219: {  	v18 =	vld [tilespmem:s23+$0x50]  }
0x21a: {  	v19 =	vld [tilespmem:s24+$0xFFFFFFC0];
	v14 =	vadd.f32 v14, v11;
	v20 =	vmax.f32 v21, $0.0e+00  }
0x21b: {  	v11 =	vld [tilespmem:s24+$0xFFFFFFD0];
	[tilespmem:s3+$0xFFFFFFB0] =	vst v20;
	v10 =	vmov v12  }
0x21c: {  	v12 =	vadd.f32 v16, v13;
	v13 =	vmax.f32 v14, $0.0e+00;
	v14 =	vld [tilespmem:s23+$0xFFFFFFC0]  }
0x21d: {  	[tilespmem:s24+$0x10] =	vst v13;
	v13 =	vld [tilespmem:s24+$0x20]  }
0x21e: {  	v12 =	vmax.f32 v12, $0.0e+00;
	v16 =	vld [tilespmem:s15+$0x20];
	v15 =	vadd.f32 v18, v15  }
0x21f: {  	[tilespmem:s24+$0xFFFFFF90] =	vst v12;
	v18 =	vld [tilespmem:s11+$0xFFFFFFE0]  }
0x220: {  	v20 =	vld [tilespmem:s15+$0xFFFFFFA0];
	v12 =	vmax.f32 v15, $0.0e+00  }
0x221: {  	v14 =	vadd.f32 v14, v8;
	[tilespmem:s3+$0x50] =	vst v12;
	v21 =	vld [tilespmem:s3+$0x60];
	v8 =	vmov v19  }
0x222: {  	v19 =	vld [tilespmem:s23+$0x60]  }
0x223: {  	v22 =	vld [tilespmem:s24+$0xFFFFFFE0];
	v13 =	vadd.f32 v16, v13;
	v14 =	vmax.f32 v14, $0.0e+00  }
0x224: {  	v12 =	vld [tilespmem:s24+$0xFFFFFFF0];
	[tilespmem:s3+$0xFFFFFFC0] =	vst v14;
	v14 =	vadd.f32 v18, v7;
	v7 =	vmov v9  }
.Ltmp4:
0x225: {  	v23 =	vadd.f32 v20, v17;
	v13 =	vmax.f32 v13, $0.0e+00;
	v15 =	vld [tilespmem:s23+$0xFFFFFFD0];
	(pc) =	sbr.rel @p0 .LBB2_11-.Ltmp4, $4  }
0x226: {  	[tilespmem:s24+$0x20] =	vst v13;
	v16 =	vld [tilespmem:s24+$0x30];
	v13 =	vmax.f32 v14, $0.0e+00  }
0x227: {  	v20 =	vmax.f32 v23, $0.0e+00;
	v18 =	vld [tilespmem:s15+$0x30];
	v17 =	vadd.f32 v19, v21;
	[tilespmem:s1+$0xFFFFFFE0] =	vst v13  }
0x228: {  	[tilespmem:s24+$0xFFFFFFA0] =	vst v20;
	v14 =	vld [tilespmem:s11+$0xFFFFFFF0];
	v9 =	vmov v22;
	s11 =	smov.u32 s23;
	s23 =	smov.u32 s15  }
0x229: {  	s24 =	sadd.s32 $0x100, s24;
	v17 =	vmax.f32 v17, $0.0e+00;
	v13 =	vld [tilespmem:s3+$0x70]  }
0x22a: {  	v19 =	vld [tilespmem:s23+$0xFFFFFFB0];
	_ =	sdelay $0x3  }
0x22b: {  	v16 =	vadd.f32 v18, v16  }
0x22c: {  	v10 =	vadd.f32 v19, v10  }
0x22d: {  	v16 =	vmax.f32 v16, $0.0e+00  }
0x22e: {  	v52 =	vld [tilespmem:s14+$0x40];
	[tilespmem:s14+$0x30] =	vst v16;
	v10 =	vmax.f32 v10, $0.0e+00  }
0x22f: {  	v53 =	vld [tilespmem:s23+$0x40];
	[tilespmem:s14+$0xFFFFFFB0] =	vst v10  }
0x230: {  	v10 =	vld [tilespmem:s23+$0xFFFFFFC0];
	_ =	sdelay $0x3  }
0x231: {  	v16 =	vadd.f32 v53, v52  }
0x232: {  	v8 =	vadd.f32 v10, v8  }
0x233: {  	v16 =	vmax.f32 v16, $0.0e+00  }
0x234: {  	v54 =	vld [tilespmem:s14+$0x50];
	[tilespmem:s14+$0x40] =	vst v16;
	v8 =	vmax.f32 v8, $0.0e+00  }
0x235: {  	v16 =	vld [tilespmem:s23+$0x50];
	[tilespmem:s14+$0xFFFFFFC0] =	vst v8  }
0x236: {  	v8 =	vld [tilespmem:s23+$0xFFFFFFD0];
	_ =	sdelay $0x2  }
0x237: {  	v6 =	vadd.f32 v15, v6  }
0x238: {  	v10 =	vadd.f32 v16, v54  }
0x239: {  	v6 =	vmax.f32 v6, $0.0e+00;
	v8 =	vadd.f32 v8, v11  }
0x23a: {  	v57 =	vld [tilespmem:s14+$0x60];
	[tilespmem:s3+$0xFFFFFFD0] =	vst v6;
	v55 =	vmax.f32 v10, $0.0e+00  }
0x23b: {  	v56 =	vld [tilespmem:s11+$0xFFFFFFE0];
	[tilespmem:s14+$0x50] =	vst v55;
	v8 =	vmax.f32 v8, $0.0e+00  }
0x23c: {  	v58 =	vld [tilespmem:s23+$0x60];
	[tilespmem:s14+$0xFFFFFFD0] =	vst v8  }
0x23d: {  	v8 =	vld [tilespmem:s23+$0xFFFFFFE0];
	_ =	sdelay $0x2  }
0x23e: {  	v7 =	vadd.f32 v56, v7  }
0x23f: {  	v6 =	vadd.f32 v58, v57  }
0x240: {  	[tilespmem:s3+$0x60] =	vst v17;
	v60 =	vld [tilespmem:s14+$0x70];
	v7 =	vmax.f32 v7, $0.0e+00;
	v8 =	vadd.f32 v8, v9  }
0x241: {  	v59 =	vld [tilespmem:s11+$0x70];
	[tilespmem:s3+$0xFFFFFFE0] =	vst v7;
	v6 =	vmax.f32 v6, $0.0e+00  }
0x242: {  	v61 =	vld [tilespmem:s11+$0xFFFFFFF0];
	[tilespmem:s14+$0x60] =	vst v6;
	v62 =	vmax.f32 v8, $0.0e+00  }
0x243: {  	v63 =	vld [tilespmem:s23+$0x70];
	[tilespmem:s14+$0xFFFFFFE0] =	vst v62  }
0x244: {  	v6 =	vld [tilespmem:s23+$0xFFFFFFF0]  }
0x245: {  	v4 =	vadd.f32 v14, v4  }
0x246: {  	v10 =	vadd.f32 v59, v13  }
0x247: {  	v4 =	vmax.f32 v4, $0.0e+00;
	v5 =	vadd.f32 v61, v5  }
0x248: {  	[tilespmem:s1+$0xFFFFFFF0] =	vst v4;
	v4 =	vmax.f32 v10, $0.0e+00;
	v7 =	vadd.f32 v63, v60  }
0x249: {  	[tilespmem:s3+$0x70] =	vst v4;
	v4 =	vmax.f32 v5, $0.0e+00;
	v5 =	vadd.f32 v6, v12  }
0x24a: {  	[tilespmem:s3+$0xFFFFFFF0] =	vst v4;
	v4 =	vmax.f32 v7, $0.0e+00  }
0x24b: {  	[tilespmem:s14+$0x70] =	vst v4;
	v4 =	vmax.f32 v5, $0.0e+00  }
0x24c: {  	s25 =	sadd.s32 s31, s10;
	[tilespmem:s14+$0xFFFFFFF0] =	vst v4  }
0x24d: {  	[hbm4b:s25+s12] =	stream.linear.scatter [tilespmem:s17], [sflag:$0x2], $0x2800, $0x38;
	[tilespmem:$0x1C290] =	vst v63  }
0x24e: {  	s18 =	simm.s32 $0xF0  }
0x24f: {  	[spmem:s26] =	stream.indirect.scatter.add.f32 [tilespmem:s17], [sflag:$0x3], $0x80, s18, s22, $0xb8;
	[tilespmem:$0x1C290] =	vst v63  }
0x250: {  	_ = 	snop  }
0x251: {  	[spmem:s21] =	stream.indirect.scatter.add.f32 [tilespmem:s20], [sflag:$0x4], $0x10, s18, s22, $0xb8;
	[tilespmem:$0x1C290] =	vst v63  }
0x252: {  	_ = 	snop  }
0x253: {  	[spmem:s26] =	stream.indirect.scatter.add.f32 [tilespmem:s17], [sflag:$0x5], $0x80, s4, s22, $0xb8;
	[tilespmem:$0x1C290] =	vst v63  }
0x254: {  	_ = 	snop  }
0x255: {  	[spmem:s21] =	stream.indirect.scatter.add.f32 [tilespmem:s20], [sflag:$0x6], $0x10, s4, s22, $0xb8;
	[tilespmem:$0x1C290] =	vst v63  }
0x256: {  	_ =	swait.ge [sflag:s5], $0x2800  }
0x257: {  	[sflag:s5] =	ssyncset.done $0x0  }
0x258: {  	[sflag:s5] =	ssyncadd.s32 $0xFFFFD800  }
0x259: {  	_ =	swait.ge [sflag:s6], $0x2800  }
0x25a: {  	[sflag:s6] =	ssyncset.done $0x0  }
0x25b: {  	[sflag:s6] =	ssyncadd.s32 $0xFFFFD800  }
0x25c: {  	_ =	swait.ge [sflag:s7], $0x500  }
0x25d: {  	[sflag:s7] =	ssyncset.done $0x0  }
0x25e: {  	s13 =	sadd.s32 $0x1, s13;
	[sflag:s7] =	ssyncadd.s32 $0xFFFFFB00  }
0x25f: {  	p0 =	sne.s32 s13, $0x3E;
	_ =	swait.ge [sflag:s8], $0x2800  }
.Ltmp5:
0x260: {  	[sflag:s8] =	ssyncset.done $0x0;
	(pc) =	sbr.rel @p0 .LBB2_8-.Ltmp5, $4  }
0x261: {  	[sflag:s8] =	ssyncadd.s32 $0xFFFFD800  }
0x262: {  	_ =	swait.ge [sflag:s9], $0x500  }
0x263: {  	[sflag:s9] =	ssyncset.done $0x0  }
0x264: {  	[sflag:s9] =	ssyncadd.s32 $0xFFFFFB00  }
0x265: {  	s1 =	sld [smem:$0x7F4];
	_ =	sdelay $0x1  }
0x266: {  	s3 =	simm.s32 $0x2990  }
0x267: {  	[tilespmem:s3], [sflag:$0x9] =	stream.linear.gather [hbm4b:s1+s12], $0x2800, $0x38;
	[tilespmem:$0x1C290] =	vst v63  }
0x268: {  	_ =	swait.ge [sflag:s29], $0x50  }
0x269: {  	[sflag:s29] =	ssyncset.done $0x0  }
0x26a: {  	[sflag:s29] =	ssyncadd.s32 $0xFFFFFFB0  }
0x26b: {  	_ =	swait.ge [sflag:s30], $0x50  }
0x26c: {  	[sflag:s30] =	ssyncset.done $0x0  }
0x26d: {  	[sflag:s30] =	ssyncadd.s32 $0xFFFFFFB0  }
0x26e: {  	[tilespmem:s17], [sflag:$0x1] =	stream.indirect.gather [hbm4b:s28+s22], $0x80, s12, s22, $0xb8;
	[tilespmem:$0x1C290] =	vst v63  }
0x26f: {  	v4 =	vld [tilespmem:$0x5690]  }
0x270: {  	v5 =	vld [tilespmem:$0x5710]  }
0x271: {  	v6 =	vld [tilespmem:$0x0]  }
0x272: {  	v7 =	vld [tilespmem:$0x5790]  }
0x273: {  	v8 =	vld [tilespmem:$0x10]  }
0x274: {  	v9 =	vld [tilespmem:$0x20]  }
0x275: {  	v12 =	vld [tilespmem:$0x30];
	_ =	sdelay $0x1  }
0x276: {  	v13 =	vld [tilespmem:$0x40];
	vm0 =	vge.s32 v6, v4;
	vm1 =	vge.s32 v6, v5;
	vm15 =	vge.s32 v6, v7  }
0x277: {  	vm4 =	vge.s32 v8, v4;
	vm5 =	vge.s32 v8, v5;
	vm6 =	vge.s32 v8, v7  }
0x278: {  	vm7 =	vge.s32 v9, v4;
	vm8 =	vge.s32 v9, v5;
	vm9 =	vge.s32 v9, v7  }
0x279: {  	vm10 =	vge.s32 v12, v4;
	vm11 =	vge.s32 v12, v5;
	v11 =	vsel vm1, $0x1, v3  }
0x27a: {  	vm12 =	vge.s32 v12, v7;
	v10 =	vsel vm0, $0x1, v3;
	v11 =	vor.u32 v11, v1  }
0x27b: {  	vm13 =	vge.s32 v13, v5;
	v6 =	vsel vm15, $0x1, v3;
	v10 =	vadd.s32 v10, v11  }
0x27c: {  	vm14 =	vge.s32 v13, v4;
	v6 =	vadd.s32 v6, v10;
	v10 =	vsel vm5, $0x1, v3  }
0x27d: {  	v8 =	vsel vm6, $0x1, v3;
	v11 =	vsel vm4, $0x1, v3;
	v10 =	vor.u32 v10, v1  }
0x27e: {  	v9 =	vsel vm9, $0x1, v3;
	v4 =	vsel vm14, $0x1, v3;
	v10 =	vadd.s32 v11, v10  }
0x27f: {  	vm15 =	vge.s32 v13, v7;
	v8 =	vadd.s32 v8, v10;
	v10 =	vsel vm8, $0x1, v3  }
0x280: {  	[tilespmem:$0x140] =	vst v6;
	v6 =	vsel vm13, $0x1, v3;
	v11 =	vsel vm7, $0x1, v3;
	v10 =	vor.u32 v10, v1  }
0x281: {  	v7 =	vsel vm15, $0x1, v3;
	v6 =	vor.u32 v6, v1;
	v10 =	vadd.s32 v11, v10  }
0x282: {  	v4 =	vadd.s32 v4, v6;
	v9 =	vadd.s32 v9, v10;
	v10 =	vsel vm11, $0x1, v3  }
0x283: {  	[tilespmem:$0x150] =	vst v8;
	v4 =	vadd.s32 v7, v4;
	v11 =	vsel vm10, $0x1, v3;
	v10 =	vor.u32 v10, v1  }
0x284: {  	v12 =	vsel vm12, $0x1, v3;
	[tilespmem:$0x180] =	vst v4;
	v5 =	vadd.s32 v11, v10  }
0x285: {  	[tilespmem:$0x160] =	vst v9;
	v5 =	vadd.s32 v12, v5  }
0x286: {  	[tilespmem:$0x170] =	vst v5  }
0x287: {  	_ =	swait.ge [sflag:s0], $0x2800  }
0x288: {  	[sflag:s0] =	ssyncset.done $0x0  }
0x289: {  	[sflag:s0] =	ssyncadd.s32 $0xFFFFD800  }
0x28a: {  	_ =	swait.ge [sflag:s2], $0x2800  }
0x28b: {  	[sflag:s2] =	ssyncset.done $0x0  }
0x28c: {  	s1 =	simm.s32 $0x210;
	[sflag:s2] =	ssyncadd.s32 $0xFFFFD800  }
0x28d: {  	s14 =	simm.s32 $0x2A10;
	v4 =	vld [tilespmem:s1+$0x0]  }
0x28e: {  	v5 =	vld [tilespmem:s14+$0x0];
	_ =	sdelay $0x4  }
0x28f: {  	v4 =	vadd.f32 v5, v4;
	_ =	sdelay $0x1  }
0x290: {  	v4 =	vmax.f32 v4, $0.0e+00  }
0x291: {  	[tilespmem:s1+$0x0] =	vst v4;
	v4 =	vld [tilespmem:s1+$0x10]  }
0x292: {  	v5 =	vld [tilespmem:s14+$0x10];
	_ =	sdelay $0x3  }
0x293: {  	v6 =	vld [tilespmem:s1+$0xFFFFFF80]  }
0x294: {  	v4 =	vadd.f32 v5, v4;
	v5 =	vld [tilespmem:s14+$0xFFFFFF80];
	_ =	sdelay $0x1  }
0x295: {  	v4 =	vmax.f32 v4, $0.0e+00  }
0x296: {  	[tilespmem:s1+$0x10] =	vst v4;
	v4 =	vld [tilespmem:s1+$0x20]  }
0x297: {  	v7 =	vld [tilespmem:s14+$0x20]  }
0x298: {  	s3 =	simm.s32 $0x310;
	v8 =	vld [tilespmem:s1+$0xFFFFFFA0];
	v5 =	vadd.f32 v5, v6  }
0x299: {  	v10 =	vld [tilespmem:s3+$0x0]  }
0x29a: {  	v11 =	vld [tilespmem:s1+$0xFFFFFFC0];
	v5 =	vmax.f32 v5, $0.0e+00  }
0x29b: {  	v6 =	vld [tilespmem:s1+$0xFFFFFF90];
	[tilespmem:s1+$0xFFFFFF80] =	vst v5  }
0x29c: {  	v4 =	vadd.f32 v7, v4;
	v5 =	vld [tilespmem:s14+$0xFFFFFF90]  }
0x29d: {  	v12 =	vld [tilespmem:s1+$0xFFFFFFD0]  }
0x29e: {  	v13 =	vld [tilespmem:s1+$0x40];
	v4 =	vmax.f32 v4, $0.0e+00  }
0x29f: {  	[tilespmem:s1+$0x20] =	vst v4;
	v4 =	vld [tilespmem:s1+$0x30]  }
0x2a0: {  	v9 =	vld [tilespmem:s14+$0x30]  }
0x2a1: {  	s10 =	simm.s32 $0x2B10;
	v14 =	vld [tilespmem:s3+$0x10];
	v5 =	vadd.f32 v5, v6  }
0x2a2: {  	v6 =	vld [tilespmem:s10+$0x0]  }
0x2a3: {  	s13 =	simm.s32 $0x2C10;
	v16 =	vld [tilespmem:s1+$0xFFFFFFE0];
	v5 =	vmax.f32 v5, $0.0e+00  }
0x2a4: {  	v20 =	vld [tilespmem:s13+$0xFFFFFF80];
	[tilespmem:s1+$0xFFFFFF90] =	vst v5  }
0x2a5: {  	v4 =	vadd.f32 v9, v4;
	v5 =	vld [tilespmem:s14+$0xFFFFFFA0]  }
0x2a6: {  	v9 =	vld [tilespmem:s10+$0xFFFFFF80]  }
0x2a7: {  	s11 =	simm.s32 $0x410;
	v6 =	vadd.f32 v6, v10;
	v10 =	vld [tilespmem:s3+$0xFFFFFF80];
	v4 =	vmax.f32 v4, $0.0e+00  }
0x2a8: {  	v21 =	vld [tilespmem:s11+$0xFFFFFF80];
	[tilespmem:s1+$0x30] =	vst v4  }
0x2a9: {  	v4 =	vmax.f32 v6, $0.0e+00;
	v6 =	vld [tilespmem:s14+$0x40]  }
0x2aa: {  	v22 =	vld [tilespmem:s11+$0xFFFFFF90];
	[tilespmem:s3+$0x0] =	vst v4  }
0x2ab: {  	v15 =	vld [tilespmem:s10+$0x10];
	v5 =	vadd.f32 v5, v8  }
0x2ac: {  	v63 =	vld [tilespmem:s3+$0x60];
	v8 =	vadd.f32 v9, v10  }
0x2ad: {  	v7 =	vld [tilespmem:s1+$0xFFFFFFB0];
	v5 =	vmax.f32 v5, $0.0e+00  }
0x2ae: {  	v9 =	vld [tilespmem:s3+$0xFFFFFF90];
	[tilespmem:s1+$0xFFFFFFA0] =	vst v5;
	v5 =	vmax.f32 v8, $0.0e+00;
	v6 =	vadd.f32 v6, v13  }
0x2af: {  	v8 =	vld [tilespmem:s14+$0xFFFFFFB0];
	[tilespmem:s3+$0xFFFFFF80] =	vst v5  }
0x2b0: {  	v13 =	vld [tilespmem:s10+$0xFFFFFF90];
	v5 =	vmax.f32 v6, $0.0e+00;
	v6 =	vadd.f32 v15, v14  }
0x2b1: {  	v15 =	vld [tilespmem:s3+$0x20]  }
0x2b2: {  	[tilespmem:s1+$0x40] =	vst v5;
	v5 =	vld [tilespmem:s1+$0x50];
	v6 =	vmax.f32 v6, $0.0e+00  }
0x2b3: {  	v14 =	vld [tilespmem:s14+$0x50];
	[tilespmem:s3+$0x10] =	vst v6  }
0x2b4: {  	v6 =	vadd.f32 v8, v7;
	v17 =	vld [tilespmem:s10+$0x20]  }
0x2b5: {  	v4 =	vld [tilespmem:s1+$0xFFFFFFF0]  }
0x2b6: {  	v10 =	vld [tilespmem:s3+$0xFFFFFFA0];
	v7 =	vadd.f32 v13, v9;
	v13 =	vmax.f32 v6, $0.0e+00  }
0x2b7: {  	v8 =	vld [tilespmem:s3+$0xFFFFFFB0];
	[tilespmem:s1+$0xFFFFFFB0] =	vst v13  }
0x2b8: {  	v5 =	vadd.f32 v14, v5;
	v14 =	vld [tilespmem:s14+$0xFFFFFFC0]  }
0x2b9: {  	v9 =	vld [tilespmem:s3+$0xFFFFFFC0];
	v7 =	vmax.f32 v7, $0.0e+00;
	v13 =	vadd.f32 v17, v15  }
0x2ba: {  	v6 =	vld [tilespmem:s3+$0xFFFFFFD0];
	[tilespmem:s3+$0xFFFFFF90] =	vst v7;
	v5 =	vmax.f32 v5, $0.0e+00  }
0x2bb: {  	v7 =	vld [tilespmem:s3+$0xFFFFFFE0];
	[tilespmem:s1+$0x50] =	vst v5;
	v5 =	vmax.f32 v13, $0.0e+00  }
0x2bc: {  	v17 =	vld [tilespmem:s3+$0x30];
	[tilespmem:s3+$0x20] =	vst v5  }
0x2bd: {  	v11 =	vadd.f32 v14, v11;
	v18 =	vld [tilespmem:s10+$0x30]  }
0x2be: {  	v15 =	vld [tilespmem:s10+$0xFFFFFFA0]  }
0x2bf: {  	v14 =	vld [tilespmem:s11+$0x0];
	v11 =	vmax.f32 v11, $0.0e+00  }
0x2c0: {  	[tilespmem:s1+$0xFFFFFFC0] =	vst v11;
	v11 =	vld [tilespmem:s13+$0x0]  }
0x2c1: {  	v13 =	vld [tilespmem:s1+$0x60]  }
0x2c2: {  	v19 =	vld [tilespmem:s14+$0x60];
	v17 =	vadd.f32 v18, v17  }
0x2c3: {  	v5 =	vld [tilespmem:s3+$0xFFFFFFF0]  }
0x2c4: {  	v10 =	vadd.f32 v15, v10;
	v15 =	vld [tilespmem:s3+$0x40];
	v17 =	vmax.f32 v17, $0.0e+00  }
0x2c5: {  	v18 =	vld [tilespmem:s14+$0xFFFFFFD0];
	v11 =	vadd.f32 v11, v14;
	[tilespmem:s3+$0x30] =	vst v17  }
0x2c6: {  	v10 =	vmax.f32 v10, $0.0e+00;
	v17 =	vld [tilespmem:s10+$0x40]  }
0x2c7: {  	[tilespmem:s3+$0xFFFFFFA0] =	vst v10;
	v14 =	vld [tilespmem:s1+$0x70];
	v10 =	vmax.f32 v11, $0.0e+00;
	v11 =	vadd.f32 v19, v13  }
0x2c8: {  	v13 =	vld [tilespmem:s10+$0xFFFFFFB0]  }
0x2c9: {  	v19 =	vld [tilespmem:s11+$0x10];
	[tilespmem:s11+$0x0] =	vst v10;
	v10 =	vadd.f32 v20, v21;
	v11 =	vmax.f32 v11, $0.0e+00  }
0x2ca: {  	v20 =	vld [tilespmem:s13+$0x10];
	[tilespmem:s1+$0x60] =	vst v11  }
0x2cb: {  	v10 =	vmax.f32 v10, $0.0e+00;
	v62 =	vld [tilespmem:s14+$0x70];
	v15 =	vadd.f32 v17, v15  }
0x2cc: {  	[tilespmem:s11+$0xFFFFFF80] =	vst v10;
	v17 =	vld [tilespmem:s11+$0xFFFFFFA0]  }
0x2cd: {  	v11 =	vld [tilespmem:s13+$0xFFFFFF90];
	v10 =	vmax.f32 v15, $0.0e+00  }
0x2ce: {  	v8 =	vadd.f32 v13, v8;
	v13 =	vld [tilespmem:s3+$0x50];
	[tilespmem:s3+$0x40] =	vst v10  }
0x2cf: {  	v19 =	vadd.f32 v20, v19;
	v15 =	vld [tilespmem:s10+$0x50]  }
0x2d0: {  	v8 =	vmax.f32 v8, $0.0e+00;
	v20 =	vld [tilespmem:s11+$0x20]  }
0x2d1: {  	v12 =	vadd.f32 v18, v12;
	v10 =	vld [tilespmem:s11+$0xFFFFFFB0];
	[tilespmem:s3+$0xFFFFFFB0] =	vst v8;
	v19 =	vmax.f32 v19, $0.0e+00  }
0x2d2: {  	v18 =	vld [tilespmem:s10+$0xFFFFFFC0];
	[tilespmem:s11+$0x10] =	vst v19;
	v19 =	vadd.f32 v11, v22  }
0x2d3: {  	v8 =	vld [tilespmem:s11+$0xFFFFFFC0];
	v11 =	vmax.f32 v12, $0.0e+00  }
0x2d4: {  	v12 =	vld [tilespmem:s13+$0x20];
	[tilespmem:s1+$0xFFFFFFD0] =	vst v11;
	v13 =	vadd.f32 v15, v13;
	v15 =	vmax.f32 v19, $0.0e+00  }
0x2d5: {  	[tilespmem:s11+$0xFFFFFF90] =	vst v15;
	v15 =	vld [tilespmem:s14+$0xFFFFFFE0]  }
0x2d6: {  	v11 =	vld [tilespmem:s11+$0xFFFFFFD0];
	v13 =	vmax.f32 v13, $0.0e+00  }
0x2d7: {  	v19 =	vld [tilespmem:s13+$0xFFFFFFA0];
	[tilespmem:s3+$0x50] =	vst v13;
	v13 =	vadd.f32 v18, v9  }
0x2d8: {  	v23 =	vld [tilespmem:s10+$0x60]  }
0x2d9: {  	v18 =	vadd.f32 v12, v20;
	v9 =	vld [tilespmem:s11+$0xFFFFFFE0];
	v12 =	vmax.f32 v13, $0.0e+00  }
0x2da: {  	[tilespmem:s3+$0xFFFFFFC0] =	vst v12;
	v13 =	vadd.f32 v15, v16;
	v12 =	vld [tilespmem:s11+$0xFFFFFFF0]  }
0x2db: {  	v14 =	vadd.f32 v62, v14;
	v16 =	vmax.f32 v18, $0.0e+00;
	v15 =	vld [tilespmem:s10+$0xFFFFFFD0]  }
0x2dc: {  	[tilespmem:s11+$0x20] =	vst v16;
	v17 =	vadd.f32 v19, v17;
	v16 =	vld [tilespmem:s11+$0x30];
	v13 =	vmax.f32 v13, $0.0e+00  }
0x2dd: {  	v14 =	vmax.f32 v14, $0.0e+00;
	v18 =	vld [tilespmem:s13+$0x30];
	v19 =	vadd.f32 v23, v63;
	[tilespmem:s1+$0xFFFFFFE0] =	vst v13  }
0x2de: {  	[tilespmem:s1+$0x70] =	vst v14;
	v13 =	vmax.f32 v17, $0.0e+00;
	v14 =	vld [tilespmem:s14+$0xFFFFFFF0]  }
0x2df: {  	s15 =	simm.s32 $0x4;
	s18 =	simm.s32 $0x510;
	[tilespmem:s11+$0xFFFFFFA0] =	vst v13;
	v13 =	vld [tilespmem:s3+$0x70];
	s14 =	simm.s32 $0x2C10;
	v17 =	vmax.f32 v19, $0.0e+00  }
.LBB2_14:
0x2e0: {  	v19 =	vld [tilespmem:s18+$0x0];
	v15 =	vadd.f32 v15, v6;
	[tilespmem:s3+$0x60] =	vst v17;
	v6 =	vmov v11  }
0x2e1: {  	s13 =	sadd.s32 $0x100, s13;
	v11 =	vld [tilespmem:s10+$0x70]  }
0x2e2: {  	s15 =	sadd.s32 $0x2, s15;
	v17 =	vld [tilespmem:s13+$0x0];
	v16 =	vadd.f32 v18, v16;
	v15 =	vmax.f32 v15, $0.0e+00  }
0x2e3: {  	p0 =	slt.u32 s15, $0x4E;
	v18 =	vld [tilespmem:s13+$0xFFFFFF80];
	[tilespmem:s3+$0xFFFFFFD0] =	vst v15;
	v14 =	vadd.f32 v14, v4;
	v4 =	vmov v5;
	v5 =	vmov v12  }
0x2e4: {  	v12 =	vld [tilespmem:s18+$0xFFFFFF80];
	v15 =	vmax.f32 v16, $0.0e+00  }
0x2e5: {  	[tilespmem:s11+$0x30] =	vst v15;
	v15 =	vld [tilespmem:s11+$0x40];
	v14 =	vmax.f32 v14, $0.0e+00  }
0x2e6: {  	v16 =	vld [tilespmem:s14+$0x40];
	v11 =	vadd.f32 v11, v13;
	[tilespmem:s1+$0xFFFFFFF0] =	vst v14;
	s1 =	smov.u32 s3;
	s3 =	smov.u32 s11;
	s11 =	smov.u32 s18  }
0x2e7: {  	v13 =	vld [tilespmem:s18+$0xFFFFFF90];
	v14 =	vadd.f32 v17, v19  }
0x2e8: {  	v17 =	vld [tilespmem:s18+$0xFFFFFFA0];
	v11 =	vmax.f32 v11, $0.0e+00  }
0x2e9: {  	v12 =	vadd.f32 v18, v12;
	v14 =	vmax.f32 v14, $0.0e+00;
	v18 =	vld [tilespmem:s14+$0xFFFFFFB0];
	[tilespmem:s1+$0x70] =	vst v11  }
0x2ea: {  	[tilespmem:s18+$0x0] =	vst v14;
	v11 =	vld [tilespmem:s18+$0x10]  }
0x2eb: {  	v12 =	vmax.f32 v12, $0.0e+00;
	v14 =	vld [tilespmem:s13+$0x10];
	v15 =	vadd.f32 v16, v15  }
0x2ec: {  	[tilespmem:s18+$0xFFFFFF80] =	vst v12;
	v12 =	vld [tilespmem:s18+$0xFFFFFFB0]  }
0x2ed: {  	v16 =	vld [tilespmem:s13+$0xFFFFFF90];
	v15 =	vmax.f32 v15, $0.0e+00  }
0x2ee: {  	v21 =	vadd.f32 v18, v10;
	[tilespmem:s3+$0x40] =	vst v15;
	v15 =	vld [tilespmem:s3+$0x50]  }
0x2ef: {  	v18 =	vld [tilespmem:s14+$0x50]  }
0x2f0: {  	v19 =	vld [tilespmem:s18+$0xFFFFFFC0];
	v14 =	vadd.f32 v14, v11;
	v20 =	vmax.f32 v21, $0.0e+00  }
0x2f1: {  	v11 =	vld [tilespmem:s18+$0xFFFFFFD0];
	[tilespmem:s3+$0xFFFFFFB0] =	vst v20;
	v10 =	vmov v12  }
0x2f2: {  	v12 =	vadd.f32 v16, v13;
	v13 =	vmax.f32 v14, $0.0e+00;
	v14 =	vld [tilespmem:s14+$0xFFFFFFC0]  }
0x2f3: {  	[tilespmem:s18+$0x10] =	vst v13;
	v13 =	vld [tilespmem:s18+$0x20]  }
0x2f4: {  	v12 =	vmax.f32 v12, $0.0e+00;
	v16 =	vld [tilespmem:s13+$0x20];
	v15 =	vadd.f32 v18, v15  }
0x2f5: {  	[tilespmem:s18+$0xFFFFFF90] =	vst v12;
	v18 =	vld [tilespmem:s10+$0xFFFFFFE0]  }
0x2f6: {  	v20 =	vld [tilespmem:s13+$0xFFFFFFA0];
	v12 =	vmax.f32 v15, $0.0e+00  }
0x2f7: {  	v14 =	vadd.f32 v14, v8;
	[tilespmem:s3+$0x50] =	vst v12;
	v21 =	vld [tilespmem:s3+$0x60];
	v8 =	vmov v19  }
0x2f8: {  	v19 =	vld [tilespmem:s14+$0x60]  }
0x2f9: {  	v22 =	vld [tilespmem:s18+$0xFFFFFFE0];
	v13 =	vadd.f32 v16, v13;
	v14 =	vmax.f32 v14, $0.0e+00  }
0x2fa: {  	v12 =	vld [tilespmem:s18+$0xFFFFFFF0];
	[tilespmem:s3+$0xFFFFFFC0] =	vst v14;
	v14 =	vadd.f32 v18, v7;
	v7 =	vmov v9  }
.Ltmp6:
0x2fb: {  	v23 =	vadd.f32 v20, v17;
	v13 =	vmax.f32 v13, $0.0e+00;
	v15 =	vld [tilespmem:s14+$0xFFFFFFD0];
	(pc) =	sbr.rel @p0 .LBB2_14-.Ltmp6, $4  }
0x2fc: {  	[tilespmem:s18+$0x20] =	vst v13;
	v16 =	vld [tilespmem:s18+$0x30];
	v13 =	vmax.f32 v14, $0.0e+00  }
0x2fd: {  	v20 =	vmax.f32 v23, $0.0e+00;
	v18 =	vld [tilespmem:s13+$0x30];
	v17 =	vadd.f32 v19, v21;
	[tilespmem:s1+$0xFFFFFFE0] =	vst v13  }
0x2fe: {  	[tilespmem:s18+$0xFFFFFFA0] =	vst v20;
	v14 =	vld [tilespmem:s10+$0xFFFFFFF0];
	v9 =	vmov v22;
	s10 =	smov.u32 s14;
	s14 =	smov.u32 s13  }
0x2ff: {  	s18 =	sadd.s32 $0x100, s18;
	v17 =	vmax.f32 v17, $0.0e+00;
	v13 =	vld [tilespmem:s3+$0x70]  }
0x300: {  	v19 =	vld [tilespmem:s14+$0xFFFFFFB0];
	_ =	sdelay $0x3  }
0x301: {  	v16 =	vadd.f32 v18, v16  }
0x302: {  	v10 =	vadd.f32 v19, v10  }
0x303: {  	v16 =	vmax.f32 v16, $0.0e+00  }
0x304: {  	v52 =	vld [tilespmem:s11+$0x40];
	[tilespmem:s11+$0x30] =	vst v16;
	v10 =	vmax.f32 v10, $0.0e+00  }
0x305: {  	v53 =	vld [tilespmem:s14+$0x40];
	[tilespmem:s11+$0xFFFFFFB0] =	vst v10  }
0x306: {  	v10 =	vld [tilespmem:s14+$0xFFFFFFC0];
	_ =	sdelay $0x3  }
0x307: {  	v16 =	vadd.f32 v53, v52  }
0x308: {  	v8 =	vadd.f32 v10, v8  }
0x309: {  	v16 =	vmax.f32 v16, $0.0e+00  }
0x30a: {  	v54 =	vld [tilespmem:s11+$0x50];
	[tilespmem:s11+$0x40] =	vst v16;
	v8 =	vmax.f32 v8, $0.0e+00  }
0x30b: {  	v16 =	vld [tilespmem:s14+$0x50];
	[tilespmem:s11+$0xFFFFFFC0] =	vst v8  }
0x30c: {  	v8 =	vld [tilespmem:s14+$0xFFFFFFD0];
	_ =	sdelay $0x2  }
0x30d: {  	v6 =	vadd.f32 v15, v6  }
0x30e: {  	v10 =	vadd.f32 v16, v54  }
0x30f: {  	v6 =	vmax.f32 v6, $0.0e+00;
	v8 =	vadd.f32 v8, v11  }
0x310: {  	v57 =	vld [tilespmem:s11+$0x60];
	[tilespmem:s3+$0xFFFFFFD0] =	vst v6;
	v55 =	vmax.f32 v10, $0.0e+00  }
0x311: {  	v56 =	vld [tilespmem:s10+$0xFFFFFFE0];
	[tilespmem:s11+$0x50] =	vst v55;
	v8 =	vmax.f32 v8, $0.0e+00  }
0x312: {  	v58 =	vld [tilespmem:s14+$0x60];
	[tilespmem:s11+$0xFFFFFFD0] =	vst v8  }
0x313: {  	v8 =	vld [tilespmem:s14+$0xFFFFFFE0];
	_ =	sdelay $0x2  }
0x314: {  	v7 =	vadd.f32 v56, v7  }
0x315: {  	v6 =	vadd.f32 v58, v57  }
0x316: {  	[tilespmem:s3+$0x60] =	vst v17;
	v60 =	vld [tilespmem:s11+$0x70];
	v7 =	vmax.f32 v7, $0.0e+00;
	v8 =	vadd.f32 v8, v9  }
0x317: {  	v59 =	vld [tilespmem:s10+$0x70];
	[tilespmem:s3+$0xFFFFFFE0] =	vst v7;
	v6 =	vmax.f32 v6, $0.0e+00  }
0x318: {  	v61 =	vld [tilespmem:s10+$0xFFFFFFF0];
	[tilespmem:s11+$0x60] =	vst v6;
	v62 =	vmax.f32 v8, $0.0e+00  }
0x319: {  	v63 =	vld [tilespmem:s14+$0x70];
	[tilespmem:s11+$0xFFFFFFE0] =	vst v62  }
0x31a: {  	v6 =	vld [tilespmem:s14+$0xFFFFFFF0]  }
0x31b: {  	v4 =	vadd.f32 v14, v4  }
0x31c: {  	v10 =	vadd.f32 v59, v13  }
0x31d: {  	v4 =	vmax.f32 v4, $0.0e+00;
	v5 =	vadd.f32 v61, v5  }
0x31e: {  	[tilespmem:s1+$0xFFFFFFF0] =	vst v4;
	v4 =	vmax.f32 v10, $0.0e+00;
	v7 =	vadd.f32 v63, v60  }
0x31f: {  	[tilespmem:s3+$0x70] =	vst v4;
	v4 =	vmax.f32 v5, $0.0e+00;
	v5 =	vadd.f32 v6, v12  }
0x320: {  	[tilespmem:s3+$0xFFFFFFF0] =	vst v4;
	v4 =	vmax.f32 v7, $0.0e+00  }
0x321: {  	[tilespmem:s11+$0x70] =	vst v4;
	v4 =	vmax.f32 v5, $0.0e+00  }
0x322: {  	[tilespmem:s11+$0xFFFFFFF0] =	vst v4  }
0x323: {  	s1 =	sld [smem:$0x7F5];
	_ =	sdelay $0x2  }
0x324: {  	[hbm4b:s1+s12] =	stream.linear.scatter [tilespmem:s17], [sflag:$0x2], $0x2800, $0x38;
	[tilespmem:$0x1C290] =	vst v63  }
0x325: {  	_ = 	snop  }
0x326: {  	[spmem:s26] =	stream.indirect.scatter.add.f32 [tilespmem:s17], [sflag:$0x3], $0x80, s22, s22, $0xb8;
	[tilespmem:$0x1C290] =	vst v63  }
0x327: {  	_ = 	snop  }
0x328: {  	[spmem:s21] =	stream.indirect.scatter.add.f32 [tilespmem:s20], [sflag:$0x4], $0x10, s22, s22, $0xb8;
	[tilespmem:$0x1C290] =	vst v63  }
0x329: {  	_ = 	snop  }
0x32a: {  	[spmem:s26] =	stream.indirect.scatter.add.f32 [tilespmem:s17], [sflag:$0x5], $0x80, s4, s22, $0xb8;
	[tilespmem:$0x1C290] =	vst v63  }
0x32b: {  	_ = 	snop  }
0x32c: {  	[spmem:s21] =	stream.indirect.scatter.add.f32 [tilespmem:s20], [sflag:$0x6], $0x10, s4, s22, $0xb8;
	[tilespmem:$0x1C290] =	vst v63  }
0x32d: {  	_ =	swait.ge [sflag:s5], $0x2800  }
0x32e: {  	[sflag:s5] =	ssyncset.done $0x0  }
0x32f: {  	[sflag:s5] =	ssyncadd.s32 $0xFFFFD800  }
0x330: {  	_ =	swait.ge [sflag:s6], $0x2800  }
0x331: {  	[sflag:s6] =	ssyncset.done $0x0  }
0x332: {  	[sflag:s6] =	ssyncadd.s32 $0xFFFFD800  }
0x333: {  	_ =	swait.ge [sflag:s7], $0x500  }
0x334: {  	[sflag:s7] =	ssyncset.done $0x0  }
0x335: {  	[sflag:s7] =	ssyncadd.s32 $0xFFFFFB00  }
0x336: {  	_ =	swait.ge [sflag:s8], $0x2800  }
0x337: {  	[sflag:s8] =	ssyncset.done $0x0  }
0x338: {  	[sflag:s8] =	ssyncadd.s32 $0xFFFFD800  }
0x339: {  	_ =	swait.ge [sflag:s9], $0x500  }
0x33a: {  	[sflag:s9] =	ssyncset.done $0x0  }
0x33b: {  	[sflag:s9] =	ssyncadd.s32 $0xFFFFFB00  }
0x33c: {  	[bflag:$0x0] =	sbarrier.arrive $0xFFFF  }
0x33d: {  	s18 =	rddreg [dreg:$0x1b]  }
0x33e: {  	[tilespmem:s17], [sflag:$0xA] =	stream.linear.gather [spmem:s18], $0x2800, $0x38;
	[tilespmem:$0x1C290] =	vst v63  }
0x33f: {  	_ =	swait.ge [sflag:s16], $0x2800  }
0x340: {  	[sflag:s16] =	ssyncset.done $0x0  }
0x341: {  	s24 =	rddreg [dreg:$0x8];
	[sflag:s16] =	ssyncadd.s32 $0xFFFFD800  }
0x342: {  	[hbm4b:s24+s12] =	stream.linear.scatter [tilespmem:s17], [sflag:$0xA], $0x2800, $0x38;
	[tilespmem:$0x1C290] =	vst v63  }
0x343: {  	_ =	swait.ge [sflag:s16], $0x2800  }
0x344: {  	[sflag:s16] =	ssyncset.done $0x0  }
0x345: {  	s11 =	rddreg [dreg:$0x1c];
	[sflag:s16] =	ssyncadd.s32 $0xFFFFD800  }
0x346: {  	[tilespmem:s20], [sflag:$0xA] =	stream.linear.gather [spmem:s11], $0x500, $0x38;
	[tilespmem:$0x1C290] =	vst v63  }
0x347: {  	_ =	swait.ge [sflag:s16], $0x500  }
0x348: {  	[sflag:s16] =	ssyncset.done $0x0  }
0x349: {  	s25 =	rddreg [dreg:$0x10];
	[sflag:s16] =	ssyncadd.s32 $0xFFFFFB00  }
0x34a: {  	[hbm4b:s25+s12] =	stream.linear.scatter [tilespmem:s20], [sflag:$0xA], $0x500, $0x38;
	[tilespmem:$0x1C290] =	vst v63  }
0x34b: {  	_ =	swait.ge [sflag:s16], $0x500  }
0x34c: {  	[sflag:s16] =	ssyncset.done $0x0  }
0x34d: {  	s13 =	rddreg [dreg:$0x1d];
	[sflag:s16] =	ssyncadd.s32 $0xFFFFFB00  }
0x34e: {  	[tilespmem:s17], [sflag:$0xA] =	stream.linear.gather [spmem:s13], $0x2800, $0x38;
	[tilespmem:$0x1C290] =	vst v63  }
0x34f: {  	_ =	swait.ge [sflag:s16], $0x2800  }
0x350: {  	[sflag:s16] =	ssyncset.done $0x0  }
0x351: {  	s3 =	rddreg [dreg:$0x9];
	[sflag:s16] =	ssyncadd.s32 $0xFFFFD800  }
0x352: {  	[hbm4b:s3+s12] =	stream.linear.scatter [tilespmem:s17], [sflag:$0xA], $0x2800, $0x38;
	[tilespmem:$0x1C290] =	vst v63  }
0x353: {  	_ =	swait.ge [sflag:s16], $0x2800  }
0x354: {  	[sflag:s16] =	ssyncset.done $0x0  }
0x355: {  	s14 =	rddreg [dreg:$0x1e];
	[sflag:s16] =	ssyncadd.s32 $0xFFFFD800  }
0x356: {  	[tilespmem:s20], [sflag:$0xA] =	stream.linear.gather [spmem:s14], $0x500, $0x38;
	[tilespmem:$0x1C290] =	vst v63  }
0x357: {  	_ =	swait.ge [sflag:s16], $0x500  }
0x358: {  	[sflag:s16] =	ssyncset.done $0x0  }
0x359: {  	s10 =	rddreg [dreg:$0x11];
	[sflag:s16] =	ssyncadd.s32 $0xFFFFFB00  }
0x35a: {  	[hbm4b:s10+s12] =	stream.linear.scatter [tilespmem:s20], [sflag:$0xA], $0x500, $0x38;
	[tilespmem:$0x1C290] =	vst v63  }
0x35b: {  	_ =	swait.ge [sflag:s16], $0x500  }
0x35c: {  	[sflag:s16] =	ssyncset.done $0x0  }
0x35d: {  	s10 =	rddreg [dreg:$0x1f];
	[sflag:s16] =	ssyncadd.s32 $0xFFFFFB00  }
0x35e: {  	[tilespmem:s17], [sflag:$0xA] =	stream.linear.gather [spmem:s10], $0x2800, $0x38;
	[tilespmem:$0x1C290] =	vst v63  }
0x35f: {  	_ =	swait.ge [sflag:s16], $0x2800  }
0x360: {  	[sflag:s16] =	ssyncset.done $0x0  }
0x361: {  	s15 =	rddreg [dreg:$0xa];
	[sflag:s16] =	ssyncadd.s32 $0xFFFFD800  }
0x362: {  	[hbm4b:s15+s12] =	stream.linear.scatter [tilespmem:s17], [sflag:$0xA], $0x2800, $0x38;
	[tilespmem:$0x1C290] =	vst v63  }
0x363: {  	_ =	swait.ge [sflag:s16], $0x2800  }
0x364: {  	s19 =	sld [smem:$0x7EB]  }
0x365: {  	[sflag:s16] =	ssyncset.done $0x0  }
0x366: {  	[sflag:s16] =	ssyncadd.s32 $0xFFFFD800  }
0x367: {  	[tilespmem:s20], [sflag:$0xA] =	stream.linear.gather [spmem:s19], $0x500, $0x38;
	[tilespmem:$0x1C290] =	vst v63  }
0x368: {  	_ =	swait.ge [sflag:s16], $0x500  }
0x369: {  	[sflag:s16] =	ssyncset.done $0x0  }
0x36a: {  	s23 =	rddreg [dreg:$0x12];
	[sflag:s16] =	ssyncadd.s32 $0xFFFFFB00  }
0x36b: {  	[hbm4b:s23+s12] =	stream.linear.scatter [tilespmem:s20], [sflag:$0xA], $0x500, $0x38;
	[tilespmem:$0x1C290] =	vst v63  }
0x36c: {  	_ =	swait.ge [sflag:s16], $0x500  }
0x36d: {  	s19 =	sld [smem:$0x7FA]  }
0x36e: {  	[sflag:s16] =	ssyncset.done $0x0  }
0x36f: {  	[sflag:s16] =	ssyncadd.s32 $0xFFFFFB00  }
0x370: {  	[tilespmem:s17], [sflag:$0xA] =	stream.linear.gather [spmem:s19], $0x2800, $0x38;
	[tilespmem:$0x1C290] =	vst v63  }
0x371: {  	_ =	swait.ge [sflag:s16], $0x2800  }
0x372: {  	[sflag:s16] =	ssyncset.done $0x0  }
0x373: {  	s24 =	rddreg [dreg:$0xb];
	[sflag:s16] =	ssyncadd.s32 $0xFFFFD800  }
0x374: {  	[hbm4b:s24+s12] =	stream.linear.scatter [tilespmem:s17], [sflag:$0xA], $0x2800, $0x38;
	[tilespmem:$0x1C290] =	vst v63  }
0x375: {  	_ =	swait.ge [sflag:s16], $0x2800  }
0x376: {  	s23 =	sld [smem:$0x7FB]  }
0x377: {  	[sflag:s16] =	ssyncset.done $0x0  }
0x378: {  	[sflag:s16] =	ssyncadd.s32 $0xFFFFD800  }
0x379: {  	[tilespmem:s20], [sflag:$0xA] =	stream.linear.gather [spmem:s23], $0x500, $0x38;
	[tilespmem:$0x1C290] =	vst v63  }
0x37a: {  	_ =	swait.ge [sflag:s16], $0x500  }
0x37b: {  	[sflag:s16] =	ssyncset.done $0x0  }
0x37c: {  	s25 =	rddreg [dreg:$0x13];
	[sflag:s16] =	ssyncadd.s32 $0xFFFFFB00  }
0x37d: {  	[hbm4b:s25+s12] =	stream.linear.scatter [tilespmem:s20], [sflag:$0xA], $0x500, $0x38;
	[tilespmem:$0x1C290] =	vst v63  }
0x37e: {  	_ =	swait.ge [sflag:s16], $0x500  }
0x37f: {  	s24 =	sld [smem:$0x7FC]  }
0x380: {  	[sflag:s16] =	ssyncset.done $0x0  }
0x381: {  	[sflag:s16] =	ssyncadd.s32 $0xFFFFFB00  }
0x382: {  	[tilespmem:s17], [sflag:$0xA] =	stream.linear.gather [spmem:s24], $0x2800, $0x38;
	[tilespmem:$0x1C290] =	vst v63  }
0x383: {  	_ =	swait.ge [sflag:s16], $0x2800  }
0x384: {  	[sflag:s16] =	ssyncset.done $0x0  }
0x385: {  	s3 =	rddreg [dreg:$0xc];
	[sflag:s16] =	ssyncadd.s32 $0xFFFFD800  }
0x386: {  	[hbm4b:s3+s12] =	stream.linear.scatter [tilespmem:s17], [sflag:$0xA], $0x2800, $0x38;
	[tilespmem:$0x1C290] =	vst v63  }
0x387: {  	_ =	swait.ge [sflag:s16], $0x2800  }
0x388: {  	s25 =	sld [smem:$0x7FD]  }
0x389: {  	[sflag:s16] =	ssyncset.done $0x0  }
0x38a: {  	[sflag:s16] =	ssyncadd.s32 $0xFFFFD800  }
0x38b: {  	[tilespmem:s20], [sflag:$0xA] =	stream.linear.gather [spmem:s25], $0x500, $0x38;
	[tilespmem:$0x1C290] =	vst v63  }
0x38c: {  	_ =	swait.ge [sflag:s16], $0x500  }
0x38d: {  	[sflag:s16] =	ssyncset.done $0x0  }
0x38e: {  	s15 =	rddreg [dreg:$0x14];
	[sflag:s16] =	ssyncadd.s32 $0xFFFFFB00  }
0x38f: {  	[hbm4b:s15+s12] =	stream.linear.scatter [tilespmem:s20], [sflag:$0xA], $0x500, $0x38;
	[tilespmem:$0x1C290] =	vst v63  }
0x390: {  	_ =	swait.ge [sflag:s16], $0x500  }
0x391: {  	s3 =	sld [smem:$0x7EC]  }
0x392: {  	[sflag:s16] =	ssyncset.done $0x0  }
0x393: {  	[sflag:s16] =	ssyncadd.s32 $0xFFFFFB00  }
0x394: {  	[tilespmem:s17], [sflag:$0xA] =	stream.linear.gather [spmem:s3], $0x2800, $0x38;
	[tilespmem:$0x1C290] =	vst v63  }
0x395: {  	_ =	swait.ge [sflag:s16], $0x2800  }
0x396: {  	[sflag:s16] =	ssyncset.done $0x0  }
0x397: {  	s15 =	rddreg [dreg:$0xd];
	[sflag:s16] =	ssyncadd.s32 $0xFFFFD800  }
0x398: {  	[hbm4b:s15+s12] =	stream.linear.scatter [tilespmem:s17], [sflag:$0xA], $0x2800, $0x38;
	[tilespmem:$0x1C290] =	vst v63  }
0x399: {  	_ =	swait.ge [sflag:s16], $0x2800  }
0x39a: {  	s3 =	sld [smem:$0x7ED]  }
0x39b: {  	[sflag:s16] =	ssyncset.done $0x0  }
0x39c: {  	[sflag:s16] =	ssyncadd.s32 $0xFFFFD800  }
0x39d: {  	[tilespmem:s20], [sflag:$0xA] =	stream.linear.gather [spmem:s3], $0x500, $0x38;
	[tilespmem:$0x1C290] =	vst v63  }
0x39e: {  	_ =	swait.ge [sflag:s16], $0x500  }
0x39f: {  	[sflag:s16] =	ssyncset.done $0x0  }
0x3a0: {  	s15 =	rddreg [dreg:$0x15];
	[sflag:s16] =	ssyncadd.s32 $0xFFFFFB00  }
0x3a1: {  	[hbm4b:s15+s12] =	stream.linear.scatter [tilespmem:s20], [sflag:$0xA], $0x500, $0x38;
	[tilespmem:$0x1C290] =	vst v63  }
0x3a2: {  	_ =	swait.ge [sflag:s16], $0x500  }
0x3a3: {  	s3 =	sld [smem:$0x7EE]  }
0x3a4: {  	[sflag:s16] =	ssyncset.done $0x0  }
0x3a5: {  	[sflag:s16] =	ssyncadd.s32 $0xFFFFFB00  }
0x3a6: {  	[tilespmem:s17], [sflag:$0xA] =	stream.linear.gather [spmem:s3], $0x2800, $0x38;
	[tilespmem:$0x1C290] =	vst v63  }
0x3a7: {  	_ =	swait.ge [sflag:s16], $0x2800  }
0x3a8: {  	[sflag:s16] =	ssyncset.done $0x0  }
0x3a9: {  	s15 =	rddreg [dreg:$0xe];
	[sflag:s16] =	ssyncadd.s32 $0xFFFFD800  }
0x3aa: {  	[hbm4b:s15+s12] =	stream.linear.scatter [tilespmem:s17], [sflag:$0xA], $0x2800, $0x38;
	[tilespmem:$0x1C290] =	vst v63  }
0x3ab: {  	_ =	swait.ge [sflag:s16], $0x2800  }
0x3ac: {  	s3 =	sld [smem:$0x7EF]  }
0x3ad: {  	[sflag:s16] =	ssyncset.done $0x0  }
0x3ae: {  	[sflag:s16] =	ssyncadd.s32 $0xFFFFD800  }
0x3af: {  	[tilespmem:s20], [sflag:$0xA] =	stream.linear.gather [spmem:s3], $0x500, $0x38;
	[tilespmem:$0x1C290] =	vst v63  }
0x3b0: {  	_ =	swait.ge [sflag:s16], $0x500  }
0x3b1: {  	[sflag:s16] =	ssyncset.done $0x0  }
0x3b2: {  	s15 =	rddreg [dreg:$0x16];
	[sflag:s16] =	ssyncadd.s32 $0xFFFFFB00  }
0x3b3: {  	[hbm4b:s15+s12] =	stream.linear.scatter [tilespmem:s20], [sflag:$0xA], $0x500, $0x38;
	[tilespmem:$0x1C290] =	vst v63  }
0x3b4: {  	_ =	swait.ge [sflag:s16], $0x500  }
0x3b5: {  	s3 =	sld [smem:$0x7F0]  }
0x3b6: {  	[sflag:s16] =	ssyncset.done $0x0  }
0x3b7: {  	[sflag:s16] =	ssyncadd.s32 $0xFFFFFB00  }
0x3b8: {  	[tilespmem:s17], [sflag:$0xA] =	stream.linear.gather [spmem:s3], $0x2800, $0x38;
	[tilespmem:$0x1C290] =	vst v63  }
0x3b9: {  	_ =	swait.ge [sflag:s16], $0x2800  }
0x3ba: {  	[sflag:s16] =	ssyncset.done $0x0  }
0x3bb: {  	s15 =	rddreg [dreg:$0xf];
	[sflag:s16] =	ssyncadd.s32 $0xFFFFD800  }
0x3bc: {  	[hbm4b:s15+s12] =	stream.linear.scatter [tilespmem:s17], [sflag:$0xA], $0x2800, $0x38;
	[tilespmem:$0x1C290] =	vst v63  }
0x3bd: {  	_ =	swait.ge [sflag:s16], $0x2800  }
0x3be: {  	s3 =	sld [smem:$0x7F1]  }
0x3bf: {  	[sflag:s16] =	ssyncset.done $0x0  }
0x3c0: {  	[sflag:s16] =	ssyncadd.s32 $0xFFFFD800  }
0x3c1: {  	[tilespmem:s20], [sflag:$0xA] =	stream.linear.gather [spmem:s3], $0x500, $0x38;
	[tilespmem:$0x1C290] =	vst v63  }
0x3c2: {  	_ =	swait.ge [sflag:s16], $0x500  }
0x3c3: {  	[sflag:s16] =	ssyncset.done $0x0  }
0x3c4: {  	s15 =	rddreg [dreg:$0x17];
	[sflag:s16] =	ssyncadd.s32 $0xFFFFFB00  }
0x3c5: {  	[hbm4b:s15+s12] =	stream.linear.scatter [tilespmem:s20], [sflag:$0xA], $0x500, $0x38;
	[tilespmem:$0x1C290] =	vst v63  }
0x3c6: {  	_ =	swait.ge [sflag:s16], $0x500  }
0x3c7: {  	s1 =	sld [smem:$0x7EA]  }
0x3c8: {  	s15 =	sld [smem:$0x7F6];
	_ =	sdelay $0x1  }
0x3c9: {  	s3 =	sadd.s32 $0x1, s1  }
0x3ca: {  	p0 =	sne.s32 s3, s15  }
.Ltmp7:
0x3cb: {  	_ = 	snop;
	(pc) =	sbr.rel @p0 .LBB2_1-.Ltmp7, $3  }
0x3cc: {  	_ =	sdelay $0x1  }
0x3cd: {  	[sflag:s16] =	ssyncset.done $0x0  }
0x3ce: {  	[sflag:s16] =	ssyncadd.s32 $0xFFFFFB00  }
0x3cf: {  	_ =	sfence.sel $0x180000  }
0x3d0: {  	[bflag:$0x0] =	sbarrier.arrive $0xFFFF  }
0x3d1: {  	_ =	strace $0x90000047  }
0x3d2: {  	s0 =	stileid.u32;
	[bflag:$0x2] =	sbarrier.arrive $0xFFFF  }
0x3d3: {  	p0 =	sne.s32 s0, $0x0;
	s0 =	rddreg [dreg:$0x7]  }
0x3d4: {  	s0 =	sadd.s32 @!p0 $0x100000, s0  }
0x3d5: {  	[sflag:s0] =	ssyncadd.tile.s32 @!p0 $0x1;
	_ =	shalt  }
.Lfunc_end2:
_tile_overlayer_lowered:
.L_overlay_start_2:
0x3d6: {  	(tag) =	ssettag $0x2  }
0x3d7: {  	s0 =	rddreg [dreg:$0x0];
	s2 =	stileid.u32  }
0x3d8: {  	s1 =	rddreg [dreg:$0x1];
	p0 =	sne.s32 s2, $0x0  }
0x3d9: {  	s3 =	rddreg [dreg:$0x2];
	[bflag:$0x3] =	sbarrier.arrive $0xFFFF;
	s2 =	simm.s32 @!p0 $0x1C0A  }
0x3da: {  	[timem:s3], [sflag:s2] =	dma.local @!p0 [hbm:s0], s1  }
0x3db: {  	s0 =	simm.s32 @!p0 $0xA  }
0x3dc: {  	_ =	swait.ge @!p0 [sflag:s0], s1  }
0x3dd: {  	s1 =	ssub.s32 @!p0 $0x0, s1;
	[sflag:s0] =	ssyncset.done @!p0 $0x0  }
0x3de: {  	[sflag:s0] =	ssyncadd.s32 @!p0 s1  }
0x3df: {  	[bflag:$0x3] =	sbarrier.arrive $0xFFFF  }
0x3e0: {  	_ =	shalt  }

</sc_bundles>
